<compile_context>
chip_gen: v7x
topology: tpu7x:2x2x1
jax: 0.10.2.dev20260603
libtpu: 0.0.44.dev20260713+nightly
codegen_flags: <defaults>
</compile_context>

<pallas_src>
import functools

import jax
import jax.numpy as jnp
from jax import lax
from jax.experimental import pallas as pl
from jax.experimental.pallas import tpu as pltpu
from jax.experimental.pallas import tpu_sc as plsc

F32 = jnp.float32
I32 = jnp.int32

H = 2
C = 16
HC = 32
LEAK = 0.2


def _node_prep(n, nd, nb):
    def body(x_ref, w1, b1, w2, b2, wl, bl, wr, br,
             xl_out, xr_out, xl0_out, xl1_out, xr0_out, xr1_out):
        x = x_ref[...]
        h = jnp.maximum(jnp.dot(x, w1[...], preferred_element_type=F32) + b1[...], 0.0)
        ne = jnp.dot(h, w2[...], preferred_element_type=F32) + b2[...]
        xl = jnp.dot(ne, wl[...], preferred_element_type=F32) + bl[...]
        xr = jnp.dot(ne, wr[...], preferred_element_type=F32) + br[...]
        xl_out[...] = xl
        xr_out[...] = xr
        xl0_out[...] = xl[:, :C]
        xl1_out[...] = xl[:, C:]
        xr0_out[...] = xr[:, :C]
        xr1_out[...] = xr[:, C:]

    full = lambda shape: pl.BlockSpec(shape, lambda i: (0, 0))
    return pl.pallas_call(
        body,
        grid=(n // nb,),
        in_specs=[
            pl.BlockSpec((nb, nd), lambda i: (i, 0)),
            full((nd, 16)), full((1, 16)), full((16, HC)), full((1, HC)),
            full((HC, HC)), full((1, HC)), full((HC, HC)), full((1, HC)),
        ],
        out_specs=[
            pl.BlockSpec((nb, HC), lambda i: (i, 0)),
            pl.BlockSpec((nb, HC), lambda i: (i, 0)),
            pl.BlockSpec((nb, C), lambda i: (i, 0)),
            pl.BlockSpec((nb, C), lambda i: (i, 0)),
            pl.BlockSpec((nb, C), lambda i: (i, 0)),
            pl.BlockSpec((nb, C), lambda i: (i, 0)),
        ],
        out_shape=[
            jax.ShapeDtypeStruct((n, HC), F32),
            jax.ShapeDtypeStruct((n, HC), F32),
            jax.ShapeDtypeStruct((n, C), F32),
            jax.ShapeDtypeStruct((n, C), F32),
            jax.ShapeDtypeStruct((n, C), F32),
            jax.ShapeDtypeStruct((n, C), F32),
        ],
    )


def _edge_prep(e, ep, eb):
    def body(ea_ref, w0_ref, w1_ref, ew0_out, ew1_out, sum_out):
        i = pl.program_id(0)
        ea8 = ea_ref[...]
        ew0_out[...] = jnp.dot(ea8, w0_ref[...], preferred_element_type=F32)
        ew1_out[...] = jnp.dot(ea8, w1_ref[...], preferred_element_type=F32)
        s = jnp.broadcast_to(jnp.sum(ea8, axis=0, keepdims=True), (8, 128))

        @pl.when(i == 0)
        def _():
            sum_out[...] = jnp.zeros_like(sum_out)

        sum_out[...] += s

    return pl.pallas_call(
        body,
        grid=(e // 8 // eb,),
        in_specs=[
            pl.BlockSpec((eb, 128), lambda i: (i, 0)),
            pl.BlockSpec((128, 128), lambda i: (0, 0)),
            pl.BlockSpec((128, 128), lambda i: (0, 0)),
        ],
        out_specs=[
            pl.BlockSpec((eb, 128), lambda i: (i, 0)),
            pl.BlockSpec((eb, 128), lambda i: (i, 0)),
            pl.BlockSpec((8, 128), lambda i: (0, 0)),
        ],
        out_shape=[
            jax.ShapeDtypeStruct((ep // 8, 128), F32),
            jax.ShapeDtypeStruct((ep // 8, 128), F32),
            jax.ShapeDtypeStruct((8, 128), F32),
        ],
    )


def _gat1_edges_sc(n, e, ep, k):
    nc, ns = 2, 16
    per_w = ep // ns
    n_pairs = per_w // (2 * k)
    rows_t = -(-(n // ns) // 8) * 8
    nacc = rows_t * ns
    dseg = 51200
    den_t = dseg // ns
    mesh = plsc.VectorSubcoreMesh(
        core_axis_name="c", subcore_axis_name="s", num_cores=nc, num_subcores=ns)


    @functools.partial(
        pl.kernel,
        out_type=[
            jax.ShapeDtypeStruct((nc * nacc, C), F32),
            jax.ShapeDtypeStruct((nc * dseg,), F32),
        ],
        mesh=mesh,
        compiler_params=pltpu.CompilerParams(
            use_tc_tiling_on_sc=False, needs_layout_passes=False),
        scratch_types=[
            pltpu.VMEM((k,), I32), pltpu.VMEM((k,), I32),
            pltpu.VMEM((k,), I32), pltpu.VMEM((k,), I32),
            pltpu.VMEM((k // 8, 128), F32),
            pltpu.VMEM((k // 8, 128), F32),
            pltpu.VMEM((k, C), F32), pltpu.VMEM((k, C), F32),
            pltpu.VMEM((k, C), F32), pltpu.VMEM((k, C), F32),
            pltpu.VMEM((k, C), F32), pltpu.VMEM((k, C), F32),
            pltpu.VMEM((k,), F32), pltpu.VMEM((k,), F32),
            pltpu.VMEM((C,), F32),
            pltpu.VMEM_SHARED((nacc, C), F32),
            pltpu.VMEM_SHARED((dseg,), F32),
            pltpu.SemaphoreType.DMA,
            pltpu.SemaphoreType.DMA,
            pltpu.SemaphoreType.DMA,
            pltpu.SemaphoreType.DMA,
        ],
    )
    def kern(xl0_hbm, xl1_hbm, xr0_hbm, xr1_hbm, ew0_hbm, ew1_hbm,
             src_hbm, dst_hbm, att_hbm,
             num_out, den_out,
             src0_v, src1_v, dst0_v, dst1_v, ew0_v, ew1_v, xl0_v, xl1_v,
             xr0_v, xr1_v, num0_v, num1_v, denu0_v, denu1_v, att_v,
             num_acc, den_acc, sem_a, sem_g, sem_c0, sem_c1):
        c = lax.axis_index("c")
        s = lax.axis_index("s")
        src_b = [src0_v, src1_v]
        dst_b = [dst0_v, dst1_v]
        ew_b = [ew0_v, ew1_v]
        xl_b = [xl0_v, xl1_v]
        xr_b = [xr0_v, xr1_v]
        num_b = [num0_v, num1_v]
        denu_b = [denu0_v, denu1_v]
        sem_c = [sem_c0, sem_c1]

        pltpu.sync_copy(att_hbm.at[pl.ds(c * C, C)], att_v)

        def zrow(i, carry):
            num_b[0][i, pl.ds(0, 16)] = jnp.zeros((16,), F32)
            return carry

        lax.fori_loop(0, k, zrow, 0)

        def zden(i, carry):
            denu_b[0][pl.ds(i * 16, 16)] = jnp.zeros((16,), F32)
            return carry

        lax.fori_loop(0, k // 16, zden, 0)

        zoff, zchunks = 0, []
        while zoff < rows_t:
            zchunks.append((zoff, min(k, rows_t - zoff)))
            zoff += zchunks[-1][1]
        for zo, zs in zchunks:
            pltpu.sync_copy(num_b[0].at[pl.ds(0, zs), :],
                            num_acc.at[pl.ds(s * rows_t + zo, zs), :])
        doff, dchunks = 0, []
        while doff < den_t:
            dchunks.append((doff, min(k, den_t - doff)))
            doff += dchunks[-1][1]
        for do, dsz in dchunks:
            pltpu.sync_copy(denu_b[0].at[pl.ds(0, dsz)],
                            den_acc.at[pl.ds(s * den_t + do, dsz)])
        plsc.subcore_barrier()

        base = s * per_w
        iota = lax.iota(I32, 16)
        attv = att_v[pl.ds(0, 16)]

        def issue_a(b, off):
            pltpu.async_copy(src_hbm.at[pl.ds(off, k)], src_b[b], sem_a)
            pltpu.async_copy(dst_hbm.at[pl.ds(off, k)], dst_b[b], sem_a)

            @pl.when(c == 0)
            def _():
                pltpu.async_copy(ew0_hbm.at[pl.ds(off // 8, k // 8), :],
                                 ew_b[b], sem_a)

            @pl.when(c == 1)
            def _():
                pltpu.async_copy(ew1_hbm.at[pl.ds(off // 8, k // 8), :],
                                 ew_b[b], sem_a)

        def wait_a(b, off):
            pltpu.make_async_copy(src_hbm.at[pl.ds(off, k)], src_b[b], sem_a).wait()
            pltpu.make_async_copy(dst_hbm.at[pl.ds(off, k)], dst_b[b], sem_a).wait()
            pltpu.make_async_copy(ew0_hbm.at[pl.ds(off // 8, k // 8), :],
                                  ew_b[b], sem_a).wait()

        def issue_g(b):
            @pl.when(c == 0)
            def _():
                pltpu.async_copy(xl0_hbm.at[src_b[b]], xl_b[b], sem_g)
                pltpu.async_copy(xr0_hbm.at[dst_b[b]], xr_b[b], sem_g)

            @pl.when(c == 1)
            def _():
                pltpu.async_copy(xl1_hbm.at[src_b[b]], xl_b[b], sem_g)
                pltpu.async_copy(xr1_hbm.at[dst_b[b]], xr_b[b], sem_g)

        def wait_g(b):
            pltpu.make_async_copy(xl0_hbm.at[src_b[b]], xl_b[b], sem_g).wait()
            pltpu.make_async_copy(xr0_hbm.at[dst_b[b]], xr_b[b], sem_g).wait()

        def compute(b, off):
            xl_v, xr_v, ew_v = xl_b[b], xr_b[b], ew_b[b]
            num_v, denu_v = num_b[b], denu_b[b]

            def group_body(g, carry2):
                kb = g * 16
                row = iota + kb
                alpha = jnp.zeros((16,), F32)
                xls = []
                flatbase = row * C
                for cc in range(C):
                    cvec = jnp.full((16,), cc, I32)
                    xlc = plsc.load_gather(xl_v, [row, cvec])
                    xrc = plsc.load_gather(xr_v, [row, cvec])
                    flat = flatbase + cc
                    ewc = plsc.load_gather(
                        ew_v, [lax.shift_right_logical(flat, 7),
                               lax.bitwise_and(flat, 127)])
                    xls.append(xlc)
                    m = xlc + xrc + ewc
                    lv = jnp.maximum(m, LEAK * m)
                    alpha = alpha + attv[cc] * lv
                ex = jnp.exp(alpha)
                msk = (off + kb + iota) < e
                ex = jnp.where(msk, ex, 0.0)
                denu_v[pl.ds(kb, 16)] = ex
                for cc in range(C):
                    cvec = jnp.full((16,), cc, I32)
                    plsc.store_scatter(num_v, [row, cvec], xls[cc] * ex)
                return carry2

            lax.fori_loop(0, k // 16, group_body, 0)

        def issue_c(b):
            pltpu.async_copy(num_b[b], num_acc.at[dst_b[b]], sem_c[b], add=True)
            pltpu.async_copy(denu_b[b], den_acc.at[dst_b[b]], sem_c[b], add=True)

        def wait_c(b):
            pltpu.make_async_copy(num_b[b], num_acc.at[dst_b[b]], sem_c[b]).wait()
            pltpu.make_async_copy(denu_b[b], den_acc.at[dst_b[b]], sem_c[b]).wait()

        def pair_body(j, carry):
            off_a = base + j * (2 * k)
            off_bk = off_a + k
            issue_a(0, off_a)
            wait_a(0, off_a)
            issue_g(0)
            issue_a(1, off_bk)
            wait_g(0)
            compute(0, off_a)
            issue_c(0)
            wait_a(1, off_bk)
            issue_g(1)
            wait_g(1)
            compute(1, off_bk)
            issue_c(1)
            wait_c(0)
            wait_c(1)
            return carry

        lax.fori_loop(0, n_pairs, pair_body, 0)

        plsc.subcore_barrier()
        for zo, zs in zchunks:
            pltpu.sync_copy(
                num_acc.at[pl.ds(s * rows_t + zo, zs), :],
                num_out.at[pl.ds(c * nacc + s * rows_t + zo, zs), :])
        pltpu.sync_copy(den_acc.at[pl.ds(s * den_t, den_t)],
                        den_out.at[pl.ds(c * dseg + s * den_t, den_t)])

    return kern, dseg, nacc


def _combine(n, e, nb, dseg, nacc):
    def body(num0_ref, num1_ref, den_ref, xl_ref, xr_ref, easum_ref, we_ref,
             attf_ref, bias1_ref, wl2_ref, bl2_ref, ne2_out, xl2n_out):
        num = jnp.concatenate([num0_ref[...], num1_ref[...]], axis=1)
        d0 = den_ref[:, 0:1]
        d1 = den_ref[:, 1:2]
        xl = xl_ref[...]
        es = easum_ref[0:1, 0:16]
        for jj in range(1, 8):
            es = es + easum_ref[0:1, 16 * jj:16 * (jj + 1)]
        ewm = jnp.dot(es * (1.0 / e), we_ref[...],
                      preferred_element_type=F32)
        ms = xl + xr_ref[...] + ewm
        ls = jnp.maximum(ms, LEAK * ms)
        wv = ls * attf_ref[...]
        a0 = jnp.sum(wv[:, :C], axis=1, keepdims=True)
        a1 = jnp.sum(wv[:, C:], axis=1, keepdims=True)
        e0 = jnp.exp(a0)
        e1 = jnp.exp(a1)
        numf = num + xl * jnp.concatenate(
            [jnp.broadcast_to(e0, (nb, C)), jnp.broadcast_to(e1, (nb, C))], axis=1)
        denf = jnp.concatenate(
            [jnp.broadcast_to(d0 + e0, (nb, C)), jnp.broadcast_to(d1 + e1, (nb, C))],
            axis=1)
        ne2 = numf / denf + bias1_ref[...]
        ne2_out[...] = ne2
        xl2n_out[...] = jnp.dot(ne2, wl2_ref[...], preferred_element_type=F32) + bl2_ref[...]

    full = lambda shape: pl.BlockSpec(shape, lambda i: tuple(0 for _ in shape))
    return pl.pallas_call(
        body,
        grid=(n // nb,),
        in_specs=[
            pl.BlockSpec((nb, C), lambda i: (i, 0)),
            pl.BlockSpec((nb, C), lambda i: (i, 0)),
            pl.BlockSpec((nb, 2), lambda i: (i, 0)),
            pl.BlockSpec((nb, HC), lambda i: (i, 0)),
            pl.BlockSpec((nb, HC), lambda i: (i, 0)),
            full((8, 128)), full((16, HC)), full((1, HC)),
            full((1, HC)), full((HC, HC)), full((1, HC)),
        ],
        out_specs=[
            pl.BlockSpec((nb, HC), lambda i: (i, 0)),
            pl.BlockSpec((nb, HC), lambda i: (i, 0)),
        ],
        out_shape=[
            jax.ShapeDtypeStruct((n, HC), F32),
            jax.ShapeDtypeStruct((n, HC), F32),
        ],
    )


def _row_gather_sc(n, b):
    nc, ns = 2, 16
    per_w = b // (nc * ns)
    mesh = plsc.VectorSubcoreMesh(
        core_axis_name="c", subcore_axis_name="s", num_cores=nc, num_subcores=ns)

    @functools.partial(
        pl.kernel,
        out_type=jax.ShapeDtypeStruct((b, HC), F32),
        mesh=mesh,
        compiler_params=pltpu.CompilerParams(
            use_tc_tiling_on_sc=False, needs_layout_passes=False),
        scratch_types=[
            pltpu.VMEM((per_w,), I32),
            pltpu.VMEM((per_w, HC), F32),
        ],
    )
    def kern(tab_hbm, idx_hbm, out_hbm, idx_v, rows_v):
        c = lax.axis_index("c")
        s = lax.axis_index("s")
        w = c * ns + s
        pltpu.sync_copy(idx_hbm.at[pl.ds(w * per_w, per_w)], idx_v)
        pltpu.sync_copy(tab_hbm.at[idx_v], rows_v)
        pltpu.sync_copy(rows_v, out_hbm.at[pl.ds(w * per_w, per_w), :])

    return kern


def _gat2(g, npg, a_per, adim):
    cat_d = adim + 2 * HC

    def body(xn_ref, ops_ref, t1_ref, t2_ref, aw1, ab1, aw2, ab2,
             wl2, bl2, wr2, br2, attm2, bias2, ow1, ob1, ow2, ob2, out_ref):
        a_in = jnp.concatenate([ops_ref[0], t1_ref[0], t2_ref[0]], axis=1)
        hh = jnp.maximum(jnp.dot(a_in, aw1[...], preferred_element_type=F32) + ab1[...], 0.0)
        ae = jnp.dot(hh, aw2[...], preferred_element_type=F32) + ab2[...]
        xl2a = jnp.dot(ae, wl2[...], preferred_element_type=F32) + bl2[...]
        xr2a = jnp.dot(ae, wr2[...], preferred_element_type=F32) + br2[...]
        xn = xn_ref[...]
        attm = attm2[...]
        mss = xl2a + xr2a
        lss = jnp.maximum(mss, LEAK * mss)
        ess = jnp.exp(jnp.dot(lss, attm, preferred_element_type=F32))
        es0 = ess[:, 0:1]
        es1 = ess[:, 1:2]
        rows = []
        for j in range(a_per):
            m = xn + xr2a[j:j + 1, :]
            l = jnp.maximum(m, LEAK * m)
            ee = jnp.exp(jnp.dot(l, attm, preferred_element_type=F32))
            e0 = ee[:, 0:1]
            e1 = ee[:, 1:2]
            num0 = jnp.sum(e0 * xn[:, :C], axis=0, keepdims=True)
            num1 = jnp.sum(e1 * xn[:, C:], axis=0, keepdims=True)
            den0 = jnp.sum(e0, axis=0, keepdims=True) + es0[j:j + 1, :]
            den1 = jnp.sum(e1, axis=0, keepdims=True) + es1[j:j + 1, :]
            r0 = (num0 + es0[j:j + 1, :] * xl2a[j:j + 1, :C]) / den0
            r1 = (num1 + es1[j:j + 1, :] * xl2a[j:j + 1, C:]) / den1
            rows.append(jnp.concatenate([r0, r1], axis=1))
        attd = jnp.concatenate(rows, axis=0) + bias2[...]
        oh = jnp.maximum(jnp.dot(attd, ow1[...], preferred_element_type=F32) + ob1[...], 0.0)
        out_ref[0] = jnp.dot(oh, ow2[...], preferred_element_type=F32) + ob2[...]

    full = lambda shape: pl.BlockSpec(shape, lambda i: tuple(0 for _ in shape))
    return pl.pallas_call(
        body,
        grid=(g,),
        in_specs=[
            pl.BlockSpec((npg, HC), lambda i: (i, 0)),
            pl.BlockSpec((1, a_per, adim), lambda i: (i, 0, 0)),
            pl.BlockSpec((1, a_per, HC), lambda i: (i, 0, 0)),
            pl.BlockSpec((1, a_per, HC), lambda i: (i, 0, 0)),
            full((cat_d, 16)), full((1, 16)), full((16, HC)), full((1, HC)),
            full((HC, HC)), full((1, HC)), full((HC, HC)), full((1, HC)),
            full((HC, 2)), full((1, HC)),
            full((HC, 16)), full((1, 16)), full((16, 1)), full((1, 1)),
        ],
        out_specs=pl.BlockSpec((1, a_per, 1), lambda i: (i, 0, 0)),
        out_shape=jax.ShapeDtypeStruct((g, a_per, 1), F32),
    )


def kernel(x, edge_index, edge_attr, t1_index, t2_index, ops, num_ops,
           node_count, ptr, num_nodes, params):
    n, nd = x.shape
    e, ed = edge_attr.shape
    a, adim = ops.shape
    g = num_ops.shape[0]
    a_per = a // g
    npg = n // g

    ep = ((e + 25599) // 25600) * 25600
    padn = ep - e
    pad_idx = (jnp.arange(padn, dtype=I32) % n)
    srcp = jnp.concatenate([edge_index[0].astype(I32), pad_idx])
    dstp = jnp.concatenate([edge_index[1].astype(I32), pad_idx])

    p1 = params['gat1']
    p2 = params['gat2']
    pe = params['node_enc']
    pa = params['action_enc']
    po = params['out']
    r1 = lambda v: v.reshape(1, -1)

    xl, xr, xl0, xl1, xr0, xr1 = _node_prep(n, nd, 2000)(
        x, pe['l1']['w'], r1(pe['l1']['b']), pe['l2']['w'], r1(pe['l2']['b']),
        p1['wl'], r1(p1['bl']), p1['wr'], r1(p1['br']))

    zz = jnp.zeros((ed, C), F32)
    w0 = p1['we'][:, :C]
    w1 = p1['we'][:, C:]
    wbd0 = jnp.vstack([jnp.hstack([w0 if i == j else zz for j in range(8)])
                       for i in range(8)])
    wbd1 = jnp.vstack([jnp.hstack([w1 if i == j else zz for j in range(8)])
                       for i in range(8)])
    ewp0, ewp1, easum = _edge_prep(e, ep, 400)(
        edge_attr.reshape(e // 8, 8 * ed), wbd0, wbd1)

    attf = p1['att'].reshape(1, HC)
    sc_kern, dseg, nacc = _gat1_edges_sc(n, e, ep, 512)
    num_out, den_out = sc_kern(xl0, xl1, xr0, xr1, ewp0, ewp1, srcp, dstp,
                               attf.reshape(HC))
    num_h0 = num_out[:nacc]
    num_h1 = num_out[nacc:]
    den2 = den_out.reshape(2, dseg)[:, :n].T

    ne2, xl2n = _combine(n, e, 2000, dseg, nacc)(
        num_h0, num_h1, den2, xl, xr, easum, p1['we'], attf, r1(p1['bias']),
        p2['wl'], r1(p2['bl']))

    b = 1024
    tcat = jnp.concatenate([t1_index.astype(I32), t2_index.astype(I32),
                            jnp.zeros((b - 2 * a,), I32)])
    rows = _row_gather_sc(n, b)(ne2, tcat)
    t1g = rows[:a]
    t2g = rows[a:2 * a]

    a2f = p2['att'].reshape(HC)
    attm2x = jnp.concatenate(
        [jnp.concatenate([a2f[:C], jnp.zeros((C,), F32)]).reshape(HC, 1),
         jnp.concatenate([jnp.zeros((C,), F32), a2f[C:]]).reshape(HC, 1)],
        axis=1)
    out = _gat2(g, npg, a_per, adim)(
        xl2n, ops.reshape(g, a_per, adim), t1g.reshape(g, a_per, HC),
        t2g.reshape(g, a_per, HC),
        pa['l1']['w'], r1(pa['l1']['b']), pa['l2']['w'], r1(pa['l2']['b']),
        p2['wl'], r1(p2['bl']), p2['wr'], r1(p2['br']),
        attm2x, r1(p2['bias']),
        po['l1']['w'], r1(po['l1']['b']), po['l2']['w'], r1(po['l2']['b']))
    return out.reshape(a, 1)

# --- scband reference (transcript-rebuilt; emitter-appended) ---
"""Pipeline reference for scband-attention-policy-26877905338452 (READ-ONLY COPY).

The authoritative reference and input builder live on the scoring server;
editing this copy changes nothing except your own understanding.
"""

import jax, jax.numpy as jnp
import numpy as np

G = 50
NPG = 1000
N = G * NPG
E = 800000
A_PER = 10
A = G * A_PER
NODE_DIM = 128
EDGE_DIM = 16
ACTION_DIM = 32
H = 2
C = 16
HC = H * C


def _lin(p, x):
    return x @ p['w'] + p['b']


def _mlp2(p, x):
    return _lin(p['l2'], jax.nn.relu(_lin(p['l1'], x)))


def _add_self_loops(edge_index, n, edge_attr=None):
    loop = jnp.arange(n, dtype=edge_index.dtype)
    ei = jnp.concatenate([edge_index, jnp.stack([loop, loop])], axis=1)
    if edge_attr is not None:
        mean_ea = edge_attr.mean(axis=0, keepdims=True)
        ea = jnp.concatenate([edge_attr, jnp.broadcast_to(mean_ea, (n, edge_attr.shape[1]))], axis=0)
        return ei, ea
    return ei, None


def _gatv2(p, x, edge_index, num_nodes, edge_attr=None):
    src, dst = edge_index[0], edge_index[1]
    xl = (x @ p['wl'] + p['bl']).reshape(-1, H, C)
    xr = (x @ p['wr'] + p['br']).reshape(-1, H, C)
    m = xl[src] + xr[dst]
    if edge_attr is not None:
        m = m + (edge_attr @ p['we']).reshape(-1, H, C)
    m = jax.nn.leaky_relu(m, 0.2)
    alpha = (m * p['att']).sum(-1)
    amax = jax.lax.stop_gradient(jax.ops.segment_max(alpha, dst, num_segments=num_nodes))
    ex = jnp.exp(alpha - amax[dst])
    den = jax.ops.segment_sum(ex, dst, num_segments=num_nodes)
    w = ex / (den[dst] + 1e-16)
    out = jax.ops.segment_sum(xl[src] * w[..., None], dst, num_segments=num_nodes)
    return out.reshape(-1, HC) + p['bias']


def _attention_edges(num_ops, node_count, ptr, total_nodes, n_static, a_static):
    g = num_ops.shape[0]
    npg = n_static // g
    a_per = a_static // g
    idx = jnp.minimum(jnp.arange(npg, dtype=jnp.int32)[None, :], node_count[:, None] - 1)
    starts = (jnp.tile(idx, (1, a_per)) + ptr[:, None]).reshape(-1)
    s = jnp.cumsum(num_ops) - num_ops
    ends = (jnp.repeat(jnp.arange(a_per, dtype=jnp.int32), npg)[None, :] + (s + total_nodes)[:, None]).reshape(-1)
    return jnp.stack([starts, ends]).astype(jnp.int32)


def _params(key):
    def p(i, shape):
        return jax.random.normal(jax.random.fold_in(key, i), shape, jnp.float32) * 0.1
    return {
        'node_enc': {'l1': {'w': p(0, (NODE_DIM, 16)), 'b': p(1, (16,))}, 'l2': {'w': p(2, (16, HC)), 'b': p(3, (HC,))}},
        'gat1': {'wl': p(4, (HC, HC)), 'bl': p(5, (HC,)), 'wr': p(6, (HC, HC)), 'br': p(7, (HC,)), 'we': p(8, (EDGE_DIM, HC)), 'att': p(9, (H, C)), 'bias': p(10, (HC,))},
        'action_enc': {'l1': {'w': p(11, (ACTION_DIM + 2 * HC, 16)), 'b': p(12, (16,))}, 'l2': {'w': p(13, (16, HC)), 'b': p(14, (HC,))}},
        'gat2': {'wl': p(15, (HC, HC)), 'bl': p(16, (HC,)), 'wr': p(17, (HC, HC)), 'br': p(18, (HC,)), 'att': p(19, (H, C)), 'bias': p(20, (HC,))},
        'out': {'l1': {'w': p(21, (HC, 16)), 'b': p(22, (16,))}, 'l2': {'w': p(23, (16, 1)), 'b': p(24, (1,))}},
    }


def setup_inputs(seed: int = 0):
    key = jax.random.key(seed)
    k = lambda i: jax.random.fold_in(key, 100 + i)
    return {
        'x': jax.random.normal(k(0), (N, NODE_DIM), jnp.float32),
        'edge_index': jax.random.randint(k(1), (2, E), 0, N, dtype=jnp.int32),
        'edge_attr': jax.random.normal(k(2), (E, EDGE_DIM), jnp.float32),
        't1_index': jax.random.randint(k(3), (A,), 0, N, dtype=jnp.int32),
        't2_index': jax.random.randint(k(4), (A,), 0, N, dtype=jnp.int32),
        'ops': jax.random.normal(k(5), (A, ACTION_DIM), jnp.float32),
        'num_ops': jnp.full((G,), A_PER, dtype=jnp.int32),
        'node_count': jnp.full((G,), NPG, dtype=jnp.int32),
        'ptr': jnp.arange(G, dtype=jnp.int32) * NPG,
        'num_nodes': N,
        'params': _params(jax.random.fold_in(key, 7)),
    }


def reference(x, edge_index, edge_attr, t1_index, t2_index, ops, num_ops, node_count, ptr, num_nodes, params):
    n_static = x.shape[0]
    node_enc = _mlp2(params['node_enc'], x)
    ei, ea = _add_self_loops(edge_index, n_static, edge_attr)
    node_enc = _gatv2(params['gat1'], node_enc, ei, n_static, ea)
    t1 = node_enc[t1_index]
    t2 = node_enc[t2_index]
    action_enc = _mlp2(params['action_enc'], jnp.concatenate([ops, t1, t2], axis=1))
    att_edges = _attention_edges(num_ops, node_count, ptr, num_nodes, n_static, ops.shape[0])
    allx = jnp.vstack([node_enc, action_enc])
    total = n_static + action_enc.shape[0]
    ei2, _ = _add_self_loops(att_edges, total)
    out2 = _gatv2(params['gat2'], allx, ei2, total)
    attended = jax.lax.dynamic_slice_in_dim(out2, num_nodes, action_enc.shape[0], axis=0)
    return _mlp2(params['out'], attended)

if __name__ == "__main__":
    import jax
    _d = setup_inputs()
    print(jax.jit(kernel)(*tuple(_d.values())))

</pallas_src>

<mosaic_0001>
#map = affine_map<(d0, d1) -> (0, 0)>
#map1 = affine_map<(d0, d1) -> (0)>
module attributes {stable_mosaic.version = 14 : i64} {
  func.func @kern(%arg0: i32, %arg1: i32, %arg2: memref<50000x16xf32, #tpu.memory_space<hbm>>, %arg3: memref<50000x16xf32, #tpu.memory_space<hbm>>, %arg4: memref<50000x16xf32, #tpu.memory_space<hbm>>, %arg5: memref<50000x16xf32, #tpu.memory_space<hbm>>, %arg6: memref<102400x128xf32, #tpu.memory_space<hbm>>, %arg7: memref<102400x128xf32, #tpu.memory_space<hbm>>, %arg8: memref<819200xi32, #tpu.memory_space<hbm>>, %arg9: memref<819200xi32, #tpu.memory_space<hbm>>, %arg10: memref<32xf32, #tpu.memory_space<hbm>>, %arg11: memref<100096x16xf32, #tpu.memory_space<hbm>>, %arg12: memref<102400xf32, #tpu.memory_space<hbm>>, %arg13: memref<512xi32, #tpu.memory_space<vmem>>, %arg14: memref<512xi32, #tpu.memory_space<vmem>>, %arg15: memref<512xi32, #tpu.memory_space<vmem>>, %arg16: memref<512xi32, #tpu.memory_space<vmem>>, %arg17: memref<64x128xf32, #tpu.memory_space<vmem>>, %arg18: memref<64x128xf32, #tpu.memory_space<vmem>>, %arg19: memref<512x16xf32, #tpu.memory_space<vmem>>, %arg20: memref<512x16xf32, #tpu.memory_space<vmem>>, %arg21: memref<512x16xf32, #tpu.memory_space<vmem>>, %arg22: memref<512x16xf32, #tpu.memory_space<vmem>>, %arg23: memref<512x16xf32, #tpu.memory_space<vmem>>, %arg24: memref<512x16xf32, #tpu.memory_space<vmem>>, %arg25: memref<512xf32, #tpu.memory_space<vmem>>, %arg26: memref<512xf32, #tpu.memory_space<vmem>>, %arg27: memref<16xf32, #tpu.memory_space<vmem>>, %arg28: memref<50048x16xf32, #tpu.memory_space<vmem_shared>>, %arg29: memref<51200xf32, #tpu.memory_space<vmem_shared>>, %arg30: memref<!tpu.dma_semaphore, #tpu.memory_space<semaphore_mem>>, %arg31: memref<!tpu.dma_semaphore, #tpu.memory_space<semaphore_mem>>, %arg32: memref<!tpu.dma_semaphore, #tpu.memory_space<semaphore_mem>>, %arg33: memref<!tpu.dma_semaphore, #tpu.memory_space<semaphore_mem>>) attributes {dimension_semantics = [#tpu.dimension_semantics<core_parallel>, #tpu.dimension_semantics<subcore_parallel>], iteration_bounds = array<i64: 2, 16>, scalar_prefetch = 0 : i64, scratch_operands = 21 : i64, tpu.core_type = #tpu.core_type<sc_vector_subcore>, window_params = [{transform_indices = #map}, {transform_indices = #map}, {transform_indices = #map}, {transform_indices = #map}, {transform_indices = #map}, {transform_indices = #map}, {transform_indices = #map1}, {transform_indices = #map1}, {transform_indices = #map1}, {transform_indices = #map}, {transform_indices = #map1}]} {
    %mul3A = arith.constant 16 : i32
    %mul3A_0 = arith.muli %arg0, %mul3A : i32
    "tpu.region"() ({
      %run_scoped3A = tpu.sem_alloc : memref<!tpu.dma_semaphore, #tpu.memory_space<semaphore_mem>>
      %dma_start3A = tpu.memref_slice %arg10[%mul3A_0] : memref<32xf32, #tpu.memory_space<hbm>> -> memref<16xf32, #tpu.memory_space<hbm>>
      %dma_start3A_161 = tpu.memref_slice %arg10[%mul3A_0] : memref<32xf32, #tpu.memory_space<hbm>> -> memref<16xf32, #tpu.memory_space<hbm>>
      tpu.enqueue_dma source(%dma_start3A_161 : memref<16xf32, #tpu.memory_space<hbm>>) target(%arg27 : memref<16xf32, #tpu.memory_space<vmem>>) target_semaphore(%run_scoped3A : memref<!tpu.dma_semaphore, #tpu.memory_space<semaphore_mem>>)
      %dma_wait3A = tpu.memref_slice %arg10[%mul3A_0] : memref<32xf32, #tpu.memory_space<hbm>> -> memref<16xf32, #tpu.memory_space<hbm>>
      %dma_wait3A_162 = tpu.memref_slice %arg10[%mul3A_0] : memref<32xf32, #tpu.memory_space<hbm>> -> memref<16xf32, #tpu.memory_space<hbm>>
      tpu.wait_dma2 semaphore(%run_scoped3A : memref<!tpu.dma_semaphore, #tpu.memory_space<semaphore_mem>>) src(%dma_wait3A_162 : memref<16xf32, #tpu.memory_space<hbm>>) dst(%arg27 : memref<16xf32, #tpu.memory_space<vmem>>)
      tpu.yield
    }) : () -> ()
    %scan3A = arith.constant 0 : i32
    %scan3A_1 = arith.constant 0 : i32
    %scan3A_2 = arith.constant 512 : i32
    %scan3A_3 = arith.addi %scan3A_1, %scan3A_2 : i32
    %scan3A_4 = arith.constant 1 : i32
    scf.for %scan3A_161 = %scan3A_1 to %scan3A_3 step %scan3A_4  : i32 {
      %broadcast_in_dim3A = arith.constant 0.000000e+00 : f32
      %broadcast_in_dim3A_162 = vector.broadcast %broadcast_in_dim3A : f32 to vector<16xf32>
      %swap3A = arith.index_cast %scan3A_161 : i32 to index
      %swap3A_163 = arith.constant 0 : index
      %swap3A_164 = tpu.vector_load %arg23[%swap3A, %swap3A_163] {strides = array<i32>} : memref<512x16xf32, #tpu.memory_space<vmem>>, vector<16xf32>,
      tpu.vector_store %arg23[%swap3A, %swap3A_163], %broadcast_in_dim3A_162 {strides = array<i32>} : memref<512x16xf32, #tpu.memory_space<vmem>>, vector<16xf32>,
    }
    %scan3A_5 = arith.constant 512 : i32
    %scan3A_6 = arith.constant 0 : i32
    %scan3A_7 = arith.constant 0 : i32
    %scan3A_8 = arith.constant 32 : i32
    %scan3A_9 = arith.addi %scan3A_7, %scan3A_8 : i32
    %scan3A_10 = arith.constant 1 : i32
    scf.for %scan3A_161 = %scan3A_7 to %scan3A_9 step %scan3A_10  : i32 {
      %broadcast_in_dim3A = arith.constant 0.000000e+00 : f32
      %broadcast_in_dim3A_162 = vector.broadcast %broadcast_in_dim3A : f32 to vector<16xf32>
      %mul3A_163 = arith.constant 16 : i32
      %mul3A_164 = arith.muli %scan3A_161, %mul3A_163 : i32
      %swap3A = arith.index_cast %mul3A_164 : i32 to index
      %swap3A_165 = tpu.vector_load %arg25[%swap3A] {strides = array<i32>} : memref<512xf32, #tpu.memory_space<vmem>>, vector<16xf32>,
      tpu.vector_store %arg25[%swap3A], %broadcast_in_dim3A_162 {strides = array<i32>} : memref<512xf32, #tpu.memory_space<vmem>>, vector<16xf32>,
    }
    %scan3A_11 = arith.constant 32 : i32
    %mul3A_12 = arith.constant 3128 : i32
    %mul3A_13 = arith.muli %arg1, %mul3A_12 : i32
    %add3A = arith.constant 0 : i32
    %add3A_14 = arith.addi %mul3A_13, %add3A : i32
    "tpu.region"() ({
      %run_scoped3A = tpu.sem_alloc : memref<!tpu.dma_semaphore, #tpu.memory_space<semaphore_mem>>
      %dma_start3A = arith.constant 0 : i32
      %dma_start3A_161 = arith.constant 0 : i32
      %dma_start3A_162 = tpu.memref_slice %arg23[%dma_start3A, %dma_start3A_161] : memref<512x16xf32, #tpu.memory_space<vmem>> -> memref<512x16xf32, #tpu.memory_space<vmem>>
      %dma_start3A_163 = arith.constant 0 : i32
      %dma_start3A_164 = tpu.memref_slice %arg28[%add3A_14, %dma_start3A_163] : memref<50048x16xf32, #tpu.memory_space<vmem_shared>> -> memref<512x16xf32, #tpu.memory_space<vmem_shared>>
      %dma_start3A_165 = arith.constant 0 : i32
      %dma_start3A_166 = tpu.memref_slice %arg28[%add3A_14, %dma_start3A_165] : memref<50048x16xf32, #tpu.memory_space<vmem_shared>> -> memref<512x16xf32, #tpu.memory_space<vmem_shared>>
      %dma_start3A_167 = arith.constant 0 : i32
      %dma_start3A_168 = arith.constant 0 : i32
      %dma_start3A_169 = tpu.memref_slice %arg23[%dma_start3A_167, %dma_start3A_168] : memref<512x16xf32, #tpu.memory_space<vmem>> -> memref<512x16xf32, #tpu.memory_space<vmem>>
      tpu.enqueue_dma source(%dma_start3A_169 : memref<512x16xf32, #tpu.memory_space<vmem>>) target(%dma_start3A_166 : memref<512x16xf32, #tpu.memory_space<vmem_shared>>) target_semaphore(%run_scoped3A : memref<!tpu.dma_semaphore, #tpu.memory_space<semaphore_mem>>)
      %dma_wait3A = arith.constant 0 : i32
      %dma_wait3A_170 = arith.constant 0 : i32
      %dma_wait3A_171 = tpu.memref_slice %arg23[%dma_wait3A, %dma_wait3A_170] : memref<512x16xf32, #tpu.memory_space<vmem>> -> memref<512x16xf32, #tpu.memory_space<vmem>>
      %dma_wait3A_172 = arith.constant 0 : i32
      %dma_wait3A_173 = tpu.memref_slice %arg28[%add3A_14, %dma_wait3A_172] : memref<50048x16xf32, #tpu.memory_space<vmem_shared>> -> memref<512x16xf32, #tpu.memory_space<vmem_shared>>
      %dma_wait3A_174 = arith.constant 0 : i32
      %dma_wait3A_175 = tpu.memref_slice %arg28[%add3A_14, %dma_wait3A_174] : memref<50048x16xf32, #tpu.memory_space<vmem_shared>> -> memref<512x16xf32, #tpu.memory_space<vmem_shared>>
      %dma_wait3A_176 = arith.constant 0 : i32
      %dma_wait3A_177 = arith.constant 0 : i32
      %dma_wait3A_178 = tpu.memref_slice %arg23[%dma_wait3A_176, %dma_wait3A_177] : memref<512x16xf32, #tpu.memory_space<vmem>> -> memref<512x16xf32, #tpu.memory_space<vmem>>
      tpu.wait_dma2 semaphore(%run_scoped3A : memref<!tpu.dma_semaphore, #tpu.memory_space<semaphore_mem>>) src(%dma_wait3A_178 : memref<512x16xf32, #tpu.memory_space<vmem>>) dst(%dma_wait3A_175 : memref<512x16xf32, #tpu.memory_space<vmem_shared>>)
      tpu.yield
    }) : () -> ()
    %mul3A_15 = arith.constant 3128 : i32
    %mul3A_16 = arith.muli %arg1, %mul3A_15 : i32
    %add3A_17 = arith.constant 512 : i32
    %add3A_18 = arith.addi %mul3A_16, %add3A_17 : i32
    "tpu.region"() ({
      %run_scoped3A = tpu.sem_alloc : memref<!tpu.dma_semaphore, #tpu.memory_space<semaphore_mem>>
      %dma_start3A = arith.constant 0 : i32
      %dma_start3A_161 = arith.constant 0 : i32
      %dma_start3A_162 = tpu.memref_slice %arg23[%dma_start3A, %dma_start3A_161] : memref<512x16xf32, #tpu.memory_space<vmem>> -> memref<512x16xf32, #tpu.memory_space<vmem>>
      %dma_start3A_163 = arith.constant 0 : i32
      %dma_start3A_164 = tpu.memref_slice %arg28[%add3A_18, %dma_start3A_163] : memref<50048x16xf32, #tpu.memory_space<vmem_shared>> -> memref<512x16xf32, #tpu.memory_space<vmem_shared>>
      %dma_start3A_165 = arith.constant 0 : i32
      %dma_start3A_166 = tpu.memref_slice %arg28[%add3A_18, %dma_start3A_165] : memref<50048x16xf32, #tpu.memory_space<vmem_shared>> -> memref<512x16xf32, #tpu.memory_space<vmem_shared>>
      %dma_start3A_167 = arith.constant 0 : i32
      %dma_start3A_168 = arith.constant 0 : i32
      %dma_start3A_169 = tpu.memref_slice %arg23[%dma_start3A_167, %dma_start3A_168] : memref<512x16xf32, #tpu.memory_space<vmem>> -> memref<512x16xf32, #tpu.memory_space<vmem>>
      tpu.enqueue_dma source(%dma_start3A_169 : memref<512x16xf32, #tpu.memory_space<vmem>>) target(%dma_start3A_166 : memref<512x16xf32, #tpu.memory_space<vmem_shared>>) target_semaphore(%run_scoped3A : memref<!tpu.dma_semaphore, #tpu.memory_space<semaphore_mem>>)
      %dma_wait3A = arith.constant 0 : i32
      %dma_wait3A_170 = arith.constant 0 : i32
      %dma_wait3A_171 = tpu.memref_slice %arg23[%dma_wait3A, %dma_wait3A_170] : memref<512x16xf32, #tpu.memory_space<vmem>> -> memref<512x16xf32, #tpu.memory_space<vmem>>
      %dma_wait3A_172 = arith.constant 0 : i32
      %dma_wait3A_173 = tpu.memref_slice %arg28[%add3A_18, %dma_wait3A_172] : memref<50048x16xf32, #tpu.memory_space<vmem_shared>> -> memref<512x16xf32, #tpu.memory_space<vmem_shared>>
      %dma_wait3A_174 = arith.constant 0 : i32
      %dma_wait3A_175 = tpu.memref_slice %arg28[%add3A_18, %dma_wait3A_174] : memref<50048x16xf32, #tpu.memory_space<vmem_shared>> -> memref<512x16xf32, #tpu.memory_space<vmem_shared>>
      %dma_wait3A_176 = arith.constant 0 : i32
      %dma_wait3A_177 = arith.constant 0 : i32
      %dma_wait3A_178 = tpu.memref_slice %arg23[%dma_wait3A_176, %dma_wait3A_177] : memref<512x16xf32, #tpu.memory_space<vmem>> -> memref<512x16xf32, #tpu.memory_space<vmem>>
      tpu.wait_dma2 semaphore(%run_scoped3A : memref<!tpu.dma_semaphore, #tpu.memory_space<semaphore_mem>>) src(%dma_wait3A_178 : memref<512x16xf32, #tpu.memory_space<vmem>>) dst(%dma_wait3A_175 : memref<512x16xf32, #tpu.memory_space<vmem_shared>>)
      tpu.yield
    }) : () -> ()
    %mul3A_19 = arith.constant 3128 : i32
    %mul3A_20 = arith.muli %arg1, %mul3A_19 : i32
    %add3A_21 = arith.constant 1024 : i32
    %add3A_22 = arith.addi %mul3A_20, %add3A_21 : i32
    "tpu.region"() ({
      %run_scoped3A = tpu.sem_alloc : memref<!tpu.dma_semaphore, #tpu.memory_space<semaphore_mem>>
      %dma_start3A = arith.constant 0 : i32
      %dma_start3A_161 = arith.constant 0 : i32
      %dma_start3A_162 = tpu.memref_slice %arg23[%dma_start3A, %dma_start3A_161] : memref<512x16xf32, #tpu.memory_space<vmem>> -> memref<512x16xf32, #tpu.memory_space<vmem>>
      %dma_start3A_163 = arith.constant 0 : i32
      %dma_start3A_164 = tpu.memref_slice %arg28[%add3A_22, %dma_start3A_163] : memref<50048x16xf32, #tpu.memory_space<vmem_shared>> -> memref<512x16xf32, #tpu.memory_space<vmem_shared>>
      %dma_start3A_165 = arith.constant 0 : i32
      %dma_start3A_166 = tpu.memref_slice %arg28[%add3A_22, %dma_start3A_165] : memref<50048x16xf32, #tpu.memory_space<vmem_shared>> -> memref<512x16xf32, #tpu.memory_space<vmem_shared>>
      %dma_start3A_167 = arith.constant 0 : i32
      %dma_start3A_168 = arith.constant 0 : i32
      %dma_start3A_169 = tpu.memref_slice %arg23[%dma_start3A_167, %dma_start3A_168] : memref<512x16xf32, #tpu.memory_space<vmem>> -> memref<512x16xf32, #tpu.memory_space<vmem>>
      tpu.enqueue_dma source(%dma_start3A_169 : memref<512x16xf32, #tpu.memory_space<vmem>>) target(%dma_start3A_166 : memref<512x16xf32, #tpu.memory_space<vmem_shared>>) target_semaphore(%run_scoped3A : memref<!tpu.dma_semaphore, #tpu.memory_space<semaphore_mem>>)
      %dma_wait3A = arith.constant 0 : i32
      %dma_wait3A_170 = arith.constant 0 : i32
      %dma_wait3A_171 = tpu.memref_slice %arg23[%dma_wait3A, %dma_wait3A_170] : memref<512x16xf32, #tpu.memory_space<vmem>> -> memref<512x16xf32, #tpu.memory_space<vmem>>
      %dma_wait3A_172 = arith.constant 0 : i32
      %dma_wait3A_173 = tpu.memref_slice %arg28[%add3A_22, %dma_wait3A_172] : memref<50048x16xf32, #tpu.memory_space<vmem_shared>> -> memref<512x16xf32, #tpu.memory_space<vmem_shared>>
      %dma_wait3A_174 = arith.constant 0 : i32
      %dma_wait3A_175 = tpu.memref_slice %arg28[%add3A_22, %dma_wait3A_174] : memref<50048x16xf32, #tpu.memory_space<vmem_shared>> -> memref<512x16xf32, #tpu.memory_space<vmem_shared>>
      %dma_wait3A_176 = arith.constant 0 : i32
      %dma_wait3A_177 = arith.constant 0 : i32
      %dma_wait3A_178 = tpu.memref_slice %arg23[%dma_wait3A_176, %dma_wait3A_177] : memref<512x16xf32, #tpu.memory_space<vmem>> -> memref<512x16xf32, #tpu.memory_space<vmem>>
      tpu.wait_dma2 semaphore(%run_scoped3A : memref<!tpu.dma_semaphore, #tpu.memory_space<semaphore_mem>>) src(%dma_wait3A_178 : memref<512x16xf32, #tpu.memory_space<vmem>>) dst(%dma_wait3A_175 : memref<512x16xf32, #tpu.memory_space<vmem_shared>>)
      tpu.yield
    }) : () -> ()
    %mul3A_23 = arith.constant 3128 : i32
    %mul3A_24 = arith.muli %arg1, %mul3A_23 : i32
    %add3A_25 = arith.constant 1536 : i32
    %add3A_26 = arith.addi %mul3A_24, %add3A_25 : i32
    "tpu.region"() ({
      %run_scoped3A = tpu.sem_alloc : memref<!tpu.dma_semaphore, #tpu.memory_space<semaphore_mem>>
      %dma_start3A = arith.constant 0 : i32
      %dma_start3A_161 = arith.constant 0 : i32
      %dma_start3A_162 = tpu.memref_slice %arg23[%dma_start3A, %dma_start3A_161] : memref<512x16xf32, #tpu.memory_space<vmem>> -> memref<512x16xf32, #tpu.memory_space<vmem>>
      %dma_start3A_163 = arith.constant 0 : i32
      %dma_start3A_164 = tpu.memref_slice %arg28[%add3A_26, %dma_start3A_163] : memref<50048x16xf32, #tpu.memory_space<vmem_shared>> -> memref<512x16xf32, #tpu.memory_space<vmem_shared>>
      %dma_start3A_165 = arith.constant 0 : i32
      %dma_start3A_166 = tpu.memref_slice %arg28[%add3A_26, %dma_start3A_165] : memref<50048x16xf32, #tpu.memory_space<vmem_shared>> -> memref<512x16xf32, #tpu.memory_space<vmem_shared>>
      %dma_start3A_167 = arith.constant 0 : i32
      %dma_start3A_168 = arith.constant 0 : i32
      %dma_start3A_169 = tpu.memref_slice %arg23[%dma_start3A_167, %dma_start3A_168] : memref<512x16xf32, #tpu.memory_space<vmem>> -> memref<512x16xf32, #tpu.memory_space<vmem>>
      tpu.enqueue_dma source(%dma_start3A_169 : memref<512x16xf32, #tpu.memory_space<vmem>>) target(%dma_start3A_166 : memref<512x16xf32, #tpu.memory_space<vmem_shared>>) target_semaphore(%run_scoped3A : memref<!tpu.dma_semaphore, #tpu.memory_space<semaphore_mem>>)
      %dma_wait3A = arith.constant 0 : i32
      %dma_wait3A_170 = arith.constant 0 : i32
      %dma_wait3A_171 = tpu.memref_slice %arg23[%dma_wait3A, %dma_wait3A_170] : memref<512x16xf32, #tpu.memory_space<vmem>> -> memref<512x16xf32, #tpu.memory_space<vmem>>
      %dma_wait3A_172 = arith.constant 0 : i32
      %dma_wait3A_173 = tpu.memref_slice %arg28[%add3A_26, %dma_wait3A_172] : memref<50048x16xf32, #tpu.memory_space<vmem_shared>> -> memref<512x16xf32, #tpu.memory_space<vmem_shared>>
      %dma_wait3A_174 = arith.constant 0 : i32
      %dma_wait3A_175 = tpu.memref_slice %arg28[%add3A_26, %dma_wait3A_174] : memref<50048x16xf32, #tpu.memory_space<vmem_shared>> -> memref<512x16xf32, #tpu.memory_space<vmem_shared>>
      %dma_wait3A_176 = arith.constant 0 : i32
      %dma_wait3A_177 = arith.constant 0 : i32
      %dma_wait3A_178 = tpu.memref_slice %arg23[%dma_wait3A_176, %dma_wait3A_177] : memref<512x16xf32, #tpu.memory_space<vmem>> -> memref<512x16xf32, #tpu.memory_space<vmem>>
      tpu.wait_dma2 semaphore(%run_scoped3A : memref<!tpu.dma_semaphore, #tpu.memory_space<semaphore_mem>>) src(%dma_wait3A_178 : memref<512x16xf32, #tpu.memory_space<vmem>>) dst(%dma_wait3A_175 : memref<512x16xf32, #tpu.memory_space<vmem_shared>>)
      tpu.yield
    }) : () -> ()
    %mul3A_27 = arith.constant 3128 : i32
    %mul3A_28 = arith.muli %arg1, %mul3A_27 : i32
    %add3A_29 = arith.constant 2048 : i32
    %add3A_30 = arith.addi %mul3A_28, %add3A_29 : i32
    "tpu.region"() ({
      %run_scoped3A = tpu.sem_alloc : memref<!tpu.dma_semaphore, #tpu.memory_space<semaphore_mem>>
      %dma_start3A = arith.constant 0 : i32
      %dma_start3A_161 = arith.constant 0 : i32
      %dma_start3A_162 = tpu.memref_slice %arg23[%dma_start3A, %dma_start3A_161] : memref<512x16xf32, #tpu.memory_space<vmem>> -> memref<512x16xf32, #tpu.memory_space<vmem>>
      %dma_start3A_163 = arith.constant 0 : i32
      %dma_start3A_164 = tpu.memref_slice %arg28[%add3A_30, %dma_start3A_163] : memref<50048x16xf32, #tpu.memory_space<vmem_shared>> -> memref<512x16xf32, #tpu.memory_space<vmem_shared>>
      %dma_start3A_165 = arith.constant 0 : i32
      %dma_start3A_166 = tpu.memref_slice %arg28[%add3A_30, %dma_start3A_165] : memref<50048x16xf32, #tpu.memory_space<vmem_shared>> -> memref<512x16xf32, #tpu.memory_space<vmem_shared>>
      %dma_start3A_167 = arith.constant 0 : i32
      %dma_start3A_168 = arith.constant 0 : i32
      %dma_start3A_169 = tpu.memref_slice %arg23[%dma_start3A_167, %dma_start3A_168] : memref<512x16xf32, #tpu.memory_space<vmem>> -> memref<512x16xf32, #tpu.memory_space<vmem>>
      tpu.enqueue_dma source(%dma_start3A_169 : memref<512x16xf32, #tpu.memory_space<vmem>>) target(%dma_start3A_166 : memref<512x16xf32, #tpu.memory_space<vmem_shared>>) target_semaphore(%run_scoped3A : memref<!tpu.dma_semaphore, #tpu.memory_space<semaphore_mem>>)
      %dma_wait3A = arith.constant 0 : i32
      %dma_wait3A_170 = arith.constant 0 : i32
      %dma_wait3A_171 = tpu.memref_slice %arg23[%dma_wait3A, %dma_wait3A_170] : memref<512x16xf32, #tpu.memory_space<vmem>> -> memref<512x16xf32, #tpu.memory_space<vmem>>
      %dma_wait3A_172 = arith.constant 0 : i32
      %dma_wait3A_173 = tpu.memref_slice %arg28[%add3A_30, %dma_wait3A_172] : memref<50048x16xf32, #tpu.memory_space<vmem_shared>> -> memref<512x16xf32, #tpu.memory_space<vmem_shared>>
      %dma_wait3A_174 = arith.constant 0 : i32
      %dma_wait3A_175 = tpu.memref_slice %arg28[%add3A_30, %dma_wait3A_174] : memref<50048x16xf32, #tpu.memory_space<vmem_shared>> -> memref<512x16xf32, #tpu.memory_space<vmem_shared>>
      %dma_wait3A_176 = arith.constant 0 : i32
      %dma_wait3A_177 = arith.constant 0 : i32
      %dma_wait3A_178 = tpu.memref_slice %arg23[%dma_wait3A_176, %dma_wait3A_177] : memref<512x16xf32, #tpu.memory_space<vmem>> -> memref<512x16xf32, #tpu.memory_space<vmem>>
      tpu.wait_dma2 semaphore(%run_scoped3A : memref<!tpu.dma_semaphore, #tpu.memory_space<semaphore_mem>>) src(%dma_wait3A_178 : memref<512x16xf32, #tpu.memory_space<vmem>>) dst(%dma_wait3A_175 : memref<512x16xf32, #tpu.memory_space<vmem_shared>>)
      tpu.yield
    }) : () -> ()
    %mul3A_31 = arith.constant 3128 : i32
    %mul3A_32 = arith.muli %arg1, %mul3A_31 : i32
    %add3A_33 = arith.constant 2560 : i32
    %add3A_34 = arith.addi %mul3A_32, %add3A_33 : i32
    "tpu.region"() ({
      %run_scoped3A = tpu.sem_alloc : memref<!tpu.dma_semaphore, #tpu.memory_space<semaphore_mem>>
      %dma_start3A = arith.constant 0 : i32
      %dma_start3A_161 = arith.constant 0 : i32
      %dma_start3A_162 = tpu.memref_slice %arg23[%dma_start3A, %dma_start3A_161] : memref<512x16xf32, #tpu.memory_space<vmem>> -> memref<512x16xf32, #tpu.memory_space<vmem>>
      %dma_start3A_163 = arith.constant 0 : i32
      %dma_start3A_164 = tpu.memref_slice %arg28[%add3A_34, %dma_start3A_163] : memref<50048x16xf32, #tpu.memory_space<vmem_shared>> -> memref<512x16xf32, #tpu.memory_space<vmem_shared>>
      %dma_start3A_165 = arith.constant 0 : i32
      %dma_start3A_166 = tpu.memref_slice %arg28[%add3A_34, %dma_start3A_165] : memref<50048x16xf32, #tpu.memory_space<vmem_shared>> -> memref<512x16xf32, #tpu.memory_space<vmem_shared>>
      %dma_start3A_167 = arith.constant 0 : i32
      %dma_start3A_168 = arith.constant 0 : i32
      %dma_start3A_169 = tpu.memref_slice %arg23[%dma_start3A_167, %dma_start3A_168] : memref<512x16xf32, #tpu.memory_space<vmem>> -> memref<512x16xf32, #tpu.memory_space<vmem>>
      tpu.enqueue_dma source(%dma_start3A_169 : memref<512x16xf32, #tpu.memory_space<vmem>>) target(%dma_start3A_166 : memref<512x16xf32, #tpu.memory_space<vmem_shared>>) target_semaphore(%run_scoped3A : memref<!tpu.dma_semaphore, #tpu.memory_space<semaphore_mem>>)
      %dma_wait3A = arith.constant 0 : i32
      %dma_wait3A_170 = arith.constant 0 : i32
      %dma_wait3A_171 = tpu.memref_slice %arg23[%dma_wait3A, %dma_wait3A_170] : memref<512x16xf32, #tpu.memory_space<vmem>> -> memref<512x16xf32, #tpu.memory_space<vmem>>
      %dma_wait3A_172 = arith.constant 0 : i32
      %dma_wait3A_173 = tpu.memref_slice %arg28[%add3A_34, %dma_wait3A_172] : memref<50048x16xf32, #tpu.memory_space<vmem_shared>> -> memref<512x16xf32, #tpu.memory_space<vmem_shared>>
      %dma_wait3A_174 = arith.constant 0 : i32
      %dma_wait3A_175 = tpu.memref_slice %arg28[%add3A_34, %dma_wait3A_174] : memref<50048x16xf32, #tpu.memory_space<vmem_shared>> -> memref<512x16xf32, #tpu.memory_space<vmem_shared>>
      %dma_wait3A_176 = arith.constant 0 : i32
      %dma_wait3A_177 = arith.constant 0 : i32
      %dma_wait3A_178 = tpu.memref_slice %arg23[%dma_wait3A_176, %dma_wait3A_177] : memref<512x16xf32, #tpu.memory_space<vmem>> -> memref<512x16xf32, #tpu.memory_space<vmem>>
      tpu.wait_dma2 semaphore(%run_scoped3A : memref<!tpu.dma_semaphore, #tpu.memory_space<semaphore_mem>>) src(%dma_wait3A_178 : memref<512x16xf32, #tpu.memory_space<vmem>>) dst(%dma_wait3A_175 : memref<512x16xf32, #tpu.memory_space<vmem_shared>>)
      tpu.yield
    }) : () -> ()
    %mul3A_35 = arith.constant 3128 : i32
    %mul3A_36 = arith.muli %arg1, %mul3A_35 : i32
    %add3A_37 = arith.constant 3072 : i32
    %add3A_38 = arith.addi %mul3A_36, %add3A_37 : i32
    "tpu.region"() ({
      %run_scoped3A = tpu.sem_alloc : memref<!tpu.dma_semaphore, #tpu.memory_space<semaphore_mem>>
      %dma_start3A = arith.constant 0 : i32
      %dma_start3A_161 = arith.constant 0 : i32
      %dma_start3A_162 = tpu.memref_slice %arg23[%dma_start3A, %dma_start3A_161] : memref<512x16xf32, #tpu.memory_space<vmem>> -> memref<56x16xf32, #tpu.memory_space<vmem>>
      %dma_start3A_163 = arith.constant 0 : i32
      %dma_start3A_164 = tpu.memref_slice %arg28[%add3A_38, %dma_start3A_163] : memref<50048x16xf32, #tpu.memory_space<vmem_shared>> -> memref<56x16xf32, #tpu.memory_space<vmem_shared>>
      %dma_start3A_165 = arith.constant 0 : i32
      %dma_start3A_166 = tpu.memref_slice %arg28[%add3A_38, %dma_start3A_165] : memref<50048x16xf32, #tpu.memory_space<vmem_shared>> -> memref<56x16xf32, #tpu.memory_space<vmem_shared>>
      %dma_start3A_167 = arith.constant 0 : i32
      %dma_start3A_168 = arith.constant 0 : i32
      %dma_start3A_169 = tpu.memref_slice %arg23[%dma_start3A_167, %dma_start3A_168] : memref<512x16xf32, #tpu.memory_space<vmem>> -> memref<56x16xf32, #tpu.memory_space<vmem>>
      tpu.enqueue_dma source(%dma_start3A_169 : memref<56x16xf32, #tpu.memory_space<vmem>>) target(%dma_start3A_166 : memref<56x16xf32, #tpu.memory_space<vmem_shared>>) target_semaphore(%run_scoped3A : memref<!tpu.dma_semaphore, #tpu.memory_space<semaphore_mem>>)
      %dma_wait3A = arith.constant 0 : i32
      %dma_wait3A_170 = arith.constant 0 : i32
      %dma_wait3A_171 = tpu.memref_slice %arg23[%dma_wait3A, %dma_wait3A_170] : memref<512x16xf32, #tpu.memory_space<vmem>> -> memref<56x16xf32, #tpu.memory_space<vmem>>
      %dma_wait3A_172 = arith.constant 0 : i32
      %dma_wait3A_173 = tpu.memref_slice %arg28[%add3A_38, %dma_wait3A_172] : memref<50048x16xf32, #tpu.memory_space<vmem_shared>> -> memref<56x16xf32, #tpu.memory_space<vmem_shared>>
      %dma_wait3A_174 = arith.constant 0 : i32
      %dma_wait3A_175 = tpu.memref_slice %arg28[%add3A_38, %dma_wait3A_174] : memref<50048x16xf32, #tpu.memory_space<vmem_shared>> -> memref<56x16xf32, #tpu.memory_space<vmem_shared>>
      %dma_wait3A_176 = arith.constant 0 : i32
      %dma_wait3A_177 = arith.constant 0 : i32
      %dma_wait3A_178 = tpu.memref_slice %arg23[%dma_wait3A_176, %dma_wait3A_177] : memref<512x16xf32, #tpu.memory_space<vmem>> -> memref<56x16xf32, #tpu.memory_space<vmem>>
      tpu.wait_dma2 semaphore(%run_scoped3A : memref<!tpu.dma_semaphore, #tpu.memory_space<semaphore_mem>>) src(%dma_wait3A_178 : memref<56x16xf32, #tpu.memory_space<vmem>>) dst(%dma_wait3A_175 : memref<56x16xf32, #tpu.memory_space<vmem_shared>>)
      tpu.yield
    }) : () -> ()
    %mul3A_39 = arith.constant 3200 : i32
    %mul3A_40 = arith.muli %arg1, %mul3A_39 : i32
    %add3A_41 = arith.constant 0 : i32
    %add3A_42 = arith.addi %mul3A_40, %add3A_41 : i32
    "tpu.region"() ({
      %run_scoped3A = tpu.sem_alloc : memref<!tpu.dma_semaphore, #tpu.memory_space<semaphore_mem>>
      %dma_start3A = arith.constant 0 : i32
      %dma_start3A_161 = tpu.memref_slice %arg25[%dma_start3A] : memref<512xf32, #tpu.memory_space<vmem>> -> memref<512xf32, #tpu.memory_space<vmem>>
      %dma_start3A_162 = tpu.memref_slice %arg29[%add3A_42] : memref<51200xf32, #tpu.memory_space<vmem_shared>> -> memref<512xf32, #tpu.memory_space<vmem_shared>>
      %dma_start3A_163 = tpu.memref_slice %arg29[%add3A_42] : memref<51200xf32, #tpu.memory_space<vmem_shared>> -> memref<512xf32, #tpu.memory_space<vmem_shared>>
      %dma_start3A_164 = arith.constant 0 : i32
      %dma_start3A_165 = tpu.memref_slice %arg25[%dma_start3A_164] : memref<512xf32, #tpu.memory_space<vmem>> -> memref<512xf32, #tpu.memory_space<vmem>>
      tpu.enqueue_dma source(%dma_start3A_165 : memref<512xf32, #tpu.memory_space<vmem>>) target(%dma_start3A_163 : memref<512xf32, #tpu.memory_space<vmem_shared>>) target_semaphore(%run_scoped3A : memref<!tpu.dma_semaphore, #tpu.memory_space<semaphore_mem>>)
      %dma_wait3A = arith.constant 0 : i32
      %dma_wait3A_166 = tpu.memref_slice %arg25[%dma_wait3A] : memref<512xf32, #tpu.memory_space<vmem>> -> memref<512xf32, #tpu.memory_space<vmem>>
      %dma_wait3A_167 = tpu.memref_slice %arg29[%add3A_42] : memref<51200xf32, #tpu.memory_space<vmem_shared>> -> memref<512xf32, #tpu.memory_space<vmem_shared>>
      %dma_wait3A_168 = tpu.memref_slice %arg29[%add3A_42] : memref<51200xf32, #tpu.memory_space<vmem_shared>> -> memref<512xf32, #tpu.memory_space<vmem_shared>>
      %dma_wait3A_169 = arith.constant 0 : i32
      %dma_wait3A_170 = tpu.memref_slice %arg25[%dma_wait3A_169] : memref<512xf32, #tpu.memory_space<vmem>> -> memref<512xf32, #tpu.memory_space<vmem>>
      tpu.wait_dma2 semaphore(%run_scoped3A : memref<!tpu.dma_semaphore, #tpu.memory_space<semaphore_mem>>) src(%dma_wait3A_170 : memref<512xf32, #tpu.memory_space<vmem>>) dst(%dma_wait3A_168 : memref<512xf32, #tpu.memory_space<vmem_shared>>)
      tpu.yield
    }) : () -> ()
    %mul3A_43 = arith.constant 3200 : i32
    %mul3A_44 = arith.muli %arg1, %mul3A_43 : i32
    %add3A_45 = arith.constant 512 : i32
    %add3A_46 = arith.addi %mul3A_44, %add3A_45 : i32
    "tpu.region"() ({
      %run_scoped3A = tpu.sem_alloc : memref<!tpu.dma_semaphore, #tpu.memory_space<semaphore_mem>>
      %dma_start3A = arith.constant 0 : i32
      %dma_start3A_161 = tpu.memref_slice %arg25[%dma_start3A] : memref<512xf32, #tpu.memory_space<vmem>> -> memref<512xf32, #tpu.memory_space<vmem>>
      %dma_start3A_162 = tpu.memref_slice %arg29[%add3A_46] : memref<51200xf32, #tpu.memory_space<vmem_shared>> -> memref<512xf32, #tpu.memory_space<vmem_shared>>
      %dma_start3A_163 = tpu.memref_slice %arg29[%add3A_46] : memref<51200xf32, #tpu.memory_space<vmem_shared>> -> memref<512xf32, #tpu.memory_space<vmem_shared>>
      %dma_start3A_164 = arith.constant 0 : i32
      %dma_start3A_165 = tpu.memref_slice %arg25[%dma_start3A_164] : memref<512xf32, #tpu.memory_space<vmem>> -> memref<512xf32, #tpu.memory_space<vmem>>
      tpu.enqueue_dma source(%dma_start3A_165 : memref<512xf32, #tpu.memory_space<vmem>>) target(%dma_start3A_163 : memref<512xf32, #tpu.memory_space<vmem_shared>>) target_semaphore(%run_scoped3A : memref<!tpu.dma_semaphore, #tpu.memory_space<semaphore_mem>>)
      %dma_wait3A = arith.constant 0 : i32
      %dma_wait3A_166 = tpu.memref_slice %arg25[%dma_wait3A] : memref<512xf32, #tpu.memory_space<vmem>> -> memref<512xf32, #tpu.memory_space<vmem>>
      %dma_wait3A_167 = tpu.memref_slice %arg29[%add3A_46] : memref<51200xf32, #tpu.memory_space<vmem_shared>> -> memref<512xf32, #tpu.memory_space<vmem_shared>>
      %dma_wait3A_168 = tpu.memref_slice %arg29[%add3A_46] : memref<51200xf32, #tpu.memory_space<vmem_shared>> -> memref<512xf32, #tpu.memory_space<vmem_shared>>
      %dma_wait3A_169 = arith.constant 0 : i32
      %dma_wait3A_170 = tpu.memref_slice %arg25[%dma_wait3A_169] : memref<512xf32, #tpu.memory_space<vmem>> -> memref<512xf32, #tpu.memory_space<vmem>>
      tpu.wait_dma2 semaphore(%run_scoped3A : memref<!tpu.dma_semaphore, #tpu.memory_space<semaphore_mem>>) src(%dma_wait3A_170 : memref<512xf32, #tpu.memory_space<vmem>>) dst(%dma_wait3A_168 : memref<512xf32, #tpu.memory_space<vmem_shared>>)
      tpu.yield
    }) : () -> ()
    %mul3A_47 = arith.constant 3200 : i32
    %mul3A_48 = arith.muli %arg1, %mul3A_47 : i32
    %add3A_49 = arith.constant 1024 : i32
    %add3A_50 = arith.addi %mul3A_48, %add3A_49 : i32
    "tpu.region"() ({
      %run_scoped3A = tpu.sem_alloc : memref<!tpu.dma_semaphore, #tpu.memory_space<semaphore_mem>>
      %dma_start3A = arith.constant 0 : i32
      %dma_start3A_161 = tpu.memref_slice %arg25[%dma_start3A] : memref<512xf32, #tpu.memory_space<vmem>> -> memref<512xf32, #tpu.memory_space<vmem>>
      %dma_start3A_162 = tpu.memref_slice %arg29[%add3A_50] : memref<51200xf32, #tpu.memory_space<vmem_shared>> -> memref<512xf32, #tpu.memory_space<vmem_shared>>
      %dma_start3A_163 = tpu.memref_slice %arg29[%add3A_50] : memref<51200xf32, #tpu.memory_space<vmem_shared>> -> memref<512xf32, #tpu.memory_space<vmem_shared>>
      %dma_start3A_164 = arith.constant 0 : i32
      %dma_start3A_165 = tpu.memref_slice %arg25[%dma_start3A_164] : memref<512xf32, #tpu.memory_space<vmem>> -> memref<512xf32, #tpu.memory_space<vmem>>
      tpu.enqueue_dma source(%dma_start3A_165 : memref<512xf32, #tpu.memory_space<vmem>>) target(%dma_start3A_163 : memref<512xf32, #tpu.memory_space<vmem_shared>>) target_semaphore(%run_scoped3A : memref<!tpu.dma_semaphore, #tpu.memory_space<semaphore_mem>>)
      %dma_wait3A = arith.constant 0 : i32
      %dma_wait3A_166 = tpu.memref_slice %arg25[%dma_wait3A] : memref<512xf32, #tpu.memory_space<vmem>> -> memref<512xf32, #tpu.memory_space<vmem>>
      %dma_wait3A_167 = tpu.memref_slice %arg29[%add3A_50] : memref<51200xf32, #tpu.memory_space<vmem_shared>> -> memref<512xf32, #tpu.memory_space<vmem_shared>>
      %dma_wait3A_168 = tpu.memref_slice %arg29[%add3A_50] : memref<51200xf32, #tpu.memory_space<vmem_shared>> -> memref<512xf32, #tpu.memory_space<vmem_shared>>
      %dma_wait3A_169 = arith.constant 0 : i32
      %dma_wait3A_170 = tpu.memref_slice %arg25[%dma_wait3A_169] : memref<512xf32, #tpu.memory_space<vmem>> -> memref<512xf32, #tpu.memory_space<vmem>>
      tpu.wait_dma2 semaphore(%run_scoped3A : memref<!tpu.dma_semaphore, #tpu.memory_space<semaphore_mem>>) src(%dma_wait3A_170 : memref<512xf32, #tpu.memory_space<vmem>>) dst(%dma_wait3A_168 : memref<512xf32, #tpu.memory_space<vmem_shared>>)
      tpu.yield
    }) : () -> ()
    %mul3A_51 = arith.constant 3200 : i32
    %mul3A_52 = arith.muli %arg1, %mul3A_51 : i32
    %add3A_53 = arith.constant 1536 : i32
    %add3A_54 = arith.addi %mul3A_52, %add3A_53 : i32
    "tpu.region"() ({
      %run_scoped3A = tpu.sem_alloc : memref<!tpu.dma_semaphore, #tpu.memory_space<semaphore_mem>>
      %dma_start3A = arith.constant 0 : i32
      %dma_start3A_161 = tpu.memref_slice %arg25[%dma_start3A] : memref<512xf32, #tpu.memory_space<vmem>> -> memref<512xf32, #tpu.memory_space<vmem>>
      %dma_start3A_162 = tpu.memref_slice %arg29[%add3A_54] : memref<51200xf32, #tpu.memory_space<vmem_shared>> -> memref<512xf32, #tpu.memory_space<vmem_shared>>
      %dma_start3A_163 = tpu.memref_slice %arg29[%add3A_54] : memref<51200xf32, #tpu.memory_space<vmem_shared>> -> memref<512xf32, #tpu.memory_space<vmem_shared>>
      %dma_start3A_164 = arith.constant 0 : i32
      %dma_start3A_165 = tpu.memref_slice %arg25[%dma_start3A_164] : memref<512xf32, #tpu.memory_space<vmem>> -> memref<512xf32, #tpu.memory_space<vmem>>
      tpu.enqueue_dma source(%dma_start3A_165 : memref<512xf32, #tpu.memory_space<vmem>>) target(%dma_start3A_163 : memref<512xf32, #tpu.memory_space<vmem_shared>>) target_semaphore(%run_scoped3A : memref<!tpu.dma_semaphore, #tpu.memory_space<semaphore_mem>>)
      %dma_wait3A = arith.constant 0 : i32
      %dma_wait3A_166 = tpu.memref_slice %arg25[%dma_wait3A] : memref<512xf32, #tpu.memory_space<vmem>> -> memref<512xf32, #tpu.memory_space<vmem>>
      %dma_wait3A_167 = tpu.memref_slice %arg29[%add3A_54] : memref<51200xf32, #tpu.memory_space<vmem_shared>> -> memref<512xf32, #tpu.memory_space<vmem_shared>>
      %dma_wait3A_168 = tpu.memref_slice %arg29[%add3A_54] : memref<51200xf32, #tpu.memory_space<vmem_shared>> -> memref<512xf32, #tpu.memory_space<vmem_shared>>
      %dma_wait3A_169 = arith.constant 0 : i32
      %dma_wait3A_170 = tpu.memref_slice %arg25[%dma_wait3A_169] : memref<512xf32, #tpu.memory_space<vmem>> -> memref<512xf32, #tpu.memory_space<vmem>>
      tpu.wait_dma2 semaphore(%run_scoped3A : memref<!tpu.dma_semaphore, #tpu.memory_space<semaphore_mem>>) src(%dma_wait3A_170 : memref<512xf32, #tpu.memory_space<vmem>>) dst(%dma_wait3A_168 : memref<512xf32, #tpu.memory_space<vmem_shared>>)
      tpu.yield
    }) : () -> ()
    %mul3A_55 = arith.constant 3200 : i32
    %mul3A_56 = arith.muli %arg1, %mul3A_55 : i32
    %add3A_57 = arith.constant 2048 : i32
    %add3A_58 = arith.addi %mul3A_56, %add3A_57 : i32
    "tpu.region"() ({
      %run_scoped3A = tpu.sem_alloc : memref<!tpu.dma_semaphore, #tpu.memory_space<semaphore_mem>>
      %dma_start3A = arith.constant 0 : i32
      %dma_start3A_161 = tpu.memref_slice %arg25[%dma_start3A] : memref<512xf32, #tpu.memory_space<vmem>> -> memref<512xf32, #tpu.memory_space<vmem>>
      %dma_start3A_162 = tpu.memref_slice %arg29[%add3A_58] : memref<51200xf32, #tpu.memory_space<vmem_shared>> -> memref<512xf32, #tpu.memory_space<vmem_shared>>
      %dma_start3A_163 = tpu.memref_slice %arg29[%add3A_58] : memref<51200xf32, #tpu.memory_space<vmem_shared>> -> memref<512xf32, #tpu.memory_space<vmem_shared>>
      %dma_start3A_164 = arith.constant 0 : i32
      %dma_start3A_165 = tpu.memref_slice %arg25[%dma_start3A_164] : memref<512xf32, #tpu.memory_space<vmem>> -> memref<512xf32, #tpu.memory_space<vmem>>
      tpu.enqueue_dma source(%dma_start3A_165 : memref<512xf32, #tpu.memory_space<vmem>>) target(%dma_start3A_163 : memref<512xf32, #tpu.memory_space<vmem_shared>>) target_semaphore(%run_scoped3A : memref<!tpu.dma_semaphore, #tpu.memory_space<semaphore_mem>>)
      %dma_wait3A = arith.constant 0 : i32
      %dma_wait3A_166 = tpu.memref_slice %arg25[%dma_wait3A] : memref<512xf32, #tpu.memory_space<vmem>> -> memref<512xf32, #tpu.memory_space<vmem>>
      %dma_wait3A_167 = tpu.memref_slice %arg29[%add3A_58] : memref<51200xf32, #tpu.memory_space<vmem_shared>> -> memref<512xf32, #tpu.memory_space<vmem_shared>>
      %dma_wait3A_168 = tpu.memref_slice %arg29[%add3A_58] : memref<51200xf32, #tpu.memory_space<vmem_shared>> -> memref<512xf32, #tpu.memory_space<vmem_shared>>
      %dma_wait3A_169 = arith.constant 0 : i32
      %dma_wait3A_170 = tpu.memref_slice %arg25[%dma_wait3A_169] : memref<512xf32, #tpu.memory_space<vmem>> -> memref<512xf32, #tpu.memory_space<vmem>>
      tpu.wait_dma2 semaphore(%run_scoped3A : memref<!tpu.dma_semaphore, #tpu.memory_space<semaphore_mem>>) src(%dma_wait3A_170 : memref<512xf32, #tpu.memory_space<vmem>>) dst(%dma_wait3A_168 : memref<512xf32, #tpu.memory_space<vmem_shared>>)
      tpu.yield
    }) : () -> ()
    %mul3A_59 = arith.constant 3200 : i32
    %mul3A_60 = arith.muli %arg1, %mul3A_59 : i32
    %add3A_61 = arith.constant 2560 : i32
    %add3A_62 = arith.addi %mul3A_60, %add3A_61 : i32
    "tpu.region"() ({
      %run_scoped3A = tpu.sem_alloc : memref<!tpu.dma_semaphore, #tpu.memory_space<semaphore_mem>>
      %dma_start3A = arith.constant 0 : i32
      %dma_start3A_161 = tpu.memref_slice %arg25[%dma_start3A] : memref<512xf32, #tpu.memory_space<vmem>> -> memref<512xf32, #tpu.memory_space<vmem>>
      %dma_start3A_162 = tpu.memref_slice %arg29[%add3A_62] : memref<51200xf32, #tpu.memory_space<vmem_shared>> -> memref<512xf32, #tpu.memory_space<vmem_shared>>
      %dma_start3A_163 = tpu.memref_slice %arg29[%add3A_62] : memref<51200xf32, #tpu.memory_space<vmem_shared>> -> memref<512xf32, #tpu.memory_space<vmem_shared>>
      %dma_start3A_164 = arith.constant 0 : i32
      %dma_start3A_165 = tpu.memref_slice %arg25[%dma_start3A_164] : memref<512xf32, #tpu.memory_space<vmem>> -> memref<512xf32, #tpu.memory_space<vmem>>
      tpu.enqueue_dma source(%dma_start3A_165 : memref<512xf32, #tpu.memory_space<vmem>>) target(%dma_start3A_163 : memref<512xf32, #tpu.memory_space<vmem_shared>>) target_semaphore(%run_scoped3A : memref<!tpu.dma_semaphore, #tpu.memory_space<semaphore_mem>>)
      %dma_wait3A = arith.constant 0 : i32
      %dma_wait3A_166 = tpu.memref_slice %arg25[%dma_wait3A] : memref<512xf32, #tpu.memory_space<vmem>> -> memref<512xf32, #tpu.memory_space<vmem>>
      %dma_wait3A_167 = tpu.memref_slice %arg29[%add3A_62] : memref<51200xf32, #tpu.memory_space<vmem_shared>> -> memref<512xf32, #tpu.memory_space<vmem_shared>>
      %dma_wait3A_168 = tpu.memref_slice %arg29[%add3A_62] : memref<51200xf32, #tpu.memory_space<vmem_shared>> -> memref<512xf32, #tpu.memory_space<vmem_shared>>
      %dma_wait3A_169 = arith.constant 0 : i32
      %dma_wait3A_170 = tpu.memref_slice %arg25[%dma_wait3A_169] : memref<512xf32, #tpu.memory_space<vmem>> -> memref<512xf32, #tpu.memory_space<vmem>>
      tpu.wait_dma2 semaphore(%run_scoped3A : memref<!tpu.dma_semaphore, #tpu.memory_space<semaphore_mem>>) src(%dma_wait3A_170 : memref<512xf32, #tpu.memory_space<vmem>>) dst(%dma_wait3A_168 : memref<512xf32, #tpu.memory_space<vmem_shared>>)
      tpu.yield
    }) : () -> ()
    %mul3A_63 = arith.constant 3200 : i32
    %mul3A_64 = arith.muli %arg1, %mul3A_63 : i32
    %add3A_65 = arith.constant 3072 : i32
    %add3A_66 = arith.addi %mul3A_64, %add3A_65 : i32
    "tpu.region"() ({
      %run_scoped3A = tpu.sem_alloc : memref<!tpu.dma_semaphore, #tpu.memory_space<semaphore_mem>>
      %dma_start3A = arith.constant 0 : i32
      %dma_start3A_161 = tpu.memref_slice %arg25[%dma_start3A] : memref<512xf32, #tpu.memory_space<vmem>> -> memref<128xf32, #tpu.memory_space<vmem>>
      %dma_start3A_162 = tpu.memref_slice %arg29[%add3A_66] : memref<51200xf32, #tpu.memory_space<vmem_shared>> -> memref<128xf32, #tpu.memory_space<vmem_shared>>
      %dma_start3A_163 = tpu.memref_slice %arg29[%add3A_66] : memref<51200xf32, #tpu.memory_space<vmem_shared>> -> memref<128xf32, #tpu.memory_space<vmem_shared>>
      %dma_start3A_164 = arith.constant 0 : i32
      %dma_start3A_165 = tpu.memref_slice %arg25[%dma_start3A_164] : memref<512xf32, #tpu.memory_space<vmem>> -> memref<128xf32, #tpu.memory_space<vmem>>
      tpu.enqueue_dma source(%dma_start3A_165 : memref<128xf32, #tpu.memory_space<vmem>>) target(%dma_start3A_163 : memref<128xf32, #tpu.memory_space<vmem_shared>>) target_semaphore(%run_scoped3A : memref<!tpu.dma_semaphore, #tpu.memory_space<semaphore_mem>>)
      %dma_wait3A = arith.constant 0 : i32
      %dma_wait3A_166 = tpu.memref_slice %arg25[%dma_wait3A] : memref<512xf32, #tpu.memory_space<vmem>> -> memref<128xf32, #tpu.memory_space<vmem>>
      %dma_wait3A_167 = tpu.memref_slice %arg29[%add3A_66] : memref<51200xf32, #tpu.memory_space<vmem_shared>> -> memref<128xf32, #tpu.memory_space<vmem_shared>>
      %dma_wait3A_168 = tpu.memref_slice %arg29[%add3A_66] : memref<51200xf32, #tpu.memory_space<vmem_shared>> -> memref<128xf32, #tpu.memory_space<vmem_shared>>
      %dma_wait3A_169 = arith.constant 0 : i32
      %dma_wait3A_170 = tpu.memref_slice %arg25[%dma_wait3A_169] : memref<512xf32, #tpu.memory_space<vmem>> -> memref<128xf32, #tpu.memory_space<vmem>>
      tpu.wait_dma2 semaphore(%run_scoped3A : memref<!tpu.dma_semaphore, #tpu.memory_space<semaphore_mem>>) src(%dma_wait3A_170 : memref<128xf32, #tpu.memory_space<vmem>>) dst(%dma_wait3A_168 : memref<128xf32, #tpu.memory_space<vmem_shared>>)
      tpu.yield
    }) : () -> ()
    %barrier3A = arith.constant 0 : index
    tpu.barrier barrier_id(%barrier3A)
    %mul3A_67 = arith.constant 51200 : i32
    %mul3A_68 = arith.muli %arg1, %mul3A_67 : i32
    %iota3A = tpu.iota {dimensions = array<i32: 0>} : vector<16xi32>
    %get3A = arith.constant 0 : index
    %get3A_69 = tpu.vector_load %arg27[%get3A] {strides = array<i32>} : memref<16xf32, #tpu.memory_space<vmem>>, vector<16xf32>,
    %scan3A_70 = arith.constant 0 : i32
    %scan3A_71 = arith.constant 0 : i32
    %scan3A_72 = arith.constant 50 : i32
    %scan3A_73 = arith.addi %scan3A_71, %scan3A_72 : i32
    %scan3A_74 = arith.constant 1 : i32
    scf.for %scan3A_161 = %scan3A_71 to %scan3A_73 step %scan3A_74  : i32 {
      %mul3A_162 = arith.constant 1024 : i32
      %mul3A_163 = arith.muli %scan3A_161, %mul3A_162 : i32
      %add3A_164 = arith.addi %mul3A_68, %mul3A_163 : i32
      %add3A_165 = arith.constant 512 : i32
      %add3A_166 = arith.addi %add3A_164, %add3A_165 : i32
      %dma_start3A = tpu.memref_slice %arg8[%add3A_164] : memref<819200xi32, #tpu.memory_space<hbm>> -> memref<512xi32, #tpu.memory_space<hbm>>
      %dma_start3A_167 = tpu.memref_slice %arg8[%add3A_164] : memref<819200xi32, #tpu.memory_space<hbm>> -> memref<512xi32, #tpu.memory_space<hbm>>
      tpu.enqueue_dma source(%dma_start3A_167 : memref<512xi32, #tpu.memory_space<hbm>>) target(%arg13 : memref<512xi32, #tpu.memory_space<vmem>>) target_semaphore(%arg30 : memref<!tpu.dma_semaphore, #tpu.memory_space<semaphore_mem>>)
      %dma_start3A_168 = tpu.memref_slice %arg9[%add3A_164] : memref<819200xi32, #tpu.memory_space<hbm>> -> memref<512xi32, #tpu.memory_space<hbm>>
      %dma_start3A_169 = tpu.memref_slice %arg9[%add3A_164] : memref<819200xi32, #tpu.memory_space<hbm>> -> memref<512xi32, #tpu.memory_space<hbm>>
      tpu.enqueue_dma source(%dma_start3A_169 : memref<512xi32, #tpu.memory_space<hbm>>) target(%arg15 : memref<512xi32, #tpu.memory_space<vmem>>) target_semaphore(%arg30 : memref<!tpu.dma_semaphore, #tpu.memory_space<semaphore_mem>>)
      %eq3A = arith.constant 0 : i32
      %eq3A_170 = arith.cmpi eq, %arg0, %eq3A : i32
      %convert_element_type3A = arith.extui %eq3A_170 : i1 to i32
      %cond3A = arith.constant 0 : i32
      %cond3A_171 = arith.cmpi ne, %convert_element_type3A, %cond3A : i32
      scf.if %cond3A_171 {
        %jit3A_310 = arith.constant 8 : i32
        %div3A_311 = arith.divsi %add3A_164, %jit3A_310 : i32
        %sign3A_312 = arith.constant 0 : i32
        %sign3A_313 = arith.cmpi sgt, %add3A_164, %sign3A_312 : i32
        %sign3A_314 = arith.extui %sign3A_313 : i1 to i32
        %sign3A_315 = arith.constant 0 : i32
        %sign3A_316 = arith.cmpi slt, %add3A_164, %sign3A_315 : i32
        %sign3A_317 = arith.extui %sign3A_316 : i1 to i32
        %sign3A_318 = arith.subi %sign3A_314, %sign3A_317 : i32
        %sign3A_319 = arith.constant 0 : i32
        %sign3A_320 = arith.cmpi sgt, %jit3A_310, %sign3A_319 : i32
        %sign3A_321 = arith.extui %sign3A_320 : i1 to i32
        %sign3A_322 = arith.constant 0 : i32
        %sign3A_323 = arith.cmpi slt, %jit3A_310, %sign3A_322 : i32
        %sign3A_324 = arith.extui %sign3A_323 : i1 to i32
        %sign3A_325 = arith.subi %sign3A_321, %sign3A_324 : i32
        %ne3A_326 = arith.cmpi ne, %sign3A_318, %sign3A_325 : i32
        %rem3A_327 = arith.remsi %add3A_164, %jit3A_310 : i32
        %ne3A_328 = arith.constant 0 : i32
        %ne3A_329 = arith.cmpi ne, %rem3A_327, %ne3A_328 : i32
        %and3A_330 = arith.andi %ne3A_326, %ne3A_329 : i1
        %sub3A_331 = arith.constant 1 : i32
        %sub3A_332 = arith.subi %div3A_311, %sub3A_331 : i32
        %select_n3A_333 = arith.select %and3A_330, %sub3A_332, %div3A_311 : i32
        %dma_start3A_334 = arith.constant 0 : i32
        %dma_start3A_335 = tpu.memref_slice %arg6[%select_n3A_333, %dma_start3A_334] : memref<102400x128xf32, #tpu.memory_space<hbm>> -> memref<64x128xf32, #tpu.memory_space<hbm>>
        %dma_start3A_336 = arith.constant 0 : i32
        %dma_start3A_337 = tpu.memref_slice %arg6[%select_n3A_333, %dma_start3A_336] : memref<102400x128xf32, #tpu.memory_space<hbm>> -> memref<64x128xf32, #tpu.memory_space<hbm>>
        tpu.enqueue_dma source(%dma_start3A_337 : memref<64x128xf32, #tpu.memory_space<hbm>>) target(%arg17 : memref<64x128xf32, #tpu.memory_space<vmem>>) target_semaphore(%arg30 : memref<!tpu.dma_semaphore, #tpu.memory_space<semaphore_mem>>)
      } else {
      }
      %eq3A_172 = arith.constant 1 : i32
      %eq3A_173 = arith.cmpi eq, %arg0, %eq3A_172 : i32
      %convert_element_type3A_174 = arith.extui %eq3A_173 : i1 to i32
      %cond3A_175 = arith.constant 0 : i32
      %cond3A_176 = arith.cmpi ne, %convert_element_type3A_174, %cond3A_175 : i32
      scf.if %cond3A_176 {
        %jit3A_310 = arith.constant 8 : i32
        %div3A_311 = arith.divsi %add3A_164, %jit3A_310 : i32
        %sign3A_312 = arith.constant 0 : i32
        %sign3A_313 = arith.cmpi sgt, %add3A_164, %sign3A_312 : i32
        %sign3A_314 = arith.extui %sign3A_313 : i1 to i32
        %sign3A_315 = arith.constant 0 : i32
        %sign3A_316 = arith.cmpi slt, %add3A_164, %sign3A_315 : i32
        %sign3A_317 = arith.extui %sign3A_316 : i1 to i32
        %sign3A_318 = arith.subi %sign3A_314, %sign3A_317 : i32
        %sign3A_319 = arith.constant 0 : i32
        %sign3A_320 = arith.cmpi sgt, %jit3A_310, %sign3A_319 : i32
        %sign3A_321 = arith.extui %sign3A_320 : i1 to i32
        %sign3A_322 = arith.constant 0 : i32
        %sign3A_323 = arith.cmpi slt, %jit3A_310, %sign3A_322 : i32
        %sign3A_324 = arith.extui %sign3A_323 : i1 to i32
        %sign3A_325 = arith.subi %sign3A_321, %sign3A_324 : i32
        %ne3A_326 = arith.cmpi ne, %sign3A_318, %sign3A_325 : i32
        %rem3A_327 = arith.remsi %add3A_164, %jit3A_310 : i32
        %ne3A_328 = arith.constant 0 : i32
        %ne3A_329 = arith.cmpi ne, %rem3A_327, %ne3A_328 : i32
        %and3A_330 = arith.andi %ne3A_326, %ne3A_329 : i1
        %sub3A_331 = arith.constant 1 : i32
        %sub3A_332 = arith.subi %div3A_311, %sub3A_331 : i32
        %select_n3A_333 = arith.select %and3A_330, %sub3A_332, %div3A_311 : i32
        %dma_start3A_334 = arith.constant 0 : i32
        %dma_start3A_335 = tpu.memref_slice %arg7[%select_n3A_333, %dma_start3A_334] : memref<102400x128xf32, #tpu.memory_space<hbm>> -> memref<64x128xf32, #tpu.memory_space<hbm>>
        %dma_start3A_336 = arith.constant 0 : i32
        %dma_start3A_337 = tpu.memref_slice %arg7[%select_n3A_333, %dma_start3A_336] : memref<102400x128xf32, #tpu.memory_space<hbm>> -> memref<64x128xf32, #tpu.memory_space<hbm>>
        tpu.enqueue_dma source(%dma_start3A_337 : memref<64x128xf32, #tpu.memory_space<hbm>>) target(%arg17 : memref<64x128xf32, #tpu.memory_space<vmem>>) target_semaphore(%arg30 : memref<!tpu.dma_semaphore, #tpu.memory_space<semaphore_mem>>)
      } else {
      }
      %dma_wait3A = tpu.memref_slice %arg8[%add3A_164] : memref<819200xi32, #tpu.memory_space<hbm>> -> memref<512xi32, #tpu.memory_space<hbm>>
      %dma_wait3A_177 = tpu.memref_slice %arg8[%add3A_164] : memref<819200xi32, #tpu.memory_space<hbm>> -> memref<512xi32, #tpu.memory_space<hbm>>
      tpu.wait_dma2 semaphore(%arg30 : memref<!tpu.dma_semaphore, #tpu.memory_space<semaphore_mem>>) src(%dma_wait3A_177 : memref<512xi32, #tpu.memory_space<hbm>>) dst(%arg13 : memref<512xi32, #tpu.memory_space<vmem>>)
      %dma_wait3A_178 = tpu.memref_slice %arg9[%add3A_164] : memref<819200xi32, #tpu.memory_space<hbm>> -> memref<512xi32, #tpu.memory_space<hbm>>
      %dma_wait3A_179 = tpu.memref_slice %arg9[%add3A_164] : memref<819200xi32, #tpu.memory_space<hbm>> -> memref<512xi32, #tpu.memory_space<hbm>>
      tpu.wait_dma2 semaphore(%arg30 : memref<!tpu.dma_semaphore, #tpu.memory_space<semaphore_mem>>) src(%dma_wait3A_179 : memref<512xi32, #tpu.memory_space<hbm>>) dst(%arg15 : memref<512xi32, #tpu.memory_space<vmem>>)
      %jit3A = arith.constant 8 : i32
      %div3A = arith.divsi %add3A_164, %jit3A : i32
      %sign3A = arith.constant 0 : i32
      %sign3A_180 = arith.cmpi sgt, %add3A_164, %sign3A : i32
      %sign3A_181 = arith.extui %sign3A_180 : i1 to i32
      %sign3A_182 = arith.constant 0 : i32
      %sign3A_183 = arith.cmpi slt, %add3A_164, %sign3A_182 : i32
      %sign3A_184 = arith.extui %sign3A_183 : i1 to i32
      %sign3A_185 = arith.subi %sign3A_181, %sign3A_184 : i32
      %sign3A_186 = arith.constant 0 : i32
      %sign3A_187 = arith.cmpi sgt, %jit3A, %sign3A_186 : i32
      %sign3A_188 = arith.extui %sign3A_187 : i1 to i32
      %sign3A_189 = arith.constant 0 : i32
      %sign3A_190 = arith.cmpi slt, %jit3A, %sign3A_189 : i32
      %sign3A_191 = arith.extui %sign3A_190 : i1 to i32
      %sign3A_192 = arith.subi %sign3A_188, %sign3A_191 : i32
      %ne3A = arith.cmpi ne, %sign3A_185, %sign3A_192 : i32
      %rem3A = arith.remsi %add3A_164, %jit3A : i32
      %ne3A_193 = arith.constant 0 : i32
      %ne3A_194 = arith.cmpi ne, %rem3A, %ne3A_193 : i32
      %and3A = arith.andi %ne3A, %ne3A_194 : i1
      %sub3A = arith.constant 1 : i32
      %sub3A_195 = arith.subi %div3A, %sub3A : i32
      %select_n3A = arith.select %and3A, %sub3A_195, %div3A : i32
      %dma_wait3A_196 = arith.constant 0 : i32
      %dma_wait3A_197 = tpu.memref_slice %arg6[%select_n3A, %dma_wait3A_196] : memref<102400x128xf32, #tpu.memory_space<hbm>> -> memref<64x128xf32, #tpu.memory_space<hbm>>
      %dma_wait3A_198 = arith.constant 0 : i32
      %dma_wait3A_199 = tpu.memref_slice %arg6[%select_n3A, %dma_wait3A_198] : memref<102400x128xf32, #tpu.memory_space<hbm>> -> memref<64x128xf32, #tpu.memory_space<hbm>>
      tpu.wait_dma2 semaphore(%arg30 : memref<!tpu.dma_semaphore, #tpu.memory_space<semaphore_mem>>) src(%dma_wait3A_199 : memref<64x128xf32, #tpu.memory_space<hbm>>) dst(%arg17 : memref<64x128xf32, #tpu.memory_space<vmem>>)
      %eq3A_200 = arith.constant 0 : i32
      %eq3A_201 = arith.cmpi eq, %arg0, %eq3A_200 : i32
      %convert_element_type3A_202 = arith.extui %eq3A_201 : i1 to i32
      %cond3A_203 = arith.constant 0 : i32
      %cond3A_204 = arith.cmpi ne, %convert_element_type3A_202, %cond3A_203 : i32
      scf.if %cond3A_204 {
        %dma_start3A_310 = arith.constant 0 : i32
        %dma_start3A_311 = arith.constant 0 : i32
        %dma_start3A_312 = tpu.memref_slice %arg2[%dma_start3A_310, %dma_start3A_311] : memref<50000x16xf32, #tpu.memory_space<hbm>> -> memref<50000x16xf32, #tpu.memory_space<hbm>>
        tpu.enqueue_indirect_dma source(%dma_start3A_312 : memref<50000x16xf32, #tpu.memory_space<hbm>>) target(%arg19 : memref<512x16xf32, #tpu.memory_space<vmem>>) offsets(%arg13 : memref<512xi32, #tpu.memory_space<vmem>>) semaphore(%arg31 : memref<!tpu.dma_semaphore, #tpu.memory_space<semaphore_mem>>)
        %dma_start3A_313 = arith.constant 0 : i32
        %dma_start3A_314 = arith.constant 0 : i32
        %dma_start3A_315 = tpu.memref_slice %arg4[%dma_start3A_313, %dma_start3A_314] : memref<50000x16xf32, #tpu.memory_space<hbm>> -> memref<50000x16xf32, #tpu.memory_space<hbm>>
        tpu.enqueue_indirect_dma source(%dma_start3A_315 : memref<50000x16xf32, #tpu.memory_space<hbm>>) target(%arg21 : memref<512x16xf32, #tpu.memory_space<vmem>>) offsets(%arg15 : memref<512xi32, #tpu.memory_space<vmem>>) semaphore(%arg31 : memref<!tpu.dma_semaphore, #tpu.memory_space<semaphore_mem>>)
      } else {
      }
      %eq3A_205 = arith.constant 1 : i32
      %eq3A_206 = arith.cmpi eq, %arg0, %eq3A_205 : i32
      %convert_element_type3A_207 = arith.extui %eq3A_206 : i1 to i32
      %cond3A_208 = arith.constant 0 : i32
      %cond3A_209 = arith.cmpi ne, %convert_element_type3A_207, %cond3A_208 : i32
      scf.if %cond3A_209 {
        %dma_start3A_310 = arith.constant 0 : i32
        %dma_start3A_311 = arith.constant 0 : i32
        %dma_start3A_312 = tpu.memref_slice %arg3[%dma_start3A_310, %dma_start3A_311] : memref<50000x16xf32, #tpu.memory_space<hbm>> -> memref<50000x16xf32, #tpu.memory_space<hbm>>
        tpu.enqueue_indirect_dma source(%dma_start3A_312 : memref<50000x16xf32, #tpu.memory_space<hbm>>) target(%arg19 : memref<512x16xf32, #tpu.memory_space<vmem>>) offsets(%arg13 : memref<512xi32, #tpu.memory_space<vmem>>) semaphore(%arg31 : memref<!tpu.dma_semaphore, #tpu.memory_space<semaphore_mem>>)
        %dma_start3A_313 = arith.constant 0 : i32
        %dma_start3A_314 = arith.constant 0 : i32
        %dma_start3A_315 = tpu.memref_slice %arg5[%dma_start3A_313, %dma_start3A_314] : memref<50000x16xf32, #tpu.memory_space<hbm>> -> memref<50000x16xf32, #tpu.memory_space<hbm>>
        tpu.enqueue_indirect_dma source(%dma_start3A_315 : memref<50000x16xf32, #tpu.memory_space<hbm>>) target(%arg21 : memref<512x16xf32, #tpu.memory_space<vmem>>) offsets(%arg15 : memref<512xi32, #tpu.memory_space<vmem>>) semaphore(%arg31 : memref<!tpu.dma_semaphore, #tpu.memory_space<semaphore_mem>>)
      } else {
      }
      %dma_start3A_210 = tpu.memref_slice %arg8[%add3A_166] : memref<819200xi32, #tpu.memory_space<hbm>> -> memref<512xi32, #tpu.memory_space<hbm>>
      %dma_start3A_211 = tpu.memref_slice %arg8[%add3A_166] : memref<819200xi32, #tpu.memory_space<hbm>> -> memref<512xi32, #tpu.memory_space<hbm>>
      tpu.enqueue_dma source(%dma_start3A_211 : memref<512xi32, #tpu.memory_space<hbm>>) target(%arg14 : memref<512xi32, #tpu.memory_space<vmem>>) target_semaphore(%arg30 : memref<!tpu.dma_semaphore, #tpu.memory_space<semaphore_mem>>)
      %dma_start3A_212 = tpu.memref_slice %arg9[%add3A_166] : memref<819200xi32, #tpu.memory_space<hbm>> -> memref<512xi32, #tpu.memory_space<hbm>>
      %dma_start3A_213 = tpu.memref_slice %arg9[%add3A_166] : memref<819200xi32, #tpu.memory_space<hbm>> -> memref<512xi32, #tpu.memory_space<hbm>>
      tpu.enqueue_dma source(%dma_start3A_213 : memref<512xi32, #tpu.memory_space<hbm>>) target(%arg16 : memref<512xi32, #tpu.memory_space<vmem>>) target_semaphore(%arg30 : memref<!tpu.dma_semaphore, #tpu.memory_space<semaphore_mem>>)
      %eq3A_214 = arith.constant 0 : i32
      %eq3A_215 = arith.cmpi eq, %arg0, %eq3A_214 : i32
      %convert_element_type3A_216 = arith.extui %eq3A_215 : i1 to i32
      %cond3A_217 = arith.constant 0 : i32
      %cond3A_218 = arith.cmpi ne, %convert_element_type3A_216, %cond3A_217 : i32
      scf.if %cond3A_218 {
        %jit3A_310 = arith.constant 8 : i32
        %div3A_311 = arith.divsi %add3A_166, %jit3A_310 : i32
        %sign3A_312 = arith.constant 0 : i32
        %sign3A_313 = arith.cmpi sgt, %add3A_166, %sign3A_312 : i32
        %sign3A_314 = arith.extui %sign3A_313 : i1 to i32
        %sign3A_315 = arith.constant 0 : i32
        %sign3A_316 = arith.cmpi slt, %add3A_166, %sign3A_315 : i32
        %sign3A_317 = arith.extui %sign3A_316 : i1 to i32
        %sign3A_318 = arith.subi %sign3A_314, %sign3A_317 : i32
        %sign3A_319 = arith.constant 0 : i32
        %sign3A_320 = arith.cmpi sgt, %jit3A_310, %sign3A_319 : i32
        %sign3A_321 = arith.extui %sign3A_320 : i1 to i32
        %sign3A_322 = arith.constant 0 : i32
        %sign3A_323 = arith.cmpi slt, %jit3A_310, %sign3A_322 : i32
        %sign3A_324 = arith.extui %sign3A_323 : i1 to i32
        %sign3A_325 = arith.subi %sign3A_321, %sign3A_324 : i32
        %ne3A_326 = arith.cmpi ne, %sign3A_318, %sign3A_325 : i32
        %rem3A_327 = arith.remsi %add3A_166, %jit3A_310 : i32
        %ne3A_328 = arith.constant 0 : i32
        %ne3A_329 = arith.cmpi ne, %rem3A_327, %ne3A_328 : i32
        %and3A_330 = arith.andi %ne3A_326, %ne3A_329 : i1
        %sub3A_331 = arith.constant 1 : i32
        %sub3A_332 = arith.subi %div3A_311, %sub3A_331 : i32
        %select_n3A_333 = arith.select %and3A_330, %sub3A_332, %div3A_311 : i32
        %dma_start3A_334 = arith.constant 0 : i32
        %dma_start3A_335 = tpu.memref_slice %arg6[%select_n3A_333, %dma_start3A_334] : memref<102400x128xf32, #tpu.memory_space<hbm>> -> memref<64x128xf32, #tpu.memory_space<hbm>>
        %dma_start3A_336 = arith.constant 0 : i32
        %dma_start3A_337 = tpu.memref_slice %arg6[%select_n3A_333, %dma_start3A_336] : memref<102400x128xf32, #tpu.memory_space<hbm>> -> memref<64x128xf32, #tpu.memory_space<hbm>>
        tpu.enqueue_dma source(%dma_start3A_337 : memref<64x128xf32, #tpu.memory_space<hbm>>) target(%arg18 : memref<64x128xf32, #tpu.memory_space<vmem>>) target_semaphore(%arg30 : memref<!tpu.dma_semaphore, #tpu.memory_space<semaphore_mem>>)
      } else {
      }
      %eq3A_219 = arith.constant 1 : i32
      %eq3A_220 = arith.cmpi eq, %arg0, %eq3A_219 : i32
      %convert_element_type3A_221 = arith.extui %eq3A_220 : i1 to i32
      %cond3A_222 = arith.constant 0 : i32
      %cond3A_223 = arith.cmpi ne, %convert_element_type3A_221, %cond3A_222 : i32
      scf.if %cond3A_223 {
        %jit3A_310 = arith.constant 8 : i32
        %div3A_311 = arith.divsi %add3A_166, %jit3A_310 : i32
        %sign3A_312 = arith.constant 0 : i32
        %sign3A_313 = arith.cmpi sgt, %add3A_166, %sign3A_312 : i32
        %sign3A_314 = arith.extui %sign3A_313 : i1 to i32
        %sign3A_315 = arith.constant 0 : i32
        %sign3A_316 = arith.cmpi slt, %add3A_166, %sign3A_315 : i32
        %sign3A_317 = arith.extui %sign3A_316 : i1 to i32
        %sign3A_318 = arith.subi %sign3A_314, %sign3A_317 : i32
        %sign3A_319 = arith.constant 0 : i32
        %sign3A_320 = arith.cmpi sgt, %jit3A_310, %sign3A_319 : i32
        %sign3A_321 = arith.extui %sign3A_320 : i1 to i32
        %sign3A_322 = arith.constant 0 : i32
        %sign3A_323 = arith.cmpi slt, %jit3A_310, %sign3A_322 : i32
        %sign3A_324 = arith.extui %sign3A_323 : i1 to i32
        %sign3A_325 = arith.subi %sign3A_321, %sign3A_324 : i32
        %ne3A_326 = arith.cmpi ne, %sign3A_318, %sign3A_325 : i32
        %rem3A_327 = arith.remsi %add3A_166, %jit3A_310 : i32
        %ne3A_328 = arith.constant 0 : i32
        %ne3A_329 = arith.cmpi ne, %rem3A_327, %ne3A_328 : i32
        %and3A_330 = arith.andi %ne3A_326, %ne3A_329 : i1
        %sub3A_331 = arith.constant 1 : i32
        %sub3A_332 = arith.subi %div3A_311, %sub3A_331 : i32
        %select_n3A_333 = arith.select %and3A_330, %sub3A_332, %div3A_311 : i32
        %dma_start3A_334 = arith.constant 0 : i32
        %dma_start3A_335 = tpu.memref_slice %arg7[%select_n3A_333, %dma_start3A_334] : memref<102400x128xf32, #tpu.memory_space<hbm>> -> memref<64x128xf32, #tpu.memory_space<hbm>>
        %dma_start3A_336 = arith.constant 0 : i32
        %dma_start3A_337 = tpu.memref_slice %arg7[%select_n3A_333, %dma_start3A_336] : memref<102400x128xf32, #tpu.memory_space<hbm>> -> memref<64x128xf32, #tpu.memory_space<hbm>>
        tpu.enqueue_dma source(%dma_start3A_337 : memref<64x128xf32, #tpu.memory_space<hbm>>) target(%arg18 : memref<64x128xf32, #tpu.memory_space<vmem>>) target_semaphore(%arg30 : memref<!tpu.dma_semaphore, #tpu.memory_space<semaphore_mem>>)
      } else {
      }
      %dma_wait3A_224 = arith.constant 0 : i32
      %dma_wait3A_225 = arith.constant 0 : i32
      %dma_wait3A_226 = tpu.memref_slice %arg2[%dma_wait3A_224, %dma_wait3A_225] : memref<50000x16xf32, #tpu.memory_space<hbm>> -> memref<50000x16xf32, #tpu.memory_space<hbm>>
      tpu.wait_indirect_dma semaphore(%arg31 : memref<!tpu.dma_semaphore, #tpu.memory_space<semaphore_mem>>) src(%dma_wait3A_226 : memref<50000x16xf32, #tpu.memory_space<hbm>>) dst(%arg19 : memref<512x16xf32, #tpu.memory_space<vmem>>)
      %dma_wait3A_227 = arith.constant 0 : i32
      %dma_wait3A_228 = arith.constant 0 : i32
      %dma_wait3A_229 = tpu.memref_slice %arg4[%dma_wait3A_227, %dma_wait3A_228] : memref<50000x16xf32, #tpu.memory_space<hbm>> -> memref<50000x16xf32, #tpu.memory_space<hbm>>
      tpu.wait_indirect_dma semaphore(%arg31 : memref<!tpu.dma_semaphore, #tpu.memory_space<semaphore_mem>>) src(%dma_wait3A_229 : memref<50000x16xf32, #tpu.memory_space<hbm>>) dst(%arg21 : memref<512x16xf32, #tpu.memory_space<vmem>>)
      %scan3A_230 = arith.constant 0 : i32
      %scan3A_231 = arith.constant 0 : i32
      %scan3A_232 = arith.constant 32 : i32
      %scan3A_233 = arith.addi %scan3A_231, %scan3A_232 : i32
      %scan3A_234 = arith.constant 1 : i32
      scf.for %scan3A_310 = %scan3A_231 to %scan3A_233 step %scan3A_234  : i32 {
        %mul3A_311 = arith.constant 16 : i32
        %mul3A_312 = arith.muli %scan3A_310, %mul3A_311 : i32
        %add3A_313 = vector.broadcast %mul3A_312 : i32 to vector<16xi32>
        %add3A_314 = arith.addi %iota3A, %add3A_313 : vector<16xi32>
        %broadcast_in_dim3A = arith.constant 0.000000e+00 : f32
        %broadcast_in_dim3A_315 = vector.broadcast %broadcast_in_dim3A : f32 to vector<16xf32>
        %mul3A_316 = arith.constant 16 : i32
        %mul3A_317 = vector.broadcast %mul3A_316 : i32 to vector<16xi32>
        %mul3A_318 = arith.muli %add3A_314, %mul3A_317 : vector<16xi32>
        %broadcast_in_dim3A_319 = arith.constant 0 : i32
        %broadcast_in_dim3A_320 = vector.broadcast %broadcast_in_dim3A_319 : i32 to vector<16xi32>
        %gather3A = tpu.vector_load_idx %arg19[%add3A_314, %broadcast_in_dim3A_320] : memref<512x16xf32, #tpu.memory_space<vmem>>[vector<16xi32>, vector<16xi32>], vector<16xf32>,
        %gather3A_321 = tpu.vector_load_idx %arg21[%add3A_314, %broadcast_in_dim3A_320] : memref<512x16xf32, #tpu.memory_space<vmem>>[vector<16xi32>, vector<16xi32>], vector<16xf32>,
        %add3A_322 = arith.constant 0 : i32
        %add3A_323 = vector.broadcast %add3A_322 : i32 to vector<16xi32>
        %add3A_324 = arith.addi %mul3A_318, %add3A_323 : vector<16xi32>
        %shift_right_logical3A = arith.constant 7 : i32
        %shift_right_logical3A_325 = vector.broadcast %shift_right_logical3A : i32 to vector<16xi32>
        %shift_right_logical3A_326 = arith.shrui %add3A_324, %shift_right_logical3A_325 : vector<16xi32>
        %and3A_327 = arith.constant 127 : i32
        %and3A_328 = vector.broadcast %and3A_327 : i32 to vector<16xi32>
        %and3A_329 = arith.andi %add3A_324, %and3A_328 : vector<16xi32>
        %gather3A_330 = tpu.vector_load_idx %arg17[%shift_right_logical3A_326, %and3A_329] : memref<64x128xf32, #tpu.memory_space<vmem>>[vector<16xi32>, vector<16xi32>], vector<16xf32>,
        %add3A_331 = arith.addf %gather3A, %gather3A_321 : vector<16xf32>
        %add3A_332 = arith.addf %add3A_331, %gather3A_330 : vector<16xf32>
        %mul3A_333 = arith.constant 2.000000e-01 : f32
        %mul3A_334 = vector.broadcast %mul3A_333 : f32 to vector<16xf32>
        %mul3A_335 = arith.mulf %mul3A_334, %add3A_332 : vector<16xf32>
        %max3A = arith.maximumf %add3A_332, %mul3A_335 : vector<16xf32>
        %slice3A = vector.extract_strided_slice %get3A_69 {offsets = [0], sizes = [1], strides = [1]} : vector<16xf32> to vector<1xf32>
        %squeeze3A = vector.extract %slice3A[0] : f32 from vector<1xf32>
        %mul3A_336 = vector.broadcast %squeeze3A : f32 to vector<16xf32>
        %mul3A_337 = arith.mulf %mul3A_336, %max3A : vector<16xf32>
        %add3A_338 = arith.addf %broadcast_in_dim3A_315, %mul3A_337 : vector<16xf32>
        %broadcast_in_dim3A_339 = arith.constant 1 : i32
        %broadcast_in_dim3A_340 = vector.broadcast %broadcast_in_dim3A_339 : i32 to vector<16xi32>
        %gather3A_341 = tpu.vector_load_idx %arg19[%add3A_314, %broadcast_in_dim3A_340] : memref<512x16xf32, #tpu.memory_space<vmem>>[vector<16xi32>, vector<16xi32>], vector<16xf32>,
        %gather3A_342 = tpu.vector_load_idx %arg21[%add3A_314, %broadcast_in_dim3A_340] : memref<512x16xf32, #tpu.memory_space<vmem>>[vector<16xi32>, vector<16xi32>], vector<16xf32>,
        %add3A_343 = arith.constant 1 : i32
        %add3A_344 = vector.broadcast %add3A_343 : i32 to vector<16xi32>
        %add3A_345 = arith.addi %mul3A_318, %add3A_344 : vector<16xi32>
        %shift_right_logical3A_346 = arith.constant 7 : i32
        %shift_right_logical3A_347 = vector.broadcast %shift_right_logical3A_346 : i32 to vector<16xi32>
        %shift_right_logical3A_348 = arith.shrui %add3A_345, %shift_right_logical3A_347 : vector<16xi32>
        %and3A_349 = arith.constant 127 : i32
        %and3A_350 = vector.broadcast %and3A_349 : i32 to vector<16xi32>
        %and3A_351 = arith.andi %add3A_345, %and3A_350 : vector<16xi32>
        %gather3A_352 = tpu.vector_load_idx %arg17[%shift_right_logical3A_348, %and3A_351] : memref<64x128xf32, #tpu.memory_space<vmem>>[vector<16xi32>, vector<16xi32>], vector<16xf32>,
        %add3A_353 = arith.addf %gather3A_341, %gather3A_342 : vector<16xf32>
        %add3A_354 = arith.addf %add3A_353, %gather3A_352 : vector<16xf32>
        %mul3A_355 = arith.constant 2.000000e-01 : f32
        %mul3A_356 = vector.broadcast %mul3A_355 : f32 to vector<16xf32>
        %mul3A_357 = arith.mulf %mul3A_356, %add3A_354 : vector<16xf32>
        %max3A_358 = arith.maximumf %add3A_354, %mul3A_357 : vector<16xf32>
        %slice3A_359 = vector.extract_strided_slice %get3A_69 {offsets = [1], sizes = [1], strides = [1]} : vector<16xf32> to vector<1xf32>
        %squeeze3A_360 = vector.extract %slice3A_359[0] : f32 from vector<1xf32>
        %mul3A_361 = vector.broadcast %squeeze3A_360 : f32 to vector<16xf32>
        %mul3A_362 = arith.mulf %mul3A_361, %max3A_358 : vector<16xf32>
        %add3A_363 = arith.addf %add3A_338, %mul3A_362 : vector<16xf32>
        %broadcast_in_dim3A_364 = arith.constant 2 : i32
        %broadcast_in_dim3A_365 = vector.broadcast %broadcast_in_dim3A_364 : i32 to vector<16xi32>
        %gather3A_366 = tpu.vector_load_idx %arg19[%add3A_314, %broadcast_in_dim3A_365] : memref<512x16xf32, #tpu.memory_space<vmem>>[vector<16xi32>, vector<16xi32>], vector<16xf32>,
        %gather3A_367 = tpu.vector_load_idx %arg21[%add3A_314, %broadcast_in_dim3A_365] : memref<512x16xf32, #tpu.memory_space<vmem>>[vector<16xi32>, vector<16xi32>], vector<16xf32>,
        %add3A_368 = arith.constant 2 : i32
        %add3A_369 = vector.broadcast %add3A_368 : i32 to vector<16xi32>
        %add3A_370 = arith.addi %mul3A_318, %add3A_369 : vector<16xi32>
        %shift_right_logical3A_371 = arith.constant 7 : i32
        %shift_right_logical3A_372 = vector.broadcast %shift_right_logical3A_371 : i32 to vector<16xi32>
        %shift_right_logical3A_373 = arith.shrui %add3A_370, %shift_right_logical3A_372 : vector<16xi32>
        %and3A_374 = arith.constant 127 : i32
        %and3A_375 = vector.broadcast %and3A_374 : i32 to vector<16xi32>
        %and3A_376 = arith.andi %add3A_370, %and3A_375 : vector<16xi32>
        %gather3A_377 = tpu.vector_load_idx %arg17[%shift_right_logical3A_373, %and3A_376] : memref<64x128xf32, #tpu.memory_space<vmem>>[vector<16xi32>, vector<16xi32>], vector<16xf32>,
        %add3A_378 = arith.addf %gather3A_366, %gather3A_367 : vector<16xf32>
        %add3A_379 = arith.addf %add3A_378, %gather3A_377 : vector<16xf32>
        %mul3A_380 = arith.constant 2.000000e-01 : f32
        %mul3A_381 = vector.broadcast %mul3A_380 : f32 to vector<16xf32>
        %mul3A_382 = arith.mulf %mul3A_381, %add3A_379 : vector<16xf32>
        %max3A_383 = arith.maximumf %add3A_379, %mul3A_382 : vector<16xf32>
        %slice3A_384 = vector.extract_strided_slice %get3A_69 {offsets = [2], sizes = [1], strides = [1]} : vector<16xf32> to vector<1xf32>
        %squeeze3A_385 = vector.extract %slice3A_384[0] : f32 from vector<1xf32>
        %mul3A_386 = vector.broadcast %squeeze3A_385 : f32 to vector<16xf32>
        %mul3A_387 = arith.mulf %mul3A_386, %max3A_383 : vector<16xf32>
        %add3A_388 = arith.addf %add3A_363, %mul3A_387 : vector<16xf32>
        %broadcast_in_dim3A_389 = arith.constant 3 : i32
        %broadcast_in_dim3A_390 = vector.broadcast %broadcast_in_dim3A_389 : i32 to vector<16xi32>
        %gather3A_391 = tpu.vector_load_idx %arg19[%add3A_314, %broadcast_in_dim3A_390] : memref<512x16xf32, #tpu.memory_space<vmem>>[vector<16xi32>, vector<16xi32>], vector<16xf32>,
        %gather3A_392 = tpu.vector_load_idx %arg21[%add3A_314, %broadcast_in_dim3A_390] : memref<512x16xf32, #tpu.memory_space<vmem>>[vector<16xi32>, vector<16xi32>], vector<16xf32>,
        %add3A_393 = arith.constant 3 : i32
        %add3A_394 = vector.broadcast %add3A_393 : i32 to vector<16xi32>
        %add3A_395 = arith.addi %mul3A_318, %add3A_394 : vector<16xi32>
        %shift_right_logical3A_396 = arith.constant 7 : i32
        %shift_right_logical3A_397 = vector.broadcast %shift_right_logical3A_396 : i32 to vector<16xi32>
        %shift_right_logical3A_398 = arith.shrui %add3A_395, %shift_right_logical3A_397 : vector<16xi32>
        %and3A_399 = arith.constant 127 : i32
        %and3A_400 = vector.broadcast %and3A_399 : i32 to vector<16xi32>
        %and3A_401 = arith.andi %add3A_395, %and3A_400 : vector<16xi32>
        %gather3A_402 = tpu.vector_load_idx %arg17[%shift_right_logical3A_398, %and3A_401] : memref<64x128xf32, #tpu.memory_space<vmem>>[vector<16xi32>, vector<16xi32>], vector<16xf32>,
        %add3A_403 = arith.addf %gather3A_391, %gather3A_392 : vector<16xf32>
        %add3A_404 = arith.addf %add3A_403, %gather3A_402 : vector<16xf32>
        %mul3A_405 = arith.constant 2.000000e-01 : f32
        %mul3A_406 = vector.broadcast %mul3A_405 : f32 to vector<16xf32>
        %mul3A_407 = arith.mulf %mul3A_406, %add3A_404 : vector<16xf32>
        %max3A_408 = arith.maximumf %add3A_404, %mul3A_407 : vector<16xf32>
        %slice3A_409 = vector.extract_strided_slice %get3A_69 {offsets = [3], sizes = [1], strides = [1]} : vector<16xf32> to vector<1xf32>
        %squeeze3A_410 = vector.extract %slice3A_409[0] : f32 from vector<1xf32>
        %mul3A_411 = vector.broadcast %squeeze3A_410 : f32 to vector<16xf32>
        %mul3A_412 = arith.mulf %mul3A_411, %max3A_408 : vector<16xf32>
        %add3A_413 = arith.addf %add3A_388, %mul3A_412 : vector<16xf32>
        %broadcast_in_dim3A_414 = arith.constant 4 : i32
        %broadcast_in_dim3A_415 = vector.broadcast %broadcast_in_dim3A_414 : i32 to vector<16xi32>
        %gather3A_416 = tpu.vector_load_idx %arg19[%add3A_314, %broadcast_in_dim3A_415] : memref<512x16xf32, #tpu.memory_space<vmem>>[vector<16xi32>, vector<16xi32>], vector<16xf32>,
        %gather3A_417 = tpu.vector_load_idx %arg21[%add3A_314, %broadcast_in_dim3A_415] : memref<512x16xf32, #tpu.memory_space<vmem>>[vector<16xi32>, vector<16xi32>], vector<16xf32>,
        %add3A_418 = arith.constant 4 : i32
        %add3A_419 = vector.broadcast %add3A_418 : i32 to vector<16xi32>
        %add3A_420 = arith.addi %mul3A_318, %add3A_419 : vector<16xi32>
        %shift_right_logical3A_421 = arith.constant 7 : i32
        %shift_right_logical3A_422 = vector.broadcast %shift_right_logical3A_421 : i32 to vector<16xi32>
        %shift_right_logical3A_423 = arith.shrui %add3A_420, %shift_right_logical3A_422 : vector<16xi32>
        %and3A_424 = arith.constant 127 : i32
        %and3A_425 = vector.broadcast %and3A_424 : i32 to vector<16xi32>
        %and3A_426 = arith.andi %add3A_420, %and3A_425 : vector<16xi32>
        %gather3A_427 = tpu.vector_load_idx %arg17[%shift_right_logical3A_423, %and3A_426] : memref<64x128xf32, #tpu.memory_space<vmem>>[vector<16xi32>, vector<16xi32>], vector<16xf32>,
        %add3A_428 = arith.addf %gather3A_416, %gather3A_417 : vector<16xf32>
        %add3A_429 = arith.addf %add3A_428, %gather3A_427 : vector<16xf32>
        %mul3A_430 = arith.constant 2.000000e-01 : f32
        %mul3A_431 = vector.broadcast %mul3A_430 : f32 to vector<16xf32>
        %mul3A_432 = arith.mulf %mul3A_431, %add3A_429 : vector<16xf32>
        %max3A_433 = arith.maximumf %add3A_429, %mul3A_432 : vector<16xf32>
        %slice3A_434 = vector.extract_strided_slice %get3A_69 {offsets = [4], sizes = [1], strides = [1]} : vector<16xf32> to vector<1xf32>
        %squeeze3A_435 = vector.extract %slice3A_434[0] : f32 from vector<1xf32>
        %mul3A_436 = vector.broadcast %squeeze3A_435 : f32 to vector<16xf32>
        %mul3A_437 = arith.mulf %mul3A_436, %max3A_433 : vector<16xf32>
        %add3A_438 = arith.addf %add3A_413, %mul3A_437 : vector<16xf32>
        %broadcast_in_dim3A_439 = arith.constant 5 : i32
        %broadcast_in_dim3A_440 = vector.broadcast %broadcast_in_dim3A_439 : i32 to vector<16xi32>
        %gather3A_441 = tpu.vector_load_idx %arg19[%add3A_314, %broadcast_in_dim3A_440] : memref<512x16xf32, #tpu.memory_space<vmem>>[vector<16xi32>, vector<16xi32>], vector<16xf32>,
        %gather3A_442 = tpu.vector_load_idx %arg21[%add3A_314, %broadcast_in_dim3A_440] : memref<512x16xf32, #tpu.memory_space<vmem>>[vector<16xi32>, vector<16xi32>], vector<16xf32>,
        %add3A_443 = arith.constant 5 : i32
        %add3A_444 = vector.broadcast %add3A_443 : i32 to vector<16xi32>
        %add3A_445 = arith.addi %mul3A_318, %add3A_444 : vector<16xi32>
        %shift_right_logical3A_446 = arith.constant 7 : i32
        %shift_right_logical3A_447 = vector.broadcast %shift_right_logical3A_446 : i32 to vector<16xi32>
        %shift_right_logical3A_448 = arith.shrui %add3A_445, %shift_right_logical3A_447 : vector<16xi32>
        %and3A_449 = arith.constant 127 : i32
        %and3A_450 = vector.broadcast %and3A_449 : i32 to vector<16xi32>
        %and3A_451 = arith.andi %add3A_445, %and3A_450 : vector<16xi32>
        %gather3A_452 = tpu.vector_load_idx %arg17[%shift_right_logical3A_448, %and3A_451] : memref<64x128xf32, #tpu.memory_space<vmem>>[vector<16xi32>, vector<16xi32>], vector<16xf32>,
        %add3A_453 = arith.addf %gather3A_441, %gather3A_442 : vector<16xf32>
        %add3A_454 = arith.addf %add3A_453, %gather3A_452 : vector<16xf32>
        %mul3A_455 = arith.constant 2.000000e-01 : f32
        %mul3A_456 = vector.broadcast %mul3A_455 : f32 to vector<16xf32>
        %mul3A_457 = arith.mulf %mul3A_456, %add3A_454 : vector<16xf32>
        %max3A_458 = arith.maximumf %add3A_454, %mul3A_457 : vector<16xf32>
        %slice3A_459 = vector.extract_strided_slice %get3A_69 {offsets = [5], sizes = [1], strides = [1]} : vector<16xf32> to vector<1xf32>
        %squeeze3A_460 = vector.extract %slice3A_459[0] : f32 from vector<1xf32>
        %mul3A_461 = vector.broadcast %squeeze3A_460 : f32 to vector<16xf32>
        %mul3A_462 = arith.mulf %mul3A_461, %max3A_458 : vector<16xf32>
        %add3A_463 = arith.addf %add3A_438, %mul3A_462 : vector<16xf32>
        %broadcast_in_dim3A_464 = arith.constant 6 : i32
        %broadcast_in_dim3A_465 = vector.broadcast %broadcast_in_dim3A_464 : i32 to vector<16xi32>
        %gather3A_466 = tpu.vector_load_idx %arg19[%add3A_314, %broadcast_in_dim3A_465] : memref<512x16xf32, #tpu.memory_space<vmem>>[vector<16xi32>, vector<16xi32>], vector<16xf32>,
        %gather3A_467 = tpu.vector_load_idx %arg21[%add3A_314, %broadcast_in_dim3A_465] : memref<512x16xf32, #tpu.memory_space<vmem>>[vector<16xi32>, vector<16xi32>], vector<16xf32>,
        %add3A_468 = arith.constant 6 : i32
        %add3A_469 = vector.broadcast %add3A_468 : i32 to vector<16xi32>
        %add3A_470 = arith.addi %mul3A_318, %add3A_469 : vector<16xi32>
        %shift_right_logical3A_471 = arith.constant 7 : i32
        %shift_right_logical3A_472 = vector.broadcast %shift_right_logical3A_471 : i32 to vector<16xi32>
        %shift_right_logical3A_473 = arith.shrui %add3A_470, %shift_right_logical3A_472 : vector<16xi32>
        %and3A_474 = arith.constant 127 : i32
        %and3A_475 = vector.broadcast %and3A_474 : i32 to vector<16xi32>
        %and3A_476 = arith.andi %add3A_470, %and3A_475 : vector<16xi32>
        %gather3A_477 = tpu.vector_load_idx %arg17[%shift_right_logical3A_473, %and3A_476] : memref<64x128xf32, #tpu.memory_space<vmem>>[vector<16xi32>, vector<16xi32>], vector<16xf32>,
        %add3A_478 = arith.addf %gather3A_466, %gather3A_467 : vector<16xf32>
        %add3A_479 = arith.addf %add3A_478, %gather3A_477 : vector<16xf32>
        %mul3A_480 = arith.constant 2.000000e-01 : f32
        %mul3A_481 = vector.broadcast %mul3A_480 : f32 to vector<16xf32>
        %mul3A_482 = arith.mulf %mul3A_481, %add3A_479 : vector<16xf32>
        %max3A_483 = arith.maximumf %add3A_479, %mul3A_482 : vector<16xf32>
        %slice3A_484 = vector.extract_strided_slice %get3A_69 {offsets = [6], sizes = [1], strides = [1]} : vector<16xf32> to vector<1xf32>
        %squeeze3A_485 = vector.extract %slice3A_484[0] : f32 from vector<1xf32>
        %mul3A_486 = vector.broadcast %squeeze3A_485 : f32 to vector<16xf32>
        %mul3A_487 = arith.mulf %mul3A_486, %max3A_483 : vector<16xf32>
        %add3A_488 = arith.addf %add3A_463, %mul3A_487 : vector<16xf32>
        %broadcast_in_dim3A_489 = arith.constant 7 : i32
        %broadcast_in_dim3A_490 = vector.broadcast %broadcast_in_dim3A_489 : i32 to vector<16xi32>
        %gather3A_491 = tpu.vector_load_idx %arg19[%add3A_314, %broadcast_in_dim3A_490] : memref<512x16xf32, #tpu.memory_space<vmem>>[vector<16xi32>, vector<16xi32>], vector<16xf32>,
        %gather3A_492 = tpu.vector_load_idx %arg21[%add3A_314, %broadcast_in_dim3A_490] : memref<512x16xf32, #tpu.memory_space<vmem>>[vector<16xi32>, vector<16xi32>], vector<16xf32>,
        %add3A_493 = arith.constant 7 : i32
        %add3A_494 = vector.broadcast %add3A_493 : i32 to vector<16xi32>
        %add3A_495 = arith.addi %mul3A_318, %add3A_494 : vector<16xi32>
        %shift_right_logical3A_496 = arith.constant 7 : i32
        %shift_right_logical3A_497 = vector.broadcast %shift_right_logical3A_496 : i32 to vector<16xi32>
        %shift_right_logical3A_498 = arith.shrui %add3A_495, %shift_right_logical3A_497 : vector<16xi32>
        %and3A_499 = arith.constant 127 : i32
        %and3A_500 = vector.broadcast %and3A_499 : i32 to vector<16xi32>
        %and3A_501 = arith.andi %add3A_495, %and3A_500 : vector<16xi32>
        %gather3A_502 = tpu.vector_load_idx %arg17[%shift_right_logical3A_498, %and3A_501] : memref<64x128xf32, #tpu.memory_space<vmem>>[vector<16xi32>, vector<16xi32>], vector<16xf32>,
        %add3A_503 = arith.addf %gather3A_491, %gather3A_492 : vector<16xf32>
        %add3A_504 = arith.addf %add3A_503, %gather3A_502 : vector<16xf32>
        %mul3A_505 = arith.constant 2.000000e-01 : f32
        %mul3A_506 = vector.broadcast %mul3A_505 : f32 to vector<16xf32>
        %mul3A_507 = arith.mulf %mul3A_506, %add3A_504 : vector<16xf32>
        %max3A_508 = arith.maximumf %add3A_504, %mul3A_507 : vector<16xf32>
        %slice3A_509 = vector.extract_strided_slice %get3A_69 {offsets = [7], sizes = [1], strides = [1]} : vector<16xf32> to vector<1xf32>
        %squeeze3A_510 = vector.extract %slice3A_509[0] : f32 from vector<1xf32>
        %mul3A_511 = vector.broadcast %squeeze3A_510 : f32 to vector<16xf32>
        %mul3A_512 = arith.mulf %mul3A_511, %max3A_508 : vector<16xf32>
        %add3A_513 = arith.addf %add3A_488, %mul3A_512 : vector<16xf32>
        %broadcast_in_dim3A_514 = arith.constant 8 : i32
        %broadcast_in_dim3A_515 = vector.broadcast %broadcast_in_dim3A_514 : i32 to vector<16xi32>
        %gather3A_516 = tpu.vector_load_idx %arg19[%add3A_314, %broadcast_in_dim3A_515] : memref<512x16xf32, #tpu.memory_space<vmem>>[vector<16xi32>, vector<16xi32>], vector<16xf32>,
        %gather3A_517 = tpu.vector_load_idx %arg21[%add3A_314, %broadcast_in_dim3A_515] : memref<512x16xf32, #tpu.memory_space<vmem>>[vector<16xi32>, vector<16xi32>], vector<16xf32>,
        %add3A_518 = arith.constant 8 : i32
        %add3A_519 = vector.broadcast %add3A_518 : i32 to vector<16xi32>
        %add3A_520 = arith.addi %mul3A_318, %add3A_519 : vector<16xi32>
        %shift_right_logical3A_521 = arith.constant 7 : i32
        %shift_right_logical3A_522 = vector.broadcast %shift_right_logical3A_521 : i32 to vector<16xi32>
        %shift_right_logical3A_523 = arith.shrui %add3A_520, %shift_right_logical3A_522 : vector<16xi32>
        %and3A_524 = arith.constant 127 : i32
        %and3A_525 = vector.broadcast %and3A_524 : i32 to vector<16xi32>
        %and3A_526 = arith.andi %add3A_520, %and3A_525 : vector<16xi32>
        %gather3A_527 = tpu.vector_load_idx %arg17[%shift_right_logical3A_523, %and3A_526] : memref<64x128xf32, #tpu.memory_space<vmem>>[vector<16xi32>, vector<16xi32>], vector<16xf32>,
        %add3A_528 = arith.addf %gather3A_516, %gather3A_517 : vector<16xf32>
        %add3A_529 = arith.addf %add3A_528, %gather3A_527 : vector<16xf32>
        %mul3A_530 = arith.constant 2.000000e-01 : f32
        %mul3A_531 = vector.broadcast %mul3A_530 : f32 to vector<16xf32>
        %mul3A_532 = arith.mulf %mul3A_531, %add3A_529 : vector<16xf32>
        %max3A_533 = arith.maximumf %add3A_529, %mul3A_532 : vector<16xf32>
        %slice3A_534 = vector.extract_strided_slice %get3A_69 {offsets = [8], sizes = [1], strides = [1]} : vector<16xf32> to vector<1xf32>
        %squeeze3A_535 = vector.extract %slice3A_534[0] : f32 from vector<1xf32>
        %mul3A_536 = vector.broadcast %squeeze3A_535 : f32 to vector<16xf32>
        %mul3A_537 = arith.mulf %mul3A_536, %max3A_533 : vector<16xf32>
        %add3A_538 = arith.addf %add3A_513, %mul3A_537 : vector<16xf32>
        %broadcast_in_dim3A_539 = arith.constant 9 : i32
        %broadcast_in_dim3A_540 = vector.broadcast %broadcast_in_dim3A_539 : i32 to vector<16xi32>
        %gather3A_541 = tpu.vector_load_idx %arg19[%add3A_314, %broadcast_in_dim3A_540] : memref<512x16xf32, #tpu.memory_space<vmem>>[vector<16xi32>, vector<16xi32>], vector<16xf32>,
        %gather3A_542 = tpu.vector_load_idx %arg21[%add3A_314, %broadcast_in_dim3A_540] : memref<512x16xf32, #tpu.memory_space<vmem>>[vector<16xi32>, vector<16xi32>], vector<16xf32>,
        %add3A_543 = arith.constant 9 : i32
        %add3A_544 = vector.broadcast %add3A_543 : i32 to vector<16xi32>
        %add3A_545 = arith.addi %mul3A_318, %add3A_544 : vector<16xi32>
        %shift_right_logical3A_546 = arith.constant 7 : i32
        %shift_right_logical3A_547 = vector.broadcast %shift_right_logical3A_546 : i32 to vector<16xi32>
        %shift_right_logical3A_548 = arith.shrui %add3A_545, %shift_right_logical3A_547 : vector<16xi32>
        %and3A_549 = arith.constant 127 : i32
        %and3A_550 = vector.broadcast %and3A_549 : i32 to vector<16xi32>
        %and3A_551 = arith.andi %add3A_545, %and3A_550 : vector<16xi32>
        %gather3A_552 = tpu.vector_load_idx %arg17[%shift_right_logical3A_548, %and3A_551] : memref<64x128xf32, #tpu.memory_space<vmem>>[vector<16xi32>, vector<16xi32>], vector<16xf32>,
        %add3A_553 = arith.addf %gather3A_541, %gather3A_542 : vector<16xf32>
        %add3A_554 = arith.addf %add3A_553, %gather3A_552 : vector<16xf32>
        %mul3A_555 = arith.constant 2.000000e-01 : f32
        %mul3A_556 = vector.broadcast %mul3A_555 : f32 to vector<16xf32>
        %mul3A_557 = arith.mulf %mul3A_556, %add3A_554 : vector<16xf32>
        %max3A_558 = arith.maximumf %add3A_554, %mul3A_557 : vector<16xf32>
        %slice3A_559 = vector.extract_strided_slice %get3A_69 {offsets = [9], sizes = [1], strides = [1]} : vector<16xf32> to vector<1xf32>
        %squeeze3A_560 = vector.extract %slice3A_559[0] : f32 from vector<1xf32>
        %mul3A_561 = vector.broadcast %squeeze3A_560 : f32 to vector<16xf32>
        %mul3A_562 = arith.mulf %mul3A_561, %max3A_558 : vector<16xf32>
        %add3A_563 = arith.addf %add3A_538, %mul3A_562 : vector<16xf32>
        %broadcast_in_dim3A_564 = arith.constant 10 : i32
        %broadcast_in_dim3A_565 = vector.broadcast %broadcast_in_dim3A_564 : i32 to vector<16xi32>
        %gather3A_566 = tpu.vector_load_idx %arg19[%add3A_314, %broadcast_in_dim3A_565] : memref<512x16xf32, #tpu.memory_space<vmem>>[vector<16xi32>, vector<16xi32>], vector<16xf32>,
        %gather3A_567 = tpu.vector_load_idx %arg21[%add3A_314, %broadcast_in_dim3A_565] : memref<512x16xf32, #tpu.memory_space<vmem>>[vector<16xi32>, vector<16xi32>], vector<16xf32>,
        %add3A_568 = arith.constant 10 : i32
        %add3A_569 = vector.broadcast %add3A_568 : i32 to vector<16xi32>
        %add3A_570 = arith.addi %mul3A_318, %add3A_569 : vector<16xi32>
        %shift_right_logical3A_571 = arith.constant 7 : i32
        %shift_right_logical3A_572 = vector.broadcast %shift_right_logical3A_571 : i32 to vector<16xi32>
        %shift_right_logical3A_573 = arith.shrui %add3A_570, %shift_right_logical3A_572 : vector<16xi32>
        %and3A_574 = arith.constant 127 : i32
        %and3A_575 = vector.broadcast %and3A_574 : i32 to vector<16xi32>
        %and3A_576 = arith.andi %add3A_570, %and3A_575 : vector<16xi32>
        %gather3A_577 = tpu.vector_load_idx %arg17[%shift_right_logical3A_573, %and3A_576] : memref<64x128xf32, #tpu.memory_space<vmem>>[vector<16xi32>, vector<16xi32>], vector<16xf32>,
        %add3A_578 = arith.addf %gather3A_566, %gather3A_567 : vector<16xf32>
        %add3A_579 = arith.addf %add3A_578, %gather3A_577 : vector<16xf32>
        %mul3A_580 = arith.constant 2.000000e-01 : f32
        %mul3A_581 = vector.broadcast %mul3A_580 : f32 to vector<16xf32>
        %mul3A_582 = arith.mulf %mul3A_581, %add3A_579 : vector<16xf32>
        %max3A_583 = arith.maximumf %add3A_579, %mul3A_582 : vector<16xf32>
        %slice3A_584 = vector.extract_strided_slice %get3A_69 {offsets = [10], sizes = [1], strides = [1]} : vector<16xf32> to vector<1xf32>
        %squeeze3A_585 = vector.extract %slice3A_584[0] : f32 from vector<1xf32>
        %mul3A_586 = vector.broadcast %squeeze3A_585 : f32 to vector<16xf32>
        %mul3A_587 = arith.mulf %mul3A_586, %max3A_583 : vector<16xf32>
        %add3A_588 = arith.addf %add3A_563, %mul3A_587 : vector<16xf32>
        %broadcast_in_dim3A_589 = arith.constant 11 : i32
        %broadcast_in_dim3A_590 = vector.broadcast %broadcast_in_dim3A_589 : i32 to vector<16xi32>
        %gather3A_591 = tpu.vector_load_idx %arg19[%add3A_314, %broadcast_in_dim3A_590] : memref<512x16xf32, #tpu.memory_space<vmem>>[vector<16xi32>, vector<16xi32>], vector<16xf32>,
        %gather3A_592 = tpu.vector_load_idx %arg21[%add3A_314, %broadcast_in_dim3A_590] : memref<512x16xf32, #tpu.memory_space<vmem>>[vector<16xi32>, vector<16xi32>], vector<16xf32>,
        %add3A_593 = arith.constant 11 : i32
        %add3A_594 = vector.broadcast %add3A_593 : i32 to vector<16xi32>
        %add3A_595 = arith.addi %mul3A_318, %add3A_594 : vector<16xi32>
        %shift_right_logical3A_596 = arith.constant 7 : i32
        %shift_right_logical3A_597 = vector.broadcast %shift_right_logical3A_596 : i32 to vector<16xi32>
        %shift_right_logical3A_598 = arith.shrui %add3A_595, %shift_right_logical3A_597 : vector<16xi32>
        %and3A_599 = arith.constant 127 : i32
        %and3A_600 = vector.broadcast %and3A_599 : i32 to vector<16xi32>
        %and3A_601 = arith.andi %add3A_595, %and3A_600 : vector<16xi32>
        %gather3A_602 = tpu.vector_load_idx %arg17[%shift_right_logical3A_598, %and3A_601] : memref<64x128xf32, #tpu.memory_space<vmem>>[vector<16xi32>, vector<16xi32>], vector<16xf32>,
        %add3A_603 = arith.addf %gather3A_591, %gather3A_592 : vector<16xf32>
        %add3A_604 = arith.addf %add3A_603, %gather3A_602 : vector<16xf32>
        %mul3A_605 = arith.constant 2.000000e-01 : f32
        %mul3A_606 = vector.broadcast %mul3A_605 : f32 to vector<16xf32>
        %mul3A_607 = arith.mulf %mul3A_606, %add3A_604 : vector<16xf32>
        %max3A_608 = arith.maximumf %add3A_604, %mul3A_607 : vector<16xf32>
        %slice3A_609 = vector.extract_strided_slice %get3A_69 {offsets = [11], sizes = [1], strides = [1]} : vector<16xf32> to vector<1xf32>
        %squeeze3A_610 = vector.extract %slice3A_609[0] : f32 from vector<1xf32>
        %mul3A_611 = vector.broadcast %squeeze3A_610 : f32 to vector<16xf32>
        %mul3A_612 = arith.mulf %mul3A_611, %max3A_608 : vector<16xf32>
        %add3A_613 = arith.addf %add3A_588, %mul3A_612 : vector<16xf32>
        %broadcast_in_dim3A_614 = arith.constant 12 : i32
        %broadcast_in_dim3A_615 = vector.broadcast %broadcast_in_dim3A_614 : i32 to vector<16xi32>
        %gather3A_616 = tpu.vector_load_idx %arg19[%add3A_314, %broadcast_in_dim3A_615] : memref<512x16xf32, #tpu.memory_space<vmem>>[vector<16xi32>, vector<16xi32>], vector<16xf32>,
        %gather3A_617 = tpu.vector_load_idx %arg21[%add3A_314, %broadcast_in_dim3A_615] : memref<512x16xf32, #tpu.memory_space<vmem>>[vector<16xi32>, vector<16xi32>], vector<16xf32>,
        %add3A_618 = arith.constant 12 : i32
        %add3A_619 = vector.broadcast %add3A_618 : i32 to vector<16xi32>
        %add3A_620 = arith.addi %mul3A_318, %add3A_619 : vector<16xi32>
        %shift_right_logical3A_621 = arith.constant 7 : i32
        %shift_right_logical3A_622 = vector.broadcast %shift_right_logical3A_621 : i32 to vector<16xi32>
        %shift_right_logical3A_623 = arith.shrui %add3A_620, %shift_right_logical3A_622 : vector<16xi32>
        %and3A_624 = arith.constant 127 : i32
        %and3A_625 = vector.broadcast %and3A_624 : i32 to vector<16xi32>
        %and3A_626 = arith.andi %add3A_620, %and3A_625 : vector<16xi32>
        %gather3A_627 = tpu.vector_load_idx %arg17[%shift_right_logical3A_623, %and3A_626] : memref<64x128xf32, #tpu.memory_space<vmem>>[vector<16xi32>, vector<16xi32>], vector<16xf32>,
        %add3A_628 = arith.addf %gather3A_616, %gather3A_617 : vector<16xf32>
        %add3A_629 = arith.addf %add3A_628, %gather3A_627 : vector<16xf32>
        %mul3A_630 = arith.constant 2.000000e-01 : f32
        %mul3A_631 = vector.broadcast %mul3A_630 : f32 to vector<16xf32>
        %mul3A_632 = arith.mulf %mul3A_631, %add3A_629 : vector<16xf32>
        %max3A_633 = arith.maximumf %add3A_629, %mul3A_632 : vector<16xf32>
        %slice3A_634 = vector.extract_strided_slice %get3A_69 {offsets = [12], sizes = [1], strides = [1]} : vector<16xf32> to vector<1xf32>
        %squeeze3A_635 = vector.extract %slice3A_634[0] : f32 from vector<1xf32>
        %mul3A_636 = vector.broadcast %squeeze3A_635 : f32 to vector<16xf32>
        %mul3A_637 = arith.mulf %mul3A_636, %max3A_633 : vector<16xf32>
        %add3A_638 = arith.addf %add3A_613, %mul3A_637 : vector<16xf32>
        %broadcast_in_dim3A_639 = arith.constant 13 : i32
        %broadcast_in_dim3A_640 = vector.broadcast %broadcast_in_dim3A_639 : i32 to vector<16xi32>
        %gather3A_641 = tpu.vector_load_idx %arg19[%add3A_314, %broadcast_in_dim3A_640] : memref<512x16xf32, #tpu.memory_space<vmem>>[vector<16xi32>, vector<16xi32>], vector<16xf32>,
        %gather3A_642 = tpu.vector_load_idx %arg21[%add3A_314, %broadcast_in_dim3A_640] : memref<512x16xf32, #tpu.memory_space<vmem>>[vector<16xi32>, vector<16xi32>], vector<16xf32>,
        %add3A_643 = arith.constant 13 : i32
        %add3A_644 = vector.broadcast %add3A_643 : i32 to vector<16xi32>
        %add3A_645 = arith.addi %mul3A_318, %add3A_644 : vector<16xi32>
        %shift_right_logical3A_646 = arith.constant 7 : i32
        %shift_right_logical3A_647 = vector.broadcast %shift_right_logical3A_646 : i32 to vector<16xi32>
        %shift_right_logical3A_648 = arith.shrui %add3A_645, %shift_right_logical3A_647 : vector<16xi32>
        %and3A_649 = arith.constant 127 : i32
        %and3A_650 = vector.broadcast %and3A_649 : i32 to vector<16xi32>
        %and3A_651 = arith.andi %add3A_645, %and3A_650 : vector<16xi32>
        %gather3A_652 = tpu.vector_load_idx %arg17[%shift_right_logical3A_648, %and3A_651] : memref<64x128xf32, #tpu.memory_space<vmem>>[vector<16xi32>, vector<16xi32>], vector<16xf32>,
        %add3A_653 = arith.addf %gather3A_641, %gather3A_642 : vector<16xf32>
        %add3A_654 = arith.addf %add3A_653, %gather3A_652 : vector<16xf32>
        %mul3A_655 = arith.constant 2.000000e-01 : f32
        %mul3A_656 = vector.broadcast %mul3A_655 : f32 to vector<16xf32>
        %mul3A_657 = arith.mulf %mul3A_656, %add3A_654 : vector<16xf32>
        %max3A_658 = arith.maximumf %add3A_654, %mul3A_657 : vector<16xf32>
        %slice3A_659 = vector.extract_strided_slice %get3A_69 {offsets = [13], sizes = [1], strides = [1]} : vector<16xf32> to vector<1xf32>
        %squeeze3A_660 = vector.extract %slice3A_659[0] : f32 from vector<1xf32>
        %mul3A_661 = vector.broadcast %squeeze3A_660 : f32 to vector<16xf32>
        %mul3A_662 = arith.mulf %mul3A_661, %max3A_658 : vector<16xf32>
        %add3A_663 = arith.addf %add3A_638, %mul3A_662 : vector<16xf32>
        %broadcast_in_dim3A_664 = arith.constant 14 : i32
        %broadcast_in_dim3A_665 = vector.broadcast %broadcast_in_dim3A_664 : i32 to vector<16xi32>
        %gather3A_666 = tpu.vector_load_idx %arg19[%add3A_314, %broadcast_in_dim3A_665] : memref<512x16xf32, #tpu.memory_space<vmem>>[vector<16xi32>, vector<16xi32>], vector<16xf32>,
        %gather3A_667 = tpu.vector_load_idx %arg21[%add3A_314, %broadcast_in_dim3A_665] : memref<512x16xf32, #tpu.memory_space<vmem>>[vector<16xi32>, vector<16xi32>], vector<16xf32>,
        %add3A_668 = arith.constant 14 : i32
        %add3A_669 = vector.broadcast %add3A_668 : i32 to vector<16xi32>
        %add3A_670 = arith.addi %mul3A_318, %add3A_669 : vector<16xi32>
        %shift_right_logical3A_671 = arith.constant 7 : i32
        %shift_right_logical3A_672 = vector.broadcast %shift_right_logical3A_671 : i32 to vector<16xi32>
        %shift_right_logical3A_673 = arith.shrui %add3A_670, %shift_right_logical3A_672 : vector<16xi32>
        %and3A_674 = arith.constant 127 : i32
        %and3A_675 = vector.broadcast %and3A_674 : i32 to vector<16xi32>
        %and3A_676 = arith.andi %add3A_670, %and3A_675 : vector<16xi32>
        %gather3A_677 = tpu.vector_load_idx %arg17[%shift_right_logical3A_673, %and3A_676] : memref<64x128xf32, #tpu.memory_space<vmem>>[vector<16xi32>, vector<16xi32>], vector<16xf32>,
        %add3A_678 = arith.addf %gather3A_666, %gather3A_667 : vector<16xf32>
        %add3A_679 = arith.addf %add3A_678, %gather3A_677 : vector<16xf32>
        %mul3A_680 = arith.constant 2.000000e-01 : f32
        %mul3A_681 = vector.broadcast %mul3A_680 : f32 to vector<16xf32>
        %mul3A_682 = arith.mulf %mul3A_681, %add3A_679 : vector<16xf32>
        %max3A_683 = arith.maximumf %add3A_679, %mul3A_682 : vector<16xf32>
        %slice3A_684 = vector.extract_strided_slice %get3A_69 {offsets = [14], sizes = [1], strides = [1]} : vector<16xf32> to vector<1xf32>
        %squeeze3A_685 = vector.extract %slice3A_684[0] : f32 from vector<1xf32>
        %mul3A_686 = vector.broadcast %squeeze3A_685 : f32 to vector<16xf32>
        %mul3A_687 = arith.mulf %mul3A_686, %max3A_683 : vector<16xf32>
        %add3A_688 = arith.addf %add3A_663, %mul3A_687 : vector<16xf32>
        %broadcast_in_dim3A_689 = arith.constant 15 : i32
        %broadcast_in_dim3A_690 = vector.broadcast %broadcast_in_dim3A_689 : i32 to vector<16xi32>
        %gather3A_691 = tpu.vector_load_idx %arg19[%add3A_314, %broadcast_in_dim3A_690] : memref<512x16xf32, #tpu.memory_space<vmem>>[vector<16xi32>, vector<16xi32>], vector<16xf32>,
        %gather3A_692 = tpu.vector_load_idx %arg21[%add3A_314, %broadcast_in_dim3A_690] : memref<512x16xf32, #tpu.memory_space<vmem>>[vector<16xi32>, vector<16xi32>], vector<16xf32>,
        %add3A_693 = arith.constant 15 : i32
        %add3A_694 = vector.broadcast %add3A_693 : i32 to vector<16xi32>
        %add3A_695 = arith.addi %mul3A_318, %add3A_694 : vector<16xi32>
        %shift_right_logical3A_696 = arith.constant 7 : i32
        %shift_right_logical3A_697 = vector.broadcast %shift_right_logical3A_696 : i32 to vector<16xi32>
        %shift_right_logical3A_698 = arith.shrui %add3A_695, %shift_right_logical3A_697 : vector<16xi32>
        %and3A_699 = arith.constant 127 : i32
        %and3A_700 = vector.broadcast %and3A_699 : i32 to vector<16xi32>
        %and3A_701 = arith.andi %add3A_695, %and3A_700 : vector<16xi32>
        %gather3A_702 = tpu.vector_load_idx %arg17[%shift_right_logical3A_698, %and3A_701] : memref<64x128xf32, #tpu.memory_space<vmem>>[vector<16xi32>, vector<16xi32>], vector<16xf32>,
        %add3A_703 = arith.addf %gather3A_691, %gather3A_692 : vector<16xf32>
        %add3A_704 = arith.addf %add3A_703, %gather3A_702 : vector<16xf32>
        %mul3A_705 = arith.constant 2.000000e-01 : f32
        %mul3A_706 = vector.broadcast %mul3A_705 : f32 to vector<16xf32>
        %mul3A_707 = arith.mulf %mul3A_706, %add3A_704 : vector<16xf32>
        %max3A_708 = arith.maximumf %add3A_704, %mul3A_707 : vector<16xf32>
        %slice3A_709 = vector.extract_strided_slice %get3A_69 {offsets = [15], sizes = [1], strides = [1]} : vector<16xf32> to vector<1xf32>
        %squeeze3A_710 = vector.extract %slice3A_709[0] : f32 from vector<1xf32>
        %mul3A_711 = vector.broadcast %squeeze3A_710 : f32 to vector<16xf32>
        %mul3A_712 = arith.mulf %mul3A_711, %max3A_708 : vector<16xf32>
        %add3A_713 = arith.addf %add3A_688, %mul3A_712 : vector<16xf32>
        %exp3A = math.exp %add3A_713 : vector<16xf32>
        %add3A_714 = arith.addi %add3A_164, %mul3A_312 : i32
        %add3A_715 = vector.broadcast %add3A_714 : i32 to vector<16xi32>
        %add3A_716 = arith.addi %add3A_715, %iota3A : vector<16xi32>
        %lt3A = arith.constant 800000 : i32
        %lt3A_717 = vector.broadcast %lt3A : i32 to vector<16xi32>
        %lt3A_718 = arith.cmpi slt, %add3A_716, %lt3A_717 : vector<16xi32>
        %jit3A_719 = arith.constant 0.000000e+00 : f32
        %broadcast_in_dim3A_720 = vector.broadcast %jit3A_719 : f32 to vector<16xf32>
        %select_n3A_721 = arith.select %lt3A_718, %exp3A, %broadcast_in_dim3A_720 : vector<16xi1>, vector<16xf32>
        %swap3A = arith.index_cast %mul3A_312 : i32 to index
        %swap3A_722 = tpu.vector_load %arg25[%swap3A] {strides = array<i32>} : memref<512xf32, #tpu.memory_space<vmem>>, vector<16xf32>,
        tpu.vector_store %arg25[%swap3A], %select_n3A_721 {strides = array<i32>} : memref<512xf32, #tpu.memory_space<vmem>>, vector<16xf32>,
        %broadcast_in_dim3A_723 = arith.constant 0 : i32
        %broadcast_in_dim3A_724 = vector.broadcast %broadcast_in_dim3A_723 : i32 to vector<16xi32>
        %mul3A_725 = arith.mulf %gather3A, %select_n3A_721 : vector<16xf32>
        tpu.vector_store_idx %arg23[%add3A_314, %broadcast_in_dim3A_724], %mul3A_725 : memref<512x16xf32, #tpu.memory_space<vmem>>[vector<16xi32>, vector<16xi32>], vector<16xf32>,
        %broadcast_in_dim3A_726 = arith.constant 1 : i32
        %broadcast_in_dim3A_727 = vector.broadcast %broadcast_in_dim3A_726 : i32 to vector<16xi32>
        %mul3A_728 = arith.mulf %gather3A_341, %select_n3A_721 : vector<16xf32>
        tpu.vector_store_idx %arg23[%add3A_314, %broadcast_in_dim3A_727], %mul3A_728 : memref<512x16xf32, #tpu.memory_space<vmem>>[vector<16xi32>, vector<16xi32>], vector<16xf32>,
        %broadcast_in_dim3A_729 = arith.constant 2 : i32
        %broadcast_in_dim3A_730 = vector.broadcast %broadcast_in_dim3A_729 : i32 to vector<16xi32>
        %mul3A_731 = arith.mulf %gather3A_366, %select_n3A_721 : vector<16xf32>
        tpu.vector_store_idx %arg23[%add3A_314, %broadcast_in_dim3A_730], %mul3A_731 : memref<512x16xf32, #tpu.memory_space<vmem>>[vector<16xi32>, vector<16xi32>], vector<16xf32>,
        %broadcast_in_dim3A_732 = arith.constant 3 : i32
        %broadcast_in_dim3A_733 = vector.broadcast %broadcast_in_dim3A_732 : i32 to vector<16xi32>
        %mul3A_734 = arith.mulf %gather3A_391, %select_n3A_721 : vector<16xf32>
        tpu.vector_store_idx %arg23[%add3A_314, %broadcast_in_dim3A_733], %mul3A_734 : memref<512x16xf32, #tpu.memory_space<vmem>>[vector<16xi32>, vector<16xi32>], vector<16xf32>,
        %broadcast_in_dim3A_735 = arith.constant 4 : i32
        %broadcast_in_dim3A_736 = vector.broadcast %broadcast_in_dim3A_735 : i32 to vector<16xi32>
        %mul3A_737 = arith.mulf %gather3A_416, %select_n3A_721 : vector<16xf32>
        tpu.vector_store_idx %arg23[%add3A_314, %broadcast_in_dim3A_736], %mul3A_737 : memref<512x16xf32, #tpu.memory_space<vmem>>[vector<16xi32>, vector<16xi32>], vector<16xf32>,
        %broadcast_in_dim3A_738 = arith.constant 5 : i32
        %broadcast_in_dim3A_739 = vector.broadcast %broadcast_in_dim3A_738 : i32 to vector<16xi32>
        %mul3A_740 = arith.mulf %gather3A_441, %select_n3A_721 : vector<16xf32>
        tpu.vector_store_idx %arg23[%add3A_314, %broadcast_in_dim3A_739], %mul3A_740 : memref<512x16xf32, #tpu.memory_space<vmem>>[vector<16xi32>, vector<16xi32>], vector<16xf32>,
        %broadcast_in_dim3A_741 = arith.constant 6 : i32
        %broadcast_in_dim3A_742 = vector.broadcast %broadcast_in_dim3A_741 : i32 to vector<16xi32>
        %mul3A_743 = arith.mulf %gather3A_466, %select_n3A_721 : vector<16xf32>
        tpu.vector_store_idx %arg23[%add3A_314, %broadcast_in_dim3A_742], %mul3A_743 : memref<512x16xf32, #tpu.memory_space<vmem>>[vector<16xi32>, vector<16xi32>], vector<16xf32>,
        %broadcast_in_dim3A_744 = arith.constant 7 : i32
        %broadcast_in_dim3A_745 = vector.broadcast %broadcast_in_dim3A_744 : i32 to vector<16xi32>
        %mul3A_746 = arith.mulf %gather3A_491, %select_n3A_721 : vector<16xf32>
        tpu.vector_store_idx %arg23[%add3A_314, %broadcast_in_dim3A_745], %mul3A_746 : memref<512x16xf32, #tpu.memory_space<vmem>>[vector<16xi32>, vector<16xi32>], vector<16xf32>,
        %broadcast_in_dim3A_747 = arith.constant 8 : i32
        %broadcast_in_dim3A_748 = vector.broadcast %broadcast_in_dim3A_747 : i32 to vector<16xi32>
        %mul3A_749 = arith.mulf %gather3A_516, %select_n3A_721 : vector<16xf32>
        tpu.vector_store_idx %arg23[%add3A_314, %broadcast_in_dim3A_748], %mul3A_749 : memref<512x16xf32, #tpu.memory_space<vmem>>[vector<16xi32>, vector<16xi32>], vector<16xf32>,
        %broadcast_in_dim3A_750 = arith.constant 9 : i32
        %broadcast_in_dim3A_751 = vector.broadcast %broadcast_in_dim3A_750 : i32 to vector<16xi32>
        %mul3A_752 = arith.mulf %gather3A_541, %select_n3A_721 : vector<16xf32>
        tpu.vector_store_idx %arg23[%add3A_314, %broadcast_in_dim3A_751], %mul3A_752 : memref<512x16xf32, #tpu.memory_space<vmem>>[vector<16xi32>, vector<16xi32>], vector<16xf32>,
        %broadcast_in_dim3A_753 = arith.constant 10 : i32
        %broadcast_in_dim3A_754 = vector.broadcast %broadcast_in_dim3A_753 : i32 to vector<16xi32>
        %mul3A_755 = arith.mulf %gather3A_566, %select_n3A_721 : vector<16xf32>
        tpu.vector_store_idx %arg23[%add3A_314, %broadcast_in_dim3A_754], %mul3A_755 : memref<512x16xf32, #tpu.memory_space<vmem>>[vector<16xi32>, vector<16xi32>], vector<16xf32>,
        %broadcast_in_dim3A_756 = arith.constant 11 : i32
        %broadcast_in_dim3A_757 = vector.broadcast %broadcast_in_dim3A_756 : i32 to vector<16xi32>
        %mul3A_758 = arith.mulf %gather3A_591, %select_n3A_721 : vector<16xf32>
        tpu.vector_store_idx %arg23[%add3A_314, %broadcast_in_dim3A_757], %mul3A_758 : memref<512x16xf32, #tpu.memory_space<vmem>>[vector<16xi32>, vector<16xi32>], vector<16xf32>,
        %broadcast_in_dim3A_759 = arith.constant 12 : i32
        %broadcast_in_dim3A_760 = vector.broadcast %broadcast_in_dim3A_759 : i32 to vector<16xi32>
        %mul3A_761 = arith.mulf %gather3A_616, %select_n3A_721 : vector<16xf32>
        tpu.vector_store_idx %arg23[%add3A_314, %broadcast_in_dim3A_760], %mul3A_761 : memref<512x16xf32, #tpu.memory_space<vmem>>[vector<16xi32>, vector<16xi32>], vector<16xf32>,
        %broadcast_in_dim3A_762 = arith.constant 13 : i32
        %broadcast_in_dim3A_763 = vector.broadcast %broadcast_in_dim3A_762 : i32 to vector<16xi32>
        %mul3A_764 = arith.mulf %gather3A_641, %select_n3A_721 : vector<16xf32>
        tpu.vector_store_idx %arg23[%add3A_314, %broadcast_in_dim3A_763], %mul3A_764 : memref<512x16xf32, #tpu.memory_space<vmem>>[vector<16xi32>, vector<16xi32>], vector<16xf32>,
        %broadcast_in_dim3A_765 = arith.constant 14 : i32
        %broadcast_in_dim3A_766 = vector.broadcast %broadcast_in_dim3A_765 : i32 to vector<16xi32>
        %mul3A_767 = arith.mulf %gather3A_666, %select_n3A_721 : vector<16xf32>
        tpu.vector_store_idx %arg23[%add3A_314, %broadcast_in_dim3A_766], %mul3A_767 : memref<512x16xf32, #tpu.memory_space<vmem>>[vector<16xi32>, vector<16xi32>], vector<16xf32>,
        %broadcast_in_dim3A_768 = arith.constant 15 : i32
        %broadcast_in_dim3A_769 = vector.broadcast %broadcast_in_dim3A_768 : i32 to vector<16xi32>
        %mul3A_770 = arith.mulf %gather3A_691, %select_n3A_721 : vector<16xf32>
        tpu.vector_store_idx %arg23[%add3A_314, %broadcast_in_dim3A_769], %mul3A_770 : memref<512x16xf32, #tpu.memory_space<vmem>>[vector<16xi32>, vector<16xi32>], vector<16xf32>,
      }
      %scan3A_235 = arith.constant 32 : i32
      %dma_start3A_236 = arith.constant 0 : i32
      %dma_start3A_237 = arith.constant 0 : i32
      %dma_start3A_238 = tpu.memref_slice %arg28[%dma_start3A_236, %dma_start3A_237] : memref<50048x16xf32, #tpu.memory_space<vmem_shared>> -> memref<50048x16xf32, #tpu.memory_space<vmem_shared>>
      tpu.enqueue_indirect_dma source(%arg23 : memref<512x16xf32, #tpu.memory_space<vmem>>) target(%dma_start3A_238 : memref<50048x16xf32, #tpu.memory_space<vmem_shared>>) offsets(%arg15 : memref<512xi32, #tpu.memory_space<vmem>>) semaphore(%arg32 : memref<!tpu.dma_semaphore, #tpu.memory_space<semaphore_mem>>) {add = true}
      %dma_start3A_239 = arith.constant 0 : i32
      %dma_start3A_240 = tpu.memref_slice %arg29[%dma_start3A_239] : memref<51200xf32, #tpu.memory_space<vmem_shared>> -> memref<51200xf32, #tpu.memory_space<vmem_shared>>
      tpu.enqueue_indirect_dma source(%arg25 : memref<512xf32, #tpu.memory_space<vmem>>) target(%dma_start3A_240 : memref<51200xf32, #tpu.memory_space<vmem_shared>>) offsets(%arg15 : memref<512xi32, #tpu.memory_space<vmem>>) semaphore(%arg32 : memref<!tpu.dma_semaphore, #tpu.memory_space<semaphore_mem>>) {add = true}
      %dma_wait3A_241 = tpu.memref_slice %arg8[%add3A_166] : memref<819200xi32, #tpu.memory_space<hbm>> -> memref<512xi32, #tpu.memory_space<hbm>>
      %dma_wait3A_242 = tpu.memref_slice %arg8[%add3A_166] : memref<819200xi32, #tpu.memory_space<hbm>> -> memref<512xi32, #tpu.memory_space<hbm>>
      tpu.wait_dma2 semaphore(%arg30 : memref<!tpu.dma_semaphore, #tpu.memory_space<semaphore_mem>>) src(%dma_wait3A_242 : memref<512xi32, #tpu.memory_space<hbm>>) dst(%arg14 : memref<512xi32, #tpu.memory_space<vmem>>)
      %dma_wait3A_243 = tpu.memref_slice %arg9[%add3A_166] : memref<819200xi32, #tpu.memory_space<hbm>> -> memref<512xi32, #tpu.memory_space<hbm>>
      %dma_wait3A_244 = tpu.memref_slice %arg9[%add3A_166] : memref<819200xi32, #tpu.memory_space<hbm>> -> memref<512xi32, #tpu.memory_space<hbm>>
      tpu.wait_dma2 semaphore(%arg30 : memref<!tpu.dma_semaphore, #tpu.memory_space<semaphore_mem>>) src(%dma_wait3A_244 : memref<512xi32, #tpu.memory_space<hbm>>) dst(%arg16 : memref<512xi32, #tpu.memory_space<vmem>>)
      %jit3A_245 = arith.constant 8 : i32
      %div3A_246 = arith.divsi %add3A_166, %jit3A_245 : i32
      %sign3A_247 = arith.constant 0 : i32
      %sign3A_248 = arith.cmpi sgt, %add3A_166, %sign3A_247 : i32
      %sign3A_249 = arith.extui %sign3A_248 : i1 to i32
      %sign3A_250 = arith.constant 0 : i32
      %sign3A_251 = arith.cmpi slt, %add3A_166, %sign3A_250 : i32
      %sign3A_252 = arith.extui %sign3A_251 : i1 to i32
      %sign3A_253 = arith.subi %sign3A_249, %sign3A_252 : i32
      %sign3A_254 = arith.constant 0 : i32
      %sign3A_255 = arith.cmpi sgt, %jit3A_245, %sign3A_254 : i32
      %sign3A_256 = arith.extui %sign3A_255 : i1 to i32
      %sign3A_257 = arith.constant 0 : i32
      %sign3A_258 = arith.cmpi slt, %jit3A_245, %sign3A_257 : i32
      %sign3A_259 = arith.extui %sign3A_258 : i1 to i32
      %sign3A_260 = arith.subi %sign3A_256, %sign3A_259 : i32
      %ne3A_261 = arith.cmpi ne, %sign3A_253, %sign3A_260 : i32
      %rem3A_262 = arith.remsi %add3A_166, %jit3A_245 : i32
      %ne3A_263 = arith.constant 0 : i32
      %ne3A_264 = arith.cmpi ne, %rem3A_262, %ne3A_263 : i32
      %and3A_265 = arith.andi %ne3A_261, %ne3A_264 : i1
      %sub3A_266 = arith.constant 1 : i32
      %sub3A_267 = arith.subi %div3A_246, %sub3A_266 : i32
      %select_n3A_268 = arith.select %and3A_265, %sub3A_267, %div3A_246 : i32
      %dma_wait3A_269 = arith.constant 0 : i32
      %dma_wait3A_270 = tpu.memref_slice %arg6[%select_n3A_268, %dma_wait3A_269] : memref<102400x128xf32, #tpu.memory_space<hbm>> -> memref<64x128xf32, #tpu.memory_space<hbm>>
      %dma_wait3A_271 = arith.constant 0 : i32
      %dma_wait3A_272 = tpu.memref_slice %arg6[%select_n3A_268, %dma_wait3A_271] : memref<102400x128xf32, #tpu.memory_space<hbm>> -> memref<64x128xf32, #tpu.memory_space<hbm>>
      tpu.wait_dma2 semaphore(%arg30 : memref<!tpu.dma_semaphore, #tpu.memory_space<semaphore_mem>>) src(%dma_wait3A_272 : memref<64x128xf32, #tpu.memory_space<hbm>>) dst(%arg18 : memref<64x128xf32, #tpu.memory_space<vmem>>)
      %eq3A_273 = arith.constant 0 : i32
      %eq3A_274 = arith.cmpi eq, %arg0, %eq3A_273 : i32
      %convert_element_type3A_275 = arith.extui %eq3A_274 : i1 to i32
      %cond3A_276 = arith.constant 0 : i32
      %cond3A_277 = arith.cmpi ne, %convert_element_type3A_275, %cond3A_276 : i32
      scf.if %cond3A_277 {
        %dma_start3A_310 = arith.constant 0 : i32
        %dma_start3A_311 = arith.constant 0 : i32
        %dma_start3A_312 = tpu.memref_slice %arg2[%dma_start3A_310, %dma_start3A_311] : memref<50000x16xf32, #tpu.memory_space<hbm>> -> memref<50000x16xf32, #tpu.memory_space<hbm>>
        tpu.enqueue_indirect_dma source(%dma_start3A_312 : memref<50000x16xf32, #tpu.memory_space<hbm>>) target(%arg20 : memref<512x16xf32, #tpu.memory_space<vmem>>) offsets(%arg14 : memref<512xi32, #tpu.memory_space<vmem>>) semaphore(%arg31 : memref<!tpu.dma_semaphore, #tpu.memory_space<semaphore_mem>>)
        %dma_start3A_313 = arith.constant 0 : i32
        %dma_start3A_314 = arith.constant 0 : i32
        %dma_start3A_315 = tpu.memref_slice %arg4[%dma_start3A_313, %dma_start3A_314] : memref<50000x16xf32, #tpu.memory_space<hbm>> -> memref<50000x16xf32, #tpu.memory_space<hbm>>
        tpu.enqueue_indirect_dma source(%dma_start3A_315 : memref<50000x16xf32, #tpu.memory_space<hbm>>) target(%arg22 : memref<512x16xf32, #tpu.memory_space<vmem>>) offsets(%arg16 : memref<512xi32, #tpu.memory_space<vmem>>) semaphore(%arg31 : memref<!tpu.dma_semaphore, #tpu.memory_space<semaphore_mem>>)
      } else {
      }
      %eq3A_278 = arith.constant 1 : i32
      %eq3A_279 = arith.cmpi eq, %arg0, %eq3A_278 : i32
      %convert_element_type3A_280 = arith.extui %eq3A_279 : i1 to i32
      %cond3A_281 = arith.constant 0 : i32
      %cond3A_282 = arith.cmpi ne, %convert_element_type3A_280, %cond3A_281 : i32
      scf.if %cond3A_282 {
        %dma_start3A_310 = arith.constant 0 : i32
        %dma_start3A_311 = arith.constant 0 : i32
        %dma_start3A_312 = tpu.memref_slice %arg3[%dma_start3A_310, %dma_start3A_311] : memref<50000x16xf32, #tpu.memory_space<hbm>> -> memref<50000x16xf32, #tpu.memory_space<hbm>>
        tpu.enqueue_indirect_dma source(%dma_start3A_312 : memref<50000x16xf32, #tpu.memory_space<hbm>>) target(%arg20 : memref<512x16xf32, #tpu.memory_space<vmem>>) offsets(%arg14 : memref<512xi32, #tpu.memory_space<vmem>>) semaphore(%arg31 : memref<!tpu.dma_semaphore, #tpu.memory_space<semaphore_mem>>)
        %dma_start3A_313 = arith.constant 0 : i32
        %dma_start3A_314 = arith.constant 0 : i32
        %dma_start3A_315 = tpu.memref_slice %arg5[%dma_start3A_313, %dma_start3A_314] : memref<50000x16xf32, #tpu.memory_space<hbm>> -> memref<50000x16xf32, #tpu.memory_space<hbm>>
        tpu.enqueue_indirect_dma source(%dma_start3A_315 : memref<50000x16xf32, #tpu.memory_space<hbm>>) target(%arg22 : memref<512x16xf32, #tpu.memory_space<vmem>>) offsets(%arg16 : memref<512xi32, #tpu.memory_space<vmem>>) semaphore(%arg31 : memref<!tpu.dma_semaphore, #tpu.memory_space<semaphore_mem>>)
      } else {
      }
      %dma_wait3A_283 = arith.constant 0 : i32
      %dma_wait3A_284 = arith.constant 0 : i32
      %dma_wait3A_285 = tpu.memref_slice %arg2[%dma_wait3A_283, %dma_wait3A_284] : memref<50000x16xf32, #tpu.memory_space<hbm>> -> memref<50000x16xf32, #tpu.memory_space<hbm>>
      tpu.wait_indirect_dma semaphore(%arg31 : memref<!tpu.dma_semaphore, #tpu.memory_space<semaphore_mem>>) src(%dma_wait3A_285 : memref<50000x16xf32, #tpu.memory_space<hbm>>) dst(%arg20 : memref<512x16xf32, #tpu.memory_space<vmem>>)
      %dma_wait3A_286 = arith.constant 0 : i32
      %dma_wait3A_287 = arith.constant 0 : i32
      %dma_wait3A_288 = tpu.memref_slice %arg4[%dma_wait3A_286, %dma_wait3A_287] : memref<50000x16xf32, #tpu.memory_space<hbm>> -> memref<50000x16xf32, #tpu.memory_space<hbm>>
      tpu.wait_indirect_dma semaphore(%arg31 : memref<!tpu.dma_semaphore, #tpu.memory_space<semaphore_mem>>) src(%dma_wait3A_288 : memref<50000x16xf32, #tpu.memory_space<hbm>>) dst(%arg22 : memref<512x16xf32, #tpu.memory_space<vmem>>)
      %scan3A_289 = arith.constant 0 : i32
      %scan3A_290 = arith.constant 0 : i32
      %scan3A_291 = arith.constant 32 : i32
      %scan3A_292 = arith.addi %scan3A_290, %scan3A_291 : i32
      %scan3A_293 = arith.constant 1 : i32
      scf.for %scan3A_310 = %scan3A_290 to %scan3A_292 step %scan3A_293  : i32 {
        %mul3A_311 = arith.constant 16 : i32
        %mul3A_312 = arith.muli %scan3A_310, %mul3A_311 : i32
        %add3A_313 = vector.broadcast %mul3A_312 : i32 to vector<16xi32>
        %add3A_314 = arith.addi %iota3A, %add3A_313 : vector<16xi32>
        %broadcast_in_dim3A = arith.constant 0.000000e+00 : f32
        %broadcast_in_dim3A_315 = vector.broadcast %broadcast_in_dim3A : f32 to vector<16xf32>
        %mul3A_316 = arith.constant 16 : i32
        %mul3A_317 = vector.broadcast %mul3A_316 : i32 to vector<16xi32>
        %mul3A_318 = arith.muli %add3A_314, %mul3A_317 : vector<16xi32>
        %broadcast_in_dim3A_319 = arith.constant 0 : i32
        %broadcast_in_dim3A_320 = vector.broadcast %broadcast_in_dim3A_319 : i32 to vector<16xi32>
        %gather3A = tpu.vector_load_idx %arg20[%add3A_314, %broadcast_in_dim3A_320] : memref<512x16xf32, #tpu.memory_space<vmem>>[vector<16xi32>, vector<16xi32>], vector<16xf32>,
        %gather3A_321 = tpu.vector_load_idx %arg22[%add3A_314, %broadcast_in_dim3A_320] : memref<512x16xf32, #tpu.memory_space<vmem>>[vector<16xi32>, vector<16xi32>], vector<16xf32>,
        %add3A_322 = arith.constant 0 : i32
        %add3A_323 = vector.broadcast %add3A_322 : i32 to vector<16xi32>
        %add3A_324 = arith.addi %mul3A_318, %add3A_323 : vector<16xi32>
        %shift_right_logical3A = arith.constant 7 : i32
        %shift_right_logical3A_325 = vector.broadcast %shift_right_logical3A : i32 to vector<16xi32>
        %shift_right_logical3A_326 = arith.shrui %add3A_324, %shift_right_logical3A_325 : vector<16xi32>
        %and3A_327 = arith.constant 127 : i32
        %and3A_328 = vector.broadcast %and3A_327 : i32 to vector<16xi32>
        %and3A_329 = arith.andi %add3A_324, %and3A_328 : vector<16xi32>
        %gather3A_330 = tpu.vector_load_idx %arg18[%shift_right_logical3A_326, %and3A_329] : memref<64x128xf32, #tpu.memory_space<vmem>>[vector<16xi32>, vector<16xi32>], vector<16xf32>,
        %add3A_331 = arith.addf %gather3A, %gather3A_321 : vector<16xf32>
        %add3A_332 = arith.addf %add3A_331, %gather3A_330 : vector<16xf32>
        %mul3A_333 = arith.constant 2.000000e-01 : f32
        %mul3A_334 = vector.broadcast %mul3A_333 : f32 to vector<16xf32>
        %mul3A_335 = arith.mulf %mul3A_334, %add3A_332 : vector<16xf32>
        %max3A = arith.maximumf %add3A_332, %mul3A_335 : vector<16xf32>
        %slice3A = vector.extract_strided_slice %get3A_69 {offsets = [0], sizes = [1], strides = [1]} : vector<16xf32> to vector<1xf32>
        %squeeze3A = vector.extract %slice3A[0] : f32 from vector<1xf32>
        %mul3A_336 = vector.broadcast %squeeze3A : f32 to vector<16xf32>
        %mul3A_337 = arith.mulf %mul3A_336, %max3A : vector<16xf32>
        %add3A_338 = arith.addf %broadcast_in_dim3A_315, %mul3A_337 : vector<16xf32>
        %broadcast_in_dim3A_339 = arith.constant 1 : i32
        %broadcast_in_dim3A_340 = vector.broadcast %broadcast_in_dim3A_339 : i32 to vector<16xi32>
        %gather3A_341 = tpu.vector_load_idx %arg20[%add3A_314, %broadcast_in_dim3A_340] : memref<512x16xf32, #tpu.memory_space<vmem>>[vector<16xi32>, vector<16xi32>], vector<16xf32>,
        %gather3A_342 = tpu.vector_load_idx %arg22[%add3A_314, %broadcast_in_dim3A_340] : memref<512x16xf32, #tpu.memory_space<vmem>>[vector<16xi32>, vector<16xi32>], vector<16xf32>,
        %add3A_343 = arith.constant 1 : i32
        %add3A_344 = vector.broadcast %add3A_343 : i32 to vector<16xi32>
        %add3A_345 = arith.addi %mul3A_318, %add3A_344 : vector<16xi32>
        %shift_right_logical3A_346 = arith.constant 7 : i32
        %shift_right_logical3A_347 = vector.broadcast %shift_right_logical3A_346 : i32 to vector<16xi32>
        %shift_right_logical3A_348 = arith.shrui %add3A_345, %shift_right_logical3A_347 : vector<16xi32>
        %and3A_349 = arith.constant 127 : i32
        %and3A_350 = vector.broadcast %and3A_349 : i32 to vector<16xi32>
        %and3A_351 = arith.andi %add3A_345, %and3A_350 : vector<16xi32>
        %gather3A_352 = tpu.vector_load_idx %arg18[%shift_right_logical3A_348, %and3A_351] : memref<64x128xf32, #tpu.memory_space<vmem>>[vector<16xi32>, vector<16xi32>], vector<16xf32>,
        %add3A_353 = arith.addf %gather3A_341, %gather3A_342 : vector<16xf32>
        %add3A_354 = arith.addf %add3A_353, %gather3A_352 : vector<16xf32>
        %mul3A_355 = arith.constant 2.000000e-01 : f32
        %mul3A_356 = vector.broadcast %mul3A_355 : f32 to vector<16xf32>
        %mul3A_357 = arith.mulf %mul3A_356, %add3A_354 : vector<16xf32>
        %max3A_358 = arith.maximumf %add3A_354, %mul3A_357 : vector<16xf32>
        %slice3A_359 = vector.extract_strided_slice %get3A_69 {offsets = [1], sizes = [1], strides = [1]} : vector<16xf32> to vector<1xf32>
        %squeeze3A_360 = vector.extract %slice3A_359[0] : f32 from vector<1xf32>
        %mul3A_361 = vector.broadcast %squeeze3A_360 : f32 to vector<16xf32>
        %mul3A_362 = arith.mulf %mul3A_361, %max3A_358 : vector<16xf32>
        %add3A_363 = arith.addf %add3A_338, %mul3A_362 : vector<16xf32>
        %broadcast_in_dim3A_364 = arith.constant 2 : i32
        %broadcast_in_dim3A_365 = vector.broadcast %broadcast_in_dim3A_364 : i32 to vector<16xi32>
        %gather3A_366 = tpu.vector_load_idx %arg20[%add3A_314, %broadcast_in_dim3A_365] : memref<512x16xf32, #tpu.memory_space<vmem>>[vector<16xi32>, vector<16xi32>], vector<16xf32>,
        %gather3A_367 = tpu.vector_load_idx %arg22[%add3A_314, %broadcast_in_dim3A_365] : memref<512x16xf32, #tpu.memory_space<vmem>>[vector<16xi32>, vector<16xi32>], vector<16xf32>,
        %add3A_368 = arith.constant 2 : i32
        %add3A_369 = vector.broadcast %add3A_368 : i32 to vector<16xi32>
        %add3A_370 = arith.addi %mul3A_318, %add3A_369 : vector<16xi32>
        %shift_right_logical3A_371 = arith.constant 7 : i32
        %shift_right_logical3A_372 = vector.broadcast %shift_right_logical3A_371 : i32 to vector<16xi32>
        %shift_right_logical3A_373 = arith.shrui %add3A_370, %shift_right_logical3A_372 : vector<16xi32>
        %and3A_374 = arith.constant 127 : i32
        %and3A_375 = vector.broadcast %and3A_374 : i32 to vector<16xi32>
        %and3A_376 = arith.andi %add3A_370, %and3A_375 : vector<16xi32>
        %gather3A_377 = tpu.vector_load_idx %arg18[%shift_right_logical3A_373, %and3A_376] : memref<64x128xf32, #tpu.memory_space<vmem>>[vector<16xi32>, vector<16xi32>], vector<16xf32>,
        %add3A_378 = arith.addf %gather3A_366, %gather3A_367 : vector<16xf32>
        %add3A_379 = arith.addf %add3A_378, %gather3A_377 : vector<16xf32>
        %mul3A_380 = arith.constant 2.000000e-01 : f32
        %mul3A_381 = vector.broadcast %mul3A_380 : f32 to vector<16xf32>
        %mul3A_382 = arith.mulf %mul3A_381, %add3A_379 : vector<16xf32>
        %max3A_383 = arith.maximumf %add3A_379, %mul3A_382 : vector<16xf32>
        %slice3A_384 = vector.extract_strided_slice %get3A_69 {offsets = [2], sizes = [1], strides = [1]} : vector<16xf32> to vector<1xf32>
        %squeeze3A_385 = vector.extract %slice3A_384[0] : f32 from vector<1xf32>
        %mul3A_386 = vector.broadcast %squeeze3A_385 : f32 to vector<16xf32>
        %mul3A_387 = arith.mulf %mul3A_386, %max3A_383 : vector<16xf32>
        %add3A_388 = arith.addf %add3A_363, %mul3A_387 : vector<16xf32>
        %broadcast_in_dim3A_389 = arith.constant 3 : i32
        %broadcast_in_dim3A_390 = vector.broadcast %broadcast_in_dim3A_389 : i32 to vector<16xi32>
        %gather3A_391 = tpu.vector_load_idx %arg20[%add3A_314, %broadcast_in_dim3A_390] : memref<512x16xf32, #tpu.memory_space<vmem>>[vector<16xi32>, vector<16xi32>], vector<16xf32>,
        %gather3A_392 = tpu.vector_load_idx %arg22[%add3A_314, %broadcast_in_dim3A_390] : memref<512x16xf32, #tpu.memory_space<vmem>>[vector<16xi32>, vector<16xi32>], vector<16xf32>,
        %add3A_393 = arith.constant 3 : i32
        %add3A_394 = vector.broadcast %add3A_393 : i32 to vector<16xi32>
        %add3A_395 = arith.addi %mul3A_318, %add3A_394 : vector<16xi32>
        %shift_right_logical3A_396 = arith.constant 7 : i32
        %shift_right_logical3A_397 = vector.broadcast %shift_right_logical3A_396 : i32 to vector<16xi32>
        %shift_right_logical3A_398 = arith.shrui %add3A_395, %shift_right_logical3A_397 : vector<16xi32>
        %and3A_399 = arith.constant 127 : i32
        %and3A_400 = vector.broadcast %and3A_399 : i32 to vector<16xi32>
        %and3A_401 = arith.andi %add3A_395, %and3A_400 : vector<16xi32>
        %gather3A_402 = tpu.vector_load_idx %arg18[%shift_right_logical3A_398, %and3A_401] : memref<64x128xf32, #tpu.memory_space<vmem>>[vector<16xi32>, vector<16xi32>], vector<16xf32>,
        %add3A_403 = arith.addf %gather3A_391, %gather3A_392 : vector<16xf32>
        %add3A_404 = arith.addf %add3A_403, %gather3A_402 : vector<16xf32>
        %mul3A_405 = arith.constant 2.000000e-01 : f32
        %mul3A_406 = vector.broadcast %mul3A_405 : f32 to vector<16xf32>
        %mul3A_407 = arith.mulf %mul3A_406, %add3A_404 : vector<16xf32>
        %max3A_408 = arith.maximumf %add3A_404, %mul3A_407 : vector<16xf32>
        %slice3A_409 = vector.extract_strided_slice %get3A_69 {offsets = [3], sizes = [1], strides = [1]} : vector<16xf32> to vector<1xf32>
        %squeeze3A_410 = vector.extract %slice3A_409[0] : f32 from vector<1xf32>
        %mul3A_411 = vector.broadcast %squeeze3A_410 : f32 to vector<16xf32>
        %mul3A_412 = arith.mulf %mul3A_411, %max3A_408 : vector<16xf32>
        %add3A_413 = arith.addf %add3A_388, %mul3A_412 : vector<16xf32>
        %broadcast_in_dim3A_414 = arith.constant 4 : i32
        %broadcast_in_dim3A_415 = vector.broadcast %broadcast_in_dim3A_414 : i32 to vector<16xi32>
        %gather3A_416 = tpu.vector_load_idx %arg20[%add3A_314, %broadcast_in_dim3A_415] : memref<512x16xf32, #tpu.memory_space<vmem>>[vector<16xi32>, vector<16xi32>], vector<16xf32>,
        %gather3A_417 = tpu.vector_load_idx %arg22[%add3A_314, %broadcast_in_dim3A_415] : memref<512x16xf32, #tpu.memory_space<vmem>>[vector<16xi32>, vector<16xi32>], vector<16xf32>,
        %add3A_418 = arith.constant 4 : i32
        %add3A_419 = vector.broadcast %add3A_418 : i32 to vector<16xi32>
        %add3A_420 = arith.addi %mul3A_318, %add3A_419 : vector<16xi32>
        %shift_right_logical3A_421 = arith.constant 7 : i32
        %shift_right_logical3A_422 = vector.broadcast %shift_right_logical3A_421 : i32 to vector<16xi32>
        %shift_right_logical3A_423 = arith.shrui %add3A_420, %shift_right_logical3A_422 : vector<16xi32>
        %and3A_424 = arith.constant 127 : i32
        %and3A_425 = vector.broadcast %and3A_424 : i32 to vector<16xi32>
        %and3A_426 = arith.andi %add3A_420, %and3A_425 : vector<16xi32>
        %gather3A_427 = tpu.vector_load_idx %arg18[%shift_right_logical3A_423, %and3A_426] : memref<64x128xf32, #tpu.memory_space<vmem>>[vector<16xi32>, vector<16xi32>], vector<16xf32>,
        %add3A_428 = arith.addf %gather3A_416, %gather3A_417 : vector<16xf32>
        %add3A_429 = arith.addf %add3A_428, %gather3A_427 : vector<16xf32>
        %mul3A_430 = arith.constant 2.000000e-01 : f32
        %mul3A_431 = vector.broadcast %mul3A_430 : f32 to vector<16xf32>
        %mul3A_432 = arith.mulf %mul3A_431, %add3A_429 : vector<16xf32>
        %max3A_433 = arith.maximumf %add3A_429, %mul3A_432 : vector<16xf32>
        %slice3A_434 = vector.extract_strided_slice %get3A_69 {offsets = [4], sizes = [1], strides = [1]} : vector<16xf32> to vector<1xf32>
        %squeeze3A_435 = vector.extract %slice3A_434[0] : f32 from vector<1xf32>
        %mul3A_436 = vector.broadcast %squeeze3A_435 : f32 to vector<16xf32>
        %mul3A_437 = arith.mulf %mul3A_436, %max3A_433 : vector<16xf32>
        %add3A_438 = arith.addf %add3A_413, %mul3A_437 : vector<16xf32>
        %broadcast_in_dim3A_439 = arith.constant 5 : i32
        %broadcast_in_dim3A_440 = vector.broadcast %broadcast_in_dim3A_439 : i32 to vector<16xi32>
        %gather3A_441 = tpu.vector_load_idx %arg20[%add3A_314, %broadcast_in_dim3A_440] : memref<512x16xf32, #tpu.memory_space<vmem>>[vector<16xi32>, vector<16xi32>], vector<16xf32>,
        %gather3A_442 = tpu.vector_load_idx %arg22[%add3A_314, %broadcast_in_dim3A_440] : memref<512x16xf32, #tpu.memory_space<vmem>>[vector<16xi32>, vector<16xi32>], vector<16xf32>,
        %add3A_443 = arith.constant 5 : i32
        %add3A_444 = vector.broadcast %add3A_443 : i32 to vector<16xi32>
        %add3A_445 = arith.addi %mul3A_318, %add3A_444 : vector<16xi32>
        %shift_right_logical3A_446 = arith.constant 7 : i32
        %shift_right_logical3A_447 = vector.broadcast %shift_right_logical3A_446 : i32 to vector<16xi32>
        %shift_right_logical3A_448 = arith.shrui %add3A_445, %shift_right_logical3A_447 : vector<16xi32>
        %and3A_449 = arith.constant 127 : i32
        %and3A_450 = vector.broadcast %and3A_449 : i32 to vector<16xi32>
        %and3A_451 = arith.andi %add3A_445, %and3A_450 : vector<16xi32>
        %gather3A_452 = tpu.vector_load_idx %arg18[%shift_right_logical3A_448, %and3A_451] : memref<64x128xf32, #tpu.memory_space<vmem>>[vector<16xi32>, vector<16xi32>], vector<16xf32>,
        %add3A_453 = arith.addf %gather3A_441, %gather3A_442 : vector<16xf32>
        %add3A_454 = arith.addf %add3A_453, %gather3A_452 : vector<16xf32>
        %mul3A_455 = arith.constant 2.000000e-01 : f32
        %mul3A_456 = vector.broadcast %mul3A_455 : f32 to vector<16xf32>
        %mul3A_457 = arith.mulf %mul3A_456, %add3A_454 : vector<16xf32>
        %max3A_458 = arith.maximumf %add3A_454, %mul3A_457 : vector<16xf32>
        %slice3A_459 = vector.extract_strided_slice %get3A_69 {offsets = [5], sizes = [1], strides = [1]} : vector<16xf32> to vector<1xf32>
        %squeeze3A_460 = vector.extract %slice3A_459[0] : f32 from vector<1xf32>
        %mul3A_461 = vector.broadcast %squeeze3A_460 : f32 to vector<16xf32>
        %mul3A_462 = arith.mulf %mul3A_461, %max3A_458 : vector<16xf32>
        %add3A_463 = arith.addf %add3A_438, %mul3A_462 : vector<16xf32>
        %broadcast_in_dim3A_464 = arith.constant 6 : i32
        %broadcast_in_dim3A_465 = vector.broadcast %broadcast_in_dim3A_464 : i32 to vector<16xi32>
        %gather3A_466 = tpu.vector_load_idx %arg20[%add3A_314, %broadcast_in_dim3A_465] : memref<512x16xf32, #tpu.memory_space<vmem>>[vector<16xi32>, vector<16xi32>], vector<16xf32>,
        %gather3A_467 = tpu.vector_load_idx %arg22[%add3A_314, %broadcast_in_dim3A_465] : memref<512x16xf32, #tpu.memory_space<vmem>>[vector<16xi32>, vector<16xi32>], vector<16xf32>,
        %add3A_468 = arith.constant 6 : i32
        %add3A_469 = vector.broadcast %add3A_468 : i32 to vector<16xi32>
        %add3A_470 = arith.addi %mul3A_318, %add3A_469 : vector<16xi32>
        %shift_right_logical3A_471 = arith.constant 7 : i32
        %shift_right_logical3A_472 = vector.broadcast %shift_right_logical3A_471 : i32 to vector<16xi32>
        %shift_right_logical3A_473 = arith.shrui %add3A_470, %shift_right_logical3A_472 : vector<16xi32>
        %and3A_474 = arith.constant 127 : i32
        %and3A_475 = vector.broadcast %and3A_474 : i32 to vector<16xi32>
        %and3A_476 = arith.andi %add3A_470, %and3A_475 : vector<16xi32>
        %gather3A_477 = tpu.vector_load_idx %arg18[%shift_right_logical3A_473, %and3A_476] : memref<64x128xf32, #tpu.memory_space<vmem>>[vector<16xi32>, vector<16xi32>], vector<16xf32>,
        %add3A_478 = arith.addf %gather3A_466, %gather3A_467 : vector<16xf32>
        %add3A_479 = arith.addf %add3A_478, %gather3A_477 : vector<16xf32>
        %mul3A_480 = arith.constant 2.000000e-01 : f32
        %mul3A_481 = vector.broadcast %mul3A_480 : f32 to vector<16xf32>
        %mul3A_482 = arith.mulf %mul3A_481, %add3A_479 : vector<16xf32>
        %max3A_483 = arith.maximumf %add3A_479, %mul3A_482 : vector<16xf32>
        %slice3A_484 = vector.extract_strided_slice %get3A_69 {offsets = [6], sizes = [1], strides = [1]} : vector<16xf32> to vector<1xf32>
        %squeeze3A_485 = vector.extract %slice3A_484[0] : f32 from vector<1xf32>
        %mul3A_486 = vector.broadcast %squeeze3A_485 : f32 to vector<16xf32>
        %mul3A_487 = arith.mulf %mul3A_486, %max3A_483 : vector<16xf32>
        %add3A_488 = arith.addf %add3A_463, %mul3A_487 : vector<16xf32>
        %broadcast_in_dim3A_489 = arith.constant 7 : i32
        %broadcast_in_dim3A_490 = vector.broadcast %broadcast_in_dim3A_489 : i32 to vector<16xi32>
        %gather3A_491 = tpu.vector_load_idx %arg20[%add3A_314, %broadcast_in_dim3A_490] : memref<512x16xf32, #tpu.memory_space<vmem>>[vector<16xi32>, vector<16xi32>], vector<16xf32>,
        %gather3A_492 = tpu.vector_load_idx %arg22[%add3A_314, %broadcast_in_dim3A_490] : memref<512x16xf32, #tpu.memory_space<vmem>>[vector<16xi32>, vector<16xi32>], vector<16xf32>,
        %add3A_493 = arith.constant 7 : i32
        %add3A_494 = vector.broadcast %add3A_493 : i32 to vector<16xi32>
        %add3A_495 = arith.addi %mul3A_318, %add3A_494 : vector<16xi32>
        %shift_right_logical3A_496 = arith.constant 7 : i32
        %shift_right_logical3A_497 = vector.broadcast %shift_right_logical3A_496 : i32 to vector<16xi32>
        %shift_right_logical3A_498 = arith.shrui %add3A_495, %shift_right_logical3A_497 : vector<16xi32>
        %and3A_499 = arith.constant 127 : i32
        %and3A_500 = vector.broadcast %and3A_499 : i32 to vector<16xi32>
        %and3A_501 = arith.andi %add3A_495, %and3A_500 : vector<16xi32>
        %gather3A_502 = tpu.vector_load_idx %arg18[%shift_right_logical3A_498, %and3A_501] : memref<64x128xf32, #tpu.memory_space<vmem>>[vector<16xi32>, vector<16xi32>], vector<16xf32>,
        %add3A_503 = arith.addf %gather3A_491, %gather3A_492 : vector<16xf32>
        %add3A_504 = arith.addf %add3A_503, %gather3A_502 : vector<16xf32>
        %mul3A_505 = arith.constant 2.000000e-01 : f32
        %mul3A_506 = vector.broadcast %mul3A_505 : f32 to vector<16xf32>
        %mul3A_507 = arith.mulf %mul3A_506, %add3A_504 : vector<16xf32>
        %max3A_508 = arith.maximumf %add3A_504, %mul3A_507 : vector<16xf32>
        %slice3A_509 = vector.extract_strided_slice %get3A_69 {offsets = [7], sizes = [1], strides = [1]} : vector<16xf32> to vector<1xf32>
        %squeeze3A_510 = vector.extract %slice3A_509[0] : f32 from vector<1xf32>
        %mul3A_511 = vector.broadcast %squeeze3A_510 : f32 to vector<16xf32>
        %mul3A_512 = arith.mulf %mul3A_511, %max3A_508 : vector<16xf32>
        %add3A_513 = arith.addf %add3A_488, %mul3A_512 : vector<16xf32>
        %broadcast_in_dim3A_514 = arith.constant 8 : i32
        %broadcast_in_dim3A_515 = vector.broadcast %broadcast_in_dim3A_514 : i32 to vector<16xi32>
        %gather3A_516 = tpu.vector_load_idx %arg20[%add3A_314, %broadcast_in_dim3A_515] : memref<512x16xf32, #tpu.memory_space<vmem>>[vector<16xi32>, vector<16xi32>], vector<16xf32>,
        %gather3A_517 = tpu.vector_load_idx %arg22[%add3A_314, %broadcast_in_dim3A_515] : memref<512x16xf32, #tpu.memory_space<vmem>>[vector<16xi32>, vector<16xi32>], vector<16xf32>,
        %add3A_518 = arith.constant 8 : i32
        %add3A_519 = vector.broadcast %add3A_518 : i32 to vector<16xi32>
        %add3A_520 = arith.addi %mul3A_318, %add3A_519 : vector<16xi32>
        %shift_right_logical3A_521 = arith.constant 7 : i32
        %shift_right_logical3A_522 = vector.broadcast %shift_right_logical3A_521 : i32 to vector<16xi32>
        %shift_right_logical3A_523 = arith.shrui %add3A_520, %shift_right_logical3A_522 : vector<16xi32>
        %and3A_524 = arith.constant 127 : i32
        %and3A_525 = vector.broadcast %and3A_524 : i32 to vector<16xi32>
        %and3A_526 = arith.andi %add3A_520, %and3A_525 : vector<16xi32>
        %gather3A_527 = tpu.vector_load_idx %arg18[%shift_right_logical3A_523, %and3A_526] : memref<64x128xf32, #tpu.memory_space<vmem>>[vector<16xi32>, vector<16xi32>], vector<16xf32>,
        %add3A_528 = arith.addf %gather3A_516, %gather3A_517 : vector<16xf32>
        %add3A_529 = arith.addf %add3A_528, %gather3A_527 : vector<16xf32>
        %mul3A_530 = arith.constant 2.000000e-01 : f32
        %mul3A_531 = vector.broadcast %mul3A_530 : f32 to vector<16xf32>
        %mul3A_532 = arith.mulf %mul3A_531, %add3A_529 : vector<16xf32>
        %max3A_533 = arith.maximumf %add3A_529, %mul3A_532 : vector<16xf32>
        %slice3A_534 = vector.extract_strided_slice %get3A_69 {offsets = [8], sizes = [1], strides = [1]} : vector<16xf32> to vector<1xf32>
        %squeeze3A_535 = vector.extract %slice3A_534[0] : f32 from vector<1xf32>
        %mul3A_536 = vector.broadcast %squeeze3A_535 : f32 to vector<16xf32>
        %mul3A_537 = arith.mulf %mul3A_536, %max3A_533 : vector<16xf32>
        %add3A_538 = arith.addf %add3A_513, %mul3A_537 : vector<16xf32>
        %broadcast_in_dim3A_539 = arith.constant 9 : i32
        %broadcast_in_dim3A_540 = vector.broadcast %broadcast_in_dim3A_539 : i32 to vector<16xi32>
        %gather3A_541 = tpu.vector_load_idx %arg20[%add3A_314, %broadcast_in_dim3A_540] : memref<512x16xf32, #tpu.memory_space<vmem>>[vector<16xi32>, vector<16xi32>], vector<16xf32>,
        %gather3A_542 = tpu.vector_load_idx %arg22[%add3A_314, %broadcast_in_dim3A_540] : memref<512x16xf32, #tpu.memory_space<vmem>>[vector<16xi32>, vector<16xi32>], vector<16xf32>,
        %add3A_543 = arith.constant 9 : i32
        %add3A_544 = vector.broadcast %add3A_543 : i32 to vector<16xi32>
        %add3A_545 = arith.addi %mul3A_318, %add3A_544 : vector<16xi32>
        %shift_right_logical3A_546 = arith.constant 7 : i32
        %shift_right_logical3A_547 = vector.broadcast %shift_right_logical3A_546 : i32 to vector<16xi32>
        %shift_right_logical3A_548 = arith.shrui %add3A_545, %shift_right_logical3A_547 : vector<16xi32>
        %and3A_549 = arith.constant 127 : i32
        %and3A_550 = vector.broadcast %and3A_549 : i32 to vector<16xi32>
        %and3A_551 = arith.andi %add3A_545, %and3A_550 : vector<16xi32>
        %gather3A_552 = tpu.vector_load_idx %arg18[%shift_right_logical3A_548, %and3A_551] : memref<64x128xf32, #tpu.memory_space<vmem>>[vector<16xi32>, vector<16xi32>], vector<16xf32>,
        %add3A_553 = arith.addf %gather3A_541, %gather3A_542 : vector<16xf32>
        %add3A_554 = arith.addf %add3A_553, %gather3A_552 : vector<16xf32>
        %mul3A_555 = arith.constant 2.000000e-01 : f32
        %mul3A_556 = vector.broadcast %mul3A_555 : f32 to vector<16xf32>
        %mul3A_557 = arith.mulf %mul3A_556, %add3A_554 : vector<16xf32>
        %max3A_558 = arith.maximumf %add3A_554, %mul3A_557 : vector<16xf32>
        %slice3A_559 = vector.extract_strided_slice %get3A_69 {offsets = [9], sizes = [1], strides = [1]} : vector<16xf32> to vector<1xf32>
        %squeeze3A_560 = vector.extract %slice3A_559[0] : f32 from vector<1xf32>
        %mul3A_561 = vector.broadcast %squeeze3A_560 : f32 to vector<16xf32>
        %mul3A_562 = arith.mulf %mul3A_561, %max3A_558 : vector<16xf32>
        %add3A_563 = arith.addf %add3A_538, %mul3A_562 : vector<16xf32>
        %broadcast_in_dim3A_564 = arith.constant 10 : i32
        %broadcast_in_dim3A_565 = vector.broadcast %broadcast_in_dim3A_564 : i32 to vector<16xi32>
        %gather3A_566 = tpu.vector_load_idx %arg20[%add3A_314, %broadcast_in_dim3A_565] : memref<512x16xf32, #tpu.memory_space<vmem>>[vector<16xi32>, vector<16xi32>], vector<16xf32>,
        %gather3A_567 = tpu.vector_load_idx %arg22[%add3A_314, %broadcast_in_dim3A_565] : memref<512x16xf32, #tpu.memory_space<vmem>>[vector<16xi32>, vector<16xi32>], vector<16xf32>,
        %add3A_568 = arith.constant 10 : i32
        %add3A_569 = vector.broadcast %add3A_568 : i32 to vector<16xi32>
        %add3A_570 = arith.addi %mul3A_318, %add3A_569 : vector<16xi32>
        %shift_right_logical3A_571 = arith.constant 7 : i32
        %shift_right_logical3A_572 = vector.broadcast %shift_right_logical3A_571 : i32 to vector<16xi32>
        %shift_right_logical3A_573 = arith.shrui %add3A_570, %shift_right_logical3A_572 : vector<16xi32>
        %and3A_574 = arith.constant 127 : i32
        %and3A_575 = vector.broadcast %and3A_574 : i32 to vector<16xi32>
        %and3A_576 = arith.andi %add3A_570, %and3A_575 : vector<16xi32>
        %gather3A_577 = tpu.vector_load_idx %arg18[%shift_right_logical3A_573, %and3A_576] : memref<64x128xf32, #tpu.memory_space<vmem>>[vector<16xi32>, vector<16xi32>], vector<16xf32>,
        %add3A_578 = arith.addf %gather3A_566, %gather3A_567 : vector<16xf32>
        %add3A_579 = arith.addf %add3A_578, %gather3A_577 : vector<16xf32>
        %mul3A_580 = arith.constant 2.000000e-01 : f32
        %mul3A_581 = vector.broadcast %mul3A_580 : f32 to vector<16xf32>
        %mul3A_582 = arith.mulf %mul3A_581, %add3A_579 : vector<16xf32>
        %max3A_583 = arith.maximumf %add3A_579, %mul3A_582 : vector<16xf32>
        %slice3A_584 = vector.extract_strided_slice %get3A_69 {offsets = [10], sizes = [1], strides = [1]} : vector<16xf32> to vector<1xf32>
        %squeeze3A_585 = vector.extract %slice3A_584[0] : f32 from vector<1xf32>
        %mul3A_586 = vector.broadcast %squeeze3A_585 : f32 to vector<16xf32>
        %mul3A_587 = arith.mulf %mul3A_586, %max3A_583 : vector<16xf32>
        %add3A_588 = arith.addf %add3A_563, %mul3A_587 : vector<16xf32>
        %broadcast_in_dim3A_589 = arith.constant 11 : i32
        %broadcast_in_dim3A_590 = vector.broadcast %broadcast_in_dim3A_589 : i32 to vector<16xi32>
        %gather3A_591 = tpu.vector_load_idx %arg20[%add3A_314, %broadcast_in_dim3A_590] : memref<512x16xf32, #tpu.memory_space<vmem>>[vector<16xi32>, vector<16xi32>], vector<16xf32>,
        %gather3A_592 = tpu.vector_load_idx %arg22[%add3A_314, %broadcast_in_dim3A_590] : memref<512x16xf32, #tpu.memory_space<vmem>>[vector<16xi32>, vector<16xi32>], vector<16xf32>,
        %add3A_593 = arith.constant 11 : i32
        %add3A_594 = vector.broadcast %add3A_593 : i32 to vector<16xi32>
        %add3A_595 = arith.addi %mul3A_318, %add3A_594 : vector<16xi32>
        %shift_right_logical3A_596 = arith.constant 7 : i32
        %shift_right_logical3A_597 = vector.broadcast %shift_right_logical3A_596 : i32 to vector<16xi32>
        %shift_right_logical3A_598 = arith.shrui %add3A_595, %shift_right_logical3A_597 : vector<16xi32>
        %and3A_599 = arith.constant 127 : i32
        %and3A_600 = vector.broadcast %and3A_599 : i32 to vector<16xi32>
        %and3A_601 = arith.andi %add3A_595, %and3A_600 : vector<16xi32>
        %gather3A_602 = tpu.vector_load_idx %arg18[%shift_right_logical3A_598, %and3A_601] : memref<64x128xf32, #tpu.memory_space<vmem>>[vector<16xi32>, vector<16xi32>], vector<16xf32>,
        %add3A_603 = arith.addf %gather3A_591, %gather3A_592 : vector<16xf32>
        %add3A_604 = arith.addf %add3A_603, %gather3A_602 : vector<16xf32>
        %mul3A_605 = arith.constant 2.000000e-01 : f32
        %mul3A_606 = vector.broadcast %mul3A_605 : f32 to vector<16xf32>
        %mul3A_607 = arith.mulf %mul3A_606, %add3A_604 : vector<16xf32>
        %max3A_608 = arith.maximumf %add3A_604, %mul3A_607 : vector<16xf32>
        %slice3A_609 = vector.extract_strided_slice %get3A_69 {offsets = [11], sizes = [1], strides = [1]} : vector<16xf32> to vector<1xf32>
        %squeeze3A_610 = vector.extract %slice3A_609[0] : f32 from vector<1xf32>
        %mul3A_611 = vector.broadcast %squeeze3A_610 : f32 to vector<16xf32>
        %mul3A_612 = arith.mulf %mul3A_611, %max3A_608 : vector<16xf32>
        %add3A_613 = arith.addf %add3A_588, %mul3A_612 : vector<16xf32>
        %broadcast_in_dim3A_614 = arith.constant 12 : i32
        %broadcast_in_dim3A_615 = vector.broadcast %broadcast_in_dim3A_614 : i32 to vector<16xi32>
        %gather3A_616 = tpu.vector_load_idx %arg20[%add3A_314, %broadcast_in_dim3A_615] : memref<512x16xf32, #tpu.memory_space<vmem>>[vector<16xi32>, vector<16xi32>], vector<16xf32>,
        %gather3A_617 = tpu.vector_load_idx %arg22[%add3A_314, %broadcast_in_dim3A_615] : memref<512x16xf32, #tpu.memory_space<vmem>>[vector<16xi32>, vector<16xi32>], vector<16xf32>,
        %add3A_618 = arith.constant 12 : i32
        %add3A_619 = vector.broadcast %add3A_618 : i32 to vector<16xi32>
        %add3A_620 = arith.addi %mul3A_318, %add3A_619 : vector<16xi32>
        %shift_right_logical3A_621 = arith.constant 7 : i32
        %shift_right_logical3A_622 = vector.broadcast %shift_right_logical3A_621 : i32 to vector<16xi32>
        %shift_right_logical3A_623 = arith.shrui %add3A_620, %shift_right_logical3A_622 : vector<16xi32>
        %and3A_624 = arith.constant 127 : i32
        %and3A_625 = vector.broadcast %and3A_624 : i32 to vector<16xi32>
        %and3A_626 = arith.andi %add3A_620, %and3A_625 : vector<16xi32>
        %gather3A_627 = tpu.vector_load_idx %arg18[%shift_right_logical3A_623, %and3A_626] : memref<64x128xf32, #tpu.memory_space<vmem>>[vector<16xi32>, vector<16xi32>], vector<16xf32>,
        %add3A_628 = arith.addf %gather3A_616, %gather3A_617 : vector<16xf32>
        %add3A_629 = arith.addf %add3A_628, %gather3A_627 : vector<16xf32>
        %mul3A_630 = arith.constant 2.000000e-01 : f32
        %mul3A_631 = vector.broadcast %mul3A_630 : f32 to vector<16xf32>
        %mul3A_632 = arith.mulf %mul3A_631, %add3A_629 : vector<16xf32>
        %max3A_633 = arith.maximumf %add3A_629, %mul3A_632 : vector<16xf32>
        %slice3A_634 = vector.extract_strided_slice %get3A_69 {offsets = [12], sizes = [1], strides = [1]} : vector<16xf32> to vector<1xf32>
        %squeeze3A_635 = vector.extract %slice3A_634[0] : f32 from vector<1xf32>
        %mul3A_636 = vector.broadcast %squeeze3A_635 : f32 to vector<16xf32>
        %mul3A_637 = arith.mulf %mul3A_636, %max3A_633 : vector<16xf32>
        %add3A_638 = arith.addf %add3A_613, %mul3A_637 : vector<16xf32>
        %broadcast_in_dim3A_639 = arith.constant 13 : i32
        %broadcast_in_dim3A_640 = vector.broadcast %broadcast_in_dim3A_639 : i32 to vector<16xi32>
        %gather3A_641 = tpu.vector_load_idx %arg20[%add3A_314, %broadcast_in_dim3A_640] : memref<512x16xf32, #tpu.memory_space<vmem>>[vector<16xi32>, vector<16xi32>], vector<16xf32>,
        %gather3A_642 = tpu.vector_load_idx %arg22[%add3A_314, %broadcast_in_dim3A_640] : memref<512x16xf32, #tpu.memory_space<vmem>>[vector<16xi32>, vector<16xi32>], vector<16xf32>,
        %add3A_643 = arith.constant 13 : i32
        %add3A_644 = vector.broadcast %add3A_643 : i32 to vector<16xi32>
        %add3A_645 = arith.addi %mul3A_318, %add3A_644 : vector<16xi32>
        %shift_right_logical3A_646 = arith.constant 7 : i32
        %shift_right_logical3A_647 = vector.broadcast %shift_right_logical3A_646 : i32 to vector<16xi32>
        %shift_right_logical3A_648 = arith.shrui %add3A_645, %shift_right_logical3A_647 : vector<16xi32>
        %and3A_649 = arith.constant 127 : i32
        %and3A_650 = vector.broadcast %and3A_649 : i32 to vector<16xi32>
        %and3A_651 = arith.andi %add3A_645, %and3A_650 : vector<16xi32>
        %gather3A_652 = tpu.vector_load_idx %arg18[%shift_right_logical3A_648, %and3A_651] : memref<64x128xf32, #tpu.memory_space<vmem>>[vector<16xi32>, vector<16xi32>], vector<16xf32>,
        %add3A_653 = arith.addf %gather3A_641, %gather3A_642 : vector<16xf32>
        %add3A_654 = arith.addf %add3A_653, %gather3A_652 : vector<16xf32>
        %mul3A_655 = arith.constant 2.000000e-01 : f32
        %mul3A_656 = vector.broadcast %mul3A_655 : f32 to vector<16xf32>
        %mul3A_657 = arith.mulf %mul3A_656, %add3A_654 : vector<16xf32>
        %max3A_658 = arith.maximumf %add3A_654, %mul3A_657 : vector<16xf32>
        %slice3A_659 = vector.extract_strided_slice %get3A_69 {offsets = [13], sizes = [1], strides = [1]} : vector<16xf32> to vector<1xf32>
        %squeeze3A_660 = vector.extract %slice3A_659[0] : f32 from vector<1xf32>
        %mul3A_661 = vector.broadcast %squeeze3A_660 : f32 to vector<16xf32>
        %mul3A_662 = arith.mulf %mul3A_661, %max3A_658 : vector<16xf32>
        %add3A_663 = arith.addf %add3A_638, %mul3A_662 : vector<16xf32>
        %broadcast_in_dim3A_664 = arith.constant 14 : i32
        %broadcast_in_dim3A_665 = vector.broadcast %broadcast_in_dim3A_664 : i32 to vector<16xi32>
        %gather3A_666 = tpu.vector_load_idx %arg20[%add3A_314, %broadcast_in_dim3A_665] : memref<512x16xf32, #tpu.memory_space<vmem>>[vector<16xi32>, vector<16xi32>], vector<16xf32>,
        %gather3A_667 = tpu.vector_load_idx %arg22[%add3A_314, %broadcast_in_dim3A_665] : memref<512x16xf32, #tpu.memory_space<vmem>>[vector<16xi32>, vector<16xi32>], vector<16xf32>,
        %add3A_668 = arith.constant 14 : i32
        %add3A_669 = vector.broadcast %add3A_668 : i32 to vector<16xi32>
        %add3A_670 = arith.addi %mul3A_318, %add3A_669 : vector<16xi32>
        %shift_right_logical3A_671 = arith.constant 7 : i32
        %shift_right_logical3A_672 = vector.broadcast %shift_right_logical3A_671 : i32 to vector<16xi32>
        %shift_right_logical3A_673 = arith.shrui %add3A_670, %shift_right_logical3A_672 : vector<16xi32>
        %and3A_674 = arith.constant 127 : i32
        %and3A_675 = vector.broadcast %and3A_674 : i32 to vector<16xi32>
        %and3A_676 = arith.andi %add3A_670, %and3A_675 : vector<16xi32>
        %gather3A_677 = tpu.vector_load_idx %arg18[%shift_right_logical3A_673, %and3A_676] : memref<64x128xf32, #tpu.memory_space<vmem>>[vector<16xi32>, vector<16xi32>], vector<16xf32>,
        %add3A_678 = arith.addf %gather3A_666, %gather3A_667 : vector<16xf32>
        %add3A_679 = arith.addf %add3A_678, %gather3A_677 : vector<16xf32>
        %mul3A_680 = arith.constant 2.000000e-01 : f32
        %mul3A_681 = vector.broadcast %mul3A_680 : f32 to vector<16xf32>
        %mul3A_682 = arith.mulf %mul3A_681, %add3A_679 : vector<16xf32>
        %max3A_683 = arith.maximumf %add3A_679, %mul3A_682 : vector<16xf32>
        %slice3A_684 = vector.extract_strided_slice %get3A_69 {offsets = [14], sizes = [1], strides = [1]} : vector<16xf32> to vector<1xf32>
        %squeeze3A_685 = vector.extract %slice3A_684[0] : f32 from vector<1xf32>
        %mul3A_686 = vector.broadcast %squeeze3A_685 : f32 to vector<16xf32>
        %mul3A_687 = arith.mulf %mul3A_686, %max3A_683 : vector<16xf32>
        %add3A_688 = arith.addf %add3A_663, %mul3A_687 : vector<16xf32>
        %broadcast_in_dim3A_689 = arith.constant 15 : i32
        %broadcast_in_dim3A_690 = vector.broadcast %broadcast_in_dim3A_689 : i32 to vector<16xi32>
        %gather3A_691 = tpu.vector_load_idx %arg20[%add3A_314, %broadcast_in_dim3A_690] : memref<512x16xf32, #tpu.memory_space<vmem>>[vector<16xi32>, vector<16xi32>], vector<16xf32>,
        %gather3A_692 = tpu.vector_load_idx %arg22[%add3A_314, %broadcast_in_dim3A_690] : memref<512x16xf32, #tpu.memory_space<vmem>>[vector<16xi32>, vector<16xi32>], vector<16xf32>,
        %add3A_693 = arith.constant 15 : i32
        %add3A_694 = vector.broadcast %add3A_693 : i32 to vector<16xi32>
        %add3A_695 = arith.addi %mul3A_318, %add3A_694 : vector<16xi32>
        %shift_right_logical3A_696 = arith.constant 7 : i32
        %shift_right_logical3A_697 = vector.broadcast %shift_right_logical3A_696 : i32 to vector<16xi32>
        %shift_right_logical3A_698 = arith.shrui %add3A_695, %shift_right_logical3A_697 : vector<16xi32>
        %and3A_699 = arith.constant 127 : i32
        %and3A_700 = vector.broadcast %and3A_699 : i32 to vector<16xi32>
        %and3A_701 = arith.andi %add3A_695, %and3A_700 : vector<16xi32>
        %gather3A_702 = tpu.vector_load_idx %arg18[%shift_right_logical3A_698, %and3A_701] : memref<64x128xf32, #tpu.memory_space<vmem>>[vector<16xi32>, vector<16xi32>], vector<16xf32>,
        %add3A_703 = arith.addf %gather3A_691, %gather3A_692 : vector<16xf32>
        %add3A_704 = arith.addf %add3A_703, %gather3A_702 : vector<16xf32>
        %mul3A_705 = arith.constant 2.000000e-01 : f32
        %mul3A_706 = vector.broadcast %mul3A_705 : f32 to vector<16xf32>
        %mul3A_707 = arith.mulf %mul3A_706, %add3A_704 : vector<16xf32>
        %max3A_708 = arith.maximumf %add3A_704, %mul3A_707 : vector<16xf32>
        %slice3A_709 = vector.extract_strided_slice %get3A_69 {offsets = [15], sizes = [1], strides = [1]} : vector<16xf32> to vector<1xf32>
        %squeeze3A_710 = vector.extract %slice3A_709[0] : f32 from vector<1xf32>
        %mul3A_711 = vector.broadcast %squeeze3A_710 : f32 to vector<16xf32>
        %mul3A_712 = arith.mulf %mul3A_711, %max3A_708 : vector<16xf32>
        %add3A_713 = arith.addf %add3A_688, %mul3A_712 : vector<16xf32>
        %exp3A = math.exp %add3A_713 : vector<16xf32>
        %add3A_714 = arith.addi %add3A_166, %mul3A_312 : i32
        %add3A_715 = vector.broadcast %add3A_714 : i32 to vector<16xi32>
        %add3A_716 = arith.addi %add3A_715, %iota3A : vector<16xi32>
        %lt3A = arith.constant 800000 : i32
        %lt3A_717 = vector.broadcast %lt3A : i32 to vector<16xi32>
        %lt3A_718 = arith.cmpi slt, %add3A_716, %lt3A_717 : vector<16xi32>
        %jit3A_719 = arith.constant 0.000000e+00 : f32
        %broadcast_in_dim3A_720 = vector.broadcast %jit3A_719 : f32 to vector<16xf32>
        %select_n3A_721 = arith.select %lt3A_718, %exp3A, %broadcast_in_dim3A_720 : vector<16xi1>, vector<16xf32>
        %swap3A = arith.index_cast %mul3A_312 : i32 to index
        %swap3A_722 = tpu.vector_load %arg26[%swap3A] {strides = array<i32>} : memref<512xf32, #tpu.memory_space<vmem>>, vector<16xf32>,
        tpu.vector_store %arg26[%swap3A], %select_n3A_721 {strides = array<i32>} : memref<512xf32, #tpu.memory_space<vmem>>, vector<16xf32>,
        %broadcast_in_dim3A_723 = arith.constant 0 : i32
        %broadcast_in_dim3A_724 = vector.broadcast %broadcast_in_dim3A_723 : i32 to vector<16xi32>
        %mul3A_725 = arith.mulf %gather3A, %select_n3A_721 : vector<16xf32>
        tpu.vector_store_idx %arg24[%add3A_314, %broadcast_in_dim3A_724], %mul3A_725 : memref<512x16xf32, #tpu.memory_space<vmem>>[vector<16xi32>, vector<16xi32>], vector<16xf32>,
        %broadcast_in_dim3A_726 = arith.constant 1 : i32
        %broadcast_in_dim3A_727 = vector.broadcast %broadcast_in_dim3A_726 : i32 to vector<16xi32>
        %mul3A_728 = arith.mulf %gather3A_341, %select_n3A_721 : vector<16xf32>
        tpu.vector_store_idx %arg24[%add3A_314, %broadcast_in_dim3A_727], %mul3A_728 : memref<512x16xf32, #tpu.memory_space<vmem>>[vector<16xi32>, vector<16xi32>], vector<16xf32>,
        %broadcast_in_dim3A_729 = arith.constant 2 : i32
        %broadcast_in_dim3A_730 = vector.broadcast %broadcast_in_dim3A_729 : i32 to vector<16xi32>
        %mul3A_731 = arith.mulf %gather3A_366, %select_n3A_721 : vector<16xf32>
        tpu.vector_store_idx %arg24[%add3A_314, %broadcast_in_dim3A_730], %mul3A_731 : memref<512x16xf32, #tpu.memory_space<vmem>>[vector<16xi32>, vector<16xi32>], vector<16xf32>,
        %broadcast_in_dim3A_732 = arith.constant 3 : i32
        %broadcast_in_dim3A_733 = vector.broadcast %broadcast_in_dim3A_732 : i32 to vector<16xi32>
        %mul3A_734 = arith.mulf %gather3A_391, %select_n3A_721 : vector<16xf32>
        tpu.vector_store_idx %arg24[%add3A_314, %broadcast_in_dim3A_733], %mul3A_734 : memref<512x16xf32, #tpu.memory_space<vmem>>[vector<16xi32>, vector<16xi32>], vector<16xf32>,
        %broadcast_in_dim3A_735 = arith.constant 4 : i32
        %broadcast_in_dim3A_736 = vector.broadcast %broadcast_in_dim3A_735 : i32 to vector<16xi32>
        %mul3A_737 = arith.mulf %gather3A_416, %select_n3A_721 : vector<16xf32>
        tpu.vector_store_idx %arg24[%add3A_314, %broadcast_in_dim3A_736], %mul3A_737 : memref<512x16xf32, #tpu.memory_space<vmem>>[vector<16xi32>, vector<16xi32>], vector<16xf32>,
        %broadcast_in_dim3A_738 = arith.constant 5 : i32
        %broadcast_in_dim3A_739 = vector.broadcast %broadcast_in_dim3A_738 : i32 to vector<16xi32>
        %mul3A_740 = arith.mulf %gather3A_441, %select_n3A_721 : vector<16xf32>
        tpu.vector_store_idx %arg24[%add3A_314, %broadcast_in_dim3A_739], %mul3A_740 : memref<512x16xf32, #tpu.memory_space<vmem>>[vector<16xi32>, vector<16xi32>], vector<16xf32>,
        %broadcast_in_dim3A_741 = arith.constant 6 : i32
        %broadcast_in_dim3A_742 = vector.broadcast %broadcast_in_dim3A_741 : i32 to vector<16xi32>
        %mul3A_743 = arith.mulf %gather3A_466, %select_n3A_721 : vector<16xf32>
        tpu.vector_store_idx %arg24[%add3A_314, %broadcast_in_dim3A_742], %mul3A_743 : memref<512x16xf32, #tpu.memory_space<vmem>>[vector<16xi32>, vector<16xi32>], vector<16xf32>,
        %broadcast_in_dim3A_744 = arith.constant 7 : i32
        %broadcast_in_dim3A_745 = vector.broadcast %broadcast_in_dim3A_744 : i32 to vector<16xi32>
        %mul3A_746 = arith.mulf %gather3A_491, %select_n3A_721 : vector<16xf32>
        tpu.vector_store_idx %arg24[%add3A_314, %broadcast_in_dim3A_745], %mul3A_746 : memref<512x16xf32, #tpu.memory_space<vmem>>[vector<16xi32>, vector<16xi32>], vector<16xf32>,
        %broadcast_in_dim3A_747 = arith.constant 8 : i32
        %broadcast_in_dim3A_748 = vector.broadcast %broadcast_in_dim3A_747 : i32 to vector<16xi32>
        %mul3A_749 = arith.mulf %gather3A_516, %select_n3A_721 : vector<16xf32>
        tpu.vector_store_idx %arg24[%add3A_314, %broadcast_in_dim3A_748], %mul3A_749 : memref<512x16xf32, #tpu.memory_space<vmem>>[vector<16xi32>, vector<16xi32>], vector<16xf32>,
        %broadcast_in_dim3A_750 = arith.constant 9 : i32
        %broadcast_in_dim3A_751 = vector.broadcast %broadcast_in_dim3A_750 : i32 to vector<16xi32>
        %mul3A_752 = arith.mulf %gather3A_541, %select_n3A_721 : vector<16xf32>
        tpu.vector_store_idx %arg24[%add3A_314, %broadcast_in_dim3A_751], %mul3A_752 : memref<512x16xf32, #tpu.memory_space<vmem>>[vector<16xi32>, vector<16xi32>], vector<16xf32>,
        %broadcast_in_dim3A_753 = arith.constant 10 : i32
        %broadcast_in_dim3A_754 = vector.broadcast %broadcast_in_dim3A_753 : i32 to vector<16xi32>
        %mul3A_755 = arith.mulf %gather3A_566, %select_n3A_721 : vector<16xf32>
        tpu.vector_store_idx %arg24[%add3A_314, %broadcast_in_dim3A_754], %mul3A_755 : memref<512x16xf32, #tpu.memory_space<vmem>>[vector<16xi32>, vector<16xi32>], vector<16xf32>,
        %broadcast_in_dim3A_756 = arith.constant 11 : i32
        %broadcast_in_dim3A_757 = vector.broadcast %broadcast_in_dim3A_756 : i32 to vector<16xi32>
        %mul3A_758 = arith.mulf %gather3A_591, %select_n3A_721 : vector<16xf32>
        tpu.vector_store_idx %arg24[%add3A_314, %broadcast_in_dim3A_757], %mul3A_758 : memref<512x16xf32, #tpu.memory_space<vmem>>[vector<16xi32>, vector<16xi32>], vector<16xf32>,
        %broadcast_in_dim3A_759 = arith.constant 12 : i32
        %broadcast_in_dim3A_760 = vector.broadcast %broadcast_in_dim3A_759 : i32 to vector<16xi32>
        %mul3A_761 = arith.mulf %gather3A_616, %select_n3A_721 : vector<16xf32>
        tpu.vector_store_idx %arg24[%add3A_314, %broadcast_in_dim3A_760], %mul3A_761 : memref<512x16xf32, #tpu.memory_space<vmem>>[vector<16xi32>, vector<16xi32>], vector<16xf32>,
        %broadcast_in_dim3A_762 = arith.constant 13 : i32
        %broadcast_in_dim3A_763 = vector.broadcast %broadcast_in_dim3A_762 : i32 to vector<16xi32>
        %mul3A_764 = arith.mulf %gather3A_641, %select_n3A_721 : vector<16xf32>
        tpu.vector_store_idx %arg24[%add3A_314, %broadcast_in_dim3A_763], %mul3A_764 : memref<512x16xf32, #tpu.memory_space<vmem>>[vector<16xi32>, vector<16xi32>], vector<16xf32>,
        %broadcast_in_dim3A_765 = arith.constant 14 : i32
        %broadcast_in_dim3A_766 = vector.broadcast %broadcast_in_dim3A_765 : i32 to vector<16xi32>
        %mul3A_767 = arith.mulf %gather3A_666, %select_n3A_721 : vector<16xf32>
        tpu.vector_store_idx %arg24[%add3A_314, %broadcast_in_dim3A_766], %mul3A_767 : memref<512x16xf32, #tpu.memory_space<vmem>>[vector<16xi32>, vector<16xi32>], vector<16xf32>,
        %broadcast_in_dim3A_768 = arith.constant 15 : i32
        %broadcast_in_dim3A_769 = vector.broadcast %broadcast_in_dim3A_768 : i32 to vector<16xi32>
        %mul3A_770 = arith.mulf %gather3A_691, %select_n3A_721 : vector<16xf32>
        tpu.vector_store_idx %arg24[%add3A_314, %broadcast_in_dim3A_769], %mul3A_770 : memref<512x16xf32, #tpu.memory_space<vmem>>[vector<16xi32>, vector<16xi32>], vector<16xf32>,
      }
      %scan3A_294 = arith.constant 32 : i32
      %dma_start3A_295 = arith.constant 0 : i32
      %dma_start3A_296 = arith.constant 0 : i32
      %dma_start3A_297 = tpu.memref_slice %arg28[%dma_start3A_295, %dma_start3A_296] : memref<50048x16xf32, #tpu.memory_space<vmem_shared>> -> memref<50048x16xf32, #tpu.memory_space<vmem_shared>>
      tpu.enqueue_indirect_dma source(%arg24 : memref<512x16xf32, #tpu.memory_space<vmem>>) target(%dma_start3A_297 : memref<50048x16xf32, #tpu.memory_space<vmem_shared>>) offsets(%arg16 : memref<512xi32, #tpu.memory_space<vmem>>) semaphore(%arg33 : memref<!tpu.dma_semaphore, #tpu.memory_space<semaphore_mem>>) {add = true}
      %dma_start3A_298 = arith.constant 0 : i32
      %dma_start3A_299 = tpu.memref_slice %arg29[%dma_start3A_298] : memref<51200xf32, #tpu.memory_space<vmem_shared>> -> memref<51200xf32, #tpu.memory_space<vmem_shared>>
      tpu.enqueue_indirect_dma source(%arg26 : memref<512xf32, #tpu.memory_space<vmem>>) target(%dma_start3A_299 : memref<51200xf32, #tpu.memory_space<vmem_shared>>) offsets(%arg16 : memref<512xi32, #tpu.memory_space<vmem>>) semaphore(%arg33 : memref<!tpu.dma_semaphore, #tpu.memory_space<semaphore_mem>>) {add = true}
      %dma_wait3A_300 = arith.constant 0 : i32
      %dma_wait3A_301 = arith.constant 0 : i32
      %dma_wait3A_302 = tpu.memref_slice %arg28[%dma_wait3A_300, %dma_wait3A_301] : memref<50048x16xf32, #tpu.memory_space<vmem_shared>> -> memref<50048x16xf32, #tpu.memory_space<vmem_shared>>
      tpu.wait_indirect_dma semaphore(%arg32 : memref<!tpu.dma_semaphore, #tpu.memory_space<semaphore_mem>>) src(%arg23 : memref<512x16xf32, #tpu.memory_space<vmem>>) dst(%dma_wait3A_302 : memref<50048x16xf32, #tpu.memory_space<vmem_shared>>)
      %dma_wait3A_303 = arith.constant 0 : i32
      %dma_wait3A_304 = tpu.memref_slice %arg29[%dma_wait3A_303] : memref<51200xf32, #tpu.memory_space<vmem_shared>> -> memref<51200xf32, #tpu.memory_space<vmem_shared>>
      tpu.wait_indirect_dma semaphore(%arg32 : memref<!tpu.dma_semaphore, #tpu.memory_space<semaphore_mem>>) src(%arg25 : memref<512xf32, #tpu.memory_space<vmem>>) dst(%dma_wait3A_304 : memref<51200xf32, #tpu.memory_space<vmem_shared>>)
      %dma_wait3A_305 = arith.constant 0 : i32
      %dma_wait3A_306 = arith.constant 0 : i32
      %dma_wait3A_307 = tpu.memref_slice %arg28[%dma_wait3A_305, %dma_wait3A_306] : memref<50048x16xf32, #tpu.memory_space<vmem_shared>> -> memref<50048x16xf32, #tpu.memory_space<vmem_shared>>
      tpu.wait_indirect_dma semaphore(%arg33 : memref<!tpu.dma_semaphore, #tpu.memory_space<semaphore_mem>>) src(%arg24 : memref<512x16xf32, #tpu.memory_space<vmem>>) dst(%dma_wait3A_307 : memref<50048x16xf32, #tpu.memory_space<vmem_shared>>)
      %dma_wait3A_308 = arith.constant 0 : i32
      %dma_wait3A_309 = tpu.memref_slice %arg29[%dma_wait3A_308] : memref<51200xf32, #tpu.memory_space<vmem_shared>> -> memref<51200xf32, #tpu.memory_space<vmem_shared>>
      tpu.wait_indirect_dma semaphore(%arg33 : memref<!tpu.dma_semaphore, #tpu.memory_space<semaphore_mem>>) src(%arg26 : memref<512xf32, #tpu.memory_space<vmem>>) dst(%dma_wait3A_309 : memref<51200xf32, #tpu.memory_space<vmem_shared>>)
    }
    %scan3A_75 = arith.constant 50 : i32
    %barrier3A_76 = arith.constant 0 : index
    tpu.barrier barrier_id(%barrier3A_76)
    %mul3A_77 = arith.constant 3128 : i32
    %mul3A_78 = arith.muli %arg1, %mul3A_77 : i32
    %add3A_79 = arith.constant 0 : i32
    %add3A_80 = arith.addi %mul3A_78, %add3A_79 : i32
    %mul3A_81 = arith.constant 50048 : i32
    %mul3A_82 = arith.muli %arg0, %mul3A_81 : i32
    %mul3A_83 = arith.constant 3128 : i32
    %mul3A_84 = arith.muli %arg1, %mul3A_83 : i32
    %add3A_85 = arith.addi %mul3A_82, %mul3A_84 : i32
    %add3A_86 = arith.constant 0 : i32
    %add3A_87 = arith.addi %add3A_85, %add3A_86 : i32
    "tpu.region"() ({
      %run_scoped3A = tpu.sem_alloc : memref<!tpu.dma_semaphore, #tpu.memory_space<semaphore_mem>>
      %dma_start3A = arith.constant 0 : i32
      %dma_start3A_161 = tpu.memref_slice %arg11[%add3A_87, %dma_start3A] : memref<100096x16xf32, #tpu.memory_space<hbm>> -> memref<512x16xf32, #tpu.memory_space<hbm>>
      %dma_start3A_162 = arith.constant 0 : i32
      %dma_start3A_163 = tpu.memref_slice %arg28[%add3A_80, %dma_start3A_162] : memref<50048x16xf32, #tpu.memory_space<vmem_shared>> -> memref<512x16xf32, #tpu.memory_space<vmem_shared>>
      tpu.enqueue_dma source(%dma_start3A_163 : memref<512x16xf32, #tpu.memory_space<vmem_shared>>) target(%dma_start3A_161 : memref<512x16xf32, #tpu.memory_space<hbm>>) target_semaphore(%run_scoped3A : memref<!tpu.dma_semaphore, #tpu.memory_space<semaphore_mem>>)
      %dma_wait3A = arith.constant 0 : i32
      %dma_wait3A_164 = tpu.memref_slice %arg11[%add3A_87, %dma_wait3A] : memref<100096x16xf32, #tpu.memory_space<hbm>> -> memref<512x16xf32, #tpu.memory_space<hbm>>
      %dma_wait3A_165 = arith.constant 0 : i32
      %dma_wait3A_166 = tpu.memref_slice %arg28[%add3A_80, %dma_wait3A_165] : memref<50048x16xf32, #tpu.memory_space<vmem_shared>> -> memref<512x16xf32, #tpu.memory_space<vmem_shared>>
      tpu.wait_dma2 semaphore(%run_scoped3A : memref<!tpu.dma_semaphore, #tpu.memory_space<semaphore_mem>>) src(%dma_wait3A_166 : memref<512x16xf32, #tpu.memory_space<vmem_shared>>) dst(%dma_wait3A_164 : memref<512x16xf32, #tpu.memory_space<hbm>>)
      tpu.yield
    }) : () -> ()
    %mul3A_88 = arith.constant 3128 : i32
    %mul3A_89 = arith.muli %arg1, %mul3A_88 : i32
    %add3A_90 = arith.constant 512 : i32
    %add3A_91 = arith.addi %mul3A_89, %add3A_90 : i32
    %mul3A_92 = arith.constant 50048 : i32
    %mul3A_93 = arith.muli %arg0, %mul3A_92 : i32
    %mul3A_94 = arith.constant 3128 : i32
    %mul3A_95 = arith.muli %arg1, %mul3A_94 : i32
    %add3A_96 = arith.addi %mul3A_93, %mul3A_95 : i32
    %add3A_97 = arith.constant 512 : i32
    %add3A_98 = arith.addi %add3A_96, %add3A_97 : i32
    "tpu.region"() ({
      %run_scoped3A = tpu.sem_alloc : memref<!tpu.dma_semaphore, #tpu.memory_space<semaphore_mem>>
      %dma_start3A = arith.constant 0 : i32
      %dma_start3A_161 = tpu.memref_slice %arg11[%add3A_98, %dma_start3A] : memref<100096x16xf32, #tpu.memory_space<hbm>> -> memref<512x16xf32, #tpu.memory_space<hbm>>
      %dma_start3A_162 = arith.constant 0 : i32
      %dma_start3A_163 = tpu.memref_slice %arg28[%add3A_91, %dma_start3A_162] : memref<50048x16xf32, #tpu.memory_space<vmem_shared>> -> memref<512x16xf32, #tpu.memory_space<vmem_shared>>
      tpu.enqueue_dma source(%dma_start3A_163 : memref<512x16xf32, #tpu.memory_space<vmem_shared>>) target(%dma_start3A_161 : memref<512x16xf32, #tpu.memory_space<hbm>>) target_semaphore(%run_scoped3A : memref<!tpu.dma_semaphore, #tpu.memory_space<semaphore_mem>>)
      %dma_wait3A = arith.constant 0 : i32
      %dma_wait3A_164 = tpu.memref_slice %arg11[%add3A_98, %dma_wait3A] : memref<100096x16xf32, #tpu.memory_space<hbm>> -> memref<512x16xf32, #tpu.memory_space<hbm>>
      %dma_wait3A_165 = arith.constant 0 : i32
      %dma_wait3A_166 = tpu.memref_slice %arg28[%add3A_91, %dma_wait3A_165] : memref<50048x16xf32, #tpu.memory_space<vmem_shared>> -> memref<512x16xf32, #tpu.memory_space<vmem_shared>>
      tpu.wait_dma2 semaphore(%run_scoped3A : memref<!tpu.dma_semaphore, #tpu.memory_space<semaphore_mem>>) src(%dma_wait3A_166 : memref<512x16xf32, #tpu.memory_space<vmem_shared>>) dst(%dma_wait3A_164 : memref<512x16xf32, #tpu.memory_space<hbm>>)
      tpu.yield
    }) : () -> ()
    %mul3A_99 = arith.constant 3128 : i32
    %mul3A_100 = arith.muli %arg1, %mul3A_99 : i32
    %add3A_101 = arith.constant 1024 : i32
    %add3A_102 = arith.addi %mul3A_100, %add3A_101 : i32
    %mul3A_103 = arith.constant 50048 : i32
    %mul3A_104 = arith.muli %arg0, %mul3A_103 : i32
    %mul3A_105 = arith.constant 3128 : i32
    %mul3A_106 = arith.muli %arg1, %mul3A_105 : i32
    %add3A_107 = arith.addi %mul3A_104, %mul3A_106 : i32
    %add3A_108 = arith.constant 1024 : i32
    %add3A_109 = arith.addi %add3A_107, %add3A_108 : i32
    "tpu.region"() ({
      %run_scoped3A = tpu.sem_alloc : memref<!tpu.dma_semaphore, #tpu.memory_space<semaphore_mem>>
      %dma_start3A = arith.constant 0 : i32
      %dma_start3A_161 = tpu.memref_slice %arg11[%add3A_109, %dma_start3A] : memref<100096x16xf32, #tpu.memory_space<hbm>> -> memref<512x16xf32, #tpu.memory_space<hbm>>
      %dma_start3A_162 = arith.constant 0 : i32
      %dma_start3A_163 = tpu.memref_slice %arg28[%add3A_102, %dma_start3A_162] : memref<50048x16xf32, #tpu.memory_space<vmem_shared>> -> memref<512x16xf32, #tpu.memory_space<vmem_shared>>
      tpu.enqueue_dma source(%dma_start3A_163 : memref<512x16xf32, #tpu.memory_space<vmem_shared>>) target(%dma_start3A_161 : memref<512x16xf32, #tpu.memory_space<hbm>>) target_semaphore(%run_scoped3A : memref<!tpu.dma_semaphore, #tpu.memory_space<semaphore_mem>>)
      %dma_wait3A = arith.constant 0 : i32
      %dma_wait3A_164 = tpu.memref_slice %arg11[%add3A_109, %dma_wait3A] : memref<100096x16xf32, #tpu.memory_space<hbm>> -> memref<512x16xf32, #tpu.memory_space<hbm>>
      %dma_wait3A_165 = arith.constant 0 : i32
      %dma_wait3A_166 = tpu.memref_slice %arg28[%add3A_102, %dma_wait3A_165] : memref<50048x16xf32, #tpu.memory_space<vmem_shared>> -> memref<512x16xf32, #tpu.memory_space<vmem_shared>>
      tpu.wait_dma2 semaphore(%run_scoped3A : memref<!tpu.dma_semaphore, #tpu.memory_space<semaphore_mem>>) src(%dma_wait3A_166 : memref<512x16xf32, #tpu.memory_space<vmem_shared>>) dst(%dma_wait3A_164 : memref<512x16xf32, #tpu.memory_space<hbm>>)
      tpu.yield
    }) : () -> ()
    %mul3A_110 = arith.constant 3128 : i32
    %mul3A_111 = arith.muli %arg1, %mul3A_110 : i32
    %add3A_112 = arith.constant 1536 : i32
    %add3A_113 = arith.addi %mul3A_111, %add3A_112 : i32
    %mul3A_114 = arith.constant 50048 : i32
    %mul3A_115 = arith.muli %arg0, %mul3A_114 : i32
    %mul3A_116 = arith.constant 3128 : i32
    %mul3A_117 = arith.muli %arg1, %mul3A_116 : i32
    %add3A_118 = arith.addi %mul3A_115, %mul3A_117 : i32
    %add3A_119 = arith.constant 1536 : i32
    %add3A_120 = arith.addi %add3A_118, %add3A_119 : i32
    "tpu.region"() ({
      %run_scoped3A = tpu.sem_alloc : memref<!tpu.dma_semaphore, #tpu.memory_space<semaphore_mem>>
      %dma_start3A = arith.constant 0 : i32
      %dma_start3A_161 = tpu.memref_slice %arg11[%add3A_120, %dma_start3A] : memref<100096x16xf32, #tpu.memory_space<hbm>> -> memref<512x16xf32, #tpu.memory_space<hbm>>
      %dma_start3A_162 = arith.constant 0 : i32
      %dma_start3A_163 = tpu.memref_slice %arg28[%add3A_113, %dma_start3A_162] : memref<50048x16xf32, #tpu.memory_space<vmem_shared>> -> memref<512x16xf32, #tpu.memory_space<vmem_shared>>
      tpu.enqueue_dma source(%dma_start3A_163 : memref<512x16xf32, #tpu.memory_space<vmem_shared>>) target(%dma_start3A_161 : memref<512x16xf32, #tpu.memory_space<hbm>>) target_semaphore(%run_scoped3A : memref<!tpu.dma_semaphore, #tpu.memory_space<semaphore_mem>>)
      %dma_wait3A = arith.constant 0 : i32
      %dma_wait3A_164 = tpu.memref_slice %arg11[%add3A_120, %dma_wait3A] : memref<100096x16xf32, #tpu.memory_space<hbm>> -> memref<512x16xf32, #tpu.memory_space<hbm>>
      %dma_wait3A_165 = arith.constant 0 : i32
      %dma_wait3A_166 = tpu.memref_slice %arg28[%add3A_113, %dma_wait3A_165] : memref<50048x16xf32, #tpu.memory_space<vmem_shared>> -> memref<512x16xf32, #tpu.memory_space<vmem_shared>>
      tpu.wait_dma2 semaphore(%run_scoped3A : memref<!tpu.dma_semaphore, #tpu.memory_space<semaphore_mem>>) src(%dma_wait3A_166 : memref<512x16xf32, #tpu.memory_space<vmem_shared>>) dst(%dma_wait3A_164 : memref<512x16xf32, #tpu.memory_space<hbm>>)
      tpu.yield
    }) : () -> ()
    %mul3A_121 = arith.constant 3128 : i32
    %mul3A_122 = arith.muli %arg1, %mul3A_121 : i32
    %add3A_123 = arith.constant 2048 : i32
    %add3A_124 = arith.addi %mul3A_122, %add3A_123 : i32
    %mul3A_125 = arith.constant 50048 : i32
    %mul3A_126 = arith.muli %arg0, %mul3A_125 : i32
    %mul3A_127 = arith.constant 3128 : i32
    %mul3A_128 = arith.muli %arg1, %mul3A_127 : i32
    %add3A_129 = arith.addi %mul3A_126, %mul3A_128 : i32
    %add3A_130 = arith.constant 2048 : i32
    %add3A_131 = arith.addi %add3A_129, %add3A_130 : i32
    "tpu.region"() ({
      %run_scoped3A = tpu.sem_alloc : memref<!tpu.dma_semaphore, #tpu.memory_space<semaphore_mem>>
      %dma_start3A = arith.constant 0 : i32
      %dma_start3A_161 = tpu.memref_slice %arg11[%add3A_131, %dma_start3A] : memref<100096x16xf32, #tpu.memory_space<hbm>> -> memref<512x16xf32, #tpu.memory_space<hbm>>
      %dma_start3A_162 = arith.constant 0 : i32
      %dma_start3A_163 = tpu.memref_slice %arg28[%add3A_124, %dma_start3A_162] : memref<50048x16xf32, #tpu.memory_space<vmem_shared>> -> memref<512x16xf32, #tpu.memory_space<vmem_shared>>
      tpu.enqueue_dma source(%dma_start3A_163 : memref<512x16xf32, #tpu.memory_space<vmem_shared>>) target(%dma_start3A_161 : memref<512x16xf32, #tpu.memory_space<hbm>>) target_semaphore(%run_scoped3A : memref<!tpu.dma_semaphore, #tpu.memory_space<semaphore_mem>>)
      %dma_wait3A = arith.constant 0 : i32
      %dma_wait3A_164 = tpu.memref_slice %arg11[%add3A_131, %dma_wait3A] : memref<100096x16xf32, #tpu.memory_space<hbm>> -> memref<512x16xf32, #tpu.memory_space<hbm>>
      %dma_wait3A_165 = arith.constant 0 : i32
      %dma_wait3A_166 = tpu.memref_slice %arg28[%add3A_124, %dma_wait3A_165] : memref<50048x16xf32, #tpu.memory_space<vmem_shared>> -> memref<512x16xf32, #tpu.memory_space<vmem_shared>>
      tpu.wait_dma2 semaphore(%run_scoped3A : memref<!tpu.dma_semaphore, #tpu.memory_space<semaphore_mem>>) src(%dma_wait3A_166 : memref<512x16xf32, #tpu.memory_space<vmem_shared>>) dst(%dma_wait3A_164 : memref<512x16xf32, #tpu.memory_space<hbm>>)
      tpu.yield
    }) : () -> ()
    %mul3A_132 = arith.constant 3128 : i32
    %mul3A_133 = arith.muli %arg1, %mul3A_132 : i32
    %add3A_134 = arith.constant 2560 : i32
    %add3A_135 = arith.addi %mul3A_133, %add3A_134 : i32
    %mul3A_136 = arith.constant 50048 : i32
    %mul3A_137 = arith.muli %arg0, %mul3A_136 : i32
    %mul3A_138 = arith.constant 3128 : i32
    %mul3A_139 = arith.muli %arg1, %mul3A_138 : i32
    %add3A_140 = arith.addi %mul3A_137, %mul3A_139 : i32
    %add3A_141 = arith.constant 2560 : i32
    %add3A_142 = arith.addi %add3A_140, %add3A_141 : i32
    "tpu.region"() ({
      %run_scoped3A = tpu.sem_alloc : memref<!tpu.dma_semaphore, #tpu.memory_space<semaphore_mem>>
      %dma_start3A = arith.constant 0 : i32
      %dma_start3A_161 = tpu.memref_slice %arg11[%add3A_142, %dma_start3A] : memref<100096x16xf32, #tpu.memory_space<hbm>> -> memref<512x16xf32, #tpu.memory_space<hbm>>
      %dma_start3A_162 = arith.constant 0 : i32
      %dma_start3A_163 = tpu.memref_slice %arg28[%add3A_135, %dma_start3A_162] : memref<50048x16xf32, #tpu.memory_space<vmem_shared>> -> memref<512x16xf32, #tpu.memory_space<vmem_shared>>
      tpu.enqueue_dma source(%dma_start3A_163 : memref<512x16xf32, #tpu.memory_space<vmem_shared>>) target(%dma_start3A_161 : memref<512x16xf32, #tpu.memory_space<hbm>>) target_semaphore(%run_scoped3A : memref<!tpu.dma_semaphore, #tpu.memory_space<semaphore_mem>>)
      %dma_wait3A = arith.constant 0 : i32
      %dma_wait3A_164 = tpu.memref_slice %arg11[%add3A_142, %dma_wait3A] : memref<100096x16xf32, #tpu.memory_space<hbm>> -> memref<512x16xf32, #tpu.memory_space<hbm>>
      %dma_wait3A_165 = arith.constant 0 : i32
      %dma_wait3A_166 = tpu.memref_slice %arg28[%add3A_135, %dma_wait3A_165] : memref<50048x16xf32, #tpu.memory_space<vmem_shared>> -> memref<512x16xf32, #tpu.memory_space<vmem_shared>>
      tpu.wait_dma2 semaphore(%run_scoped3A : memref<!tpu.dma_semaphore, #tpu.memory_space<semaphore_mem>>) src(%dma_wait3A_166 : memref<512x16xf32, #tpu.memory_space<vmem_shared>>) dst(%dma_wait3A_164 : memref<512x16xf32, #tpu.memory_space<hbm>>)
      tpu.yield
    }) : () -> ()
    %mul3A_143 = arith.constant 3128 : i32
    %mul3A_144 = arith.muli %arg1, %mul3A_143 : i32
    %add3A_145 = arith.constant 3072 : i32
    %add3A_146 = arith.addi %mul3A_144, %add3A_145 : i32
    %mul3A_147 = arith.constant 50048 : i32
    %mul3A_148 = arith.muli %arg0, %mul3A_147 : i32
    %mul3A_149 = arith.constant 3128 : i32
    %mul3A_150 = arith.muli %arg1, %mul3A_149 : i32
    %add3A_151 = arith.addi %mul3A_148, %mul3A_150 : i32
    %add3A_152 = arith.constant 3072 : i32
    %add3A_153 = arith.addi %add3A_151, %add3A_152 : i32
    "tpu.region"() ({
      %run_scoped3A = tpu.sem_alloc : memref<!tpu.dma_semaphore, #tpu.memory_space<semaphore_mem>>
      %dma_start3A = arith.constant 0 : i32
      %dma_start3A_161 = tpu.memref_slice %arg11[%add3A_153, %dma_start3A] : memref<100096x16xf32, #tpu.memory_space<hbm>> -> memref<56x16xf32, #tpu.memory_space<hbm>>
      %dma_start3A_162 = arith.constant 0 : i32
      %dma_start3A_163 = tpu.memref_slice %arg28[%add3A_146, %dma_start3A_162] : memref<50048x16xf32, #tpu.memory_space<vmem_shared>> -> memref<56x16xf32, #tpu.memory_space<vmem_shared>>
      tpu.enqueue_dma source(%dma_start3A_163 : memref<56x16xf32, #tpu.memory_space<vmem_shared>>) target(%dma_start3A_161 : memref<56x16xf32, #tpu.memory_space<hbm>>) target_semaphore(%run_scoped3A : memref<!tpu.dma_semaphore, #tpu.memory_space<semaphore_mem>>)
      %dma_wait3A = arith.constant 0 : i32
      %dma_wait3A_164 = tpu.memref_slice %arg11[%add3A_153, %dma_wait3A] : memref<100096x16xf32, #tpu.memory_space<hbm>> -> memref<56x16xf32, #tpu.memory_space<hbm>>
      %dma_wait3A_165 = arith.constant 0 : i32
      %dma_wait3A_166 = tpu.memref_slice %arg28[%add3A_146, %dma_wait3A_165] : memref<50048x16xf32, #tpu.memory_space<vmem_shared>> -> memref<56x16xf32, #tpu.memory_space<vmem_shared>>
      tpu.wait_dma2 semaphore(%run_scoped3A : memref<!tpu.dma_semaphore, #tpu.memory_space<semaphore_mem>>) src(%dma_wait3A_166 : memref<56x16xf32, #tpu.memory_space<vmem_shared>>) dst(%dma_wait3A_164 : memref<56x16xf32, #tpu.memory_space<hbm>>)
      tpu.yield
    }) : () -> ()
    %mul3A_154 = arith.constant 3200 : i32
    %mul3A_155 = arith.muli %arg1, %mul3A_154 : i32
    %mul3A_156 = arith.constant 51200 : i32
    %mul3A_157 = arith.muli %arg0, %mul3A_156 : i32
    %mul3A_158 = arith.constant 3200 : i32
    %mul3A_159 = arith.muli %arg1, %mul3A_158 : i32
    %add3A_160 = arith.addi %mul3A_157, %mul3A_159 : i32
    "tpu.region"() ({
      %run_scoped3A = tpu.sem_alloc : memref<!tpu.dma_semaphore, #tpu.memory_space<semaphore_mem>>
      %dma_start3A = tpu.memref_slice %arg12[%add3A_160] : memref<102400xf32, #tpu.memory_space<hbm>> -> memref<3200xf32, #tpu.memory_space<hbm>>
      %dma_start3A_161 = tpu.memref_slice %arg29[%mul3A_155] : memref<51200xf32, #tpu.memory_space<vmem_shared>> -> memref<3200xf32, #tpu.memory_space<vmem_shared>>
      tpu.enqueue_dma source(%dma_start3A_161 : memref<3200xf32, #tpu.memory_space<vmem_shared>>) target(%dma_start3A : memref<3200xf32, #tpu.memory_space<hbm>>) target_semaphore(%run_scoped3A : memref<!tpu.dma_semaphore, #tpu.memory_space<semaphore_mem>>)
      %dma_wait3A = tpu.memref_slice %arg12[%add3A_160] : memref<102400xf32, #tpu.memory_space<hbm>> -> memref<3200xf32, #tpu.memory_space<hbm>>
      %dma_wait3A_162 = tpu.memref_slice %arg29[%mul3A_155] : memref<51200xf32, #tpu.memory_space<vmem_shared>> -> memref<3200xf32, #tpu.memory_space<vmem_shared>>
      tpu.wait_dma2 semaphore(%run_scoped3A : memref<!tpu.dma_semaphore, #tpu.memory_space<semaphore_mem>>) src(%dma_wait3A_162 : memref<3200xf32, #tpu.memory_space<vmem_shared>>) dst(%dma_wait3A : memref<3200xf32, #tpu.memory_space<hbm>>)
      tpu.yield
    }) : () -> ()
    return
  }
}

#map = affine_map<(d0, d1) -> (0, 0)>
#map1 = affine_map<(d0, d1) -> (0)>
module attributes {stable_mosaic.version = 14 : i64} {
  func.func @kern(%arg0: i32, %arg1: i32, %arg2: memref<50000x32xf32, #tpu.memory_space<hbm>>, %arg3: memref<1024xi32, #tpu.memory_space<hbm>>, %arg4: memref<1024x32xf32, #tpu.memory_space<hbm>>, %arg5: memref<32xi32, #tpu.memory_space<vmem>>, %arg6: memref<32x32xf32, #tpu.memory_space<vmem>>) attributes {dimension_semantics = [#tpu.dimension_semantics<core_parallel>, #tpu.dimension_semantics<subcore_parallel>], iteration_bounds = array<i64: 2, 16>, scalar_prefetch = 0 : i64, scratch_operands = 2 : i64, tpu.core_type = #tpu.core_type<sc_vector_subcore>, window_params = [{transform_indices = #map}, {transform_indices = #map1}, {transform_indices = #map}]} {
    %mul3A = arith.constant 16 : i32
    %mul3A_0 = arith.muli %arg0, %mul3A : i32
    %add3A = arith.addi %mul3A_0, %arg1 : i32
    %mul3A_1 = arith.constant 32 : i32
    %mul3A_2 = arith.muli %add3A, %mul3A_1 : i32
    "tpu.region"() ({
      %run_scoped3A = tpu.sem_alloc : memref<!tpu.dma_semaphore, #tpu.memory_space<semaphore_mem>>
      %dma_start3A = tpu.memref_slice %arg3[%mul3A_2] : memref<1024xi32, #tpu.memory_space<hbm>> -> memref<32xi32, #tpu.memory_space<hbm>>
      %dma_start3A_5 = tpu.memref_slice %arg3[%mul3A_2] : memref<1024xi32, #tpu.memory_space<hbm>> -> memref<32xi32, #tpu.memory_space<hbm>>
      tpu.enqueue_dma source(%dma_start3A_5 : memref<32xi32, #tpu.memory_space<hbm>>) target(%arg5 : memref<32xi32, #tpu.memory_space<vmem>>) target_semaphore(%run_scoped3A : memref<!tpu.dma_semaphore, #tpu.memory_space<semaphore_mem>>)
      %dma_wait3A = tpu.memref_slice %arg3[%mul3A_2] : memref<1024xi32, #tpu.memory_space<hbm>> -> memref<32xi32, #tpu.memory_space<hbm>>
      %dma_wait3A_6 = tpu.memref_slice %arg3[%mul3A_2] : memref<1024xi32, #tpu.memory_space<hbm>> -> memref<32xi32, #tpu.memory_space<hbm>>
      tpu.wait_dma2 semaphore(%run_scoped3A : memref<!tpu.dma_semaphore, #tpu.memory_space<semaphore_mem>>) src(%dma_wait3A_6 : memref<32xi32, #tpu.memory_space<hbm>>) dst(%arg5 : memref<32xi32, #tpu.memory_space<vmem>>)
      tpu.yield
    }) : () -> ()
    "tpu.region"() ({
      %run_scoped3A = tpu.sem_alloc : memref<!tpu.dma_semaphore, #tpu.memory_space<semaphore_mem>>
      %dma_start3A = arith.constant 0 : i32
      %dma_start3A_5 = arith.constant 0 : i32
      %dma_start3A_6 = tpu.memref_slice %arg2[%dma_start3A, %dma_start3A_5] : memref<50000x32xf32, #tpu.memory_space<hbm>> -> memref<50000x32xf32, #tpu.memory_space<hbm>>
      tpu.enqueue_indirect_dma source(%dma_start3A_6 : memref<50000x32xf32, #tpu.memory_space<hbm>>) target(%arg6 : memref<32x32xf32, #tpu.memory_space<vmem>>) offsets(%arg5 : memref<32xi32, #tpu.memory_space<vmem>>) semaphore(%run_scoped3A : memref<!tpu.dma_semaphore, #tpu.memory_space<semaphore_mem>>)
      %dma_wait3A = arith.constant 0 : i32
      %dma_wait3A_7 = arith.constant 0 : i32
      %dma_wait3A_8 = tpu.memref_slice %arg2[%dma_wait3A, %dma_wait3A_7] : memref<50000x32xf32, #tpu.memory_space<hbm>> -> memref<50000x32xf32, #tpu.memory_space<hbm>>
      tpu.wait_indirect_dma semaphore(%run_scoped3A : memref<!tpu.dma_semaphore, #tpu.memory_space<semaphore_mem>>) src(%dma_wait3A_8 : memref<50000x32xf32, #tpu.memory_space<hbm>>) dst(%arg6 : memref<32x32xf32, #tpu.memory_space<vmem>>)
      tpu.yield
    }) : () -> ()
    %mul3A_3 = arith.constant 32 : i32
    %mul3A_4 = arith.muli %add3A, %mul3A_3 : i32
    "tpu.region"() ({
      %run_scoped3A = tpu.sem_alloc : memref<!tpu.dma_semaphore, #tpu.memory_space<semaphore_mem>>
      %dma_start3A = arith.constant 0 : i32
      %dma_start3A_5 = tpu.memref_slice %arg4[%mul3A_4, %dma_start3A] : memref<1024x32xf32, #tpu.memory_space<hbm>> -> memref<32x32xf32, #tpu.memory_space<hbm>>
      %dma_start3A_6 = arith.constant 0 : i32
      %dma_start3A_7 = tpu.memref_slice %arg4[%mul3A_4, %dma_start3A_6] : memref<1024x32xf32, #tpu.memory_space<hbm>> -> memref<32x32xf32, #tpu.memory_space<hbm>>
      tpu.enqueue_dma source(%arg6 : memref<32x32xf32, #tpu.memory_space<vmem>>) target(%dma_start3A_7 : memref<32x32xf32, #tpu.memory_space<hbm>>) target_semaphore(%run_scoped3A : memref<!tpu.dma_semaphore, #tpu.memory_space<semaphore_mem>>)
      %dma_wait3A = arith.constant 0 : i32
      %dma_wait3A_8 = tpu.memref_slice %arg4[%mul3A_4, %dma_wait3A] : memref<1024x32xf32, #tpu.memory_space<hbm>> -> memref<32x32xf32, #tpu.memory_space<hbm>>
      %dma_wait3A_9 = arith.constant 0 : i32
      %dma_wait3A_10 = tpu.memref_slice %arg4[%mul3A_4, %dma_wait3A_9] : memref<1024x32xf32, #tpu.memory_space<hbm>> -> memref<32x32xf32, #tpu.memory_space<hbm>>
      tpu.wait_dma2 semaphore(%run_scoped3A : memref<!tpu.dma_semaphore, #tpu.memory_space<semaphore_mem>>) src(%arg6 : memref<32x32xf32, #tpu.memory_space<vmem>>) dst(%dma_wait3A_10 : memref<32x32xf32, #tpu.memory_space<hbm>>)
      tpu.yield
    }) : () -> ()
    return
  }
}

module attributes {stable_mosaic.version = 14 : i64} {
  func.func @body(%arg0: i32, %arg1: memref<2000x128xf32, #tpu.memory_space<vmem>>, %arg2: memref<128x16xf32, #tpu.memory_space<vmem>>, %arg3: memref<1x16xf32, #tpu.memory_space<vmem>>, %arg4: memref<16x32xf32, #tpu.memory_space<vmem>>, %arg5: memref<1x32xf32, #tpu.memory_space<vmem>>, %arg6: memref<32x32xf32, #tpu.memory_space<vmem>>, %arg7: memref<1x32xf32, #tpu.memory_space<vmem>>, %arg8: memref<32x32xf32, #tpu.memory_space<vmem>>, %arg9: memref<1x32xf32, #tpu.memory_space<vmem>>, %arg10: memref<2000x32xf32, #tpu.memory_space<vmem>>, %arg11: memref<2000x32xf32, #tpu.memory_space<vmem>>, %arg12: memref<2000x16xf32, #tpu.memory_space<vmem>>, %arg13: memref<2000x16xf32, #tpu.memory_space<vmem>>, %arg14: memref<2000x16xf32, #tpu.memory_space<vmem>>, %arg15: memref<2000x16xf32, #tpu.memory_space<vmem>>) attributes {dimension_semantics = [#tpu.dimension_semantics<arbitrary>], iteration_bounds = array<i64: 25>, scalar_prefetch = 0 : i64, scratch_operands = 0 : i64, tpu.core_type = #tpu.core_type<tc>, window_params = [{transform_indices = @transform_0, window_bounds = array<i64: 2000, 128>}, {pipeline_mode = #tpu.pipeline_mode<synchronous>, transform_indices = @transform_1, window_bounds = array<i64: 128, 16>}, {pipeline_mode = #tpu.pipeline_mode<synchronous>, transform_indices = @transform_2, window_bounds = array<i64: 1, 16>}, {pipeline_mode = #tpu.pipeline_mode<synchronous>, transform_indices = @transform_3, window_bounds = array<i64: 16, 32>}, {pipeline_mode = #tpu.pipeline_mode<synchronous>, transform_indices = @transform_4, window_bounds = array<i64: 1, 32>}, {pipeline_mode = #tpu.pipeline_mode<synchronous>, transform_indices = @transform_5, window_bounds = array<i64: 32, 32>}, {pipeline_mode = #tpu.pipeline_mode<synchronous>, transform_indices = @transform_6, window_bounds = array<i64: 1, 32>}, {pipeline_mode = #tpu.pipeline_mode<synchronous>, transform_indices = @transform_7, window_bounds = array<i64: 32, 32>}, {pipeline_mode = #tpu.pipeline_mode<synchronous>, transform_indices = @transform_8, window_bounds = array<i64: 1, 32>}, {transform_indices = @transform_9, window_bounds = array<i64: 2000, 32>}, {transform_indices = @transform_10, window_bounds = array<i64: 2000, 32>}, {transform_indices = @transform_11, window_bounds = array<i64: 2000, 16>}, {transform_indices = @transform_12, window_bounds = array<i64: 2000, 16>}, {transform_indices = @transform_13, window_bounds = array<i64: 2000, 16>}, {transform_indices = @transform_14, window_bounds = array<i64: 2000, 16>}]} {
    %get3A = arith.constant 0 : index
    %get3A_0 = arith.constant 0 : index
    %get3A_1 = vector.load %arg1[%get3A, %get3A_0] : memref<2000x128xf32, #tpu.memory_space<vmem>>, vector<2000x128xf32>
    %get3A_2 = arith.constant 0 : index
    %get3A_3 = arith.constant 0 : index
    %get3A_4 = vector.load %arg2[%get3A_2, %get3A_3] : memref<128x16xf32, #tpu.memory_space<vmem>>, vector<128x16xf32>
    %dot_general3A = arith.constant dense<0.000000e+00> : vector<2000x16xf32>
    %dot_general3A_5 = tpu.matmul %get3A_1, %get3A_4, %dot_general3A {dimension_numbers = #tpu.dot_dimension_numbers<[1], [0], [0], [1], [0, 0, 1, 1], [], []>, transpose_lhs_hint = false} : vector<2000x128xf32>, vector<128x16xf32>, vector<2000x16xf32> -> vector<2000x16xf32>
    %get3A_6 = arith.constant 0 : index
    %get3A_7 = arith.constant 0 : index
    %get3A_8 = vector.load %arg3[%get3A_6, %get3A_7] : memref<1x16xf32, #tpu.memory_space<vmem>>, vector<1x16xf32>
    %add3A = vector.broadcast %get3A_8 : vector<1x16xf32> to vector<2000x16xf32>
    %add3A_9 = arith.addf %dot_general3A_5, %add3A : vector<2000x16xf32>
    %max3A = arith.constant 0.000000e+00 : f32
    %max3A_10 = vector.broadcast %max3A : f32 to vector<2000x16xf32>
    %max3A_11 = arith.maximumf %add3A_9, %max3A_10 : vector<2000x16xf32>
    %get3A_12 = arith.constant 0 : index
    %get3A_13 = arith.constant 0 : index
    %get3A_14 = vector.load %arg4[%get3A_12, %get3A_13] : memref<16x32xf32, #tpu.memory_space<vmem>>, vector<16x32xf32>
    %dot_general3A_15 = arith.constant dense<0.000000e+00> : vector<2000x32xf32>
    %dot_general3A_16 = tpu.matmul %max3A_11, %get3A_14, %dot_general3A_15 {dimension_numbers = #tpu.dot_dimension_numbers<[1], [0], [0], [1], [0, 0, 1, 1], [], []>, transpose_lhs_hint = false} : vector<2000x16xf32>, vector<16x32xf32>, vector<2000x32xf32> -> vector<2000x32xf32>
    %get3A_17 = arith.constant 0 : index
    %get3A_18 = arith.constant 0 : index
    %get3A_19 = vector.load %arg5[%get3A_17, %get3A_18] : memref<1x32xf32, #tpu.memory_space<vmem>>, vector<1x32xf32>
    %add3A_20 = vector.broadcast %get3A_19 : vector<1x32xf32> to vector<2000x32xf32>
    %add3A_21 = arith.addf %dot_general3A_16, %add3A_20 : vector<2000x32xf32>
    %get3A_22 = arith.constant 0 : index
    %get3A_23 = arith.constant 0 : index
    %get3A_24 = vector.load %arg6[%get3A_22, %get3A_23] : memref<32x32xf32, #tpu.memory_space<vmem>>, vector<32x32xf32>
    %dot_general3A_25 = arith.constant dense<0.000000e+00> : vector<2000x32xf32>
    %dot_general3A_26 = tpu.matmul %add3A_21, %get3A_24, %dot_general3A_25 {dimension_numbers = #tpu.dot_dimension_numbers<[1], [0], [0], [1], [0, 0, 1, 1], [], []>, transpose_lhs_hint = false} : vector<2000x32xf32>, vector<32x32xf32>, vector<2000x32xf32> -> vector<2000x32xf32>
    %get3A_27 = arith.constant 0 : index
    %get3A_28 = arith.constant 0 : index
    %get3A_29 = vector.load %arg7[%get3A_27, %get3A_28] : memref<1x32xf32, #tpu.memory_space<vmem>>, vector<1x32xf32>
    %add3A_30 = vector.broadcast %get3A_29 : vector<1x32xf32> to vector<2000x32xf32>
    %add3A_31 = arith.addf %dot_general3A_26, %add3A_30 : vector<2000x32xf32>
    %get3A_32 = arith.constant 0 : index
    %get3A_33 = arith.constant 0 : index
    %get3A_34 = vector.load %arg8[%get3A_32, %get3A_33] : memref<32x32xf32, #tpu.memory_space<vmem>>, vector<32x32xf32>
    %dot_general3A_35 = arith.constant dense<0.000000e+00> : vector<2000x32xf32>
    %dot_general3A_36 = tpu.matmul %add3A_21, %get3A_34, %dot_general3A_35 {dimension_numbers = #tpu.dot_dimension_numbers<[1], [0], [0], [1], [0, 0, 1, 1], [], []>, transpose_lhs_hint = false} : vector<2000x32xf32>, vector<32x32xf32>, vector<2000x32xf32> -> vector<2000x32xf32>
    %get3A_37 = arith.constant 0 : index
    %get3A_38 = arith.constant 0 : index
    %get3A_39 = vector.load %arg9[%get3A_37, %get3A_38] : memref<1x32xf32, #tpu.memory_space<vmem>>, vector<1x32xf32>
    %add3A_40 = vector.broadcast %get3A_39 : vector<1x32xf32> to vector<2000x32xf32>
    %add3A_41 = arith.addf %dot_general3A_36, %add3A_40 : vector<2000x32xf32>
    %swap3A = arith.constant 0 : index
    %swap3A_42 = arith.constant 0 : index
    %swap3A_43 = vector.load %arg10[%swap3A, %swap3A_42] : memref<2000x32xf32, #tpu.memory_space<vmem>>, vector<2000x32xf32>
    tpu.vector_store %arg10[%swap3A, %swap3A_42], %add3A_31 {strides = array<i32>} : memref<2000x32xf32, #tpu.memory_space<vmem>>, vector<2000x32xf32>,
    %swap3A_44 = arith.constant 0 : index
    %swap3A_45 = arith.constant 0 : index
    %swap3A_46 = vector.load %arg11[%swap3A_44, %swap3A_45] : memref<2000x32xf32, #tpu.memory_space<vmem>>, vector<2000x32xf32>
    tpu.vector_store %arg11[%swap3A_44, %swap3A_45], %add3A_41 {strides = array<i32>} : memref<2000x32xf32, #tpu.memory_space<vmem>>, vector<2000x32xf32>,
    %slice3A = vector.extract_strided_slice %add3A_31 {offsets = [0, 0], sizes = [2000, 16], strides = [1, 1]} : vector<2000x32xf32> to vector<2000x16xf32>
    %swap3A_47 = arith.constant 0 : index
    %swap3A_48 = arith.constant 0 : index
    %swap3A_49 = vector.load %arg12[%swap3A_47, %swap3A_48] : memref<2000x16xf32, #tpu.memory_space<vmem>>, vector<2000x16xf32>
    tpu.vector_store %arg12[%swap3A_47, %swap3A_48], %slice3A {strides = array<i32>} : memref<2000x16xf32, #tpu.memory_space<vmem>>, vector<2000x16xf32>,
    %slice3A_50 = vector.extract_strided_slice %add3A_31 {offsets = [0, 16], sizes = [2000, 16], strides = [1, 1]} : vector<2000x32xf32> to vector<2000x16xf32>
    %swap3A_51 = arith.constant 0 : index
    %swap3A_52 = arith.constant 0 : index
    %swap3A_53 = vector.load %arg13[%swap3A_51, %swap3A_52] : memref<2000x16xf32, #tpu.memory_space<vmem>>, vector<2000x16xf32>
    tpu.vector_store %arg13[%swap3A_51, %swap3A_52], %slice3A_50 {strides = array<i32>} : memref<2000x16xf32, #tpu.memory_space<vmem>>, vector<2000x16xf32>,
    %slice3A_54 = vector.extract_strided_slice %add3A_41 {offsets = [0, 0], sizes = [2000, 16], strides = [1, 1]} : vector<2000x32xf32> to vector<2000x16xf32>
    %swap3A_55 = arith.constant 0 : index
    %swap3A_56 = arith.constant 0 : index
    %swap3A_57 = vector.load %arg14[%swap3A_55, %swap3A_56] : memref<2000x16xf32, #tpu.memory_space<vmem>>, vector<2000x16xf32>
    tpu.vector_store %arg14[%swap3A_55, %swap3A_56], %slice3A_54 {strides = array<i32>} : memref<2000x16xf32, #tpu.memory_space<vmem>>, vector<2000x16xf32>,
    %slice3A_58 = vector.extract_strided_slice %add3A_41 {offsets = [0, 16], sizes = [2000, 16], strides = [1, 1]} : vector<2000x32xf32> to vector<2000x16xf32>
    %swap3A_59 = arith.constant 0 : index
    %swap3A_60 = arith.constant 0 : index
    %swap3A_61 = vector.load %arg15[%swap3A_59, %swap3A_60] : memref<2000x16xf32, #tpu.memory_space<vmem>>, vector<2000x16xf32>
    tpu.vector_store %arg15[%swap3A_59, %swap3A_60], %slice3A_58 {strides = array<i32>} : memref<2000x16xf32, #tpu.memory_space<vmem>>, vector<2000x16xf32>,
    return
  }
  func.func @transform_0(%arg0: i32) -> (i32, i32) {
    %c0_i32 = arith.constant 0 : i32
    %c0_i32_0 = arith.constant 0 : i32
    return %arg0, %c0_i32 : i32, i32
  }
  func.func @transform_1(%arg0: i32) -> (i32, i32) {
    %c0_i32 = arith.constant 0 : i32
    %c0_i32_0 = arith.constant 0 : i32
    %c0_i32_1 = arith.constant 0 : i32
    return %c0_i32, %c0_i32_0 : i32, i32
  }
  func.func @transform_2(%arg0: i32) -> (i32, i32) {
    %c0_i32 = arith.constant 0 : i32
    %c0_i32_0 = arith.constant 0 : i32
    %c0_i32_1 = arith.constant 0 : i32
    return %c0_i32, %c0_i32_0 : i32, i32
  }
  func.func @transform_3(%arg0: i32) -> (i32, i32) {
    %c0_i32 = arith.constant 0 : i32
    %c0_i32_0 = arith.constant 0 : i32
    %c0_i32_1 = arith.constant 0 : i32
    return %c0_i32, %c0_i32_0 : i32, i32
  }
  func.func @transform_4(%arg0: i32) -> (i32, i32) {
    %c0_i32 = arith.constant 0 : i32
    %c0_i32_0 = arith.constant 0 : i32
    %c0_i32_1 = arith.constant 0 : i32
    return %c0_i32, %c0_i32_0 : i32, i32
  }
  func.func @transform_5(%arg0: i32) -> (i32, i32) {
    %c0_i32 = arith.constant 0 : i32
    %c0_i32_0 = arith.constant 0 : i32
    %c0_i32_1 = arith.constant 0 : i32
    return %c0_i32, %c0_i32_0 : i32, i32
  }
  func.func @transform_6(%arg0: i32) -> (i32, i32) {
    %c0_i32 = arith.constant 0 : i32
    %c0_i32_0 = arith.constant 0 : i32
    %c0_i32_1 = arith.constant 0 : i32
    return %c0_i32, %c0_i32_0 : i32, i32
  }
  func.func @transform_7(%arg0: i32) -> (i32, i32) {
    %c0_i32 = arith.constant 0 : i32
    %c0_i32_0 = arith.constant 0 : i32
    %c0_i32_1 = arith.constant 0 : i32
    return %c0_i32, %c0_i32_0 : i32, i32
  }
  func.func @transform_8(%arg0: i32) -> (i32, i32) {
    %c0_i32 = arith.constant 0 : i32
    %c0_i32_0 = arith.constant 0 : i32
    %c0_i32_1 = arith.constant 0 : i32
    return %c0_i32, %c0_i32_0 : i32, i32
  }
  func.func @transform_9(%arg0: i32) -> (i32, i32) {
    %c0_i32 = arith.constant 0 : i32
    %c0_i32_0 = arith.constant 0 : i32
    return %arg0, %c0_i32 : i32, i32
  }
  func.func @transform_10(%arg0: i32) -> (i32, i32) {
    %c0_i32 = arith.constant 0 : i32
    %c0_i32_0 = arith.constant 0 : i32
    return %arg0, %c0_i32 : i32, i32
  }
  func.func @transform_11(%arg0: i32) -> (i32, i32) {
    %c0_i32 = arith.constant 0 : i32
    %c0_i32_0 = arith.constant 0 : i32
    return %arg0, %c0_i32 : i32, i32
  }
  func.func @transform_12(%arg0: i32) -> (i32, i32) {
    %c0_i32 = arith.constant 0 : i32
    %c0_i32_0 = arith.constant 0 : i32
    return %arg0, %c0_i32 : i32, i32
  }
  func.func @transform_13(%arg0: i32) -> (i32, i32) {
    %c0_i32 = arith.constant 0 : i32
    %c0_i32_0 = arith.constant 0 : i32
    return %arg0, %c0_i32 : i32, i32
  }
  func.func @transform_14(%arg0: i32) -> (i32, i32) {
    %c0_i32 = arith.constant 0 : i32
    %c0_i32_0 = arith.constant 0 : i32
    return %arg0, %c0_i32 : i32, i32
  }
}

module attributes {stable_mosaic.version = 14 : i64} {
  func.func @body(%arg0: i32, %arg1: memref<400x128xf32, #tpu.memory_space<vmem>>, %arg2: memref<128x128xf32, #tpu.memory_space<vmem>>, %arg3: memref<128x128xf32, #tpu.memory_space<vmem>>, %arg4: memref<400x128xf32, #tpu.memory_space<vmem>>, %arg5: memref<400x128xf32, #tpu.memory_space<vmem>>, %arg6: memref<8x128xf32, #tpu.memory_space<vmem>>) attributes {dimension_semantics = [#tpu.dimension_semantics<arbitrary>], iteration_bounds = array<i64: 250>, scalar_prefetch = 0 : i64, scratch_operands = 0 : i64, tpu.core_type = #tpu.core_type<tc>, window_params = [{transform_indices = @transform_0, window_bounds = array<i64: 400, 128>}, {pipeline_mode = #tpu.pipeline_mode<synchronous>, transform_indices = @transform_1, window_bounds = array<i64: 128, 128>}, {pipeline_mode = #tpu.pipeline_mode<synchronous>, transform_indices = @transform_2, window_bounds = array<i64: 128, 128>}, {transform_indices = @transform_3, window_bounds = array<i64: 400, 128>}, {transform_indices = @transform_4, window_bounds = array<i64: 400, 128>}, {pipeline_mode = #tpu.pipeline_mode<synchronous>, transform_indices = @transform_5, window_bounds = array<i64: 8, 128>}]} {
    %get3A = arith.constant 0 : index
    %get3A_0 = arith.constant 0 : index
    %get3A_1 = vector.load %arg1[%get3A, %get3A_0] : memref<400x128xf32, #tpu.memory_space<vmem>>, vector<400x128xf32>
    %get3A_2 = arith.constant 0 : index
    %get3A_3 = arith.constant 0 : index
    %get3A_4 = vector.load %arg2[%get3A_2, %get3A_3] : memref<128x128xf32, #tpu.memory_space<vmem>>, vector<128x128xf32>
    %dot_general3A = arith.constant dense<0.000000e+00> : vector<400x128xf32>
    %dot_general3A_5 = tpu.matmul %get3A_1, %get3A_4, %dot_general3A {dimension_numbers = #tpu.dot_dimension_numbers<[1], [0], [0], [1], [0, 0, 1, 1], [], []>, transpose_lhs_hint = false} : vector<400x128xf32>, vector<128x128xf32>, vector<400x128xf32> -> vector<400x128xf32>
    %swap3A = arith.constant 0 : index
    %swap3A_6 = arith.constant 0 : index
    %swap3A_7 = vector.load %arg4[%swap3A, %swap3A_6] : memref<400x128xf32, #tpu.memory_space<vmem>>, vector<400x128xf32>
    tpu.vector_store %arg4[%swap3A, %swap3A_6], %dot_general3A_5 {strides = array<i32>} : memref<400x128xf32, #tpu.memory_space<vmem>>, vector<400x128xf32>,
    %get3A_8 = arith.constant 0 : index
    %get3A_9 = arith.constant 0 : index
    %get3A_10 = vector.load %arg3[%get3A_8, %get3A_9] : memref<128x128xf32, #tpu.memory_space<vmem>>, vector<128x128xf32>
    %dot_general3A_11 = arith.constant dense<0.000000e+00> : vector<400x128xf32>
    %dot_general3A_12 = tpu.matmul %get3A_1, %get3A_10, %dot_general3A_11 {dimension_numbers = #tpu.dot_dimension_numbers<[1], [0], [0], [1], [0, 0, 1, 1], [], []>, transpose_lhs_hint = false} : vector<400x128xf32>, vector<128x128xf32>, vector<400x128xf32> -> vector<400x128xf32>
    %swap3A_13 = arith.constant 0 : index
    %swap3A_14 = arith.constant 0 : index
    %swap3A_15 = vector.load %arg5[%swap3A_13, %swap3A_14] : memref<400x128xf32, #tpu.memory_space<vmem>>, vector<400x128xf32>
    tpu.vector_store %arg5[%swap3A_13, %swap3A_14], %dot_general3A_12 {strides = array<i32>} : memref<400x128xf32, #tpu.memory_space<vmem>>, vector<400x128xf32>,
    %reduce_sum3A = arith.constant dense<0.000000e+00> : vector<128xf32>
    %reduce_sum3A_16 = vector.multi_reduction <add>, %get3A_1, %reduce_sum3A [0] : vector<400x128xf32> to vector<128xf32>
    %broadcast_in_dim3A = vector.shape_cast %reduce_sum3A_16 : vector<128xf32> to vector<1x128xf32>
    %broadcast_in_dim3A_17 = vector.shape_cast %broadcast_in_dim3A : vector<1x128xf32> to vector<1x128xf32>
    %broadcast_in_dim3A_18 = vector.broadcast %broadcast_in_dim3A_17 : vector<1x128xf32> to vector<8x128xf32>
    %eq3A = arith.constant 0 : i32
    %eq3A_19 = arith.cmpi eq, %arg0, %eq3A : i32
    %convert_element_type3A = arith.extui %eq3A_19 : i1 to i32
    %cond3A = arith.constant 0 : i32
    %cond3A_20 = arith.cmpi ne, %convert_element_type3A, %cond3A : i32
    scf.if %cond3A_20 {
      %broadcast_in_dim3A_27 = arith.constant 0.000000e+00 : f32
      %broadcast_in_dim3A_28 = vector.broadcast %broadcast_in_dim3A_27 : f32 to vector<8x128xf32>
      %swap3A_29 = arith.constant 0 : index
      %swap3A_30 = arith.constant 0 : index
      %swap3A_31 = vector.load %arg6[%swap3A_29, %swap3A_30] : memref<8x128xf32, #tpu.memory_space<vmem>>, vector<8x128xf32>
      tpu.vector_store %arg6[%swap3A_29, %swap3A_30], %broadcast_in_dim3A_28 {strides = array<i32>} : memref<8x128xf32, #tpu.memory_space<vmem>>, vector<8x128xf32>,
    } else {
    }
    %get3A_21 = arith.constant 0 : index
    %get3A_22 = arith.constant 0 : index
    %get3A_23 = vector.load %arg6[%get3A_21, %get3A_22] : memref<8x128xf32, #tpu.memory_space<vmem>>, vector<8x128xf32>
    %add3A = arith.addf %get3A_23, %broadcast_in_dim3A_18 : vector<8x128xf32>
    %swap3A_24 = arith.constant 0 : index
    %swap3A_25 = arith.constant 0 : index
    %swap3A_26 = vector.load %arg6[%swap3A_24, %swap3A_25] : memref<8x128xf32, #tpu.memory_space<vmem>>, vector<8x128xf32>
    tpu.vector_store %arg6[%swap3A_24, %swap3A_25], %add3A {strides = array<i32>} : memref<8x128xf32, #tpu.memory_space<vmem>>, vector<8x128xf32>,
    return
  }
  func.func @transform_0(%arg0: i32) -> (i32, i32) {
    %c0_i32 = arith.constant 0 : i32
    %c0_i32_0 = arith.constant 0 : i32
    return %arg0, %c0_i32 : i32, i32
  }
  func.func @transform_1(%arg0: i32) -> (i32, i32) {
    %c0_i32 = arith.constant 0 : i32
    %c0_i32_0 = arith.constant 0 : i32
    %c0_i32_1 = arith.constant 0 : i32
    return %c0_i32, %c0_i32_0 : i32, i32
  }
  func.func @transform_2(%arg0: i32) -> (i32, i32) {
    %c0_i32 = arith.constant 0 : i32
    %c0_i32_0 = arith.constant 0 : i32
    %c0_i32_1 = arith.constant 0 : i32
    return %c0_i32, %c0_i32_0 : i32, i32
  }
  func.func @transform_3(%arg0: i32) -> (i32, i32) {
    %c0_i32 = arith.constant 0 : i32
    %c0_i32_0 = arith.constant 0 : i32
    return %arg0, %c0_i32 : i32, i32
  }
  func.func @transform_4(%arg0: i32) -> (i32, i32) {
    %c0_i32 = arith.constant 0 : i32
    %c0_i32_0 = arith.constant 0 : i32
    return %arg0, %c0_i32 : i32, i32
  }
  func.func @transform_5(%arg0: i32) -> (i32, i32) {
    %c0_i32 = arith.constant 0 : i32
    %c0_i32_0 = arith.constant 0 : i32
    %c0_i32_1 = arith.constant 0 : i32
    return %c0_i32, %c0_i32_0 : i32, i32
  }
}

module attributes {stable_mosaic.version = 14 : i64} {
  func.func @body(%arg0: i32, %arg1: memref<2000x16xf32, #tpu.memory_space<vmem>>, %arg2: memref<2000x16xf32, #tpu.memory_space<vmem>>, %arg3: memref<2000x2xf32, #tpu.memory_space<vmem>>, %arg4: memref<2000x32xf32, #tpu.memory_space<vmem>>, %arg5: memref<2000x32xf32, #tpu.memory_space<vmem>>, %arg6: memref<8x128xf32, #tpu.memory_space<vmem>>, %arg7: memref<16x32xf32, #tpu.memory_space<vmem>>, %arg8: memref<1x32xf32, #tpu.memory_space<vmem>>, %arg9: memref<1x32xf32, #tpu.memory_space<vmem>>, %arg10: memref<32x32xf32, #tpu.memory_space<vmem>>, %arg11: memref<1x32xf32, #tpu.memory_space<vmem>>, %arg12: memref<2000x32xf32, #tpu.memory_space<vmem>>, %arg13: memref<2000x32xf32, #tpu.memory_space<vmem>>) attributes {dimension_semantics = [#tpu.dimension_semantics<arbitrary>], iteration_bounds = array<i64: 25>, scalar_prefetch = 0 : i64, scratch_operands = 0 : i64, tpu.core_type = #tpu.core_type<tc>, window_params = [{transform_indices = @transform_0, window_bounds = array<i64: 2000, 16>}, {transform_indices = @transform_1, window_bounds = array<i64: 2000, 16>}, {transform_indices = @transform_2, window_bounds = array<i64: 2000, 2>}, {transform_indices = @transform_3, window_bounds = array<i64: 2000, 32>}, {transform_indices = @transform_4, window_bounds = array<i64: 2000, 32>}, {pipeline_mode = #tpu.pipeline_mode<synchronous>, transform_indices = @transform_5, window_bounds = array<i64: 8, 128>}, {pipeline_mode = #tpu.pipeline_mode<synchronous>, transform_indices = @transform_6, window_bounds = array<i64: 16, 32>}, {pipeline_mode = #tpu.pipeline_mode<synchronous>, transform_indices = @transform_7, window_bounds = array<i64: 1, 32>}, {pipeline_mode = #tpu.pipeline_mode<synchronous>, transform_indices = @transform_8, window_bounds = array<i64: 1, 32>}, {pipeline_mode = #tpu.pipeline_mode<synchronous>, transform_indices = @transform_9, window_bounds = array<i64: 32, 32>}, {pipeline_mode = #tpu.pipeline_mode<synchronous>, transform_indices = @transform_10, window_bounds = array<i64: 1, 32>}, {transform_indices = @transform_11, window_bounds = array<i64: 2000, 32>}, {transform_indices = @transform_12, window_bounds = array<i64: 2000, 32>}]} {
    %get3A = arith.constant 0 : index
    %get3A_0 = arith.constant 0 : index
    %get3A_1 = vector.load %arg1[%get3A, %get3A_0] : memref<2000x16xf32, #tpu.memory_space<vmem>>, vector<2000x16xf32>
    %get3A_2 = arith.constant 0 : index
    %get3A_3 = arith.constant 0 : index
    %get3A_4 = vector.load %arg2[%get3A_2, %get3A_3] : memref<2000x16xf32, #tpu.memory_space<vmem>>, vector<2000x16xf32>
    %concatenate3A = tpu.concatenate %get3A_1, %get3A_4 in 1 : vector<2000x16xf32>, vector<2000x16xf32> -> vector<2000x32xf32>
    %get3A_5 = arith.constant 0 : index
    %get3A_6 = arith.constant 0 : index
    %get3A_7 = vector.load %arg3[%get3A_5, %get3A_6] : memref<2000x2xf32, #tpu.memory_space<vmem>>, vector<2000x1xf32>
    %get3A_8 = arith.constant 0 : index
    %get3A_9 = arith.constant 1 : index
    %get3A_10 = vector.load %arg3[%get3A_8, %get3A_9] : memref<2000x2xf32, #tpu.memory_space<vmem>>, vector<2000x1xf32>
    %get3A_11 = arith.constant 0 : index
    %get3A_12 = arith.constant 0 : index
    %get3A_13 = vector.load %arg4[%get3A_11, %get3A_12] : memref<2000x32xf32, #tpu.memory_space<vmem>>, vector<2000x32xf32>
    %get3A_14 = arith.constant 0 : index
    %get3A_15 = arith.constant 0 : index
    %get3A_16 = vector.load %arg6[%get3A_14, %get3A_15] : memref<8x128xf32, #tpu.memory_space<vmem>>, vector<1x16xf32>
    %get3A_17 = arith.constant 0 : index
    %get3A_18 = arith.constant 16 : index
    %get3A_19 = vector.load %arg6[%get3A_17, %get3A_18] : memref<8x128xf32, #tpu.memory_space<vmem>>, vector<1x16xf32>
    %add3A = arith.addf %get3A_16, %get3A_19 : vector<1x16xf32>
    %get3A_20 = arith.constant 0 : index
    %get3A_21 = arith.constant 32 : index
    %get3A_22 = vector.load %arg6[%get3A_20, %get3A_21] : memref<8x128xf32, #tpu.memory_space<vmem>>, vector<1x16xf32>
    %add3A_23 = arith.addf %add3A, %get3A_22 : vector<1x16xf32>
    %get3A_24 = arith.constant 0 : index
    %get3A_25 = arith.constant 48 : index
    %get3A_26 = vector.load %arg6[%get3A_24, %get3A_25] : memref<8x128xf32, #tpu.memory_space<vmem>>, vector<1x16xf32>
    %add3A_27 = arith.addf %add3A_23, %get3A_26 : vector<1x16xf32>
    %get3A_28 = arith.constant 0 : index
    %get3A_29 = arith.constant 64 : index
    %get3A_30 = vector.load %arg6[%get3A_28, %get3A_29] : memref<8x128xf32, #tpu.memory_space<vmem>>, vector<1x16xf32>
    %add3A_31 = arith.addf %add3A_27, %get3A_30 : vector<1x16xf32>
    %get3A_32 = arith.constant 0 : index
    %get3A_33 = arith.constant 80 : index
    %get3A_34 = vector.load %arg6[%get3A_32, %get3A_33] : memref<8x128xf32, #tpu.memory_space<vmem>>, vector<1x16xf32>
    %add3A_35 = arith.addf %add3A_31, %get3A_34 : vector<1x16xf32>
    %get3A_36 = arith.constant 0 : index
    %get3A_37 = arith.constant 96 : index
    %get3A_38 = vector.load %arg6[%get3A_36, %get3A_37] : memref<8x128xf32, #tpu.memory_space<vmem>>, vector<1x16xf32>
    %add3A_39 = arith.addf %add3A_35, %get3A_38 : vector<1x16xf32>
    %get3A_40 = arith.constant 0 : index
    %get3A_41 = arith.constant 112 : index
    %get3A_42 = vector.load %arg6[%get3A_40, %get3A_41] : memref<8x128xf32, #tpu.memory_space<vmem>>, vector<1x16xf32>
    %add3A_43 = arith.addf %add3A_39, %get3A_42 : vector<1x16xf32>
    %mul3A = arith.constant 1.250000e-06 : f32
    %mul3A_44 = vector.broadcast %mul3A : f32 to vector<1x16xf32>
    %mul3A_45 = arith.mulf %add3A_43, %mul3A_44 : vector<1x16xf32>
    %get3A_46 = arith.constant 0 : index
    %get3A_47 = arith.constant 0 : index
    %get3A_48 = vector.load %arg7[%get3A_46, %get3A_47] : memref<16x32xf32, #tpu.memory_space<vmem>>, vector<16x32xf32>
    %dot_general3A = arith.constant dense<0.000000e+00> : vector<1x32xf32>
    %dot_general3A_49 = tpu.matmul %mul3A_45, %get3A_48, %dot_general3A {dimension_numbers = #tpu.dot_dimension_numbers<[1], [0], [0], [1], [0, 0, 1, 1], [], []>, transpose_lhs_hint = false} : vector<1x16xf32>, vector<16x32xf32>, vector<1x32xf32> -> vector<1x32xf32>
    %get3A_50 = arith.constant 0 : index
    %get3A_51 = arith.constant 0 : index
    %get3A_52 = vector.load %arg5[%get3A_50, %get3A_51] : memref<2000x32xf32, #tpu.memory_space<vmem>>, vector<2000x32xf32>
    %add3A_53 = arith.addf %get3A_13, %get3A_52 : vector<2000x32xf32>
    %add3A_54 = vector.broadcast %dot_general3A_49 : vector<1x32xf32> to vector<2000x32xf32>
    %add3A_55 = arith.addf %add3A_53, %add3A_54 : vector<2000x32xf32>
    %mul3A_56 = arith.constant 2.000000e-01 : f32
    %mul3A_57 = vector.broadcast %mul3A_56 : f32 to vector<2000x32xf32>
    %mul3A_58 = arith.mulf %mul3A_57, %add3A_55 : vector<2000x32xf32>
    %max3A = arith.maximumf %add3A_55, %mul3A_58 : vector<2000x32xf32>
    %get3A_59 = arith.constant 0 : index
    %get3A_60 = arith.constant 0 : index
    %get3A_61 = vector.load %arg8[%get3A_59, %get3A_60] : memref<1x32xf32, #tpu.memory_space<vmem>>, vector<1x32xf32>
    %mul3A_62 = vector.broadcast %get3A_61 : vector<1x32xf32> to vector<2000x32xf32>
    %mul3A_63 = arith.mulf %max3A, %mul3A_62 : vector<2000x32xf32>
    %slice3A = vector.extract_strided_slice %mul3A_63 {offsets = [0, 0], sizes = [2000, 16], strides = [1, 1]} : vector<2000x32xf32> to vector<2000x16xf32>
    %reduce_sum3A = arith.constant dense<0.000000e+00> : vector<2000xf32>
    %reduce_sum3A_64 = vector.multi_reduction <add>, %slice3A, %reduce_sum3A [1] : vector<2000x16xf32> to vector<2000xf32>
    %broadcast_in_dim3A = vector.shape_cast %reduce_sum3A_64 : vector<2000xf32> to vector<2000x1xf32>
    %slice3A_65 = vector.extract_strided_slice %mul3A_63 {offsets = [0, 16], sizes = [2000, 16], strides = [1, 1]} : vector<2000x32xf32> to vector<2000x16xf32>
    %reduce_sum3A_66 = arith.constant dense<0.000000e+00> : vector<2000xf32>
    %reduce_sum3A_67 = vector.multi_reduction <add>, %slice3A_65, %reduce_sum3A_66 [1] : vector<2000x16xf32> to vector<2000xf32>
    %broadcast_in_dim3A_68 = vector.shape_cast %reduce_sum3A_67 : vector<2000xf32> to vector<2000x1xf32>
    %exp3A = math.exp %broadcast_in_dim3A : vector<2000x1xf32>
    %exp3A_69 = math.exp %broadcast_in_dim3A_68 : vector<2000x1xf32>
    %broadcast_in_dim3A_70 = vector.shape_cast %exp3A : vector<2000x1xf32> to vector<2000x1xf32>
    %broadcast_in_dim3A_71 = vector.broadcast %broadcast_in_dim3A_70 : vector<2000x1xf32> to vector<2000x16xf32>
    %broadcast_in_dim3A_72 = vector.shape_cast %exp3A_69 : vector<2000x1xf32> to vector<2000x1xf32>
    %broadcast_in_dim3A_73 = vector.broadcast %broadcast_in_dim3A_72 : vector<2000x1xf32> to vector<2000x16xf32>
    %concatenate3A_74 = tpu.concatenate %broadcast_in_dim3A_71, %broadcast_in_dim3A_73 in 1 : vector<2000x16xf32>, vector<2000x16xf32> -> vector<2000x32xf32>
    %mul3A_75 = arith.mulf %get3A_13, %concatenate3A_74 : vector<2000x32xf32>
    %add3A_76 = arith.addf %concatenate3A, %mul3A_75 : vector<2000x32xf32>
    %add3A_77 = arith.addf %get3A_7, %exp3A : vector<2000x1xf32>
    %broadcast_in_dim3A_78 = vector.shape_cast %add3A_77 : vector<2000x1xf32> to vector<2000x1xf32>
    %broadcast_in_dim3A_79 = vector.broadcast %broadcast_in_dim3A_78 : vector<2000x1xf32> to vector<2000x16xf32>
    %add3A_80 = arith.addf %get3A_10, %exp3A_69 : vector<2000x1xf32>
    %broadcast_in_dim3A_81 = vector.shape_cast %add3A_80 : vector<2000x1xf32> to vector<2000x1xf32>
    %broadcast_in_dim3A_82 = vector.broadcast %broadcast_in_dim3A_81 : vector<2000x1xf32> to vector<2000x16xf32>
    %concatenate3A_83 = tpu.concatenate %broadcast_in_dim3A_79, %broadcast_in_dim3A_82 in 1 : vector<2000x16xf32>, vector<2000x16xf32> -> vector<2000x32xf32>
    %div3A = arith.divf %add3A_76, %concatenate3A_83 : vector<2000x32xf32>
    %get3A_84 = arith.constant 0 : index
    %get3A_85 = arith.constant 0 : index
    %get3A_86 = vector.load %arg9[%get3A_84, %get3A_85] : memref<1x32xf32, #tpu.memory_space<vmem>>, vector<1x32xf32>
    %add3A_87 = vector.broadcast %get3A_86 : vector<1x32xf32> to vector<2000x32xf32>
    %add3A_88 = arith.addf %div3A, %add3A_87 : vector<2000x32xf32>
    %swap3A = arith.constant 0 : index
    %swap3A_89 = arith.constant 0 : index
    %swap3A_90 = vector.load %arg12[%swap3A, %swap3A_89] : memref<2000x32xf32, #tpu.memory_space<vmem>>, vector<2000x32xf32>
    tpu.vector_store %arg12[%swap3A, %swap3A_89], %add3A_88 {strides = array<i32>} : memref<2000x32xf32, #tpu.memory_space<vmem>>, vector<2000x32xf32>,
    %get3A_91 = arith.constant 0 : index
    %get3A_92 = arith.constant 0 : index
    %get3A_93 = vector.load %arg10[%get3A_91, %get3A_92] : memref<32x32xf32, #tpu.memory_space<vmem>>, vector<32x32xf32>
    %dot_general3A_94 = arith.constant dense<0.000000e+00> : vector<2000x32xf32>
    %dot_general3A_95 = tpu.matmul %add3A_88, %get3A_93, %dot_general3A_94 {dimension_numbers = #tpu.dot_dimension_numbers<[1], [0], [0], [1], [0, 0, 1, 1], [], []>, transpose_lhs_hint = false} : vector<2000x32xf32>, vector<32x32xf32>, vector<2000x32xf32> -> vector<2000x32xf32>
    %get3A_96 = arith.constant 0 : index
    %get3A_97 = arith.constant 0 : index
    %get3A_98 = vector.load %arg11[%get3A_96, %get3A_97] : memref<1x32xf32, #tpu.memory_space<vmem>>, vector<1x32xf32>
    %add3A_99 = vector.broadcast %get3A_98 : vector<1x32xf32> to vector<2000x32xf32>
    %add3A_100 = arith.addf %dot_general3A_95, %add3A_99 : vector<2000x32xf32>
    %swap3A_101 = arith.constant 0 : index
    %swap3A_102 = arith.constant 0 : index
    %swap3A_103 = vector.load %arg13[%swap3A_101, %swap3A_102] : memref<2000x32xf32, #tpu.memory_space<vmem>>, vector<2000x32xf32>
    tpu.vector_store %arg13[%swap3A_101, %swap3A_102], %add3A_100 {strides = array<i32>} : memref<2000x32xf32, #tpu.memory_space<vmem>>, vector<2000x32xf32>,
    return
  }
  func.func @transform_0(%arg0: i32) -> (i32, i32) {
    %c0_i32 = arith.constant 0 : i32
    %c0_i32_0 = arith.constant 0 : i32
    return %arg0, %c0_i32 : i32, i32
  }
  func.func @transform_1(%arg0: i32) -> (i32, i32) {
    %c0_i32 = arith.constant 0 : i32
    %c0_i32_0 = arith.constant 0 : i32
    return %arg0, %c0_i32 : i32, i32
  }
  func.func @transform_2(%arg0: i32) -> (i32, i32) {
    %c0_i32 = arith.constant 0 : i32
    %c0_i32_0 = arith.constant 0 : i32
    return %arg0, %c0_i32 : i32, i32
  }
  func.func @transform_3(%arg0: i32) -> (i32, i32) {
    %c0_i32 = arith.constant 0 : i32
    %c0_i32_0 = arith.constant 0 : i32
    return %arg0, %c0_i32 : i32, i32
  }
  func.func @transform_4(%arg0: i32) -> (i32, i32) {
    %c0_i32 = arith.constant 0 : i32
    %c0_i32_0 = arith.constant 0 : i32
    return %arg0, %c0_i32 : i32, i32
  }
  func.func @transform_5(%arg0: i32) -> (i32, i32) {
    %c0_i32 = arith.constant 0 : i32
    %c0_i32_0 = arith.constant 0 : i32
    %c0_i32_1 = arith.constant 0 : i32
    return %c0_i32, %c0_i32_0 : i32, i32
  }
  func.func @transform_6(%arg0: i32) -> (i32, i32) {
    %c0_i32 = arith.constant 0 : i32
    %c0_i32_0 = arith.constant 0 : i32
    %c0_i32_1 = arith.constant 0 : i32
    return %c0_i32, %c0_i32_0 : i32, i32
  }
  func.func @transform_7(%arg0: i32) -> (i32, i32) {
    %c0_i32 = arith.constant 0 : i32
    %c0_i32_0 = arith.constant 0 : i32
    %c0_i32_1 = arith.constant 0 : i32
    return %c0_i32, %c0_i32_0 : i32, i32
  }
  func.func @transform_8(%arg0: i32) -> (i32, i32) {
    %c0_i32 = arith.constant 0 : i32
    %c0_i32_0 = arith.constant 0 : i32
    %c0_i32_1 = arith.constant 0 : i32
    return %c0_i32, %c0_i32_0 : i32, i32
  }
  func.func @transform_9(%arg0: i32) -> (i32, i32) {
    %c0_i32 = arith.constant 0 : i32
    %c0_i32_0 = arith.constant 0 : i32
    %c0_i32_1 = arith.constant 0 : i32
    return %c0_i32, %c0_i32_0 : i32, i32
  }
  func.func @transform_10(%arg0: i32) -> (i32, i32) {
    %c0_i32 = arith.constant 0 : i32
    %c0_i32_0 = arith.constant 0 : i32
    %c0_i32_1 = arith.constant 0 : i32
    return %c0_i32, %c0_i32_0 : i32, i32
  }
  func.func @transform_11(%arg0: i32) -> (i32, i32) {
    %c0_i32 = arith.constant 0 : i32
    %c0_i32_0 = arith.constant 0 : i32
    return %arg0, %c0_i32 : i32, i32
  }
  func.func @transform_12(%arg0: i32) -> (i32, i32) {
    %c0_i32 = arith.constant 0 : i32
    %c0_i32_0 = arith.constant 0 : i32
    return %arg0, %c0_i32 : i32, i32
  }
}

module attributes {stable_mosaic.version = 14 : i64} {
  func.func @body(%arg0: i32, %arg1: memref<1000x32xf32, #tpu.memory_space<vmem>>, %arg2: memref<1x10x32xf32, #tpu.memory_space<vmem>>, %arg3: memref<1x10x32xf32, #tpu.memory_space<vmem>>, %arg4: memref<1x10x32xf32, #tpu.memory_space<vmem>>, %arg5: memref<96x16xf32, #tpu.memory_space<vmem>>, %arg6: memref<1x16xf32, #tpu.memory_space<vmem>>, %arg7: memref<16x32xf32, #tpu.memory_space<vmem>>, %arg8: memref<1x32xf32, #tpu.memory_space<vmem>>, %arg9: memref<32x32xf32, #tpu.memory_space<vmem>>, %arg10: memref<1x32xf32, #tpu.memory_space<vmem>>, %arg11: memref<32x32xf32, #tpu.memory_space<vmem>>, %arg12: memref<1x32xf32, #tpu.memory_space<vmem>>, %arg13: memref<32x2xf32, #tpu.memory_space<vmem>>, %arg14: memref<1x32xf32, #tpu.memory_space<vmem>>, %arg15: memref<32x16xf32, #tpu.memory_space<vmem>>, %arg16: memref<1x16xf32, #tpu.memory_space<vmem>>, %arg17: memref<16x1xf32, #tpu.memory_space<vmem>>, %arg18: memref<1x1xf32, #tpu.memory_space<vmem>>, %arg19: memref<1x10x1xf32, #tpu.memory_space<vmem>>) attributes {dimension_semantics = [#tpu.dimension_semantics<arbitrary>], iteration_bounds = array<i64: 50>, scalar_prefetch = 0 : i64, scratch_operands = 0 : i64, tpu.core_type = #tpu.core_type<tc>, window_params = [{transform_indices = @transform_0, window_bounds = array<i64: 1000, 32>}, {transform_indices = @transform_1, window_bounds = array<i64: 1, 10, 32>}, {transform_indices = @transform_2, window_bounds = array<i64: 1, 10, 32>}, {transform_indices = @transform_3, window_bounds = array<i64: 1, 10, 32>}, {pipeline_mode = #tpu.pipeline_mode<synchronous>, transform_indices = @transform_4, window_bounds = array<i64: 96, 16>}, {pipeline_mode = #tpu.pipeline_mode<synchronous>, transform_indices = @transform_5, window_bounds = array<i64: 1, 16>}, {pipeline_mode = #tpu.pipeline_mode<synchronous>, transform_indices = @transform_6, window_bounds = array<i64: 16, 32>}, {pipeline_mode = #tpu.pipeline_mode<synchronous>, transform_indices = @transform_7, window_bounds = array<i64: 1, 32>}, {pipeline_mode = #tpu.pipeline_mode<synchronous>, transform_indices = @transform_8, window_bounds = array<i64: 32, 32>}, {pipeline_mode = #tpu.pipeline_mode<synchronous>, transform_indices = @transform_9, window_bounds = array<i64: 1, 32>}, {pipeline_mode = #tpu.pipeline_mode<synchronous>, transform_indices = @transform_10, window_bounds = array<i64: 32, 32>}, {pipeline_mode = #tpu.pipeline_mode<synchronous>, transform_indices = @transform_11, window_bounds = array<i64: 1, 32>}, {pipeline_mode = #tpu.pipeline_mode<synchronous>, transform_indices = @transform_12, window_bounds = array<i64: 32, 2>}, {pipeline_mode = #tpu.pipeline_mode<synchronous>, transform_indices = @transform_13, window_bounds = array<i64: 1, 32>}, {pipeline_mode = #tpu.pipeline_mode<synchronous>, transform_indices = @transform_14, window_bounds = array<i64: 32, 16>}, {pipeline_mode = #tpu.pipeline_mode<synchronous>, transform_indices = @transform_15, window_bounds = array<i64: 1, 16>}, {pipeline_mode = #tpu.pipeline_mode<synchronous>, transform_indices = @transform_16, window_bounds = array<i64: 16, 1>}, {pipeline_mode = #tpu.pipeline_mode<synchronous>, transform_indices = @transform_17, window_bounds = array<i64: 1, 1>}, {transform_indices = @transform_18, window_bounds = array<i64: 1, 10, 1>}]} {
    %get3A = arith.constant 0 : index
    %get3A_0 = arith.constant 0 : index
    %get3A_1 = arith.constant 0 : index
    %get3A_2 = vector.load %arg2[%get3A, %get3A_0, %get3A_1] : memref<1x10x32xf32, #tpu.memory_space<vmem>>, vector<1x10x32xf32>
    %get3A_3 = vector.shape_cast %get3A_2 : vector<1x10x32xf32> to vector<10x32xf32>
    %get3A_4 = arith.constant 0 : index
    %get3A_5 = arith.constant 0 : index
    %get3A_6 = arith.constant 0 : index
    %get3A_7 = vector.load %arg3[%get3A_4, %get3A_5, %get3A_6] : memref<1x10x32xf32, #tpu.memory_space<vmem>>, vector<1x10x32xf32>
    %get3A_8 = vector.shape_cast %get3A_7 : vector<1x10x32xf32> to vector<10x32xf32>
    %get3A_9 = arith.constant 0 : index
    %get3A_10 = arith.constant 0 : index
    %get3A_11 = arith.constant 0 : index
    %get3A_12 = vector.load %arg4[%get3A_9, %get3A_10, %get3A_11] : memref<1x10x32xf32, #tpu.memory_space<vmem>>, vector<1x10x32xf32>
    %get3A_13 = vector.shape_cast %get3A_12 : vector<1x10x32xf32> to vector<10x32xf32>
    %concatenate3A = tpu.concatenate %get3A_3, %get3A_8, %get3A_13 in 1 : vector<10x32xf32>, vector<10x32xf32>, vector<10x32xf32> -> vector<10x96xf32>
    %get3A_14 = arith.constant 0 : index
    %get3A_15 = arith.constant 0 : index
    %get3A_16 = vector.load %arg5[%get3A_14, %get3A_15] : memref<96x16xf32, #tpu.memory_space<vmem>>, vector<96x16xf32>
    %dot_general3A = arith.constant dense<0.000000e+00> : vector<10x16xf32>
    %dot_general3A_17 = tpu.matmul %concatenate3A, %get3A_16, %dot_general3A {dimension_numbers = #tpu.dot_dimension_numbers<[1], [0], [0], [1], [0, 0, 1, 1], [], []>, transpose_lhs_hint = false} : vector<10x96xf32>, vector<96x16xf32>, vector<10x16xf32> -> vector<10x16xf32>
    %get3A_18 = arith.constant 0 : index
    %get3A_19 = arith.constant 0 : index
    %get3A_20 = vector.load %arg6[%get3A_18, %get3A_19] : memref<1x16xf32, #tpu.memory_space<vmem>>, vector<1x16xf32>
    %add3A = vector.broadcast %get3A_20 : vector<1x16xf32> to vector<10x16xf32>
    %add3A_21 = arith.addf %dot_general3A_17, %add3A : vector<10x16xf32>
    %max3A = arith.constant 0.000000e+00 : f32
    %max3A_22 = vector.broadcast %max3A : f32 to vector<10x16xf32>
    %max3A_23 = arith.maximumf %add3A_21, %max3A_22 : vector<10x16xf32>
    %get3A_24 = arith.constant 0 : index
    %get3A_25 = arith.constant 0 : index
    %get3A_26 = vector.load %arg7[%get3A_24, %get3A_25] : memref<16x32xf32, #tpu.memory_space<vmem>>, vector<16x32xf32>
    %dot_general3A_27 = arith.constant dense<0.000000e+00> : vector<10x32xf32>
    %dot_general3A_28 = tpu.matmul %max3A_23, %get3A_26, %dot_general3A_27 {dimension_numbers = #tpu.dot_dimension_numbers<[1], [0], [0], [1], [0, 0, 1, 1], [], []>, transpose_lhs_hint = false} : vector<10x16xf32>, vector<16x32xf32>, vector<10x32xf32> -> vector<10x32xf32>
    %get3A_29 = arith.constant 0 : index
    %get3A_30 = arith.constant 0 : index
    %get3A_31 = vector.load %arg8[%get3A_29, %get3A_30] : memref<1x32xf32, #tpu.memory_space<vmem>>, vector<1x32xf32>
    %add3A_32 = vector.broadcast %get3A_31 : vector<1x32xf32> to vector<10x32xf32>
    %add3A_33 = arith.addf %dot_general3A_28, %add3A_32 : vector<10x32xf32>
    %get3A_34 = arith.constant 0 : index
    %get3A_35 = arith.constant 0 : index
    %get3A_36 = vector.load %arg9[%get3A_34, %get3A_35] : memref<32x32xf32, #tpu.memory_space<vmem>>, vector<32x32xf32>
    %dot_general3A_37 = arith.constant dense<0.000000e+00> : vector<10x32xf32>
    %dot_general3A_38 = tpu.matmul %add3A_33, %get3A_36, %dot_general3A_37 {dimension_numbers = #tpu.dot_dimension_numbers<[1], [0], [0], [1], [0, 0, 1, 1], [], []>, transpose_lhs_hint = false} : vector<10x32xf32>, vector<32x32xf32>, vector<10x32xf32> -> vector<10x32xf32>
    %get3A_39 = arith.constant 0 : index
    %get3A_40 = arith.constant 0 : index
    %get3A_41 = vector.load %arg10[%get3A_39, %get3A_40] : memref<1x32xf32, #tpu.memory_space<vmem>>, vector<1x32xf32>
    %add3A_42 = vector.broadcast %get3A_41 : vector<1x32xf32> to vector<10x32xf32>
    %add3A_43 = arith.addf %dot_general3A_38, %add3A_42 : vector<10x32xf32>
    %get3A_44 = arith.constant 0 : index
    %get3A_45 = arith.constant 0 : index
    %get3A_46 = vector.load %arg11[%get3A_44, %get3A_45] : memref<32x32xf32, #tpu.memory_space<vmem>>, vector<32x32xf32>
    %dot_general3A_47 = arith.constant dense<0.000000e+00> : vector<10x32xf32>
    %dot_general3A_48 = tpu.matmul %add3A_33, %get3A_46, %dot_general3A_47 {dimension_numbers = #tpu.dot_dimension_numbers<[1], [0], [0], [1], [0, 0, 1, 1], [], []>, transpose_lhs_hint = false} : vector<10x32xf32>, vector<32x32xf32>, vector<10x32xf32> -> vector<10x32xf32>
    %get3A_49 = arith.constant 0 : index
    %get3A_50 = arith.constant 0 : index
    %get3A_51 = vector.load %arg12[%get3A_49, %get3A_50] : memref<1x32xf32, #tpu.memory_space<vmem>>, vector<1x32xf32>
    %add3A_52 = vector.broadcast %get3A_51 : vector<1x32xf32> to vector<10x32xf32>
    %add3A_53 = arith.addf %dot_general3A_48, %add3A_52 : vector<10x32xf32>
    %get3A_54 = arith.constant 0 : index
    %get3A_55 = arith.constant 0 : index
    %get3A_56 = vector.load %arg1[%get3A_54, %get3A_55] : memref<1000x32xf32, #tpu.memory_space<vmem>>, vector<1000x32xf32>
    %get3A_57 = arith.constant 0 : index
    %get3A_58 = arith.constant 0 : index
    %get3A_59 = vector.load %arg13[%get3A_57, %get3A_58] : memref<32x2xf32, #tpu.memory_space<vmem>>, vector<32x2xf32>
    %add3A_60 = arith.addf %add3A_43, %add3A_53 : vector<10x32xf32>
    %mul3A = arith.constant 2.000000e-01 : f32
    %mul3A_61 = vector.broadcast %mul3A : f32 to vector<10x32xf32>
    %mul3A_62 = arith.mulf %mul3A_61, %add3A_60 : vector<10x32xf32>
    %max3A_63 = arith.maximumf %add3A_60, %mul3A_62 : vector<10x32xf32>
    %dot_general3A_64 = arith.constant dense<0.000000e+00> : vector<10x2xf32>
    %dot_general3A_65 = tpu.matmul %max3A_63, %get3A_59, %dot_general3A_64 {dimension_numbers = #tpu.dot_dimension_numbers<[1], [0], [0], [1], [0, 0, 1, 1], [], []>, transpose_lhs_hint = false} : vector<10x32xf32>, vector<32x2xf32>, vector<10x2xf32> -> vector<10x2xf32>
    %exp3A = math.exp %dot_general3A_65 : vector<10x2xf32>
    %slice3A = vector.extract_strided_slice %exp3A {offsets = [0, 0], sizes = [10, 1], strides = [1, 1]} : vector<10x2xf32> to vector<10x1xf32>
    %slice3A_66 = vector.extract_strided_slice %exp3A {offsets = [0, 1], sizes = [10, 1], strides = [1, 1]} : vector<10x2xf32> to vector<10x1xf32>
    %slice3A_67 = vector.extract_strided_slice %add3A_53 {offsets = [0, 0], sizes = [1, 32], strides = [1, 1]} : vector<10x32xf32> to vector<1x32xf32>
    %add3A_68 = vector.broadcast %slice3A_67 : vector<1x32xf32> to vector<1000x32xf32>
    %add3A_69 = arith.addf %get3A_56, %add3A_68 : vector<1000x32xf32>
    %mul3A_70 = arith.constant 2.000000e-01 : f32
    %mul3A_71 = vector.broadcast %mul3A_70 : f32 to vector<1000x32xf32>
    %mul3A_72 = arith.mulf %mul3A_71, %add3A_69 : vector<1000x32xf32>
    %max3A_73 = arith.maximumf %add3A_69, %mul3A_72 : vector<1000x32xf32>
    %dot_general3A_74 = arith.constant dense<0.000000e+00> : vector<1000x2xf32>
    %dot_general3A_75 = tpu.matmul %max3A_73, %get3A_59, %dot_general3A_74 {dimension_numbers = #tpu.dot_dimension_numbers<[1], [0], [0], [1], [0, 0, 1, 1], [], []>, transpose_lhs_hint = false} : vector<1000x32xf32>, vector<32x2xf32>, vector<1000x2xf32> -> vector<1000x2xf32>
    %exp3A_76 = math.exp %dot_general3A_75 : vector<1000x2xf32>
    %slice3A_77 = vector.extract_strided_slice %exp3A_76 {offsets = [0, 0], sizes = [1000, 1], strides = [1, 1]} : vector<1000x2xf32> to vector<1000x1xf32>
    %slice3A_78 = vector.extract_strided_slice %exp3A_76 {offsets = [0, 1], sizes = [1000, 1], strides = [1, 1]} : vector<1000x2xf32> to vector<1000x1xf32>
    %slice3A_79 = vector.extract_strided_slice %get3A_56 {offsets = [0, 0], sizes = [1000, 16], strides = [1, 1]} : vector<1000x32xf32> to vector<1000x16xf32>
    %mul3A_80 = vector.broadcast %slice3A_77 : vector<1000x1xf32> to vector<1000x16xf32>
    %mul3A_81 = arith.mulf %mul3A_80, %slice3A_79 : vector<1000x16xf32>
    %reduce_sum3A = arith.constant dense<0.000000e+00> : vector<16xf32>
    %reduce_sum3A_82 = vector.multi_reduction <add>, %mul3A_81, %reduce_sum3A [0] : vector<1000x16xf32> to vector<16xf32>
    %broadcast_in_dim3A = vector.shape_cast %reduce_sum3A_82 : vector<16xf32> to vector<1x16xf32>
    %slice3A_83 = vector.extract_strided_slice %get3A_56 {offsets = [0, 16], sizes = [1000, 16], strides = [1, 1]} : vector<1000x32xf32> to vector<1000x16xf32>
    %mul3A_84 = vector.broadcast %slice3A_78 : vector<1000x1xf32> to vector<1000x16xf32>
    %mul3A_85 = arith.mulf %mul3A_84, %slice3A_83 : vector<1000x16xf32>
    %reduce_sum3A_86 = arith.constant dense<0.000000e+00> : vector<16xf32>
    %reduce_sum3A_87 = vector.multi_reduction <add>, %mul3A_85, %reduce_sum3A_86 [0] : vector<1000x16xf32> to vector<16xf32>
    %broadcast_in_dim3A_88 = vector.shape_cast %reduce_sum3A_87 : vector<16xf32> to vector<1x16xf32>
    %reduce_sum3A_89 = arith.constant dense<0.000000e+00> : vector<1xf32>
    %reduce_sum3A_90 = vector.multi_reduction <add>, %slice3A_77, %reduce_sum3A_89 [0] : vector<1000x1xf32> to vector<1xf32>
    %broadcast_in_dim3A_91 = vector.shape_cast %reduce_sum3A_90 : vector<1xf32> to vector<1x1xf32>
    %slice3A_92 = vector.extract_strided_slice %slice3A {offsets = [0, 0], sizes = [1, 1], strides = [1, 1]} : vector<10x1xf32> to vector<1x1xf32>
    %add3A_93 = arith.addf %broadcast_in_dim3A_91, %slice3A_92 : vector<1x1xf32>
    %reduce_sum3A_94 = arith.constant dense<0.000000e+00> : vector<1xf32>
    %reduce_sum3A_95 = vector.multi_reduction <add>, %slice3A_78, %reduce_sum3A_94 [0] : vector<1000x1xf32> to vector<1xf32>
    %broadcast_in_dim3A_96 = vector.shape_cast %reduce_sum3A_95 : vector<1xf32> to vector<1x1xf32>
    %slice3A_97 = vector.extract_strided_slice %slice3A_66 {offsets = [0, 0], sizes = [1, 1], strides = [1, 1]} : vector<10x1xf32> to vector<1x1xf32>
    %add3A_98 = arith.addf %broadcast_in_dim3A_96, %slice3A_97 : vector<1x1xf32>
    %slice3A_99 = vector.extract_strided_slice %slice3A {offsets = [0, 0], sizes = [1, 1], strides = [1, 1]} : vector<10x1xf32> to vector<1x1xf32>
    %slice3A_100 = vector.extract_strided_slice %add3A_43 {offsets = [0, 0], sizes = [1, 16], strides = [1, 1]} : vector<10x32xf32> to vector<1x16xf32>
    %mul3A_101 = vector.broadcast %slice3A_99 : vector<1x1xf32> to vector<1x16xf32>
    %mul3A_102 = arith.mulf %mul3A_101, %slice3A_100 : vector<1x16xf32>
    %add3A_103 = arith.addf %broadcast_in_dim3A, %mul3A_102 : vector<1x16xf32>
    %div3A = vector.broadcast %add3A_93 : vector<1x1xf32> to vector<1x16xf32>
    %div3A_104 = arith.divf %add3A_103, %div3A : vector<1x16xf32>
    %slice3A_105 = vector.extract_strided_slice %slice3A_66 {offsets = [0, 0], sizes = [1, 1], strides = [1, 1]} : vector<10x1xf32> to vector<1x1xf32>
    %slice3A_106 = vector.extract_strided_slice %add3A_43 {offsets = [0, 16], sizes = [1, 16], strides = [1, 1]} : vector<10x32xf32> to vector<1x16xf32>
    %mul3A_107 = vector.broadcast %slice3A_105 : vector<1x1xf32> to vector<1x16xf32>
    %mul3A_108 = arith.mulf %mul3A_107, %slice3A_106 : vector<1x16xf32>
    %add3A_109 = arith.addf %broadcast_in_dim3A_88, %mul3A_108 : vector<1x16xf32>
    %div3A_110 = vector.broadcast %add3A_98 : vector<1x1xf32> to vector<1x16xf32>
    %div3A_111 = arith.divf %add3A_109, %div3A_110 : vector<1x16xf32>
    %concatenate3A_112 = tpu.concatenate %div3A_104, %div3A_111 in 1 : vector<1x16xf32>, vector<1x16xf32> -> vector<1x32xf32>
    %slice3A_113 = vector.extract_strided_slice %add3A_53 {offsets = [1, 0], sizes = [1, 32], strides = [1, 1]} : vector<10x32xf32> to vector<1x32xf32>
    %add3A_114 = vector.broadcast %slice3A_113 : vector<1x32xf32> to vector<1000x32xf32>
    %add3A_115 = arith.addf %get3A_56, %add3A_114 : vector<1000x32xf32>
    %mul3A_116 = arith.constant 2.000000e-01 : f32
    %mul3A_117 = vector.broadcast %mul3A_116 : f32 to vector<1000x32xf32>
    %mul3A_118 = arith.mulf %mul3A_117, %add3A_115 : vector<1000x32xf32>
    %max3A_119 = arith.maximumf %add3A_115, %mul3A_118 : vector<1000x32xf32>
    %dot_general3A_120 = arith.constant dense<0.000000e+00> : vector<1000x2xf32>
    %dot_general3A_121 = tpu.matmul %max3A_119, %get3A_59, %dot_general3A_120 {dimension_numbers = #tpu.dot_dimension_numbers<[1], [0], [0], [1], [0, 0, 1, 1], [], []>, transpose_lhs_hint = false} : vector<1000x32xf32>, vector<32x2xf32>, vector<1000x2xf32> -> vector<1000x2xf32>
    %exp3A_122 = math.exp %dot_general3A_121 : vector<1000x2xf32>
    %slice3A_123 = vector.extract_strided_slice %exp3A_122 {offsets = [0, 0], sizes = [1000, 1], strides = [1, 1]} : vector<1000x2xf32> to vector<1000x1xf32>
    %slice3A_124 = vector.extract_strided_slice %exp3A_122 {offsets = [0, 1], sizes = [1000, 1], strides = [1, 1]} : vector<1000x2xf32> to vector<1000x1xf32>
    %slice3A_125 = vector.extract_strided_slice %get3A_56 {offsets = [0, 0], sizes = [1000, 16], strides = [1, 1]} : vector<1000x32xf32> to vector<1000x16xf32>
    %mul3A_126 = vector.broadcast %slice3A_123 : vector<1000x1xf32> to vector<1000x16xf32>
    %mul3A_127 = arith.mulf %mul3A_126, %slice3A_125 : vector<1000x16xf32>
    %reduce_sum3A_128 = arith.constant dense<0.000000e+00> : vector<16xf32>
    %reduce_sum3A_129 = vector.multi_reduction <add>, %mul3A_127, %reduce_sum3A_128 [0] : vector<1000x16xf32> to vector<16xf32>
    %broadcast_in_dim3A_130 = vector.shape_cast %reduce_sum3A_129 : vector<16xf32> to vector<1x16xf32>
    %slice3A_131 = vector.extract_strided_slice %get3A_56 {offsets = [0, 16], sizes = [1000, 16], strides = [1, 1]} : vector<1000x32xf32> to vector<1000x16xf32>
    %mul3A_132 = vector.broadcast %slice3A_124 : vector<1000x1xf32> to vector<1000x16xf32>
    %mul3A_133 = arith.mulf %mul3A_132, %slice3A_131 : vector<1000x16xf32>
    %reduce_sum3A_134 = arith.constant dense<0.000000e+00> : vector<16xf32>
    %reduce_sum3A_135 = vector.multi_reduction <add>, %mul3A_133, %reduce_sum3A_134 [0] : vector<1000x16xf32> to vector<16xf32>
    %broadcast_in_dim3A_136 = vector.shape_cast %reduce_sum3A_135 : vector<16xf32> to vector<1x16xf32>
    %reduce_sum3A_137 = arith.constant dense<0.000000e+00> : vector<1xf32>
    %reduce_sum3A_138 = vector.multi_reduction <add>, %slice3A_123, %reduce_sum3A_137 [0] : vector<1000x1xf32> to vector<1xf32>
    %broadcast_in_dim3A_139 = vector.shape_cast %reduce_sum3A_138 : vector<1xf32> to vector<1x1xf32>
    %slice3A_140 = vector.extract_strided_slice %slice3A {offsets = [1, 0], sizes = [1, 1], strides = [1, 1]} : vector<10x1xf32> to vector<1x1xf32>
    %add3A_141 = arith.addf %broadcast_in_dim3A_139, %slice3A_140 : vector<1x1xf32>
    %reduce_sum3A_142 = arith.constant dense<0.000000e+00> : vector<1xf32>
    %reduce_sum3A_143 = vector.multi_reduction <add>, %slice3A_124, %reduce_sum3A_142 [0] : vector<1000x1xf32> to vector<1xf32>
    %broadcast_in_dim3A_144 = vector.shape_cast %reduce_sum3A_143 : vector<1xf32> to vector<1x1xf32>
    %slice3A_145 = vector.extract_strided_slice %slice3A_66 {offsets = [1, 0], sizes = [1, 1], strides = [1, 1]} : vector<10x1xf32> to vector<1x1xf32>
    %add3A_146 = arith.addf %broadcast_in_dim3A_144, %slice3A_145 : vector<1x1xf32>
    %slice3A_147 = vector.extract_strided_slice %slice3A {offsets = [1, 0], sizes = [1, 1], strides = [1, 1]} : vector<10x1xf32> to vector<1x1xf32>
    %slice3A_148 = vector.extract_strided_slice %add3A_43 {offsets = [1, 0], sizes = [1, 16], strides = [1, 1]} : vector<10x32xf32> to vector<1x16xf32>
    %mul3A_149 = vector.broadcast %slice3A_147 : vector<1x1xf32> to vector<1x16xf32>
    %mul3A_150 = arith.mulf %mul3A_149, %slice3A_148 : vector<1x16xf32>
    %add3A_151 = arith.addf %broadcast_in_dim3A_130, %mul3A_150 : vector<1x16xf32>
    %div3A_152 = vector.broadcast %add3A_141 : vector<1x1xf32> to vector<1x16xf32>
    %div3A_153 = arith.divf %add3A_151, %div3A_152 : vector<1x16xf32>
    %slice3A_154 = vector.extract_strided_slice %slice3A_66 {offsets = [1, 0], sizes = [1, 1], strides = [1, 1]} : vector<10x1xf32> to vector<1x1xf32>
    %slice3A_155 = vector.extract_strided_slice %add3A_43 {offsets = [1, 16], sizes = [1, 16], strides = [1, 1]} : vector<10x32xf32> to vector<1x16xf32>
    %mul3A_156 = vector.broadcast %slice3A_154 : vector<1x1xf32> to vector<1x16xf32>
    %mul3A_157 = arith.mulf %mul3A_156, %slice3A_155 : vector<1x16xf32>
    %add3A_158 = arith.addf %broadcast_in_dim3A_136, %mul3A_157 : vector<1x16xf32>
    %div3A_159 = vector.broadcast %add3A_146 : vector<1x1xf32> to vector<1x16xf32>
    %div3A_160 = arith.divf %add3A_158, %div3A_159 : vector<1x16xf32>
    %concatenate3A_161 = tpu.concatenate %div3A_153, %div3A_160 in 1 : vector<1x16xf32>, vector<1x16xf32> -> vector<1x32xf32>
    %slice3A_162 = vector.extract_strided_slice %add3A_53 {offsets = [2, 0], sizes = [1, 32], strides = [1, 1]} : vector<10x32xf32> to vector<1x32xf32>
    %add3A_163 = vector.broadcast %slice3A_162 : vector<1x32xf32> to vector<1000x32xf32>
    %add3A_164 = arith.addf %get3A_56, %add3A_163 : vector<1000x32xf32>
    %mul3A_165 = arith.constant 2.000000e-01 : f32
    %mul3A_166 = vector.broadcast %mul3A_165 : f32 to vector<1000x32xf32>
    %mul3A_167 = arith.mulf %mul3A_166, %add3A_164 : vector<1000x32xf32>
    %max3A_168 = arith.maximumf %add3A_164, %mul3A_167 : vector<1000x32xf32>
    %dot_general3A_169 = arith.constant dense<0.000000e+00> : vector<1000x2xf32>
    %dot_general3A_170 = tpu.matmul %max3A_168, %get3A_59, %dot_general3A_169 {dimension_numbers = #tpu.dot_dimension_numbers<[1], [0], [0], [1], [0, 0, 1, 1], [], []>, transpose_lhs_hint = false} : vector<1000x32xf32>, vector<32x2xf32>, vector<1000x2xf32> -> vector<1000x2xf32>
    %exp3A_171 = math.exp %dot_general3A_170 : vector<1000x2xf32>
    %slice3A_172 = vector.extract_strided_slice %exp3A_171 {offsets = [0, 0], sizes = [1000, 1], strides = [1, 1]} : vector<1000x2xf32> to vector<1000x1xf32>
    %slice3A_173 = vector.extract_strided_slice %exp3A_171 {offsets = [0, 1], sizes = [1000, 1], strides = [1, 1]} : vector<1000x2xf32> to vector<1000x1xf32>
    %slice3A_174 = vector.extract_strided_slice %get3A_56 {offsets = [0, 0], sizes = [1000, 16], strides = [1, 1]} : vector<1000x32xf32> to vector<1000x16xf32>
    %mul3A_175 = vector.broadcast %slice3A_172 : vector<1000x1xf32> to vector<1000x16xf32>
    %mul3A_176 = arith.mulf %mul3A_175, %slice3A_174 : vector<1000x16xf32>
    %reduce_sum3A_177 = arith.constant dense<0.000000e+00> : vector<16xf32>
    %reduce_sum3A_178 = vector.multi_reduction <add>, %mul3A_176, %reduce_sum3A_177 [0] : vector<1000x16xf32> to vector<16xf32>
    %broadcast_in_dim3A_179 = vector.shape_cast %reduce_sum3A_178 : vector<16xf32> to vector<1x16xf32>
    %slice3A_180 = vector.extract_strided_slice %get3A_56 {offsets = [0, 16], sizes = [1000, 16], strides = [1, 1]} : vector<1000x32xf32> to vector<1000x16xf32>
    %mul3A_181 = vector.broadcast %slice3A_173 : vector<1000x1xf32> to vector<1000x16xf32>
    %mul3A_182 = arith.mulf %mul3A_181, %slice3A_180 : vector<1000x16xf32>
    %reduce_sum3A_183 = arith.constant dense<0.000000e+00> : vector<16xf32>
    %reduce_sum3A_184 = vector.multi_reduction <add>, %mul3A_182, %reduce_sum3A_183 [0] : vector<1000x16xf32> to vector<16xf32>
    %broadcast_in_dim3A_185 = vector.shape_cast %reduce_sum3A_184 : vector<16xf32> to vector<1x16xf32>
    %reduce_sum3A_186 = arith.constant dense<0.000000e+00> : vector<1xf32>
    %reduce_sum3A_187 = vector.multi_reduction <add>, %slice3A_172, %reduce_sum3A_186 [0] : vector<1000x1xf32> to vector<1xf32>
    %broadcast_in_dim3A_188 = vector.shape_cast %reduce_sum3A_187 : vector<1xf32> to vector<1x1xf32>
    %slice3A_189 = vector.extract_strided_slice %slice3A {offsets = [2, 0], sizes = [1, 1], strides = [1, 1]} : vector<10x1xf32> to vector<1x1xf32>
    %add3A_190 = arith.addf %broadcast_in_dim3A_188, %slice3A_189 : vector<1x1xf32>
    %reduce_sum3A_191 = arith.constant dense<0.000000e+00> : vector<1xf32>
    %reduce_sum3A_192 = vector.multi_reduction <add>, %slice3A_173, %reduce_sum3A_191 [0] : vector<1000x1xf32> to vector<1xf32>
    %broadcast_in_dim3A_193 = vector.shape_cast %reduce_sum3A_192 : vector<1xf32> to vector<1x1xf32>
    %slice3A_194 = vector.extract_strided_slice %slice3A_66 {offsets = [2, 0], sizes = [1, 1], strides = [1, 1]} : vector<10x1xf32> to vector<1x1xf32>
    %add3A_195 = arith.addf %broadcast_in_dim3A_193, %slice3A_194 : vector<1x1xf32>
    %slice3A_196 = vector.extract_strided_slice %slice3A {offsets = [2, 0], sizes = [1, 1], strides = [1, 1]} : vector<10x1xf32> to vector<1x1xf32>
    %slice3A_197 = vector.extract_strided_slice %add3A_43 {offsets = [2, 0], sizes = [1, 16], strides = [1, 1]} : vector<10x32xf32> to vector<1x16xf32>
    %mul3A_198 = vector.broadcast %slice3A_196 : vector<1x1xf32> to vector<1x16xf32>
    %mul3A_199 = arith.mulf %mul3A_198, %slice3A_197 : vector<1x16xf32>
    %add3A_200 = arith.addf %broadcast_in_dim3A_179, %mul3A_199 : vector<1x16xf32>
    %div3A_201 = vector.broadcast %add3A_190 : vector<1x1xf32> to vector<1x16xf32>
    %div3A_202 = arith.divf %add3A_200, %div3A_201 : vector<1x16xf32>
    %slice3A_203 = vector.extract_strided_slice %slice3A_66 {offsets = [2, 0], sizes = [1, 1], strides = [1, 1]} : vector<10x1xf32> to vector<1x1xf32>
    %slice3A_204 = vector.extract_strided_slice %add3A_43 {offsets = [2, 16], sizes = [1, 16], strides = [1, 1]} : vector<10x32xf32> to vector<1x16xf32>
    %mul3A_205 = vector.broadcast %slice3A_203 : vector<1x1xf32> to vector<1x16xf32>
    %mul3A_206 = arith.mulf %mul3A_205, %slice3A_204 : vector<1x16xf32>
    %add3A_207 = arith.addf %broadcast_in_dim3A_185, %mul3A_206 : vector<1x16xf32>
    %div3A_208 = vector.broadcast %add3A_195 : vector<1x1xf32> to vector<1x16xf32>
    %div3A_209 = arith.divf %add3A_207, %div3A_208 : vector<1x16xf32>
    %concatenate3A_210 = tpu.concatenate %div3A_202, %div3A_209 in 1 : vector<1x16xf32>, vector<1x16xf32> -> vector<1x32xf32>
    %slice3A_211 = vector.extract_strided_slice %add3A_53 {offsets = [3, 0], sizes = [1, 32], strides = [1, 1]} : vector<10x32xf32> to vector<1x32xf32>
    %add3A_212 = vector.broadcast %slice3A_211 : vector<1x32xf32> to vector<1000x32xf32>
    %add3A_213 = arith.addf %get3A_56, %add3A_212 : vector<1000x32xf32>
    %mul3A_214 = arith.constant 2.000000e-01 : f32
    %mul3A_215 = vector.broadcast %mul3A_214 : f32 to vector<1000x32xf32>
    %mul3A_216 = arith.mulf %mul3A_215, %add3A_213 : vector<1000x32xf32>
    %max3A_217 = arith.maximumf %add3A_213, %mul3A_216 : vector<1000x32xf32>
    %dot_general3A_218 = arith.constant dense<0.000000e+00> : vector<1000x2xf32>
    %dot_general3A_219 = tpu.matmul %max3A_217, %get3A_59, %dot_general3A_218 {dimension_numbers = #tpu.dot_dimension_numbers<[1], [0], [0], [1], [0, 0, 1, 1], [], []>, transpose_lhs_hint = false} : vector<1000x32xf32>, vector<32x2xf32>, vector<1000x2xf32> -> vector<1000x2xf32>
    %exp3A_220 = math.exp %dot_general3A_219 : vector<1000x2xf32>
    %slice3A_221 = vector.extract_strided_slice %exp3A_220 {offsets = [0, 0], sizes = [1000, 1], strides = [1, 1]} : vector<1000x2xf32> to vector<1000x1xf32>
    %slice3A_222 = vector.extract_strided_slice %exp3A_220 {offsets = [0, 1], sizes = [1000, 1], strides = [1, 1]} : vector<1000x2xf32> to vector<1000x1xf32>
    %slice3A_223 = vector.extract_strided_slice %get3A_56 {offsets = [0, 0], sizes = [1000, 16], strides = [1, 1]} : vector<1000x32xf32> to vector<1000x16xf32>
    %mul3A_224 = vector.broadcast %slice3A_221 : vector<1000x1xf32> to vector<1000x16xf32>
    %mul3A_225 = arith.mulf %mul3A_224, %slice3A_223 : vector<1000x16xf32>
    %reduce_sum3A_226 = arith.constant dense<0.000000e+00> : vector<16xf32>
    %reduce_sum3A_227 = vector.multi_reduction <add>, %mul3A_225, %reduce_sum3A_226 [0] : vector<1000x16xf32> to vector<16xf32>
    %broadcast_in_dim3A_228 = vector.shape_cast %reduce_sum3A_227 : vector<16xf32> to vector<1x16xf32>
    %slice3A_229 = vector.extract_strided_slice %get3A_56 {offsets = [0, 16], sizes = [1000, 16], strides = [1, 1]} : vector<1000x32xf32> to vector<1000x16xf32>
    %mul3A_230 = vector.broadcast %slice3A_222 : vector<1000x1xf32> to vector<1000x16xf32>
    %mul3A_231 = arith.mulf %mul3A_230, %slice3A_229 : vector<1000x16xf32>
    %reduce_sum3A_232 = arith.constant dense<0.000000e+00> : vector<16xf32>
    %reduce_sum3A_233 = vector.multi_reduction <add>, %mul3A_231, %reduce_sum3A_232 [0] : vector<1000x16xf32> to vector<16xf32>
    %broadcast_in_dim3A_234 = vector.shape_cast %reduce_sum3A_233 : vector<16xf32> to vector<1x16xf32>
    %reduce_sum3A_235 = arith.constant dense<0.000000e+00> : vector<1xf32>
    %reduce_sum3A_236 = vector.multi_reduction <add>, %slice3A_221, %reduce_sum3A_235 [0] : vector<1000x1xf32> to vector<1xf32>
    %broadcast_in_dim3A_237 = vector.shape_cast %reduce_sum3A_236 : vector<1xf32> to vector<1x1xf32>
    %slice3A_238 = vector.extract_strided_slice %slice3A {offsets = [3, 0], sizes = [1, 1], strides = [1, 1]} : vector<10x1xf32> to vector<1x1xf32>
    %add3A_239 = arith.addf %broadcast_in_dim3A_237, %slice3A_238 : vector<1x1xf32>
    %reduce_sum3A_240 = arith.constant dense<0.000000e+00> : vector<1xf32>
    %reduce_sum3A_241 = vector.multi_reduction <add>, %slice3A_222, %reduce_sum3A_240 [0] : vector<1000x1xf32> to vector<1xf32>
    %broadcast_in_dim3A_242 = vector.shape_cast %reduce_sum3A_241 : vector<1xf32> to vector<1x1xf32>
    %slice3A_243 = vector.extract_strided_slice %slice3A_66 {offsets = [3, 0], sizes = [1, 1], strides = [1, 1]} : vector<10x1xf32> to vector<1x1xf32>
    %add3A_244 = arith.addf %broadcast_in_dim3A_242, %slice3A_243 : vector<1x1xf32>
    %slice3A_245 = vector.extract_strided_slice %slice3A {offsets = [3, 0], sizes = [1, 1], strides = [1, 1]} : vector<10x1xf32> to vector<1x1xf32>
    %slice3A_246 = vector.extract_strided_slice %add3A_43 {offsets = [3, 0], sizes = [1, 16], strides = [1, 1]} : vector<10x32xf32> to vector<1x16xf32>
    %mul3A_247 = vector.broadcast %slice3A_245 : vector<1x1xf32> to vector<1x16xf32>
    %mul3A_248 = arith.mulf %mul3A_247, %slice3A_246 : vector<1x16xf32>
    %add3A_249 = arith.addf %broadcast_in_dim3A_228, %mul3A_248 : vector<1x16xf32>
    %div3A_250 = vector.broadcast %add3A_239 : vector<1x1xf32> to vector<1x16xf32>
    %div3A_251 = arith.divf %add3A_249, %div3A_250 : vector<1x16xf32>
    %slice3A_252 = vector.extract_strided_slice %slice3A_66 {offsets = [3, 0], sizes = [1, 1], strides = [1, 1]} : vector<10x1xf32> to vector<1x1xf32>
    %slice3A_253 = vector.extract_strided_slice %add3A_43 {offsets = [3, 16], sizes = [1, 16], strides = [1, 1]} : vector<10x32xf32> to vector<1x16xf32>
    %mul3A_254 = vector.broadcast %slice3A_252 : vector<1x1xf32> to vector<1x16xf32>
    %mul3A_255 = arith.mulf %mul3A_254, %slice3A_253 : vector<1x16xf32>
    %add3A_256 = arith.addf %broadcast_in_dim3A_234, %mul3A_255 : vector<1x16xf32>
    %div3A_257 = vector.broadcast %add3A_244 : vector<1x1xf32> to vector<1x16xf32>
    %div3A_258 = arith.divf %add3A_256, %div3A_257 : vector<1x16xf32>
    %concatenate3A_259 = tpu.concatenate %div3A_251, %div3A_258 in 1 : vector<1x16xf32>, vector<1x16xf32> -> vector<1x32xf32>
    %slice3A_260 = vector.extract_strided_slice %add3A_53 {offsets = [4, 0], sizes = [1, 32], strides = [1, 1]} : vector<10x32xf32> to vector<1x32xf32>
    %add3A_261 = vector.broadcast %slice3A_260 : vector<1x32xf32> to vector<1000x32xf32>
    %add3A_262 = arith.addf %get3A_56, %add3A_261 : vector<1000x32xf32>
    %mul3A_263 = arith.constant 2.000000e-01 : f32
    %mul3A_264 = vector.broadcast %mul3A_263 : f32 to vector<1000x32xf32>
    %mul3A_265 = arith.mulf %mul3A_264, %add3A_262 : vector<1000x32xf32>
    %max3A_266 = arith.maximumf %add3A_262, %mul3A_265 : vector<1000x32xf32>
    %dot_general3A_267 = arith.constant dense<0.000000e+00> : vector<1000x2xf32>
    %dot_general3A_268 = tpu.matmul %max3A_266, %get3A_59, %dot_general3A_267 {dimension_numbers = #tpu.dot_dimension_numbers<[1], [0], [0], [1], [0, 0, 1, 1], [], []>, transpose_lhs_hint = false} : vector<1000x32xf32>, vector<32x2xf32>, vector<1000x2xf32> -> vector<1000x2xf32>
    %exp3A_269 = math.exp %dot_general3A_268 : vector<1000x2xf32>
    %slice3A_270 = vector.extract_strided_slice %exp3A_269 {offsets = [0, 0], sizes = [1000, 1], strides = [1, 1]} : vector<1000x2xf32> to vector<1000x1xf32>
    %slice3A_271 = vector.extract_strided_slice %exp3A_269 {offsets = [0, 1], sizes = [1000, 1], strides = [1, 1]} : vector<1000x2xf32> to vector<1000x1xf32>
    %slice3A_272 = vector.extract_strided_slice %get3A_56 {offsets = [0, 0], sizes = [1000, 16], strides = [1, 1]} : vector<1000x32xf32> to vector<1000x16xf32>
    %mul3A_273 = vector.broadcast %slice3A_270 : vector<1000x1xf32> to vector<1000x16xf32>
    %mul3A_274 = arith.mulf %mul3A_273, %slice3A_272 : vector<1000x16xf32>
    %reduce_sum3A_275 = arith.constant dense<0.000000e+00> : vector<16xf32>
    %reduce_sum3A_276 = vector.multi_reduction <add>, %mul3A_274, %reduce_sum3A_275 [0] : vector<1000x16xf32> to vector<16xf32>
    %broadcast_in_dim3A_277 = vector.shape_cast %reduce_sum3A_276 : vector<16xf32> to vector<1x16xf32>
    %slice3A_278 = vector.extract_strided_slice %get3A_56 {offsets = [0, 16], sizes = [1000, 16], strides = [1, 1]} : vector<1000x32xf32> to vector<1000x16xf32>
    %mul3A_279 = vector.broadcast %slice3A_271 : vector<1000x1xf32> to vector<1000x16xf32>
    %mul3A_280 = arith.mulf %mul3A_279, %slice3A_278 : vector<1000x16xf32>
    %reduce_sum3A_281 = arith.constant dense<0.000000e+00> : vector<16xf32>
    %reduce_sum3A_282 = vector.multi_reduction <add>, %mul3A_280, %reduce_sum3A_281 [0] : vector<1000x16xf32> to vector<16xf32>
    %broadcast_in_dim3A_283 = vector.shape_cast %reduce_sum3A_282 : vector<16xf32> to vector<1x16xf32>
    %reduce_sum3A_284 = arith.constant dense<0.000000e+00> : vector<1xf32>
    %reduce_sum3A_285 = vector.multi_reduction <add>, %slice3A_270, %reduce_sum3A_284 [0] : vector<1000x1xf32> to vector<1xf32>
    %broadcast_in_dim3A_286 = vector.shape_cast %reduce_sum3A_285 : vector<1xf32> to vector<1x1xf32>
    %slice3A_287 = vector.extract_strided_slice %slice3A {offsets = [4, 0], sizes = [1, 1], strides = [1, 1]} : vector<10x1xf32> to vector<1x1xf32>
    %add3A_288 = arith.addf %broadcast_in_dim3A_286, %slice3A_287 : vector<1x1xf32>
    %reduce_sum3A_289 = arith.constant dense<0.000000e+00> : vector<1xf32>
    %reduce_sum3A_290 = vector.multi_reduction <add>, %slice3A_271, %reduce_sum3A_289 [0] : vector<1000x1xf32> to vector<1xf32>
    %broadcast_in_dim3A_291 = vector.shape_cast %reduce_sum3A_290 : vector<1xf32> to vector<1x1xf32>
    %slice3A_292 = vector.extract_strided_slice %slice3A_66 {offsets = [4, 0], sizes = [1, 1], strides = [1, 1]} : vector<10x1xf32> to vector<1x1xf32>
    %add3A_293 = arith.addf %broadcast_in_dim3A_291, %slice3A_292 : vector<1x1xf32>
    %slice3A_294 = vector.extract_strided_slice %slice3A {offsets = [4, 0], sizes = [1, 1], strides = [1, 1]} : vector<10x1xf32> to vector<1x1xf32>
    %slice3A_295 = vector.extract_strided_slice %add3A_43 {offsets = [4, 0], sizes = [1, 16], strides = [1, 1]} : vector<10x32xf32> to vector<1x16xf32>
    %mul3A_296 = vector.broadcast %slice3A_294 : vector<1x1xf32> to vector<1x16xf32>
    %mul3A_297 = arith.mulf %mul3A_296, %slice3A_295 : vector<1x16xf32>
    %add3A_298 = arith.addf %broadcast_in_dim3A_277, %mul3A_297 : vector<1x16xf32>
    %div3A_299 = vector.broadcast %add3A_288 : vector<1x1xf32> to vector<1x16xf32>
    %div3A_300 = arith.divf %add3A_298, %div3A_299 : vector<1x16xf32>
    %slice3A_301 = vector.extract_strided_slice %slice3A_66 {offsets = [4, 0], sizes = [1, 1], strides = [1, 1]} : vector<10x1xf32> to vector<1x1xf32>
    %slice3A_302 = vector.extract_strided_slice %add3A_43 {offsets = [4, 16], sizes = [1, 16], strides = [1, 1]} : vector<10x32xf32> to vector<1x16xf32>
    %mul3A_303 = vector.broadcast %slice3A_301 : vector<1x1xf32> to vector<1x16xf32>
    %mul3A_304 = arith.mulf %mul3A_303, %slice3A_302 : vector<1x16xf32>
    %add3A_305 = arith.addf %broadcast_in_dim3A_283, %mul3A_304 : vector<1x16xf32>
    %div3A_306 = vector.broadcast %add3A_293 : vector<1x1xf32> to vector<1x16xf32>
    %div3A_307 = arith.divf %add3A_305, %div3A_306 : vector<1x16xf32>
    %concatenate3A_308 = tpu.concatenate %div3A_300, %div3A_307 in 1 : vector<1x16xf32>, vector<1x16xf32> -> vector<1x32xf32>
    %slice3A_309 = vector.extract_strided_slice %add3A_53 {offsets = [5, 0], sizes = [1, 32], strides = [1, 1]} : vector<10x32xf32> to vector<1x32xf32>
    %add3A_310 = vector.broadcast %slice3A_309 : vector<1x32xf32> to vector<1000x32xf32>
    %add3A_311 = arith.addf %get3A_56, %add3A_310 : vector<1000x32xf32>
    %mul3A_312 = arith.constant 2.000000e-01 : f32
    %mul3A_313 = vector.broadcast %mul3A_312 : f32 to vector<1000x32xf32>
    %mul3A_314 = arith.mulf %mul3A_313, %add3A_311 : vector<1000x32xf32>
    %max3A_315 = arith.maximumf %add3A_311, %mul3A_314 : vector<1000x32xf32>
    %dot_general3A_316 = arith.constant dense<0.000000e+00> : vector<1000x2xf32>
    %dot_general3A_317 = tpu.matmul %max3A_315, %get3A_59, %dot_general3A_316 {dimension_numbers = #tpu.dot_dimension_numbers<[1], [0], [0], [1], [0, 0, 1, 1], [], []>, transpose_lhs_hint = false} : vector<1000x32xf32>, vector<32x2xf32>, vector<1000x2xf32> -> vector<1000x2xf32>
    %exp3A_318 = math.exp %dot_general3A_317 : vector<1000x2xf32>
    %slice3A_319 = vector.extract_strided_slice %exp3A_318 {offsets = [0, 0], sizes = [1000, 1], strides = [1, 1]} : vector<1000x2xf32> to vector<1000x1xf32>
    %slice3A_320 = vector.extract_strided_slice %exp3A_318 {offsets = [0, 1], sizes = [1000, 1], strides = [1, 1]} : vector<1000x2xf32> to vector<1000x1xf32>
    %slice3A_321 = vector.extract_strided_slice %get3A_56 {offsets = [0, 0], sizes = [1000, 16], strides = [1, 1]} : vector<1000x32xf32> to vector<1000x16xf32>
    %mul3A_322 = vector.broadcast %slice3A_319 : vector<1000x1xf32> to vector<1000x16xf32>
    %mul3A_323 = arith.mulf %mul3A_322, %slice3A_321 : vector<1000x16xf32>
    %reduce_sum3A_324 = arith.constant dense<0.000000e+00> : vector<16xf32>
    %reduce_sum3A_325 = vector.multi_reduction <add>, %mul3A_323, %reduce_sum3A_324 [0] : vector<1000x16xf32> to vector<16xf32>
    %broadcast_in_dim3A_326 = vector.shape_cast %reduce_sum3A_325 : vector<16xf32> to vector<1x16xf32>
    %slice3A_327 = vector.extract_strided_slice %get3A_56 {offsets = [0, 16], sizes = [1000, 16], strides = [1, 1]} : vector<1000x32xf32> to vector<1000x16xf32>
    %mul3A_328 = vector.broadcast %slice3A_320 : vector<1000x1xf32> to vector<1000x16xf32>
    %mul3A_329 = arith.mulf %mul3A_328, %slice3A_327 : vector<1000x16xf32>
    %reduce_sum3A_330 = arith.constant dense<0.000000e+00> : vector<16xf32>
    %reduce_sum3A_331 = vector.multi_reduction <add>, %mul3A_329, %reduce_sum3A_330 [0] : vector<1000x16xf32> to vector<16xf32>
    %broadcast_in_dim3A_332 = vector.shape_cast %reduce_sum3A_331 : vector<16xf32> to vector<1x16xf32>
    %reduce_sum3A_333 = arith.constant dense<0.000000e+00> : vector<1xf32>
    %reduce_sum3A_334 = vector.multi_reduction <add>, %slice3A_319, %reduce_sum3A_333 [0] : vector<1000x1xf32> to vector<1xf32>
    %broadcast_in_dim3A_335 = vector.shape_cast %reduce_sum3A_334 : vector<1xf32> to vector<1x1xf32>
    %slice3A_336 = vector.extract_strided_slice %slice3A {offsets = [5, 0], sizes = [1, 1], strides = [1, 1]} : vector<10x1xf32> to vector<1x1xf32>
    %add3A_337 = arith.addf %broadcast_in_dim3A_335, %slice3A_336 : vector<1x1xf32>
    %reduce_sum3A_338 = arith.constant dense<0.000000e+00> : vector<1xf32>
    %reduce_sum3A_339 = vector.multi_reduction <add>, %slice3A_320, %reduce_sum3A_338 [0] : vector<1000x1xf32> to vector<1xf32>
    %broadcast_in_dim3A_340 = vector.shape_cast %reduce_sum3A_339 : vector<1xf32> to vector<1x1xf32>
    %slice3A_341 = vector.extract_strided_slice %slice3A_66 {offsets = [5, 0], sizes = [1, 1], strides = [1, 1]} : vector<10x1xf32> to vector<1x1xf32>
    %add3A_342 = arith.addf %broadcast_in_dim3A_340, %slice3A_341 : vector<1x1xf32>
    %slice3A_343 = vector.extract_strided_slice %slice3A {offsets = [5, 0], sizes = [1, 1], strides = [1, 1]} : vector<10x1xf32> to vector<1x1xf32>
    %slice3A_344 = vector.extract_strided_slice %add3A_43 {offsets = [5, 0], sizes = [1, 16], strides = [1, 1]} : vector<10x32xf32> to vector<1x16xf32>
    %mul3A_345 = vector.broadcast %slice3A_343 : vector<1x1xf32> to vector<1x16xf32>
    %mul3A_346 = arith.mulf %mul3A_345, %slice3A_344 : vector<1x16xf32>
    %add3A_347 = arith.addf %broadcast_in_dim3A_326, %mul3A_346 : vector<1x16xf32>
    %div3A_348 = vector.broadcast %add3A_337 : vector<1x1xf32> to vector<1x16xf32>
    %div3A_349 = arith.divf %add3A_347, %div3A_348 : vector<1x16xf32>
    %slice3A_350 = vector.extract_strided_slice %slice3A_66 {offsets = [5, 0], sizes = [1, 1], strides = [1, 1]} : vector<10x1xf32> to vector<1x1xf32>
    %slice3A_351 = vector.extract_strided_slice %add3A_43 {offsets = [5, 16], sizes = [1, 16], strides = [1, 1]} : vector<10x32xf32> to vector<1x16xf32>
    %mul3A_352 = vector.broadcast %slice3A_350 : vector<1x1xf32> to vector<1x16xf32>
    %mul3A_353 = arith.mulf %mul3A_352, %slice3A_351 : vector<1x16xf32>
    %add3A_354 = arith.addf %broadcast_in_dim3A_332, %mul3A_353 : vector<1x16xf32>
    %div3A_355 = vector.broadcast %add3A_342 : vector<1x1xf32> to vector<1x16xf32>
    %div3A_356 = arith.divf %add3A_354, %div3A_355 : vector<1x16xf32>
    %concatenate3A_357 = tpu.concatenate %div3A_349, %div3A_356 in 1 : vector<1x16xf32>, vector<1x16xf32> -> vector<1x32xf32>
    %slice3A_358 = vector.extract_strided_slice %add3A_53 {offsets = [6, 0], sizes = [1, 32], strides = [1, 1]} : vector<10x32xf32> to vector<1x32xf32>
    %add3A_359 = vector.broadcast %slice3A_358 : vector<1x32xf32> to vector<1000x32xf32>
    %add3A_360 = arith.addf %get3A_56, %add3A_359 : vector<1000x32xf32>
    %mul3A_361 = arith.constant 2.000000e-01 : f32
    %mul3A_362 = vector.broadcast %mul3A_361 : f32 to vector<1000x32xf32>
    %mul3A_363 = arith.mulf %mul3A_362, %add3A_360 : vector<1000x32xf32>
    %max3A_364 = arith.maximumf %add3A_360, %mul3A_363 : vector<1000x32xf32>
    %dot_general3A_365 = arith.constant dense<0.000000e+00> : vector<1000x2xf32>
    %dot_general3A_366 = tpu.matmul %max3A_364, %get3A_59, %dot_general3A_365 {dimension_numbers = #tpu.dot_dimension_numbers<[1], [0], [0], [1], [0, 0, 1, 1], [], []>, transpose_lhs_hint = false} : vector<1000x32xf32>, vector<32x2xf32>, vector<1000x2xf32> -> vector<1000x2xf32>
    %exp3A_367 = math.exp %dot_general3A_366 : vector<1000x2xf32>
    %slice3A_368 = vector.extract_strided_slice %exp3A_367 {offsets = [0, 0], sizes = [1000, 1], strides = [1, 1]} : vector<1000x2xf32> to vector<1000x1xf32>
    %slice3A_369 = vector.extract_strided_slice %exp3A_367 {offsets = [0, 1], sizes = [1000, 1], strides = [1, 1]} : vector<1000x2xf32> to vector<1000x1xf32>
    %slice3A_370 = vector.extract_strided_slice %get3A_56 {offsets = [0, 0], sizes = [1000, 16], strides = [1, 1]} : vector<1000x32xf32> to vector<1000x16xf32>
    %mul3A_371 = vector.broadcast %slice3A_368 : vector<1000x1xf32> to vector<1000x16xf32>
    %mul3A_372 = arith.mulf %mul3A_371, %slice3A_370 : vector<1000x16xf32>
    %reduce_sum3A_373 = arith.constant dense<0.000000e+00> : vector<16xf32>
    %reduce_sum3A_374 = vector.multi_reduction <add>, %mul3A_372, %reduce_sum3A_373 [0] : vector<1000x16xf32> to vector<16xf32>
    %broadcast_in_dim3A_375 = vector.shape_cast %reduce_sum3A_374 : vector<16xf32> to vector<1x16xf32>
    %slice3A_376 = vector.extract_strided_slice %get3A_56 {offsets = [0, 16], sizes = [1000, 16], strides = [1, 1]} : vector<1000x32xf32> to vector<1000x16xf32>
    %mul3A_377 = vector.broadcast %slice3A_369 : vector<1000x1xf32> to vector<1000x16xf32>
    %mul3A_378 = arith.mulf %mul3A_377, %slice3A_376 : vector<1000x16xf32>
    %reduce_sum3A_379 = arith.constant dense<0.000000e+00> : vector<16xf32>
    %reduce_sum3A_380 = vector.multi_reduction <add>, %mul3A_378, %reduce_sum3A_379 [0] : vector<1000x16xf32> to vector<16xf32>
    %broadcast_in_dim3A_381 = vector.shape_cast %reduce_sum3A_380 : vector<16xf32> to vector<1x16xf32>
    %reduce_sum3A_382 = arith.constant dense<0.000000e+00> : vector<1xf32>
    %reduce_sum3A_383 = vector.multi_reduction <add>, %slice3A_368, %reduce_sum3A_382 [0] : vector<1000x1xf32> to vector<1xf32>
    %broadcast_in_dim3A_384 = vector.shape_cast %reduce_sum3A_383 : vector<1xf32> to vector<1x1xf32>
    %slice3A_385 = vector.extract_strided_slice %slice3A {offsets = [6, 0], sizes = [1, 1], strides = [1, 1]} : vector<10x1xf32> to vector<1x1xf32>
    %add3A_386 = arith.addf %broadcast_in_dim3A_384, %slice3A_385 : vector<1x1xf32>
    %reduce_sum3A_387 = arith.constant dense<0.000000e+00> : vector<1xf32>
    %reduce_sum3A_388 = vector.multi_reduction <add>, %slice3A_369, %reduce_sum3A_387 [0] : vector<1000x1xf32> to vector<1xf32>
    %broadcast_in_dim3A_389 = vector.shape_cast %reduce_sum3A_388 : vector<1xf32> to vector<1x1xf32>
    %slice3A_390 = vector.extract_strided_slice %slice3A_66 {offsets = [6, 0], sizes = [1, 1], strides = [1, 1]} : vector<10x1xf32> to vector<1x1xf32>
    %add3A_391 = arith.addf %broadcast_in_dim3A_389, %slice3A_390 : vector<1x1xf32>
    %slice3A_392 = vector.extract_strided_slice %slice3A {offsets = [6, 0], sizes = [1, 1], strides = [1, 1]} : vector<10x1xf32> to vector<1x1xf32>
    %slice3A_393 = vector.extract_strided_slice %add3A_43 {offsets = [6, 0], sizes = [1, 16], strides = [1, 1]} : vector<10x32xf32> to vector<1x16xf32>
    %mul3A_394 = vector.broadcast %slice3A_392 : vector<1x1xf32> to vector<1x16xf32>
    %mul3A_395 = arith.mulf %mul3A_394, %slice3A_393 : vector<1x16xf32>
    %add3A_396 = arith.addf %broadcast_in_dim3A_375, %mul3A_395 : vector<1x16xf32>
    %div3A_397 = vector.broadcast %add3A_386 : vector<1x1xf32> to vector<1x16xf32>
    %div3A_398 = arith.divf %add3A_396, %div3A_397 : vector<1x16xf32>
    %slice3A_399 = vector.extract_strided_slice %slice3A_66 {offsets = [6, 0], sizes = [1, 1], strides = [1, 1]} : vector<10x1xf32> to vector<1x1xf32>
    %slice3A_400 = vector.extract_strided_slice %add3A_43 {offsets = [6, 16], sizes = [1, 16], strides = [1, 1]} : vector<10x32xf32> to vector<1x16xf32>
    %mul3A_401 = vector.broadcast %slice3A_399 : vector<1x1xf32> to vector<1x16xf32>
    %mul3A_402 = arith.mulf %mul3A_401, %slice3A_400 : vector<1x16xf32>
    %add3A_403 = arith.addf %broadcast_in_dim3A_381, %mul3A_402 : vector<1x16xf32>
    %div3A_404 = vector.broadcast %add3A_391 : vector<1x1xf32> to vector<1x16xf32>
    %div3A_405 = arith.divf %add3A_403, %div3A_404 : vector<1x16xf32>
    %concatenate3A_406 = tpu.concatenate %div3A_398, %div3A_405 in 1 : vector<1x16xf32>, vector<1x16xf32> -> vector<1x32xf32>
    %slice3A_407 = vector.extract_strided_slice %add3A_53 {offsets = [7, 0], sizes = [1, 32], strides = [1, 1]} : vector<10x32xf32> to vector<1x32xf32>
    %add3A_408 = vector.broadcast %slice3A_407 : vector<1x32xf32> to vector<1000x32xf32>
    %add3A_409 = arith.addf %get3A_56, %add3A_408 : vector<1000x32xf32>
    %mul3A_410 = arith.constant 2.000000e-01 : f32
    %mul3A_411 = vector.broadcast %mul3A_410 : f32 to vector<1000x32xf32>
    %mul3A_412 = arith.mulf %mul3A_411, %add3A_409 : vector<1000x32xf32>
    %max3A_413 = arith.maximumf %add3A_409, %mul3A_412 : vector<1000x32xf32>
    %dot_general3A_414 = arith.constant dense<0.000000e+00> : vector<1000x2xf32>
    %dot_general3A_415 = tpu.matmul %max3A_413, %get3A_59, %dot_general3A_414 {dimension_numbers = #tpu.dot_dimension_numbers<[1], [0], [0], [1], [0, 0, 1, 1], [], []>, transpose_lhs_hint = false} : vector<1000x32xf32>, vector<32x2xf32>, vector<1000x2xf32> -> vector<1000x2xf32>
    %exp3A_416 = math.exp %dot_general3A_415 : vector<1000x2xf32>
    %slice3A_417 = vector.extract_strided_slice %exp3A_416 {offsets = [0, 0], sizes = [1000, 1], strides = [1, 1]} : vector<1000x2xf32> to vector<1000x1xf32>
    %slice3A_418 = vector.extract_strided_slice %exp3A_416 {offsets = [0, 1], sizes = [1000, 1], strides = [1, 1]} : vector<1000x2xf32> to vector<1000x1xf32>
    %slice3A_419 = vector.extract_strided_slice %get3A_56 {offsets = [0, 0], sizes = [1000, 16], strides = [1, 1]} : vector<1000x32xf32> to vector<1000x16xf32>
    %mul3A_420 = vector.broadcast %slice3A_417 : vector<1000x1xf32> to vector<1000x16xf32>
    %mul3A_421 = arith.mulf %mul3A_420, %slice3A_419 : vector<1000x16xf32>
    %reduce_sum3A_422 = arith.constant dense<0.000000e+00> : vector<16xf32>
    %reduce_sum3A_423 = vector.multi_reduction <add>, %mul3A_421, %reduce_sum3A_422 [0] : vector<1000x16xf32> to vector<16xf32>
    %broadcast_in_dim3A_424 = vector.shape_cast %reduce_sum3A_423 : vector<16xf32> to vector<1x16xf32>
    %slice3A_425 = vector.extract_strided_slice %get3A_56 {offsets = [0, 16], sizes = [1000, 16], strides = [1, 1]} : vector<1000x32xf32> to vector<1000x16xf32>
    %mul3A_426 = vector.broadcast %slice3A_418 : vector<1000x1xf32> to vector<1000x16xf32>
    %mul3A_427 = arith.mulf %mul3A_426, %slice3A_425 : vector<1000x16xf32>
    %reduce_sum3A_428 = arith.constant dense<0.000000e+00> : vector<16xf32>
    %reduce_sum3A_429 = vector.multi_reduction <add>, %mul3A_427, %reduce_sum3A_428 [0] : vector<1000x16xf32> to vector<16xf32>
    %broadcast_in_dim3A_430 = vector.shape_cast %reduce_sum3A_429 : vector<16xf32> to vector<1x16xf32>
    %reduce_sum3A_431 = arith.constant dense<0.000000e+00> : vector<1xf32>
    %reduce_sum3A_432 = vector.multi_reduction <add>, %slice3A_417, %reduce_sum3A_431 [0] : vector<1000x1xf32> to vector<1xf32>
    %broadcast_in_dim3A_433 = vector.shape_cast %reduce_sum3A_432 : vector<1xf32> to vector<1x1xf32>
    %slice3A_434 = vector.extract_strided_slice %slice3A {offsets = [7, 0], sizes = [1, 1], strides = [1, 1]} : vector<10x1xf32> to vector<1x1xf32>
    %add3A_435 = arith.addf %broadcast_in_dim3A_433, %slice3A_434 : vector<1x1xf32>
    %reduce_sum3A_436 = arith.constant dense<0.000000e+00> : vector<1xf32>
    %reduce_sum3A_437 = vector.multi_reduction <add>, %slice3A_418, %reduce_sum3A_436 [0] : vector<1000x1xf32> to vector<1xf32>
    %broadcast_in_dim3A_438 = vector.shape_cast %reduce_sum3A_437 : vector<1xf32> to vector<1x1xf32>
    %slice3A_439 = vector.extract_strided_slice %slice3A_66 {offsets = [7, 0], sizes = [1, 1], strides = [1, 1]} : vector<10x1xf32> to vector<1x1xf32>
    %add3A_440 = arith.addf %broadcast_in_dim3A_438, %slice3A_439 : vector<1x1xf32>
    %slice3A_441 = vector.extract_strided_slice %slice3A {offsets = [7, 0], sizes = [1, 1], strides = [1, 1]} : vector<10x1xf32> to vector<1x1xf32>
    %slice3A_442 = vector.extract_strided_slice %add3A_43 {offsets = [7, 0], sizes = [1, 16], strides = [1, 1]} : vector<10x32xf32> to vector<1x16xf32>
    %mul3A_443 = vector.broadcast %slice3A_441 : vector<1x1xf32> to vector<1x16xf32>
    %mul3A_444 = arith.mulf %mul3A_443, %slice3A_442 : vector<1x16xf32>
    %add3A_445 = arith.addf %broadcast_in_dim3A_424, %mul3A_444 : vector<1x16xf32>
    %div3A_446 = vector.broadcast %add3A_435 : vector<1x1xf32> to vector<1x16xf32>
    %div3A_447 = arith.divf %add3A_445, %div3A_446 : vector<1x16xf32>
    %slice3A_448 = vector.extract_strided_slice %slice3A_66 {offsets = [7, 0], sizes = [1, 1], strides = [1, 1]} : vector<10x1xf32> to vector<1x1xf32>
    %slice3A_449 = vector.extract_strided_slice %add3A_43 {offsets = [7, 16], sizes = [1, 16], strides = [1, 1]} : vector<10x32xf32> to vector<1x16xf32>
    %mul3A_450 = vector.broadcast %slice3A_448 : vector<1x1xf32> to vector<1x16xf32>
    %mul3A_451 = arith.mulf %mul3A_450, %slice3A_449 : vector<1x16xf32>
    %add3A_452 = arith.addf %broadcast_in_dim3A_430, %mul3A_451 : vector<1x16xf32>
    %div3A_453 = vector.broadcast %add3A_440 : vector<1x1xf32> to vector<1x16xf32>
    %div3A_454 = arith.divf %add3A_452, %div3A_453 : vector<1x16xf32>
    %concatenate3A_455 = tpu.concatenate %div3A_447, %div3A_454 in 1 : vector<1x16xf32>, vector<1x16xf32> -> vector<1x32xf32>
    %slice3A_456 = vector.extract_strided_slice %add3A_53 {offsets = [8, 0], sizes = [1, 32], strides = [1, 1]} : vector<10x32xf32> to vector<1x32xf32>
    %add3A_457 = vector.broadcast %slice3A_456 : vector<1x32xf32> to vector<1000x32xf32>
    %add3A_458 = arith.addf %get3A_56, %add3A_457 : vector<1000x32xf32>
    %mul3A_459 = arith.constant 2.000000e-01 : f32
    %mul3A_460 = vector.broadcast %mul3A_459 : f32 to vector<1000x32xf32>
    %mul3A_461 = arith.mulf %mul3A_460, %add3A_458 : vector<1000x32xf32>
    %max3A_462 = arith.maximumf %add3A_458, %mul3A_461 : vector<1000x32xf32>
    %dot_general3A_463 = arith.constant dense<0.000000e+00> : vector<1000x2xf32>
    %dot_general3A_464 = tpu.matmul %max3A_462, %get3A_59, %dot_general3A_463 {dimension_numbers = #tpu.dot_dimension_numbers<[1], [0], [0], [1], [0, 0, 1, 1], [], []>, transpose_lhs_hint = false} : vector<1000x32xf32>, vector<32x2xf32>, vector<1000x2xf32> -> vector<1000x2xf32>
    %exp3A_465 = math.exp %dot_general3A_464 : vector<1000x2xf32>
    %slice3A_466 = vector.extract_strided_slice %exp3A_465 {offsets = [0, 0], sizes = [1000, 1], strides = [1, 1]} : vector<1000x2xf32> to vector<1000x1xf32>
    %slice3A_467 = vector.extract_strided_slice %exp3A_465 {offsets = [0, 1], sizes = [1000, 1], strides = [1, 1]} : vector<1000x2xf32> to vector<1000x1xf32>
    %slice3A_468 = vector.extract_strided_slice %get3A_56 {offsets = [0, 0], sizes = [1000, 16], strides = [1, 1]} : vector<1000x32xf32> to vector<1000x16xf32>
    %mul3A_469 = vector.broadcast %slice3A_466 : vector<1000x1xf32> to vector<1000x16xf32>
    %mul3A_470 = arith.mulf %mul3A_469, %slice3A_468 : vector<1000x16xf32>
    %reduce_sum3A_471 = arith.constant dense<0.000000e+00> : vector<16xf32>
    %reduce_sum3A_472 = vector.multi_reduction <add>, %mul3A_470, %reduce_sum3A_471 [0] : vector<1000x16xf32> to vector<16xf32>
    %broadcast_in_dim3A_473 = vector.shape_cast %reduce_sum3A_472 : vector<16xf32> to vector<1x16xf32>
    %slice3A_474 = vector.extract_strided_slice %get3A_56 {offsets = [0, 16], sizes = [1000, 16], strides = [1, 1]} : vector<1000x32xf32> to vector<1000x16xf32>
    %mul3A_475 = vector.broadcast %slice3A_467 : vector<1000x1xf32> to vector<1000x16xf32>
    %mul3A_476 = arith.mulf %mul3A_475, %slice3A_474 : vector<1000x16xf32>
    %reduce_sum3A_477 = arith.constant dense<0.000000e+00> : vector<16xf32>
    %reduce_sum3A_478 = vector.multi_reduction <add>, %mul3A_476, %reduce_sum3A_477 [0] : vector<1000x16xf32> to vector<16xf32>
    %broadcast_in_dim3A_479 = vector.shape_cast %reduce_sum3A_478 : vector<16xf32> to vector<1x16xf32>
    %reduce_sum3A_480 = arith.constant dense<0.000000e+00> : vector<1xf32>
    %reduce_sum3A_481 = vector.multi_reduction <add>, %slice3A_466, %reduce_sum3A_480 [0] : vector<1000x1xf32> to vector<1xf32>
    %broadcast_in_dim3A_482 = vector.shape_cast %reduce_sum3A_481 : vector<1xf32> to vector<1x1xf32>
    %slice3A_483 = vector.extract_strided_slice %slice3A {offsets = [8, 0], sizes = [1, 1], strides = [1, 1]} : vector<10x1xf32> to vector<1x1xf32>
    %add3A_484 = arith.addf %broadcast_in_dim3A_482, %slice3A_483 : vector<1x1xf32>
    %reduce_sum3A_485 = arith.constant dense<0.000000e+00> : vector<1xf32>
    %reduce_sum3A_486 = vector.multi_reduction <add>, %slice3A_467, %reduce_sum3A_485 [0] : vector<1000x1xf32> to vector<1xf32>
    %broadcast_in_dim3A_487 = vector.shape_cast %reduce_sum3A_486 : vector<1xf32> to vector<1x1xf32>
    %slice3A_488 = vector.extract_strided_slice %slice3A_66 {offsets = [8, 0], sizes = [1, 1], strides = [1, 1]} : vector<10x1xf32> to vector<1x1xf32>
    %add3A_489 = arith.addf %broadcast_in_dim3A_487, %slice3A_488 : vector<1x1xf32>
    %slice3A_490 = vector.extract_strided_slice %slice3A {offsets = [8, 0], sizes = [1, 1], strides = [1, 1]} : vector<10x1xf32> to vector<1x1xf32>
    %slice3A_491 = vector.extract_strided_slice %add3A_43 {offsets = [8, 0], sizes = [1, 16], strides = [1, 1]} : vector<10x32xf32> to vector<1x16xf32>
    %mul3A_492 = vector.broadcast %slice3A_490 : vector<1x1xf32> to vector<1x16xf32>
    %mul3A_493 = arith.mulf %mul3A_492, %slice3A_491 : vector<1x16xf32>
    %add3A_494 = arith.addf %broadcast_in_dim3A_473, %mul3A_493 : vector<1x16xf32>
    %div3A_495 = vector.broadcast %add3A_484 : vector<1x1xf32> to vector<1x16xf32>
    %div3A_496 = arith.divf %add3A_494, %div3A_495 : vector<1x16xf32>
    %slice3A_497 = vector.extract_strided_slice %slice3A_66 {offsets = [8, 0], sizes = [1, 1], strides = [1, 1]} : vector<10x1xf32> to vector<1x1xf32>
    %slice3A_498 = vector.extract_strided_slice %add3A_43 {offsets = [8, 16], sizes = [1, 16], strides = [1, 1]} : vector<10x32xf32> to vector<1x16xf32>
    %mul3A_499 = vector.broadcast %slice3A_497 : vector<1x1xf32> to vector<1x16xf32>
    %mul3A_500 = arith.mulf %mul3A_499, %slice3A_498 : vector<1x16xf32>
    %add3A_501 = arith.addf %broadcast_in_dim3A_479, %mul3A_500 : vector<1x16xf32>
    %div3A_502 = vector.broadcast %add3A_489 : vector<1x1xf32> to vector<1x16xf32>
    %div3A_503 = arith.divf %add3A_501, %div3A_502 : vector<1x16xf32>
    %concatenate3A_504 = tpu.concatenate %div3A_496, %div3A_503 in 1 : vector<1x16xf32>, vector<1x16xf32> -> vector<1x32xf32>
    %slice3A_505 = vector.extract_strided_slice %add3A_53 {offsets = [9, 0], sizes = [1, 32], strides = [1, 1]} : vector<10x32xf32> to vector<1x32xf32>
    %add3A_506 = vector.broadcast %slice3A_505 : vector<1x32xf32> to vector<1000x32xf32>
    %add3A_507 = arith.addf %get3A_56, %add3A_506 : vector<1000x32xf32>
    %mul3A_508 = arith.constant 2.000000e-01 : f32
    %mul3A_509 = vector.broadcast %mul3A_508 : f32 to vector<1000x32xf32>
    %mul3A_510 = arith.mulf %mul3A_509, %add3A_507 : vector<1000x32xf32>
    %max3A_511 = arith.maximumf %add3A_507, %mul3A_510 : vector<1000x32xf32>
    %dot_general3A_512 = arith.constant dense<0.000000e+00> : vector<1000x2xf32>
    %dot_general3A_513 = tpu.matmul %max3A_511, %get3A_59, %dot_general3A_512 {dimension_numbers = #tpu.dot_dimension_numbers<[1], [0], [0], [1], [0, 0, 1, 1], [], []>, transpose_lhs_hint = false} : vector<1000x32xf32>, vector<32x2xf32>, vector<1000x2xf32> -> vector<1000x2xf32>
    %exp3A_514 = math.exp %dot_general3A_513 : vector<1000x2xf32>
    %slice3A_515 = vector.extract_strided_slice %exp3A_514 {offsets = [0, 0], sizes = [1000, 1], strides = [1, 1]} : vector<1000x2xf32> to vector<1000x1xf32>
    %slice3A_516 = vector.extract_strided_slice %exp3A_514 {offsets = [0, 1], sizes = [1000, 1], strides = [1, 1]} : vector<1000x2xf32> to vector<1000x1xf32>
    %slice3A_517 = vector.extract_strided_slice %get3A_56 {offsets = [0, 0], sizes = [1000, 16], strides = [1, 1]} : vector<1000x32xf32> to vector<1000x16xf32>
    %mul3A_518 = vector.broadcast %slice3A_515 : vector<1000x1xf32> to vector<1000x16xf32>
    %mul3A_519 = arith.mulf %mul3A_518, %slice3A_517 : vector<1000x16xf32>
    %reduce_sum3A_520 = arith.constant dense<0.000000e+00> : vector<16xf32>
    %reduce_sum3A_521 = vector.multi_reduction <add>, %mul3A_519, %reduce_sum3A_520 [0] : vector<1000x16xf32> to vector<16xf32>
    %broadcast_in_dim3A_522 = vector.shape_cast %reduce_sum3A_521 : vector<16xf32> to vector<1x16xf32>
    %slice3A_523 = vector.extract_strided_slice %get3A_56 {offsets = [0, 16], sizes = [1000, 16], strides = [1, 1]} : vector<1000x32xf32> to vector<1000x16xf32>
    %mul3A_524 = vector.broadcast %slice3A_516 : vector<1000x1xf32> to vector<1000x16xf32>
    %mul3A_525 = arith.mulf %mul3A_524, %slice3A_523 : vector<1000x16xf32>
    %reduce_sum3A_526 = arith.constant dense<0.000000e+00> : vector<16xf32>
    %reduce_sum3A_527 = vector.multi_reduction <add>, %mul3A_525, %reduce_sum3A_526 [0] : vector<1000x16xf32> to vector<16xf32>
    %broadcast_in_dim3A_528 = vector.shape_cast %reduce_sum3A_527 : vector<16xf32> to vector<1x16xf32>
    %reduce_sum3A_529 = arith.constant dense<0.000000e+00> : vector<1xf32>
    %reduce_sum3A_530 = vector.multi_reduction <add>, %slice3A_515, %reduce_sum3A_529 [0] : vector<1000x1xf32> to vector<1xf32>
    %broadcast_in_dim3A_531 = vector.shape_cast %reduce_sum3A_530 : vector<1xf32> to vector<1x1xf32>
    %slice3A_532 = vector.extract_strided_slice %slice3A {offsets = [9, 0], sizes = [1, 1], strides = [1, 1]} : vector<10x1xf32> to vector<1x1xf32>
    %add3A_533 = arith.addf %broadcast_in_dim3A_531, %slice3A_532 : vector<1x1xf32>
    %reduce_sum3A_534 = arith.constant dense<0.000000e+00> : vector<1xf32>
    %reduce_sum3A_535 = vector.multi_reduction <add>, %slice3A_516, %reduce_sum3A_534 [0] : vector<1000x1xf32> to vector<1xf32>
    %broadcast_in_dim3A_536 = vector.shape_cast %reduce_sum3A_535 : vector<1xf32> to vector<1x1xf32>
    %slice3A_537 = vector.extract_strided_slice %slice3A_66 {offsets = [9, 0], sizes = [1, 1], strides = [1, 1]} : vector<10x1xf32> to vector<1x1xf32>
    %add3A_538 = arith.addf %broadcast_in_dim3A_536, %slice3A_537 : vector<1x1xf32>
    %slice3A_539 = vector.extract_strided_slice %slice3A {offsets = [9, 0], sizes = [1, 1], strides = [1, 1]} : vector<10x1xf32> to vector<1x1xf32>
    %slice3A_540 = vector.extract_strided_slice %add3A_43 {offsets = [9, 0], sizes = [1, 16], strides = [1, 1]} : vector<10x32xf32> to vector<1x16xf32>
    %mul3A_541 = vector.broadcast %slice3A_539 : vector<1x1xf32> to vector<1x16xf32>
    %mul3A_542 = arith.mulf %mul3A_541, %slice3A_540 : vector<1x16xf32>
    %add3A_543 = arith.addf %broadcast_in_dim3A_522, %mul3A_542 : vector<1x16xf32>
    %div3A_544 = vector.broadcast %add3A_533 : vector<1x1xf32> to vector<1x16xf32>
    %div3A_545 = arith.divf %add3A_543, %div3A_544 : vector<1x16xf32>
    %slice3A_546 = vector.extract_strided_slice %slice3A_66 {offsets = [9, 0], sizes = [1, 1], strides = [1, 1]} : vector<10x1xf32> to vector<1x1xf32>
    %slice3A_547 = vector.extract_strided_slice %add3A_43 {offsets = [9, 16], sizes = [1, 16], strides = [1, 1]} : vector<10x32xf32> to vector<1x16xf32>
    %mul3A_548 = vector.broadcast %slice3A_546 : vector<1x1xf32> to vector<1x16xf32>
    %mul3A_549 = arith.mulf %mul3A_548, %slice3A_547 : vector<1x16xf32>
    %add3A_550 = arith.addf %broadcast_in_dim3A_528, %mul3A_549 : vector<1x16xf32>
    %div3A_551 = vector.broadcast %add3A_538 : vector<1x1xf32> to vector<1x16xf32>
    %div3A_552 = arith.divf %add3A_550, %div3A_551 : vector<1x16xf32>
    %concatenate3A_553 = tpu.concatenate %div3A_545, %div3A_552 in 1 : vector<1x16xf32>, vector<1x16xf32> -> vector<1x32xf32>
    %concatenate3A_554 = tpu.concatenate %concatenate3A_112, %concatenate3A_161, %concatenate3A_210, %concatenate3A_259, %concatenate3A_308, %concatenate3A_357, %concatenate3A_406, %concatenate3A_455, %concatenate3A_504, %concatenate3A_553 in 0 : vector<1x32xf32>, vector<1x32xf32>, vector<1x32xf32>, vector<1x32xf32>, vector<1x32xf32>, vector<1x32xf32>, vector<1x32xf32>, vector<1x32xf32>, vector<1x32xf32>, vector<1x32xf32> -> vector<10x32xf32>
    %get3A_555 = arith.constant 0 : index
    %get3A_556 = arith.constant 0 : index
    %get3A_557 = vector.load %arg14[%get3A_555, %get3A_556] : memref<1x32xf32, #tpu.memory_space<vmem>>, vector<1x32xf32>
    %add3A_558 = vector.broadcast %get3A_557 : vector<1x32xf32> to vector<10x32xf32>
    %add3A_559 = arith.addf %concatenate3A_554, %add3A_558 : vector<10x32xf32>
    %get3A_560 = arith.constant 0 : index
    %get3A_561 = arith.constant 0 : index
    %get3A_562 = vector.load %arg15[%get3A_560, %get3A_561] : memref<32x16xf32, #tpu.memory_space<vmem>>, vector<32x16xf32>
    %dot_general3A_563 = arith.constant dense<0.000000e+00> : vector<10x16xf32>
    %dot_general3A_564 = tpu.matmul %add3A_559, %get3A_562, %dot_general3A_563 {dimension_numbers = #tpu.dot_dimension_numbers<[1], [0], [0], [1], [0, 0, 1, 1], [], []>, transpose_lhs_hint = false} : vector<10x32xf32>, vector<32x16xf32>, vector<10x16xf32> -> vector<10x16xf32>
    %get3A_565 = arith.constant 0 : index
    %get3A_566 = arith.constant 0 : index
    %get3A_567 = vector.load %arg16[%get3A_565, %get3A_566] : memref<1x16xf32, #tpu.memory_space<vmem>>, vector<1x16xf32>
    %add3A_568 = vector.broadcast %get3A_567 : vector<1x16xf32> to vector<10x16xf32>
    %add3A_569 = arith.addf %dot_general3A_564, %add3A_568 : vector<10x16xf32>
    %max3A_570 = arith.constant 0.000000e+00 : f32
    %max3A_571 = vector.broadcast %max3A_570 : f32 to vector<10x16xf32>
    %max3A_572 = arith.maximumf %add3A_569, %max3A_571 : vector<10x16xf32>
    %get3A_573 = arith.constant 0 : index
    %get3A_574 = arith.constant 0 : index
    %get3A_575 = vector.load %arg17[%get3A_573, %get3A_574] : memref<16x1xf32, #tpu.memory_space<vmem>>, vector<16x1xf32>
    %dot_general3A_576 = arith.constant dense<0.000000e+00> : vector<10x1xf32>
    %dot_general3A_577 = tpu.matmul %max3A_572, %get3A_575, %dot_general3A_576 {dimension_numbers = #tpu.dot_dimension_numbers<[1], [0], [0], [1], [0, 0, 1, 1], [], []>, transpose_lhs_hint = false} : vector<10x16xf32>, vector<16x1xf32>, vector<10x1xf32> -> vector<10x1xf32>
    %get3A_578 = arith.constant 0 : index
    %get3A_579 = arith.constant 0 : index
    %get3A_580 = vector.load %arg18[%get3A_578, %get3A_579] : memref<1x1xf32, #tpu.memory_space<vmem>>, vector<1x1xf32>
    %add3A_581 = vector.broadcast %get3A_580 : vector<1x1xf32> to vector<10x1xf32>
    %add3A_582 = arith.addf %dot_general3A_577, %add3A_581 : vector<10x1xf32>
    %swap3A = arith.constant 0 : index
    %swap3A_583 = arith.constant 0 : index
    %swap3A_584 = arith.constant 0 : index
    %swap3A_585 = vector.load %arg19[%swap3A, %swap3A_583, %swap3A_584] : memref<1x10x1xf32, #tpu.memory_space<vmem>>, vector<1x10x1xf32>
    %swap3A_586 = vector.shape_cast %swap3A_585 : vector<1x10x1xf32> to vector<10x1xf32>
    %swap3A_587 = vector.shape_cast %add3A_582 : vector<10x1xf32> to vector<1x10x1xf32>
    tpu.vector_store %arg19[%swap3A, %swap3A_583, %swap3A_584], %swap3A_587 {strides = array<i32>} : memref<1x10x1xf32, #tpu.memory_space<vmem>>, vector<1x10x1xf32>,
    return
  }
  func.func @transform_0(%arg0: i32) -> (i32, i32) {
    %c0_i32 = arith.constant 0 : i32
    %c0_i32_0 = arith.constant 0 : i32
    return %arg0, %c0_i32 : i32, i32
  }
  func.func @transform_1(%arg0: i32) -> (i32, i32, i32) {
    %c0_i32 = arith.constant 0 : i32
    %c0_i32_0 = arith.constant 0 : i32
    %c0_i32_1 = arith.constant 0 : i32
    return %arg0, %c0_i32, %c0_i32_0 : i32, i32, i32
  }
  func.func @transform_2(%arg0: i32) -> (i32, i32, i32) {
    %c0_i32 = arith.constant 0 : i32
    %c0_i32_0 = arith.constant 0 : i32
    %c0_i32_1 = arith.constant 0 : i32
    return %arg0, %c0_i32, %c0_i32_0 : i32, i32, i32
  }
  func.func @transform_3(%arg0: i32) -> (i32, i32, i32) {
    %c0_i32 = arith.constant 0 : i32
    %c0_i32_0 = arith.constant 0 : i32
    %c0_i32_1 = arith.constant 0 : i32
    return %arg0, %c0_i32, %c0_i32_0 : i32, i32, i32
  }
  func.func @transform_4(%arg0: i32) -> (i32, i32) {
    %c0_i32 = arith.constant 0 : i32
    %c0_i32_0 = arith.constant 0 : i32
    %c0_i32_1 = arith.constant 0 : i32
    return %c0_i32, %c0_i32_0 : i32, i32
  }
  func.func @transform_5(%arg0: i32) -> (i32, i32) {
    %c0_i32 = arith.constant 0 : i32
    %c0_i32_0 = arith.constant 0 : i32
    %c0_i32_1 = arith.constant 0 : i32
    return %c0_i32, %c0_i32_0 : i32, i32
  }
  func.func @transform_6(%arg0: i32) -> (i32, i32) {
    %c0_i32 = arith.constant 0 : i32
    %c0_i32_0 = arith.constant 0 : i32
    %c0_i32_1 = arith.constant 0 : i32
    return %c0_i32, %c0_i32_0 : i32, i32
  }
  func.func @transform_7(%arg0: i32) -> (i32, i32) {
    %c0_i32 = arith.constant 0 : i32
    %c0_i32_0 = arith.constant 0 : i32
    %c0_i32_1 = arith.constant 0 : i32
    return %c0_i32, %c0_i32_0 : i32, i32
  }
  func.func @transform_8(%arg0: i32) -> (i32, i32) {
    %c0_i32 = arith.constant 0 : i32
    %c0_i32_0 = arith.constant 0 : i32
    %c0_i32_1 = arith.constant 0 : i32
    return %c0_i32, %c0_i32_0 : i32, i32
  }
  func.func @transform_9(%arg0: i32) -> (i32, i32) {
    %c0_i32 = arith.constant 0 : i32
    %c0_i32_0 = arith.constant 0 : i32
    %c0_i32_1 = arith.constant 0 : i32
    return %c0_i32, %c0_i32_0 : i32, i32
  }
  func.func @transform_10(%arg0: i32) -> (i32, i32) {
    %c0_i32 = arith.constant 0 : i32
    %c0_i32_0 = arith.constant 0 : i32
    %c0_i32_1 = arith.constant 0 : i32
    return %c0_i32, %c0_i32_0 : i32, i32
  }
  func.func @transform_11(%arg0: i32) -> (i32, i32) {
    %c0_i32 = arith.constant 0 : i32
    %c0_i32_0 = arith.constant 0 : i32
    %c0_i32_1 = arith.constant 0 : i32
    return %c0_i32, %c0_i32_0 : i32, i32
  }
  func.func @transform_12(%arg0: i32) -> (i32, i32) {
    %c0_i32 = arith.constant 0 : i32
    %c0_i32_0 = arith.constant 0 : i32
    %c0_i32_1 = arith.constant 0 : i32
    return %c0_i32, %c0_i32_0 : i32, i32
  }
  func.func @transform_13(%arg0: i32) -> (i32, i32) {
    %c0_i32 = arith.constant 0 : i32
    %c0_i32_0 = arith.constant 0 : i32
    %c0_i32_1 = arith.constant 0 : i32
    return %c0_i32, %c0_i32_0 : i32, i32
  }
  func.func @transform_14(%arg0: i32) -> (i32, i32) {
    %c0_i32 = arith.constant 0 : i32
    %c0_i32_0 = arith.constant 0 : i32
    %c0_i32_1 = arith.constant 0 : i32
    return %c0_i32, %c0_i32_0 : i32, i32
  }
  func.func @transform_15(%arg0: i32) -> (i32, i32) {
    %c0_i32 = arith.constant 0 : i32
    %c0_i32_0 = arith.constant 0 : i32
    %c0_i32_1 = arith.constant 0 : i32
    return %c0_i32, %c0_i32_0 : i32, i32
  }
  func.func @transform_16(%arg0: i32) -> (i32, i32) {
    %c0_i32 = arith.constant 0 : i32
    %c0_i32_0 = arith.constant 0 : i32
    %c0_i32_1 = arith.constant 0 : i32
    return %c0_i32, %c0_i32_0 : i32, i32
  }
  func.func @transform_17(%arg0: i32) -> (i32, i32) {
    %c0_i32 = arith.constant 0 : i32
    %c0_i32_0 = arith.constant 0 : i32
    %c0_i32_1 = arith.constant 0 : i32
    return %c0_i32, %c0_i32_0 : i32, i32
  }
  func.func @transform_18(%arg0: i32) -> (i32, i32, i32) {
    %c0_i32 = arith.constant 0 : i32
    %c0_i32_0 = arith.constant 0 : i32
    %c0_i32_1 = arith.constant 0 : i32
    return %arg0, %c0_i32, %c0_i32_0 : i32, i32, i32
  }
}

</mosaic_0001>

<sc_bundles>
// kernel: kernel.11.cloned.1.call-start
scs
__scs_entry_jumppad:
0x0: {  	(pc) =	sbr.rel $0x88, $3  }
0x1: {  	(tag) =	ssettag $0x0;
	lr =	simm.s32 $0x1  }
0x2: {  	[smem:$0x3F82] =	sst lr;
	_ =	strace $0xD0000000  }
0x3: {  	_ = 	snop  }
0x4: {  	_ = 	snop  }
0x5: {  	_ = 	snop  }
0x6: {  	_ = 	snop  }
0x7: {  	_ = 	snop  }
__scs_overlays_trampoline_lowered:
0x8: {  	[smem:$0x3F91] =	sst s0  }
0x9: {  	[smem:$0x3F92] =	sst s1  }
0xa: {  	[smem:$0x3F93] =	sst s2  }
0xb: {  	[smem:$0x3F94] =	sst s3  }
0xc: {  	[smem:$0x3F95] =	sst s4  }
0xd: {  	[smem:$0x3F96] =	sst s5  }
0xe: {  	[smem:$0x3F97] =	sst s6  }
0xf: {  	[smem:$0x3F98] =	sst s7  }
0x10: {  	[smem:$0x3F99] =	sst s8  }
0x11: {  	[smem:$0x3F9A] =	sst s9;
	s0 =	simm.s32 @!p0 $0x0  }
0x12: {  	s1 =	sld [smem:$0x3F80];
	s0 =	simm.s32 @p0 $0x1  }
0x13: {  	[smem:$0x3F9B] =	sst s0;
	s0 =	simm.s32 @!p1 $0x0  }
0x14: {  	s2 =	sld [smem:$0x3F7F];
	s0 =	simm.s32 @p1 $0x1  }
0x15: {  	[smem:$0x3F9C] =	sst s0;
	s0 =	simm.s32 @!p2 $0x0  }
0x16: {  	s3 =	sld [smem:$0x3FDB];
	s0 =	simm.s32 @p2 $0x1  }
0x17: {  	s4 =	simm.s32 $0x1BF5;
	[smem:$0x3F9E] =	sst s0  }
0x18: {  	s0 =	sld [smem:$0x3F81];
	_ =	swait.ge [sflag:s4], $0x0  }
0x19: {  	s7 =	sld [smem:$0x3F82]  }
0x1a: {  	s8 =	sadd.s32 $0xFFFFE003, lr  }
0x1b: {  	s9 =	sadd.s32 $0xFFFFFEF7, lr;
	s5 =	simm.s32 $0xFFFFFFFF;
	p2 =	slt.u32 s8, $0xFFFFF086  }
0x1c: {  	p1 =	slt.u32 s9, $0xF7A;
	s5 =	simm.s32 @!p2 $0x0  }
0x1d: {  	s5 =	simm.s32 @p1 $0x1;
	p0 =	seq.s32 s7, s2  }
0x1e: {  	s7 =	smul.u32 @!p0 $0xF7A, s2;
	p2 =	seq.s32 @!p0 s5, $0x0  }
0x1f: {  	s9 =	smul.u32 $0xF7A, s1;
	s8 =	simm.s32 @!p0 $0x1BF5;
	p2 =	por !p2, p0  }
0x20: {  	[sflag:s8] =	ssyncset.s32 @!p0 $0xFFFFF086;
	s6 =	sadd.s32 @!p0 s3, s7;
	s7 =	simm.s32 @!p0 $0x108  }
0x21: {  	s3 =	sadd.s32 s3, s9;
	s6 =	sadd.s32 @!p0 $0x88, s6;
	s7 =	simm.s32 @p2 $0x1082  }
0x22: {  	[simem:s7], [sflag:s8] =	dma.local @!p0 [hbm:s6], $0xF7A  }
0x23: {  	s9 =	sor.u32 $0xD0000000, s2;
	s6 =	simm.s32 $0x108;
	_ =	swait.ge @!p0 [sflag:s8], $0x0  }
0x24: {  	s3 =	sadd.s32 $0x88, s3;
	s6 =	simm.s32 @!p1 $0x1082;
	[sflag:s4] =	ssyncset.s32 $0xFFFFF086  }
0x25: {  	[simem:s6], [sflag:s4] =	dma.local [hbm:s3], $0xF7A  }
0x26: {  	[smem:$0x3F82] =	sst s1;
	(tag) =	ssettag s2;
	_ =	strace s9  }
0x27: {  	s1 =	sld [smem:$0x3F92]  }
0x28: {  	s2 =	sld [smem:$0x3F93]  }
0x29: {  	s4 =	sld [smem:$0x3F95]  }
0x2a: {  	p0 =	seq.s32 s5, $0x0;
	s5 =	sld [smem:$0x3F96]  }
0x2b: {  	s6 =	sld [smem:$0x3F97]  }
0x2c: {  	s7 =	sld [smem:$0x3F98]  }
0x2d: {  	s3 =	simm.s32 $0x108;
	s8 =	sld [smem:$0x3F99]  }
0x2e: {  	s3 =	simm.s32 @!p0 $0x1082;
	s9 =	sld [smem:$0x3F9A]  }
0x2f: {  	lr =	sadd.s32 s0, s3;
	s0 =	sld [smem:$0x3F91]  }
0x30: {  	s3 =	sld [smem:$0x3F94]  }
0x31: {  	[smem:$0x3F9D] =	sst s10  }
0x32: {  	s10 =	sld [smem:$0x3F9B];
	_ =	sdelay $0x3  }
0x33: {  	p0 =	seq.s32 s10, $0x1;
	s10 =	sld [smem:$0x3F9D];
	_ =	sdelay $0x3  }
0x34: {  	[smem:$0x3F9D] =	sst s10  }
0x35: {  	s10 =	sld [smem:$0x3F9C];
	_ =	sdelay $0x3  }
0x36: {  	p1 =	seq.s32 s10, $0x1;
	s10 =	sld [smem:$0x3F9D];
	_ =	sdelay $0x3  }
0x37: {  	[smem:$0x3F9D] =	sst s10  }
0x38: {  	s10 =	sld [smem:$0x3F9E]  }
0x39: {  	_ = 	snop;
	(pc) =	sbr.ind lr, $3  }
0x3a: {  	_ = 	snop  }
0x3b: {  	_ = 	snop  }
0x3c: {  	p2 =	seq.s32 s10, $0x1;
	s10 =	sld [smem:$0x3F9D]  }
0x3d: {  	_ =	shalt  }
0x3e: {  	_ =	shalt  }
0x3f: {  	_ =	shalt  }
0x40: {  	_ =	shalt  }
0x41: {  	_ =	shalt  }
0x42: {  	_ =	shalt  }
0x43: {  	_ =	shalt  }
0x44: {  	_ =	shalt  }
0x45: {  	_ =	shalt  }
0x46: {  	_ =	shalt  }
0x47: {  	_ =	shalt  }
0x48: {  	_ =	shalt  }
0x49: {  	_ =	shalt  }
0x4a: {  	_ =	shalt  }
0x4b: {  	_ =	shalt  }
0x4c: {  	_ =	shalt  }
0x4d: {  	_ =	shalt  }
0x4e: {  	_ =	shalt  }
0x4f: {  	_ =	shalt  }
0x50: {  	_ =	shalt  }
0x51: {  	_ =	shalt  }
0x52: {  	_ =	shalt  }
0x53: {  	_ =	shalt  }
0x54: {  	_ =	shalt  }
0x55: {  	_ =	shalt  }
0x56: {  	_ =	shalt  }
0x57: {  	_ =	shalt  }
0x58: {  	_ =	shalt  }
0x59: {  	_ =	shalt  }
0x5a: {  	_ =	shalt  }
0x5b: {  	_ =	shalt  }
0x5c: {  	_ =	shalt  }
0x5d: {  	_ =	shalt  }
0x5e: {  	_ =	shalt  }
0x5f: {  	_ =	shalt  }
0x60: {  	_ =	shalt  }
0x61: {  	_ =	shalt  }
0x62: {  	_ =	shalt  }
0x63: {  	_ =	shalt  }
0x64: {  	_ =	shalt  }
0x65: {  	_ =	shalt  }
0x66: {  	_ =	shalt  }
0x67: {  	_ =	shalt  }
0x68: {  	_ =	shalt  }
0x69: {  	_ =	shalt  }
0x6a: {  	_ =	shalt  }
0x6b: {  	_ =	shalt  }
0x6c: {  	_ =	shalt  }
0x6d: {  	_ =	shalt  }
0x6e: {  	_ =	shalt  }
0x6f: {  	_ =	shalt  }
0x70: {  	_ =	shalt  }
0x71: {  	_ =	shalt  }
0x72: {  	_ =	shalt  }
0x73: {  	_ =	shalt  }
0x74: {  	_ =	shalt  }
0x75: {  	_ =	shalt  }
0x76: {  	_ =	shalt  }
0x77: {  	_ =	shalt  }
0x78: {  	_ =	shalt  }
0x79: {  	_ =	shalt  }
0x7a: {  	_ =	shalt  }
0x7b: {  	_ =	shalt  }
0x7c: {  	_ =	shalt  }
0x7d: {  	_ =	shalt  }
0x7e: {  	_ =	shalt  }
0x7f: {  	_ =	shalt  }
0x80: {  	_ =	shalt  }
0x81: {  	_ =	shalt  }
0x82: {  	_ =	shalt  }
0x83: {  	_ =	shalt  }
0x84: {  	_ =	shalt  }
0x85: {  	_ =	shalt  }
0x86: {  	_ =	shalt  }
0x87: {  	_ =	shalt  }
.Lfunc_end0:
.L_simem_size_0:
called_computation.1_lowered:
.L_overlay_start_0:
0x88: {  	s2 =	sld [smem:$0x3FD9]  }
0x89: {  	s3 =	sld [smem:$0x3FFE];
	_ =	sdelay $0x1  }
0x8a: {  	s1 =	srdreg.scid  }
0x8b: {  	s0 =	sand.u32 $0x1, s1  }
0x8c: {  	s16 =	sshll.u32 s0, $0xA;
	s2 =	sadd.s32 s3, s2  }
0x8d: {  	s2 =	sadd.s32 s2, s16  }
0x8e: {  	[smem:$0x3FA9] =	sst s2  }
0x8f: {  	_ = 	snop  }
0x90: {  	(tm) =	ssettm $0x1  }
0x91: {  	s17 =	sld [smem:$0x3FFB];
	_ =	sdelay $0x3  }
0x92: {  	_ =	strace s17  }
0x93: {  	s2 =	sld [smem:$0x3FFC];
	_ =	sdelay $0x3  }
0x94: {  	_ =	strace s2  }
0x95: {  	s2 =	sld [smem:$0x3FFD];
	_ =	sdelay $0x3  }
0x96: {  	_ =	strace s2  }
0x97: {  	_ =	strace $0x8FFFFFFF  }
0x98: {  	s18 =	sld [smem:$0x3FDB];
	_ =	sdelay $0x1  }
0x99: {  	s19 =	simm.s32 $_scs_section_size  }
0x9a: {  	s4 =	simm.s32 $_size__tile_overlayer_lowered;
	s5 =	simm.s32 $_tile_overlayer_lowered  }
0x9b: {  	s22 =	simm.s32 $0x1BFF;
	s21 =	sshll.u32 s5, $0x1;
	s2 =	sadd.s32 s19, s18  }
0x9c: {  	s6 =	simm.s32 $0x0;
	s20 =	sshll.u32 s4, $0x1;
	s4 =	sadd.s32 s21, s2  }
0x9d: {  	[timem:s6], [sflag:s22] =	dma.local [hbm:s4], s20  }
0x9e: {  	_ =	swait.ge [sflag:s22], s20  }
0x9f: {  	s3 =	ssub.s32 $0x0, s20;
	[sflag:s22] =	ssyncset.done $0x0  }
0xa0: {  	[sflag:s22] =	ssyncadd.s32 s3;
	_ =	sdelay $0x1  }
0xa1: {  	s23 =	simm.s32 $0x1B8B  }
0xa2: {  	_ =	swait.ge [sflag:s23], $0x1  }
0xa3: {  	[sflag:s23] =	ssyncset.done $0x0  }
0xa4: {  	s25 =	simm.s32 $0x1B8E;
	s24 =	sld [smem:$0x3FFE];
	[sflag:s23] =	ssyncadd.s32 $0xFFFFFFFF  }
0xa5: {  	s26 =	simm.s32 $execute0_lowered;
	[smem:$0x3FD2] =	sst s25  }
0xa6: {  	s4 =	sshll.u32 s26, $0x1;
	_ =	strace $0x80000049;
	[dreg:$0x1] =	wrdreg $0xFFFFFFFF  }
0xa7: {  	s28 =	simm.s32 $_size_execute0_lowered;
	s2 =	sadd.s32 s2, s4;
	[dreg:$0x0] =	wrdreg $0x0  }
0xa8: {  	s4 =	sshll.u32 s28, $0x1;
	[dreg:$0x2] =	wrdreg s2  }
0xa9: {  	[dreg:$0x3] =	wrdreg s4  }
0xaa: {  	[dreg:$0x4] =	wrdreg $0xC0  }
0xab: {  	_ =	task [dreg:s6], $0x5FFFF  }
0xac: {  	[dreg:$0x1] =	wrdreg $0xFFFFFFFF  }
0xad: {  	[dreg:$0x0] =	wrdreg $0x60  }
0xae: {  	[dreg:$0x2] =	wrdreg s24  }
0xaf: {  	[dreg:$0x3] =	wrdreg $0x9  }
0xb0: {  	_ =	task.clear_ibuf [dreg:s6], $0x4FFFF;
	_ =	strace $0x90000049  }
0xb1: {  	s29 =	simm.s32 $0x9;
	_ =	strace $0x8000004B  }
0xb2: {  	_ =	swait.ge [sflag:s29], $0x1  }
0xb3: {  	[sflag:s29] =	ssyncadd.s32 $0xFFFFFFFF  }
0xb4: {  	_ =	strace $0x9000004B  }
0xb5: {  	_ =	sfence  }
0xb6: {  	s30 =	sld [smem:$0x0];
	_ =	sdelay $0x2  }
0xb7: {  	s31 =	sshll.u32 s1, $0xD;
	s1 =	sshrl.u32 s1, $0x2  }
0xb8: {  	s3 =	sand.u32 $0x4000, s31;
	s1 =	sadd.s32 s1, s30  }
0xb9: {  	s0 =	sor.u32 s3, s0;
	s1 =	sshll.u32 s1, $0x11  }
0xba: {  	s0 =	sor.u32 s1, s0  }
0xbb: {  	s0 =	sadd.s32 $0x8F2B, s0  }
0xbc: {  	[sflag:s0] =	ssyncadd.remote.s32 $0x1  }
0xbd: {  	_ =	sfence.sel $0xFFFF  }
0xbe: {  	[dreg:$0x0] =	wrdreg $0xFFFFFFFF;
	(pc) =	sbr.abs _section_cstart, $3  }
0xbf: {  	[dreg:$0x1] =	wrdreg $0xFFFFFFFF  }
0xc0: {  	_ =	task.clear_ibuf [dreg:s6], $0x2FFFF;
	_ =	strace $0x9FFFFFFF  }
0xc1: {  	(tm) =	ssettm $0x7FFFFFFF  }
tec
execute0_lowered:
.L_overlay_start_1:
0x0: {  	(tag) =	ssettag $0x1  }
0x1: {  	s1 =	srdreg.scid  }
0x2: {  	s0 =	stileid.u32;
	s6 =	sand.u32 $0x1, s1  }
0x3: {  	s7 =	rddreg [dreg:$0x0];
	s2 =	sshll.u32 s0, $0x5;
	s1 =	sshll.u32 s6, $0x9  }
0x4: {  	s5 =	sadd.s32 $0x9400, s7;
	s8 =	sor.u32 s2, s1  }
0x5: {  	s1 =	rddreg [dreg:$0x1];
	s2 =	simm.s32 $0x0;
	s3 =	sshrl.u32 s8, $0x3  }
0x6: {  	s9 =	ssub.s32 $0x2, s6;
	[smem:$0x7FF] =	sst s2;
	s3 =	sadd.s32 s3, s7  }
0x7: {  	_ =	strace $0x8000004A;
	s4 =	sadd.s32 $0x9200, s3;
	s3 =	simm.s32 $0x1  }
0x8: {  	[tilespmem:s2], [sflag:$0x1] =	stream.linear.gather [hbm4b:s4+s2], $0x20, $0x38;
	[tilespmem:$0x420] =	vst v63  }
0x9: {  	s6 =	simm.s32 $0x20;
	s10 =	sshrl.u32 s9, $0x1;
	_ =	swait.ge [sflag:s3], $0x20  }
0xa: {  	s8 =	sshll.u32 s8, $0x2;
	s31 =	ssub.s32 s9, s10;
	[sflag:s3] =	ssyncset.done $0x0  }
0xb: {  	s7 =	sadd.s32 s8, s7;
	s8 =	smax.u32 s31, $0x1;
	[sflag:s3] =	ssyncadd.s32 $0xFFFFFFE0  }
0xc: {  	[tilespmem:s6], [sflag:$0x1] =	stream.indirect.gather [hbm4b:s5+s6], $0x20, s2, s6, $0xb8;
	[tilespmem:$0x420] =	vst v63  }
0xd: {  	p0 =	sne.s32 s8, $0x1;
	_ =	swait.ge [sflag:s3], $0x400  }
.Ltmp0:
0xe: {  	[sflag:s3] =	ssyncset.done $0x0;
	(pc) =	sbr.rel @!p0 .LBB2_2-.Ltmp0, $4  }
0xf: {  	s7 =	sadd.s32 $0x3A200, s7;
	[sflag:s3] =	ssyncadd.s32 $0xFFFFFC00  }
0x10: {  	[hbm4b:s7+s2] =	stream.linear.scatter [tilespmem:s6], [sflag:$0x1], $0x400, $0x38;
	[tilespmem:$0x420] =	vst v63  }
0x11: {  	_ =	swait.ge [sflag:s3], $0x400  }
0x12: {  	s8 =	sadd.s32 $0xFFFFFFFF, s8;
	[sflag:s3] =	ssyncset.done $0x0  }
.LBB2_1:
0x13: {  	p0 =	sne.s32 s8, $0x1;
	s8 =	sadd.s32 $0xFFFFFFFF, s8;
	[sflag:s3] =	ssyncadd.s32 $0xFFFFFC00  }
0x14: {  	[tilespmem:s2], [sflag:$0x1] =	stream.linear.gather [hbm4b:s4+s2], $0x20, $0x38;
	[tilespmem:$0x420] =	vst v63  }
0x15: {  	_ =	swait.ge [sflag:s3], $0x20  }
0x16: {  	[sflag:s3] =	ssyncset.done $0x0  }
0x17: {  	[sflag:s3] =	ssyncadd.s32 $0xFFFFFFE0  }
0x18: {  	[tilespmem:s6], [sflag:$0x1] =	stream.indirect.gather [hbm4b:s5+s6], $0x20, s2, s6, $0xb8;
	[tilespmem:$0x420] =	vst v63  }
0x19: {  	_ =	swait.ge [sflag:s3], $0x400  }
.Ltmp1:
0x1a: {  	[sflag:s3] =	ssyncset.done $0x0;
	(pc) =	sbr.rel @p0 .LBB2_1-.Ltmp1, $4  }
0x1b: {  	[sflag:s3] =	ssyncadd.s32 $0xFFFFFC00  }
0x1c: {  	[hbm4b:s7+s2] =	stream.linear.scatter [tilespmem:s6], [sflag:$0x1], $0x400, $0x38;
	[tilespmem:$0x420] =	vst v63  }
0x1d: {  	_ =	swait.ge [sflag:s3], $0x400  }
0x1e: {  	[sflag:s3] =	ssyncset.done $0x0  }
.LBB2_2:
0x1f: {  	[sflag:s3] =	ssyncadd.s32 $0xFFFFFC00  }
0x20: {  	_ =	sfence.sel $0x180000  }
0x21: {  	[bflag:$0x0] =	sbarrier.arrive $0xFFFF  }
0x22: {  	p0 =	sne.s32 s0, $0x0;
	_ =	strace $0x9000004A  }
0x23: {  	s0 =	sadd.s32 @!p0 $0x100000, s1;
	[bflag:$0x2] =	sbarrier.arrive $0xFFFF  }
0x24: {  	[sflag:s0] =	ssyncadd.tile.s32 @!p0 $0x1;
	_ =	shalt  }
.Lfunc_end2:
_tile_overlayer_lowered:
.L_overlay_start_2:
0x25: {  	(tag) =	ssettag $0x2  }
0x26: {  	s0 =	rddreg [dreg:$0x0];
	s2 =	stileid.u32  }
0x27: {  	s1 =	rddreg [dreg:$0x1];
	p0 =	sne.s32 s2, $0x0  }
0x28: {  	s3 =	rddreg [dreg:$0x2];
	[bflag:$0x3] =	sbarrier.arrive $0xFFFF;
	s2 =	simm.s32 @!p0 $0x1C01  }
0x29: {  	[timem:s3], [sflag:s2] =	dma.local @!p0 [hbm:s0], s1  }
0x2a: {  	s0 =	simm.s32 @!p0 $0x1  }
0x2b: {  	_ =	swait.ge @!p0 [sflag:s0], s1  }
0x2c: {  	s1 =	ssub.s32 @!p0 $0x0, s1;
	[sflag:s0] =	ssyncset.done @!p0 $0x0  }
0x2d: {  	[sflag:s0] =	ssyncadd.s32 @!p0 s1  }
0x2e: {  	[bflag:$0x3] =	sbarrier.arrive $0xFFFF  }
0x2f: {  	_ =	shalt  }

// kernel: kernel.8.cloned.1.call-start
scs
__scs_entry_jumppad:
0x0: {  	(pc) =	sbr.rel $0x88, $3  }
0x1: {  	(tag) =	ssettag $0x0;
	lr =	simm.s32 $0x1  }
0x2: {  	[smem:$0x3F82] =	sst lr;
	_ =	strace $0xD0000000  }
0x3: {  	_ = 	snop  }
0x4: {  	_ = 	snop  }
0x5: {  	_ = 	snop  }
0x6: {  	_ = 	snop  }
0x7: {  	_ = 	snop  }
__scs_overlays_trampoline_lowered:
0x8: {  	[smem:$0x3F91] =	sst s0  }
0x9: {  	[smem:$0x3F92] =	sst s1  }
0xa: {  	[smem:$0x3F93] =	sst s2  }
0xb: {  	[smem:$0x3F94] =	sst s3  }
0xc: {  	[smem:$0x3F95] =	sst s4  }
0xd: {  	[smem:$0x3F96] =	sst s5  }
0xe: {  	[smem:$0x3F97] =	sst s6  }
0xf: {  	[smem:$0x3F98] =	sst s7  }
0x10: {  	[smem:$0x3F99] =	sst s8  }
0x11: {  	[smem:$0x3F9A] =	sst s9;
	s0 =	simm.s32 @!p0 $0x0  }
0x12: {  	s1 =	sld [smem:$0x3F80];
	s0 =	simm.s32 @p0 $0x1  }
0x13: {  	[smem:$0x3F9B] =	sst s0;
	s0 =	simm.s32 @!p1 $0x0  }
0x14: {  	s2 =	sld [smem:$0x3F7F];
	s0 =	simm.s32 @p1 $0x1  }
0x15: {  	[smem:$0x3F9C] =	sst s0;
	s0 =	simm.s32 @!p2 $0x0  }
0x16: {  	s3 =	sld [smem:$0x3FDB];
	s0 =	simm.s32 @p2 $0x1  }
0x17: {  	s4 =	simm.s32 $0x1BF5;
	[smem:$0x3F9E] =	sst s0  }
0x18: {  	s0 =	sld [smem:$0x3F81];
	_ =	swait.ge [sflag:s4], $0x0  }
0x19: {  	s7 =	sld [smem:$0x3F82]  }
0x1a: {  	s8 =	sadd.s32 $0xFFFFE003, lr  }
0x1b: {  	s9 =	sadd.s32 $0xFFFFFEF7, lr;
	s5 =	simm.s32 $0xFFFFFFFF;
	p2 =	slt.u32 s8, $0xFFFFF086  }
0x1c: {  	p1 =	slt.u32 s9, $0xF7A;
	s5 =	simm.s32 @!p2 $0x0  }
0x1d: {  	s5 =	simm.s32 @p1 $0x1;
	p0 =	seq.s32 s7, s2  }
0x1e: {  	s7 =	smul.u32 @!p0 $0xF7A, s2;
	p2 =	seq.s32 @!p0 s5, $0x0  }
0x1f: {  	s9 =	smul.u32 $0xF7A, s1;
	s8 =	simm.s32 @!p0 $0x1BF5;
	p2 =	por !p2, p0  }
0x20: {  	[sflag:s8] =	ssyncset.s32 @!p0 $0xFFFFF086;
	s6 =	sadd.s32 @!p0 s3, s7;
	s7 =	simm.s32 @!p0 $0x108  }
0x21: {  	s3 =	sadd.s32 s3, s9;
	s6 =	sadd.s32 @!p0 $0x88, s6;
	s7 =	simm.s32 @p2 $0x1082  }
0x22: {  	[simem:s7], [sflag:s8] =	dma.local @!p0 [hbm:s6], $0xF7A  }
0x23: {  	s9 =	sor.u32 $0xD0000000, s2;
	s6 =	simm.s32 $0x108;
	_ =	swait.ge @!p0 [sflag:s8], $0x0  }
0x24: {  	s3 =	sadd.s32 $0x88, s3;
	s6 =	simm.s32 @!p1 $0x1082;
	[sflag:s4] =	ssyncset.s32 $0xFFFFF086  }
0x25: {  	[simem:s6], [sflag:s4] =	dma.local [hbm:s3], $0xF7A  }
0x26: {  	[smem:$0x3F82] =	sst s1;
	(tag) =	ssettag s2;
	_ =	strace s9  }
0x27: {  	s1 =	sld [smem:$0x3F92]  }
0x28: {  	s2 =	sld [smem:$0x3F93]  }
0x29: {  	s4 =	sld [smem:$0x3F95]  }
0x2a: {  	p0 =	seq.s32 s5, $0x0;
	s5 =	sld [smem:$0x3F96]  }
0x2b: {  	s6 =	sld [smem:$0x3F97]  }
0x2c: {  	s7 =	sld [smem:$0x3F98]  }
0x2d: {  	s3 =	simm.s32 $0x108;
	s8 =	sld [smem:$0x3F99]  }
0x2e: {  	s3 =	simm.s32 @!p0 $0x1082;
	s9 =	sld [smem:$0x3F9A]  }
0x2f: {  	lr =	sadd.s32 s0, s3;
	s0 =	sld [smem:$0x3F91]  }
0x30: {  	s3 =	sld [smem:$0x3F94]  }
0x31: {  	[smem:$0x3F9D] =	sst s10  }
0x32: {  	s10 =	sld [smem:$0x3F9B];
	_ =	sdelay $0x3  }
0x33: {  	p0 =	seq.s32 s10, $0x1;
	s10 =	sld [smem:$0x3F9D];
	_ =	sdelay $0x3  }
0x34: {  	[smem:$0x3F9D] =	sst s10  }
0x35: {  	s10 =	sld [smem:$0x3F9C];
	_ =	sdelay $0x3  }
0x36: {  	p1 =	seq.s32 s10, $0x1;
	s10 =	sld [smem:$0x3F9D];
	_ =	sdelay $0x3  }
0x37: {  	[smem:$0x3F9D] =	sst s10  }
0x38: {  	s10 =	sld [smem:$0x3F9E]  }
0x39: {  	_ = 	snop;
	(pc) =	sbr.ind lr, $3  }
0x3a: {  	_ = 	snop  }
0x3b: {  	_ = 	snop  }
0x3c: {  	p2 =	seq.s32 s10, $0x1;
	s10 =	sld [smem:$0x3F9D]  }
0x3d: {  	_ =	shalt  }
0x3e: {  	_ =	shalt  }
0x3f: {  	_ =	shalt  }
0x40: {  	_ =	shalt  }
0x41: {  	_ =	shalt  }
0x42: {  	_ =	shalt  }
0x43: {  	_ =	shalt  }
0x44: {  	_ =	shalt  }
0x45: {  	_ =	shalt  }
0x46: {  	_ =	shalt  }
0x47: {  	_ =	shalt  }
0x48: {  	_ =	shalt  }
0x49: {  	_ =	shalt  }
0x4a: {  	_ =	shalt  }
0x4b: {  	_ =	shalt  }
0x4c: {  	_ =	shalt  }
0x4d: {  	_ =	shalt  }
0x4e: {  	_ =	shalt  }
0x4f: {  	_ =	shalt  }
0x50: {  	_ =	shalt  }
0x51: {  	_ =	shalt  }
0x52: {  	_ =	shalt  }
0x53: {  	_ =	shalt  }
0x54: {  	_ =	shalt  }
0x55: {  	_ =	shalt  }
0x56: {  	_ =	shalt  }
0x57: {  	_ =	shalt  }
0x58: {  	_ =	shalt  }
0x59: {  	_ =	shalt  }
0x5a: {  	_ =	shalt  }
0x5b: {  	_ =	shalt  }
0x5c: {  	_ =	shalt  }
0x5d: {  	_ =	shalt  }
0x5e: {  	_ =	shalt  }
0x5f: {  	_ =	shalt  }
0x60: {  	_ =	shalt  }
0x61: {  	_ =	shalt  }
0x62: {  	_ =	shalt  }
0x63: {  	_ =	shalt  }
0x64: {  	_ =	shalt  }
0x65: {  	_ =	shalt  }
0x66: {  	_ =	shalt  }
0x67: {  	_ =	shalt  }
0x68: {  	_ =	shalt  }
0x69: {  	_ =	shalt  }
0x6a: {  	_ =	shalt  }
0x6b: {  	_ =	shalt  }
0x6c: {  	_ =	shalt  }
0x6d: {  	_ =	shalt  }
0x6e: {  	_ =	shalt  }
0x6f: {  	_ =	shalt  }
0x70: {  	_ =	shalt  }
0x71: {  	_ =	shalt  }
0x72: {  	_ =	shalt  }
0x73: {  	_ =	shalt  }
0x74: {  	_ =	shalt  }
0x75: {  	_ =	shalt  }
0x76: {  	_ =	shalt  }
0x77: {  	_ =	shalt  }
0x78: {  	_ =	shalt  }
0x79: {  	_ =	shalt  }
0x7a: {  	_ =	shalt  }
0x7b: {  	_ =	shalt  }
0x7c: {  	_ =	shalt  }
0x7d: {  	_ =	shalt  }
0x7e: {  	_ =	shalt  }
0x7f: {  	_ =	shalt  }
0x80: {  	_ =	shalt  }
0x81: {  	_ =	shalt  }
0x82: {  	_ =	shalt  }
0x83: {  	_ =	shalt  }
0x84: {  	_ =	shalt  }
0x85: {  	_ =	shalt  }
0x86: {  	_ =	shalt  }
0x87: {  	_ =	shalt  }
.Lfunc_end0:
.L_simem_size_0:
called_computation_lowered:
.L_overlay_start_0:
0x88: {  	s2 =	sld [smem:$0x3FD9]  }
0x89: {  	s3 =	sld [smem:$0x3FFE];
	_ =	sdelay $0x1  }
0x8a: {  	s1 =	srdreg.scid  }
0x8b: {  	s0 =	sand.u32 $0x1, s1  }
0x8c: {  	s17 =	sshll.u32 s0, $0xA;
	s2 =	sadd.s32 s3, s2  }
0x8d: {  	s2 =	sadd.s32 s2, s17  }
0x8e: {  	[smem:$0x3FA9] =	sst s2  }
0x8f: {  	_ = 	snop  }
0x90: {  	s2 =	sld [smem:$0x3FD0];
	(tm) =	ssettm $0x1  }
0x91: {  	s18 =	sld [smem:$0x3FFB];
	_ =	sdelay $0x3  }
0x92: {  	_ =	strace s18  }
0x93: {  	s3 =	sld [smem:$0x3FFC];
	_ =	sdelay $0x3  }
0x94: {  	_ =	strace s3  }
0x95: {  	s3 =	sld [smem:$0x3FFD];
	_ =	sdelay $0x3  }
0x96: {  	_ =	strace s3  }
0x97: {  	_ =	strace $0x8FFFFFFF  }
0x98: {  	s19 =	sld [smem:$0x3FDB];
	_ =	sdelay $0x1  }
0x99: {  	s4 =	simm.s32 $_scs_section_size  }
0x9a: {  	s5 =	simm.s32 $_size__tile_overlayer_lowered;
	s6 =	simm.s32 $_tile_overlayer_lowered  }
0x9b: {  	s22 =	simm.s32 $0x1BFF;
	s21 =	sshll.u32 s6, $0x1;
	s3 =	sadd.s32 s4, s19  }
0x9c: {  	s7 =	simm.s32 $0x0;
	s20 =	sshll.u32 s5, $0x1;
	s5 =	sadd.s32 s21, s3  }
0x9d: {  	[timem:s7], [sflag:s22] =	dma.local [hbm:s5], s20  }
0x9e: {  	_ =	swait.ge [sflag:s22], s20  }
0x9f: {  	s4 =	ssub.s32 $0x0, s20;
	[sflag:s22] =	ssyncset.done $0x0  }
0xa0: {  	[sflag:s22] =	ssyncadd.s32 s4;
	_ =	sdelay $0x1  }
0xa1: {  	s23 =	simm.s32 $0x1B8B  }
0xa2: {  	_ =	swait.ge [sflag:s23], $0x1  }
0xa3: {  	[sflag:s23] =	ssyncset.done $0x0  }
0xa4: {  	s25 =	simm.s32 $0x1B8E;
	s24 =	sld [smem:$0x3FFE];
	[sflag:s23] =	ssyncadd.s32 $0xFFFFFFFF  }
0xa5: {  	s26 =	simm.s32 $execute0_lowered;
	[smem:$0x3FD2] =	sst s25  }
0xa6: {  	s5 =	sshll.u32 s26, $0x1;
	_ =	strace $0x80000046;
	[dreg:$0x1] =	wrdreg $0xFFFFFFFF  }
0xa7: {  	s28 =	simm.s32 $_size_execute0_lowered;
	s3 =	sadd.s32 s3, s5;
	[dreg:$0x0] =	wrdreg $0x0  }
0xa8: {  	s5 =	sshll.u32 s28, $0x1;
	[dreg:$0x2] =	wrdreg s3  }
0xa9: {  	[dreg:$0x3] =	wrdreg s5  }
0xaa: {  	[dreg:$0x4] =	wrdreg $0xC0  }
0xab: {  	_ =	task [dreg:s7], $0x5FFFF  }
0xac: {  	[dreg:$0x1] =	wrdreg $0xFFFFFFFF  }
0xad: {  	[dreg:$0x0] =	wrdreg $0x60  }
0xae: {  	[dreg:$0x2] =	wrdreg s24  }
0xaf: {  	[dreg:$0x3] =	wrdreg s2  }
0xb0: {  	[dreg:$0x4] =	wrdreg $0x10C100  }
0xb1: {  	[dreg:$0x5] =	wrdreg $0x1CF900  }
0xb2: {  	[dreg:$0x6] =	wrdreg $0x9  }
0xb3: {  	_ =	task.clear_ibuf [dreg:s7], $0x7FFFF;
	_ =	strace $0x90000046  }
0xb4: {  	s29 =	simm.s32 $0x9;
	_ =	strace $0x80000048  }
0xb5: {  	_ =	swait.ge [sflag:s29], $0x1  }
0xb6: {  	[sflag:s29] =	ssyncadd.s32 $0xFFFFFFFF  }
0xb7: {  	_ =	strace $0x90000048  }
0xb8: {  	_ =	sfence  }
0xb9: {  	s30 =	sld [smem:$0x0];
	_ =	sdelay $0x2  }
0xba: {  	s31 =	sshll.u32 s1, $0xD;
	s1 =	sshrl.u32 s1, $0x2  }
0xbb: {  	s3 =	sand.u32 $0x4000, s31;
	s1 =	sadd.s32 s1, s30  }
0xbc: {  	s0 =	sor.u32 s3, s0;
	s1 =	sshll.u32 s1, $0x11  }
0xbd: {  	s0 =	sor.u32 s1, s0  }
0xbe: {  	s0 =	sadd.s32 $0x8F2B, s0  }
0xbf: {  	[sflag:s0] =	ssyncadd.remote.s32 $0x1  }
0xc0: {  	_ =	sfence.sel $0xFFFF  }
0xc1: {  	[dreg:$0x0] =	wrdreg $0xFFFFFFFF;
	(pc) =	sbr.abs _section_cstart, $3  }
0xc2: {  	[dreg:$0x1] =	wrdreg $0xFFFFFFFF  }
0xc3: {  	_ =	task.clear_ibuf [dreg:s7], $0x2FFFF;
	_ =	strace $0x9FFFFFFF  }
0xc4: {  	(tm) =	ssettm $0x7FFFFFFF  }
0xc5: {  	_ =	shalt  }
tec
execute0_lowered:
.L_overlay_start_1:
0x0: {  	(tag) =	ssettag $0x1  }
0x1: {  	s0 =	rddreg [dreg:$0x0]  }
0x2: {  	s2 =	rddreg [dreg:$0x1]  }
0x3: {  	s1 =	rddreg [dreg:$0x2]  }
0x4: {  	s3 =	rddreg [dreg:$0x3];
	s5 =	simm.s32 $0x0;
	s4 =	srdreg.scid  }
0x5: {  	s19 =	stileid.u32;
	[smem:$0x7FF] =	sst s5  }
0x6: {  	s4 =	sand.u32 $0x1, s4;
	s10 =	smul.u32 $0xC38, s19;
	s11 =	sadd.s32 $0x3CC00, s0  }
0x7: {  	s5 =	sadd.s32 $0x24400, s0;
	s13 =	sadd.s32 $0xBC00, s0;
	s14 =	smul.u32 $0xC80, s19  }
0x8: {  	s6 =	sadd.s32 $0x4A0000, s0;
	s7 =	sadd.s32 $0x4B8800, s0;
	s25 =	smul.u32 $0x30E00, s19  }
0x9: {  	s15 =	sadd.s32 $0x55400, s0;
	s8 =	sadd.s32 $0x1FE400, s0;
	s12 =	smul.u32 $0xC380, s4  }
0xa: {  	s9 =	sadd.s32 $0x1E5400, s0;
	s16 =	smul.u32 $0xC800, s4;
	s26 =	ssub.s32 $0x2, s4  }
0xb: {  	_ =	strace $0x80000047;
	s18 =	sshll.u32 s4, $0x1;
	s17 =	sshrl.u32 s26, $0x1  }
0xc: {  	s2 =	sadd.s32 s2, s18;
	s10 =	sadd.s32 s10, s12;
	s24 =	sadd.s32 s14, s16  }
0xd: {  	s16 =	sshrl.u32 s25, $0x2;
	[dreg:$0x5] =	wrdreg s2;
	s2 =	sadd.s32 s14, s3  }
0xe: {  	s10 =	sshll.u32 s10, $0x1;
	s12 =	sshrl.u32 s24, $0x3;
	s16 =	sadd.s32 s16, s1  }
0xf: {  	[dreg:$0xb] =	wrdreg s2;
	s10 =	sadd.s32 s10, s0;
	s0 =	sadd.s32 s12, s0  }
0x10: {  	s12 =	ssub.s32 s26, s17;
	s17 =	sadd.s32 $0x8000, s16;
	[dreg:$0x6] =	wrdreg s16  }
0x11: {  	p0 =	seq.s32 s4, $0x0;
	s14 =	sadd.s32 $0xA000, s16;
	[dreg:$0xa] =	wrdreg s17  }
0x12: {  	s7 =	smov.u32 @p0 s15;
	s15 =	sadd.s32 $0xC000, s16;
	[dreg:$0x15] =	wrdreg s14  }
0x13: {  	s20 =	sadd.s32 $0x2000, s16;
	[dreg:$0x16] =	wrdreg s15  }
0x14: {  	s26 =	sadd.s32 $0x4000, s16;
	[dreg:$0x7] =	wrdreg s20  }
0x15: {  	s28 =	sadd.s32 $0x6000, s16;
	[dreg:$0x8] =	wrdreg s26  }
0x16: {  	s18 =	sadd.s32 $0x217400, s10;
	[dreg:$0x9] =	wrdreg s28  }
0x17: {  	s29 =	simm.s32 $0x8800;
	s21 =	sadd.s32 $0x217800, s10;
	[dreg:$0xc] =	wrdreg s18  }
0x18: {  	s30 =	simm.s32 $0x600;
	s22 =	sadd.s32 $0x217C00, s10;
	[dreg:$0xd] =	wrdreg s21  }
0x19: {  	s31 =	simm.s32 $0x2800;
	s23 =	sadd.s32 $0x218000, s10;
	[dreg:$0xe] =	wrdreg s22  }
0x1a: {  	s4 =	simm.s32 $0x2;
	s24 =	sadd.s32 $0x218400, s10;
	[dreg:$0xf] =	wrdreg s23  }
0x1b: {  	s5 =	smov.u32 @p0 s11;
	s25 =	sadd.s32 $0x218800, s10;
	[dreg:$0x10] =	wrdreg s24  }
0x1c: {  	s6 =	smov.u32 @p0 s13;
	s11 =	sadd.s32 $0x218C00, s10;
	[dreg:$0x11] =	wrdreg s25  }
0x1d: {  	s0 =	sadd.s32 $0x248200, s0;
	s13 =	smax.u32 s12, $0x1;
	[dreg:$0x12] =	wrdreg s11  }
0x1e: {  	s17 =	sadd.s32 $0x200, s2;
	s10 =	simm.s32 $0xA800;
	[dreg:$0x13] =	wrdreg s0  }
0x1f: {  	s14 =	simm.s32 $0x4;
	s12 =	simm.s32 $0x0;
	[dreg:$0x14] =	wrdreg s13  }
0x20: {  	[dreg:$0x17] =	wrdreg s17;
	s18 =	sadd.s32 $0x400, s2;
	s21 =	sadd.s32 $0x600, s2  }
0x21: {  	s11 =	smul.u32 $0xC800, s19;
	s22 =	sadd.s32 $0x800, s2;
	[dreg:$0x18] =	wrdreg s18  }
0x22: {  	s23 =	sadd.s32 $0xA00, s2;
	s24 =	sadd.s32 $0xC00, s2;
	[dreg:$0x19] =	wrdreg s21  }
0x23: {  	s19 =	simm.s32 $0xC800;
	s2 =	simm.s32 $0x6800;
	[dreg:$0x1a] =	wrdreg s22  }
0x24: {  	s17 =	simm.s32 $0xE800;
	s13 =	simm.s32 $0x3;
	[dreg:$0x1b] =	wrdreg s23  }
0x25: {  	[dreg:$0x1c] =	wrdreg s24;
	s18 =	simm.s32 $0x5;
	s21 =	simm.s32 $0x400  }
0x26: {  	v1 =	vlaneseq.u32;
	s22 =	simm.s32 $0x800;
	s23 =	simm.s32 $0x1;
	s25 =	sor.u32 $0x200, s11  }
0x27: {  	v0 =	vimm.f32 $0.0e+00;
	v1 =	vmul.u32 $0x10, v1;
	s24 =	simm.s32 $0x200;
	[dreg:$0x1d] =	wrdreg s25;
	s25 =	simm.s32 $0x4800  }
.LBB2_1:
0x28: {  	[dreg:$0x1e] =	wrdreg s12  }
0x29: {  	s0 =	simm.s32 $0x0;
	s12 =	rddreg [dreg:$0x5];
	s15 =	simm.s32 $0x10C00  }
0x2a: {  	[tilespmem:s15], [sflag:$0x5] =	stream.linear.gather [hbm4b:s12+s0], $0x10, $0x38;
	[tilespmem:$0x1DC10] =	vst v63  }
0x2b: {  	_ =	swait.ge [sflag:s18], $0x10  }
0x2c: {  	[sflag:s18] =	ssyncset.done $0x0  }
0x2d: {  	s0 =	simm.s32 $0x40;
	s12 =	simm.s32 $0x0;
	[sflag:s18] =	ssyncadd.s32 $0xFFFFFFF0  }
.LBB2_2:
0x2e: {  	p0 =	sne.s32 s0, $0x7FC0;
	[tilespmem:s12+$0xC800] =	vst v0;
	s12 =	smov.u32 s0;
	s0 =	sadd.s32 $0x40, s0  }
.Ltmp0:
0x2f: {  	(pc) =	sbr.rel @p0 .LBB2_2-.Ltmp0, $2  }
0x30: {  	_ =	sdelay $0x2  }
0x31: {  	s12 =	sshra.s32 s12, $0x2  }
0x32: {  	[tilespmem:s12+$0xC800] =	vst v0  }
0x33: {  	[tilespmem:$0x10800] =	vst v0  }
0x34: {  	[tilespmem:$0x10810] =	vst v0  }
0x35: {  	[tilespmem:$0x10820] =	vst v0  }
0x36: {  	[tilespmem:$0x10830] =	vst v0  }
0x37: {  	[tilespmem:$0x10840] =	vst v0  }
0x38: {  	[tilespmem:$0x10850] =	vst v0  }
0x39: {  	[tilespmem:$0x10860] =	vst v0  }
0x3a: {  	[tilespmem:$0x10870] =	vst v0  }
0x3b: {  	[tilespmem:$0x10880] =	vst v0  }
0x3c: {  	[tilespmem:$0x10890] =	vst v0  }
0x3d: {  	[tilespmem:$0x108A0] =	vst v0  }
0x3e: {  	[tilespmem:$0x108B0] =	vst v0  }
0x3f: {  	[tilespmem:$0x108C0] =	vst v0  }
0x40: {  	[tilespmem:$0x108D0] =	vst v0  }
0x41: {  	[tilespmem:$0x108E0] =	vst v0  }
0x42: {  	[tilespmem:$0x108F0] =	vst v0  }
0x43: {  	[tilespmem:$0x10900] =	vst v0  }
0x44: {  	[tilespmem:$0x10910] =	vst v0  }
0x45: {  	[tilespmem:$0x10920] =	vst v0  }
0x46: {  	[tilespmem:$0x10930] =	vst v0  }
0x47: {  	[tilespmem:$0x10940] =	vst v0  }
0x48: {  	[tilespmem:$0x10950] =	vst v0  }
0x49: {  	[tilespmem:$0x10960] =	vst v0  }
0x4a: {  	[tilespmem:$0x10970] =	vst v0  }
0x4b: {  	[tilespmem:$0x10980] =	vst v0  }
0x4c: {  	[tilespmem:$0x10990] =	vst v0  }
0x4d: {  	[tilespmem:$0x109A0] =	vst v0  }
0x4e: {  	[tilespmem:$0x109B0] =	vst v0  }
0x4f: {  	[tilespmem:$0x109C0] =	vst v0  }
0x50: {  	[tilespmem:$0x109D0] =	vst v0  }
0x51: {  	[tilespmem:$0x109E0] =	vst v0  }
0x52: {  	[tilespmem:$0x109F0] =	vst v0  }
0x53: {  	[spmem:s16] =	stream.linear.scatter [tilespmem:s19], [sflag:$0x5], $0x2000, $0x38;
	[tilespmem:$0x1DC10] =	vst v63  }
0x54: {  	_ =	swait.ge [sflag:s18], $0x2000  }
0x55: {  	[sflag:s18] =	ssyncset.done $0x0  }
0x56: {  	[sflag:s18] =	ssyncadd.s32 $0xFFFFE000  }
0x57: {  	[spmem:s20] =	stream.linear.scatter [tilespmem:s19], [sflag:$0x5], $0x2000, $0x38;
	[tilespmem:$0x1DC10] =	vst v63  }
0x58: {  	_ =	swait.ge [sflag:s18], $0x2000  }
0x59: {  	[sflag:s18] =	ssyncset.done $0x0  }
0x5a: {  	[sflag:s18] =	ssyncadd.s32 $0xFFFFE000  }
0x5b: {  	[spmem:s26] =	stream.linear.scatter [tilespmem:s19], [sflag:$0x5], $0x2000, $0x38;
	[tilespmem:$0x1DC10] =	vst v63  }
0x5c: {  	_ =	swait.ge [sflag:s18], $0x2000  }
0x5d: {  	[sflag:s18] =	ssyncset.done $0x0  }
0x5e: {  	[sflag:s18] =	ssyncadd.s32 $0xFFFFE000  }
0x5f: {  	[spmem:s28] =	stream.linear.scatter [tilespmem:s19], [sflag:$0x5], $0x2000, $0x38;
	[tilespmem:$0x1DC10] =	vst v63  }
0x60: {  	_ =	swait.ge [sflag:s18], $0x2000  }
0x61: {  	[sflag:s18] =	ssyncset.done $0x0  }
0x62: {  	s0 =	rddreg [dreg:$0xa];
	[sflag:s18] =	ssyncadd.s32 $0xFFFFE000  }
0x63: {  	[spmem:s0] =	stream.linear.scatter [tilespmem:s19], [sflag:$0x5], $0x2000, $0x38;
	[tilespmem:$0x1DC10] =	vst v63  }
0x64: {  	_ =	swait.ge [sflag:s18], $0x2000  }
0x65: {  	[sflag:s18] =	ssyncset.done $0x0  }
0x66: {  	s12 =	rddreg [dreg:$0x15];
	[sflag:s18] =	ssyncadd.s32 $0xFFFFE000  }
0x67: {  	[spmem:s12] =	stream.linear.scatter [tilespmem:s19], [sflag:$0x5], $0x2000, $0x38;
	[tilespmem:$0x1DC10] =	vst v63  }
0x68: {  	_ =	swait.ge [sflag:s18], $0x2000  }
0x69: {  	[sflag:s18] =	ssyncset.done $0x0  }
0x6a: {  	s15 =	rddreg [dreg:$0x16];
	[sflag:s18] =	ssyncadd.s32 $0xFFFFE000  }
0x6b: {  	[spmem:s15] =	stream.linear.scatter [tilespmem:s19], [sflag:$0x5], $0x380, $0x38;
	[tilespmem:$0x1DC10] =	vst v63  }
0x6c: {  	_ =	swait.ge [sflag:s18], $0x380  }
0x6d: {  	[sflag:s18] =	ssyncset.done $0x0  }
0x6e: {  	s12 =	simm.s32 $0x10800;
	s16 =	rddreg [dreg:$0xb];
	[sflag:s18] =	ssyncadd.s32 $0xFFFFFC80  }
0x6f: {  	[spmem:s16] =	stream.linear.scatter [tilespmem:s12], [sflag:$0x5], $0x200, $0x38;
	[tilespmem:$0x1DC10] =	vst v63  }
0x70: {  	_ =	swait.ge [sflag:s18], $0x200  }
0x71: {  	[sflag:s18] =	ssyncset.done $0x0  }
0x72: {  	s20 =	rddreg [dreg:$0x17];
	[sflag:s18] =	ssyncadd.s32 $0xFFFFFE00  }
0x73: {  	[spmem:s20] =	stream.linear.scatter [tilespmem:s12], [sflag:$0x5], $0x200, $0x38;
	[tilespmem:$0x1DC10] =	vst v63  }
0x74: {  	_ =	swait.ge [sflag:s18], $0x200  }
0x75: {  	[sflag:s18] =	ssyncset.done $0x0  }
0x76: {  	s26 =	rddreg [dreg:$0x18];
	[sflag:s18] =	ssyncadd.s32 $0xFFFFFE00  }
0x77: {  	[spmem:s26] =	stream.linear.scatter [tilespmem:s12], [sflag:$0x5], $0x200, $0x38;
	[tilespmem:$0x1DC10] =	vst v63  }
0x78: {  	_ =	swait.ge [sflag:s18], $0x200  }
0x79: {  	[sflag:s18] =	ssyncset.done $0x0  }
0x7a: {  	s15 =	rddreg [dreg:$0x19];
	[sflag:s18] =	ssyncadd.s32 $0xFFFFFE00  }
0x7b: {  	[spmem:s15] =	stream.linear.scatter [tilespmem:s12], [sflag:$0x5], $0x200, $0x38;
	[tilespmem:$0x1DC10] =	vst v63  }
0x7c: {  	_ =	swait.ge [sflag:s18], $0x200  }
0x7d: {  	[sflag:s18] =	ssyncset.done $0x0  }
0x7e: {  	s16 =	rddreg [dreg:$0x1a];
	[sflag:s18] =	ssyncadd.s32 $0xFFFFFE00  }
0x7f: {  	[spmem:s16] =	stream.linear.scatter [tilespmem:s12], [sflag:$0x5], $0x200, $0x38;
	[tilespmem:$0x1DC10] =	vst v63  }
0x80: {  	_ =	swait.ge [sflag:s18], $0x200  }
0x81: {  	[sflag:s18] =	ssyncset.done $0x0  }
0x82: {  	s20 =	rddreg [dreg:$0x1b];
	[sflag:s18] =	ssyncadd.s32 $0xFFFFFE00  }
0x83: {  	[spmem:s20] =	stream.linear.scatter [tilespmem:s12], [sflag:$0x5], $0x200, $0x38;
	[tilespmem:$0x1DC10] =	vst v63  }
0x84: {  	_ =	swait.ge [sflag:s18], $0x200  }
0x85: {  	[sflag:s18] =	ssyncset.done $0x0  }
0x86: {  	s26 =	rddreg [dreg:$0x1c];
	[sflag:s18] =	ssyncadd.s32 $0xFFFFFE00  }
0x87: {  	[spmem:s26] =	stream.linear.scatter [tilespmem:s12], [sflag:$0x5], $0x80, $0x38;
	[tilespmem:$0x1DC10] =	vst v63  }
0x88: {  	_ =	swait.ge [sflag:s18], $0x80  }
0x89: {  	[sflag:s18] =	ssyncset.done $0x0  }
0x8a: {  	[sflag:s18] =	ssyncadd.s32 $0xFFFFFF80  }
0x8b: {  	[bflag:$0x0] =	sbarrier.arrive $0xFFFF  }
0x8c: {  	v17 =	vld [tilespmem:$0x10C00];
	_ =	sdelay $0x4  }
0x8d: {  	v2 =	vbroadcast v17, $0x0;
	v3 =	vbroadcast v17, $0x1  }
0x8e: {  	v4 =	vbroadcast v17, $0x2;
	v5 =	vbroadcast v17, $0x3  }
0x8f: {  	v6 =	vbroadcast v17, $0x4;
	v7 =	vbroadcast v17, $0x5  }
0x90: {  	v8 =	vbroadcast v17, $0x6;
	v9 =	vbroadcast v17, $0x7  }
0x91: {  	v10 =	vbroadcast v17, $0x8;
	v11 =	vbroadcast v17, $0x9  }
0x92: {  	v12 =	vbroadcast v17, $0xA;
	v13 =	vbroadcast v17, $0xB  }
0x93: {  	s0 =	smov.u32 s11;
	v14 =	vbroadcast v17, $0xC;
	v15 =	vbroadcast v17, $0xD  }
0x94: {  	s16 =	simm.s32 $0x0;
	s26 =	simm.s32 $0x0;
	s28 =	rddreg [dreg:$0x1d];
	v16 =	vbroadcast v17, $0xE;
	v17 =	vbroadcast v17, $0xF  }
.LBB2_4:
0x95: {  	s12 =	sshll.u32 s16, $0xA  }
0x96: {  	s12 =	sadd.s32 s11, s12  }
0x97: {  	s15 =	sshrl.u32 s12, $0x3  }
0x98: {  	s20 =	sadd.s32 s8, s15  }
0x99: {  	[tilespmem:s26], [sflag:$0x1] =	stream.linear.gather [hbm4b:s20+s26], $0x200, $0x38;
	[tilespmem:$0x1DC10] =	vst v63  }
0x9a: {  	s15 =	sadd.s32 s9, s15;
	s20 =	sshll.u32 s12, $0x1  }
0x9b: {  	[tilespmem:s21], [sflag:$0x1] =	stream.linear.gather [hbm4b:s15+s26], $0x200, $0x38;
	[tilespmem:$0x1DC10] =	vst v63  }
0x9c: {  	s15 =	sadd.s32 s7, s20  }
0x9d: {  	[tilespmem:s22], [sflag:$0x1] =	stream.linear.gather [hbm4b:s15+s26], $0x2000, $0x38;
	[tilespmem:$0x1DC10] =	vst v63  }
0x9e: {  	_ =	swait.ge [sflag:s23], $0x200  }
0x9f: {  	[sflag:s23] =	ssyncset.done $0x0  }
0xa0: {  	[sflag:s23] =	ssyncadd.s32 $0xFFFFFE00  }
0xa1: {  	_ =	swait.ge [sflag:s23], $0x200  }
0xa2: {  	[sflag:s23] =	ssyncset.done $0x0  }
0xa3: {  	[sflag:s23] =	ssyncadd.s32 $0xFFFFFE00  }
0xa4: {  	_ =	swait.ge [sflag:s23], $0x2000  }
0xa5: {  	[sflag:s23] =	ssyncset.done $0x0  }
0xa6: {  	s12 =	sor.u32 $0x200, s12;
	[sflag:s23] =	ssyncadd.s32 $0xFFFFE000  }
0xa7: {  	[tilespmem:s25], [sflag:$0x2] =	stream.indirect.gather [hbm4b:s5+s24], $0x10, s26, s24, $0xb8;
	[tilespmem:$0x1DC10] =	vst v63  }
0xa8: {  	s15 =	sshrl.u32 s12, $0x3  }
0xa9: {  	[tilespmem:s29], [sflag:$0x2] =	stream.indirect.gather [hbm4b:s6+s24], $0x10, s21, s24, $0xb8;
	[tilespmem:$0x1DC10] =	vst v63  }
0xaa: {  	s20 =	sadd.s32 s8, s15  }
0xab: {  	[tilespmem:s24], [sflag:$0x1] =	stream.linear.gather [hbm4b:s20+s26], $0x200, $0x38;
	[tilespmem:$0x1DC10] =	vst v63  }
0xac: {  	s12 =	sshll.u32 s12, $0x1;
	s15 =	sadd.s32 s9, s15  }
0xad: {  	[tilespmem:s30], [sflag:$0x1] =	stream.linear.gather [hbm4b:s15+s26], $0x200, $0x38;
	[tilespmem:$0x1DC10] =	vst v63  }
0xae: {  	s12 =	sadd.s32 s7, s12  }
0xaf: {  	v18 =	vmov s26;
	[tilespmem:s31], [sflag:$0x1] =	stream.linear.gather [hbm4b:s12+s26], $0x2000, $0x38;
	[tilespmem:$0x1DC10] =	vst v63  }
0xb0: {  	v18 =	vshll.u32 v18, $0x4;
	_ =	swait.ge [sflag:s4], $0x2000  }
0xb1: {  	v18 =	vor.u32 v1, v18;
	[sflag:s4] =	ssyncset.done $0x0  }
0xb2: {  	[sflag:s4] =	ssyncadd.s32 $0xFFFFE000  }
0xb3: {  	_ =	swait.ge [sflag:s4], $0x2000  }
0xb4: {  	v19 =	vor.u32 $0x1, v18;
	[sflag:s4] =	ssyncset.done $0x0  }
0xb5: {  	[sflag:s4] =	ssyncadd.s32 $0xFFFFE000  }
0xb6: {  	v30 =	vld.idx.msk [tilespmem:v18+s22+$0x0], $0xffff  }
0xb7: {  	v20 =	vor.u32 $0x2, v18;
	v44 =	vld.idx.msk [tilespmem:v18+s25+$0x0], $0xffff  }
0xb8: {  	v28 =	vld.idx.msk [tilespmem:v18+s29+$0x0], $0xffff  }
0xb9: {  	v45 =	vld.idx.msk [tilespmem:v19+s25+$0x0], $0xffff  }
0xba: {  	v21 =	vor.u32 $0x3, v18;
	v32 =	vld.idx.msk [tilespmem:v19+s29+$0x0], $0xffff  }
0xbb: {  	v34 =	vld.idx.msk [tilespmem:v19+s22+$0x0], $0xffff  }
0xbc: {  	v36 =	vld.idx.msk [tilespmem:v20+s22+$0x0], $0xffff  }
0xbd: {  	v22 =	vor.u32 $0x4, v18;
	v37 =	vld.idx.msk [tilespmem:v20+s29+$0x0], $0xffff  }
0xbe: {  	v26 =	vld.idx.msk [tilespmem:v20+s25+$0x0], $0xffff  }
0xbf: {  	v38 =	vld.idx.msk [tilespmem:v21+s29+$0x0], $0xffff  }
0xc0: {  	v23 =	vor.u32 $0x5, v18;
	v27 =	vld.idx.msk [tilespmem:v21+s25+$0x0], $0xffff  }
0xc1: {  	v39 =	vld.idx.msk [tilespmem:v21+s22+$0x0], $0xffff  }
0xc2: {  	v40 =	vld.idx.msk [tilespmem:v22+s22+$0x0], $0xffff  }
0xc3: {  	v24 =	vor.u32 $0x6, v18;
	v41 =	vld.idx.msk [tilespmem:v22+s29+$0x0], $0xffff  }
0xc4: {  	v29 =	vld.idx.msk [tilespmem:v22+s25+$0x0], $0xffff  }
0xc5: {  	v25 =	vor.u32 $0x7, v18;
	v42 =	vld.idx.msk [tilespmem:v23+s29+$0x0], $0xffff  }
0xc6: {  	v31 =	vld.idx.msk [tilespmem:v23+s25+$0x0], $0xffff  }
0xc7: {  	v43 =	vld.idx.msk [tilespmem:v23+s22+$0x0], $0xffff  }
0xc8: {  	v46 =	vld.idx.msk [tilespmem:v24+s22+$0x0], $0xffff;
	v33 =	vadd.f32 v28, v44  }
0xc9: {  	v47 =	vld.idx.msk [tilespmem:v24+s29+$0x0], $0xffff;
	v28 =	vor.u32 $0x8, v18  }
0xca: {  	v49 =	vld.idx.msk [tilespmem:v25+s29+$0x0], $0xffff;
	v48 =	vadd.f32 v30, v33;
	v30 =	vadd.f32 v32, v45  }
0xcb: {  	v35 =	vld.idx.msk [tilespmem:v25+s25+$0x0], $0xffff;
	v37 =	vadd.f32 v37, v26;
	v38 =	vadd.f32 v38, v27  }
0xcc: {  	v50 =	vld.idx.msk [tilespmem:v25+s22+$0x0], $0xffff;
	v60 =	vmul.f32 $2.000000030e-01, v48;
	v34 =	vadd.f32 v34, v30;
	v30 =	vor.u32 $0x9, v18  }
0xcd: {  	v41 =	vadd.f32 v41, v29;
	v33 =	vld.idx.msk [tilespmem:v24+s25+$0x0], $0xffff  }
0xce: {  	v36 =	vadd.f32 v36, v37;
	v38 =	vadd.f32 v39, v38;
	v51 =	vld.idx.msk [tilespmem:v28+s22+$0x0], $0xffff;
	v32 =	vmax.f32 v48, v60  }
0xcf: {  	v53 =	vld.idx.msk [tilespmem:v28+s29+$0x0], $0xffff;
	v61 =	vmul.f32 $2.000000030e-01, v34;
	v52 =	vmul.f32 v32, v2;
	v32 =	vor.u32 $0xA, v18  }
0xd0: {  	v40 =	vadd.f32 v40, v41;
	v37 =	vld.idx.msk [tilespmem:v28+s25+$0x0], $0xffff  }
0xd1: {  	v63 =	vmul.f32 $2.000000030e-01, v36;
	v56 =	vmul.f32 $2.000000030e-01, v38;
	v34 =	vmax.f32 v34, v61;
	v54 =	vld.idx.msk [tilespmem:v30+s29+$0x0], $0xffff  }
0xd2: {  	v62 =	vadd.f32 $0.0e+00, v52;
	v55 =	vmul.f32 v34, v3;
	v34 =	vor.u32 $0xB, v18;
	v39 =	vld.idx.msk [tilespmem:v30+s25+$0x0], $0xffff  }
0xd3: {  	v36 =	vmax.f32 v36, v63;
	v60 =	vadd.f32 v42, v31;
	v38 =	vmax.f32 v38, v56;
	v52 =	vld.idx.msk [tilespmem:v30+s22+$0x0], $0xffff  }
0xd4: {  	v63 =	vmul.f32 $2.000000030e-01, v40;
	v61 =	vadd.f32 v55, v62;
	v62 =	vmul.f32 v36, v4;
	v55 =	vld.idx.msk [tilespmem:v32+s22+$0x0], $0xffff  }
0xd5: {  	v47 =	vadd.f32 v47, v33;
	v43 =	vadd.f32 v43, v60;
	v36 =	vor.u32 $0xC, v18;
	v57 =	vld.idx.msk [tilespmem:v32+s29+$0x0], $0xffff  }
0xd6: {  	v38 =	vmul.f32 v38, v5;
	v41 =	vld.idx.msk [tilespmem:v32+s25+$0x0], $0xffff;
	v42 =	vadd.f32 v62, v61  }
0xd7: {  	v40 =	vmax.f32 v40, v63;
	v47 =	vadd.f32 v46, v47;
	v60 =	vmul.f32 $2.000000030e-01, v43;
	v56 =	vld.idx.msk [tilespmem:v34+s29+$0x0], $0xffff  }
0xd8: {  	v61 =	vadd.f32 v49, v35;
	v49 =	vld.idx.msk [tilespmem:v34+s22+$0x0], $0xffff;
	v58 =	vadd.f32 v38, v42;
	v38 =	vor.u32 $0xD, v18  }
0xd9: {  	v40 =	vmul.f32 v40, v6;
	v42 =	vld.idx.msk [tilespmem:v34+s25+$0x0], $0xffff  }
0xda: {  	v53 =	vadd.f32 v53, v37;
	v59 =	vmul.f32 $2.000000030e-01, v47;
	v43 =	vmax.f32 v43, v60;
	v60 =	vld.idx.msk [tilespmem:v36+s29+$0x0], $0xffff  }
0xdb: {  	v50 =	vadd.f32 v50, v61;
	v46 =	vld.idx.msk [tilespmem:v36+s25+$0x0], $0xffff;
	v48 =	vadd.f32 v40, v58;
	v40 =	vor.u32 $0xE, v18  }
0xdc: {  	v51 =	vadd.f32 v51, v53;
	v43 =	vmul.f32 v43, v7;
	v62 =	vmax.f32 v47, v59;
	v58 =	vld.idx.msk [tilespmem:v36+s22+$0x0], $0xffff  }
0xdd: {  	v54 =	vadd.f32 v54, v39;
	v61 =	vmul.f32 v62, v8;
	v53 =	vmul.f32 $2.000000030e-01, v50;
	v59 =	vld.idx.msk [tilespmem:v38+s29+$0x0], $0xffff  }
0xde: {  	v62 =	vmul.f32 $2.000000030e-01, v51;
	v48 =	vadd.f32 v43, v48;
	v43 =	vor.u32 $0xF, v18;
	v47 =	vld.idx.msk [tilespmem:v38+s25+$0x0], $0xffff  }
0xdf: {  	v52 =	vadd.f32 v52, v54;
	v50 =	vmax.f32 v50, v53;
	v53 =	vadd.f32 v57, v41;
	v54 =	vld.idx.msk [tilespmem:v38+s22+$0x0], $0xffff  }
0xe0: {  	v51 =	vmax.f32 v51, v62;
	v50 =	vmul.f32 v50, v9;
	v48 =	vadd.f32 v61, v48;
	v57 =	vld.idx.msk [tilespmem:v40+s22+$0x0], $0xffff  }
0xe1: {  	v61 =	vmul.f32 $2.000000030e-01, v52;
	v53 =	vadd.f32 v55, v53;
	v55 =	vadd.f32 v56, v42;
	v56 =	vld.idx.msk [tilespmem:v40+s29+$0x0], $0xffff  }
0xe2: {  	v51 =	vmul.f32 v51, v10;
	v60 =	vadd.f32 v60, v46;
	v50 =	vadd.f32 v50, v48;
	v48 =	vld.idx.msk [tilespmem:v40+s25+$0x0], $0xffff  }
0xe3: {  	v52 =	vmax.f32 v52, v61;
	v61 =	vmul.f32 $2.000000030e-01, v53;
	v55 =	vadd.f32 v49, v55;
	v62 =	vld.idx.msk [tilespmem:v43+s29+$0x0], $0xffff  }
0xe4: {  	v63 =	vmul.f32 v52, v11;
	v52 =	vadd.f32 v58, v60;
	v49 =	vld.idx.msk [tilespmem:v43+s25+$0x0], $0xffff;
	v50 =	vadd.f32 v51, v50  }
0xe5: {  	v53 =	vmax.f32 v53, v61;
	v58 =	vmul.f32 $2.000000030e-01, v55;
	v59 =	vadd.f32 v59, v47  }
0xe6: {  	v60 =	vld.idx.msk [tilespmem:v43+s22+$0x0], $0xffff;
	v51 =	vmul.f32 v53, v12;
	v53 =	vmul.f32 $2.000000030e-01, v52;
	v50 =	vadd.f32 v63, v50  }
0xe7: {  	v55 =	vmax.f32 v55, v58;
	v54 =	vadd.f32 v54, v59;
	v56 =	vadd.f32 v56, v48  }
0xe8: {  	v61 =	vmul.f32 v55, v13;
	v52 =	vmax.f32 v52, v53;
	v50 =	vadd.f32 v51, v50  }
0xe9: {  	v63 =	vmul.f32 $2.000000030e-01, v54;
	v55 =	vadd.f32 v57, v56;
	v56 =	vadd.f32 v62, v49  }
0xea: {  	v50 =	vadd.f32 v61, v50;
	v61 =	vmul.f32 v52, v14  }
0xeb: {  	v62 =	vmax.f32 v54, v63;
	v63 =	vmul.f32 $2.000000030e-01, v55;
	v57 =	vadd.f32 v60, v56  }
0xec: {  	v58 =	vmul.f32 v62, v15;
	v50 =	vadd.f32 v61, v50  }
0xed: {  	v59 =	vmax.f32 v55, v63;
	v60 =	vmul.f32 $2.000000030e-01, v57  }
0xee: {  	v50 =	vadd.f32 v58, v50;
	v61 =	vmul.f32 v59, v16  }
0xef: {  	v62 =	vmax.f32 v57, v60  }
0xf0: {  	v50 =	vadd.f32 v61, v50;
	v63 =	vmul.f32 v62, v17;
	_ =	sdelay $0x1  }
0xf1: {  	v50 =	vadd.f32 v63, v50;
	_ =	sdelay $0x1  }
0xf2: {  	v50 =	vmul.f32 $1.442695020e+00, v50;
	_ =	sdelay $0x1  }
0xf3: {  	(erf) = vpow2.f32 v50;
	_ =	sdelay $0x7  }
0xf4: {  	s20 =	sadd.s32 $0x0, s0  }
0xf5: {  	p0 =	slt.u32 s20, $0xC3500;
	v50 =	vpop (erf)  }
0xf6: {  	s15 =	simm.s32 $0x10800;
	v50 =	vpsel !p0, $0x0, v50  }
0xf7: {  	s12 =	simm.s32 $0x10;
	[tilespmem:s15+$0x0] =	vst v50;
	v51 =	vmul.f32 v50, v44;
	v44 =	vmul.f32 v50, v45  }
.LBB2_5:
0xf8: {  	p0 =	sne.s32 s12, $0x1F0  }
0xf9: {  	v26 =	vmul.f32 v50, v26;
	v27 =	vmul.f32 v50, v27;
	s15 =	sadd.s32 $0x10, s15;
	s20 =	smov.u32 s12;
	s12 =	sadd.s32 $0x10, s12  }
0xfa: {  	[tilespmem:v18+s19+$0x0] =	vst.idx.msk $0xffff, v51;
	v18 =	vmul.f32 v50, v29;
	v29 =	vmul.f32 v50, v31  }
0xfb: {  	v31 =	vmul.f32 v50, v35;
	[tilespmem:v19+s19+$0x0] =	vst.idx.msk $0xffff, v44;
	v19 =	vmul.f32 v50, v33  }
0xfc: {  	[tilespmem:v20+s19+$0x0] =	vst.idx.msk $0xffff, v26;
	v20 =	vmul.f32 v50, v37;
	v26 =	vmul.f32 v50, v39  }
0xfd: {  	[tilespmem:v21+s19+$0x0] =	vst.idx.msk $0xffff, v27;
	v21 =	vmul.f32 v50, v41;
	v27 =	vmul.f32 v50, v42  }
0xfe: {  	v33 =	vmul.f32 v50, v47;
	[tilespmem:v22+s19+$0x0] =	vst.idx.msk $0xffff, v18;
	v22 =	vmul.f32 v50, v46  }
0xff: {  	[tilespmem:v23+s19+$0x0] =	vst.idx.msk $0xffff, v29;
	v23 =	vmul.f32 v50, v48;
	v29 =	vmul.f32 v50, v49  }
0x100: {  	[tilespmem:v24+s19+$0x0] =	vst.idx.msk $0xffff, v19  }
0x101: {  	[tilespmem:v25+s19+$0x0] =	vst.idx.msk $0xffff, v31  }
0x102: {  	[tilespmem:v28+s19+$0x0] =	vst.idx.msk $0xffff, v20  }
0x103: {  	v18 =	vmov s20;
	[tilespmem:v30+s19+$0x0] =	vst.idx.msk $0xffff, v26  }
0x104: {  	v18 =	vshll.u32 v18, $0x4;
	[tilespmem:v32+s19+$0x0] =	vst.idx.msk $0xffff, v21  }
0x105: {  	v18 =	vor.u32 v1, v18;
	[tilespmem:v34+s19+$0x0] =	vst.idx.msk $0xffff, v27  }
0x106: {  	[tilespmem:v36+s19+$0x0] =	vst.idx.msk $0xffff, v22  }
0x107: {  	v19 =	vor.u32 $0x1, v18;
	[tilespmem:v38+s19+$0x0] =	vst.idx.msk $0xffff, v33  }
0x108: {  	[tilespmem:v40+s19+$0x0] =	vst.idx.msk $0xffff, v23  }
0x109: {  	[tilespmem:v43+s19+$0x0] =	vst.idx.msk $0xffff, v29  }
0x10a: {  	v24 =	vld.idx.msk [tilespmem:v18+s22+$0x0], $0xffff  }
0x10b: {  	v20 =	vor.u32 $0x2, v18;
	v44 =	vld.idx.msk [tilespmem:v18+s25+$0x0], $0xffff  }
0x10c: {  	v23 =	vld.idx.msk [tilespmem:v18+s29+$0x0], $0xffff  }
0x10d: {  	v21 =	vor.u32 $0x3, v18;
	v45 =	vld.idx.msk [tilespmem:v19+s25+$0x0], $0xffff  }
0x10e: {  	v25 =	vld.idx.msk [tilespmem:v19+s29+$0x0], $0xffff  }
0x10f: {  	v28 =	vld.idx.msk [tilespmem:v19+s22+$0x0], $0xffff  }
0x110: {  	v30 =	vld.idx.msk [tilespmem:v20+s22+$0x0], $0xffff  }
0x111: {  	v22 =	vor.u32 $0x4, v18;
	v29 =	vld.idx.msk [tilespmem:v20+s29+$0x0], $0xffff  }
0x112: {  	v27 =	vadd.f32 v23, v44;
	v26 =	vld.idx.msk [tilespmem:v20+s25+$0x0], $0xffff  }
0x113: {  	v23 =	vor.u32 $0x5, v18;
	v31 =	vld.idx.msk [tilespmem:v21+s29+$0x0], $0xffff  }
0x114: {  	v32 =	vadd.f32 v24, v27;
	v24 =	vadd.f32 v25, v45;
	v27 =	vld.idx.msk [tilespmem:v21+s25+$0x0], $0xffff  }
0x115: {  	v33 =	vld.idx.msk [tilespmem:v21+s22+$0x0], $0xffff  }
0x116: {  	v25 =	vmul.f32 $2.000000030e-01, v32;
	v28 =	vadd.f32 v28, v24;
	v34 =	vld.idx.msk [tilespmem:v22+s22+$0x0], $0xffff  }
0x117: {  	v24 =	vor.u32 $0x6, v18;
	v35 =	vld.idx.msk [tilespmem:v22+s29+$0x0], $0xffff  }
0x118: {  	v25 =	vmax.f32 v32, v25;
	v32 =	vmul.f32 $2.000000030e-01, v28;
	v36 =	vadd.f32 v29, v26;
	v29 =	vld.idx.msk [tilespmem:v22+s25+$0x0], $0xffff  }
0x119: {  	v37 =	vmul.f32 v25, v2;
	v25 =	vor.u32 $0x7, v18;
	v38 =	vld.idx.msk [tilespmem:v23+s29+$0x0], $0xffff  }
0x11a: {  	v28 =	vmax.f32 v28, v32;
	v30 =	vadd.f32 v30, v36;
	v32 =	vadd.f32 v31, v27;
	v31 =	vld.idx.msk [tilespmem:v23+s25+$0x0], $0xffff  }
0x11b: {  	v36 =	vadd.f32 $0.0e+00, v37;
	v28 =	vmul.f32 v28, v3;
	v37 =	vld.idx.msk [tilespmem:v23+s22+$0x0], $0xffff  }
0x11c: {  	v39 =	vmul.f32 $2.000000030e-01, v30;
	v32 =	vadd.f32 v33, v32;
	v40 =	vld.idx.msk [tilespmem:v24+s22+$0x0], $0xffff  }
0x11d: {  	v36 =	vadd.f32 v28, v36;
	v28 =	vor.u32 $0x8, v18;
	v41 =	vld.idx.msk [tilespmem:v24+s29+$0x0], $0xffff  }
0x11e: {  	v30 =	vmax.f32 v30, v39;
	v39 =	vmul.f32 $2.000000030e-01, v32;
	v35 =	vadd.f32 v35, v29;
	v33 =	vld.idx.msk [tilespmem:v24+s25+$0x0], $0xffff  }
0x11f: {  	v42 =	vmul.f32 v30, v4;
	v30 =	vor.u32 $0x9, v18;
	v43 =	vld.idx.msk [tilespmem:v25+s29+$0x0], $0xffff  }
0x120: {  	v32 =	vmax.f32 v32, v39;
	v34 =	vadd.f32 v34, v35;
	v38 =	vadd.f32 v38, v31;
	v35 =	vld.idx.msk [tilespmem:v25+s25+$0x0], $0xffff  }
0x121: {  	v36 =	vadd.f32 v42, v36;
	v32 =	vmul.f32 v32, v5;
	v42 =	vld.idx.msk [tilespmem:v25+s22+$0x0], $0xffff  }
0x122: {  	v39 =	vmul.f32 $2.000000030e-01, v34;
	v38 =	vadd.f32 v37, v38;
	v46 =	vld.idx.msk [tilespmem:v28+s22+$0x0], $0xffff  }
0x123: {  	v36 =	vadd.f32 v32, v36;
	v32 =	vor.u32 $0xA, v18;
	v47 =	vld.idx.msk [tilespmem:v28+s29+$0x0], $0xffff  }
0x124: {  	v34 =	vmax.f32 v34, v39;
	v39 =	vmul.f32 $2.000000030e-01, v38;
	v41 =	vadd.f32 v41, v33;
	v37 =	vld.idx.msk [tilespmem:v28+s25+$0x0], $0xffff  }
0x125: {  	v48 =	vmul.f32 v34, v6;
	v34 =	vor.u32 $0xB, v18;
	v49 =	vld.idx.msk [tilespmem:v30+s29+$0x0], $0xffff  }
0x126: {  	v38 =	vmax.f32 v38, v39;
	v40 =	vadd.f32 v40, v41;
	v41 =	vadd.f32 v43, v35;
	v39 =	vld.idx.msk [tilespmem:v30+s25+$0x0], $0xffff  }
0x127: {  	v36 =	vadd.f32 v48, v36;
	v38 =	vmul.f32 v38, v7;
	v43 =	vld.idx.msk [tilespmem:v30+s22+$0x0], $0xffff  }
0x128: {  	v48 =	vmul.f32 $2.000000030e-01, v40;
	v42 =	vadd.f32 v42, v41;
	v50 =	vld.idx.msk [tilespmem:v32+s22+$0x0], $0xffff  }
0x129: {  	v51 =	vadd.f32 v38, v36;
	v36 =	vor.u32 $0xC, v18;
	v52 =	vld.idx.msk [tilespmem:v32+s29+$0x0], $0xffff  }
0x12a: {  	v38 =	vmax.f32 v40, v48;
	v40 =	vmul.f32 $2.000000030e-01, v42;
	v47 =	vadd.f32 v47, v37;
	v41 =	vld.idx.msk [tilespmem:v32+s25+$0x0], $0xffff  }
0x12b: {  	v48 =	vmul.f32 v38, v8;
	v38 =	vor.u32 $0xD, v18;
	v53 =	vld.idx.msk [tilespmem:v34+s29+$0x0], $0xffff  }
0x12c: {  	v40 =	vmax.f32 v42, v40;
	v46 =	vadd.f32 v46, v47;
	v47 =	vadd.f32 v49, v39;
	v42 =	vld.idx.msk [tilespmem:v34+s25+$0x0], $0xffff  }
0x12d: {  	v48 =	vadd.f32 v48, v51;
	v40 =	vmul.f32 v40, v9;
	v49 =	vld.idx.msk [tilespmem:v34+s22+$0x0], $0xffff  }
0x12e: {  	v51 =	vmul.f32 $2.000000030e-01, v46;
	v47 =	vadd.f32 v43, v47;
	v54 =	vld.idx.msk [tilespmem:v36+s22+$0x0], $0xffff  }
0x12f: {  	v48 =	vadd.f32 v40, v48;
	v40 =	vor.u32 $0xE, v18;
	v55 =	vld.idx.msk [tilespmem:v36+s29+$0x0], $0xffff  }
0x130: {  	v43 =	vmax.f32 v46, v51;
	v51 =	vmul.f32 $2.000000030e-01, v47;
	v52 =	vadd.f32 v52, v41;
	v46 =	vld.idx.msk [tilespmem:v36+s25+$0x0], $0xffff  }
0x131: {  	v56 =	vmul.f32 v43, v10;
	v43 =	vor.u32 $0xF, v18;
	v57 =	vld.idx.msk [tilespmem:v38+s29+$0x0], $0xffff  }
0x132: {  	v51 =	vmax.f32 v47, v51;
	v50 =	vadd.f32 v50, v52;
	v52 =	vadd.f32 v53, v42;
	v47 =	vld.idx.msk [tilespmem:v38+s25+$0x0], $0xffff  }
0x133: {  	v48 =	vadd.f32 v56, v48;
	v51 =	vmul.f32 v51, v11;
	v53 =	vld.idx.msk [tilespmem:v38+s22+$0x0], $0xffff  }
0x134: {  	v56 =	vmul.f32 $2.000000030e-01, v50;
	v49 =	vadd.f32 v49, v52;
	v52 =	vld.idx.msk [tilespmem:v40+s22+$0x0], $0xffff  }
0x135: {  	v51 =	vadd.f32 v51, v48;
	v58 =	vld.idx.msk [tilespmem:v40+s29+$0x0], $0xffff  }
0x136: {  	v50 =	vmax.f32 v50, v56;
	v56 =	vmul.f32 $2.000000030e-01, v49;
	v55 =	vadd.f32 v55, v46;
	v48 =	vld.idx.msk [tilespmem:v40+s25+$0x0], $0xffff  }
0x137: {  	v50 =	vmul.f32 v50, v12;
	v59 =	vld.idx.msk [tilespmem:v43+s29+$0x0], $0xffff  }
0x138: {  	v56 =	vmax.f32 v49, v56;
	v54 =	vadd.f32 v54, v55;
	v55 =	vadd.f32 v57, v47;
	v49 =	vld.idx.msk [tilespmem:v43+s25+$0x0], $0xffff  }
0x139: {  	v50 =	vadd.f32 v50, v51;
	v51 =	vmul.f32 v56, v13  }
0x13a: {  	v56 =	vmul.f32 $2.000000030e-01, v54;
	v53 =	vadd.f32 v53, v55;
	v55 =	vld.idx.msk [tilespmem:v43+s22+$0x0], $0xffff  }
0x13b: {  	v50 =	vadd.f32 v51, v50  }
0x13c: {  	v51 =	vmax.f32 v54, v56;
	v54 =	vmul.f32 $2.000000030e-01, v53;
	v56 =	vadd.f32 v58, v48  }
0x13d: {  	v51 =	vmul.f32 v51, v14  }
0x13e: {  	v53 =	vmax.f32 v53, v54;
	v52 =	vadd.f32 v52, v56;
	v54 =	vadd.f32 v59, v49  }
0x13f: {  	v50 =	vadd.f32 v51, v50;
	v51 =	vmul.f32 v53, v15  }
0x140: {  	v53 =	vmul.f32 $2.000000030e-01, v52;
	v54 =	vadd.f32 v55, v54  }
0x141: {  	v50 =	vadd.f32 v51, v50  }
0x142: {  	v51 =	vmax.f32 v52, v53;
	v52 =	vmul.f32 $2.000000030e-01, v54  }
0x143: {  	v51 =	vmul.f32 v51, v16  }
0x144: {  	v52 =	vmax.f32 v54, v52  }
0x145: {  	v50 =	vadd.f32 v51, v50;
	v51 =	vmul.f32 v52, v17;
	_ =	sdelay $0x1  }
0x146: {  	v50 =	vadd.f32 v51, v50;
	_ =	sdelay $0x1  }
0x147: {  	v50 =	vmul.f32 $1.442695020e+00, v50;
	_ =	sdelay $0x1  }
0x148: {  	(erf) = vpow2.f32 v50;
	_ =	sdelay $0x6  }
.Ltmp1:
0x149: {  	(pc) =	sbr.rel @p0 .LBB2_5-.Ltmp1, $4  }
0x14a: {  	s20 =	sadd.s32 s20, s0  }
0x14b: {  	p1 =	slt.u32 s20, $0xC3500;
	v50 =	vpop (erf)  }
0x14c: {  	v50 =	vpsel !p1, $0x0, v50  }
0x14d: {  	[tilespmem:s15+$0x0] =	vst v50;
	v51 =	vmul.f32 v50, v44;
	v44 =	vmul.f32 v50, v45  }
0x14e: {  	_ =	sdelay $0x3  }
0x14f: {  	v26 =	vmul.f32 v50, v26;
	[tilespmem:v18+s19+$0x0] =	vst.idx.msk $0xffff, v51  }
0x150: {  	v18 =	vmul.f32 v50, v27;
	[tilespmem:v19+s19+$0x0] =	vst.idx.msk $0xffff, v44  }
0x151: {  	v19 =	vmul.f32 v50, v29;
	[tilespmem:v20+s19+$0x0] =	vst.idx.msk $0xffff, v26  }
0x152: {  	v20 =	vmul.f32 v50, v31;
	[tilespmem:v21+s19+$0x0] =	vst.idx.msk $0xffff, v18  }
0x153: {  	v18 =	vmul.f32 v50, v33;
	[tilespmem:v22+s19+$0x0] =	vst.idx.msk $0xffff, v19  }
0x154: {  	v19 =	vmul.f32 v50, v35;
	[tilespmem:v23+s19+$0x0] =	vst.idx.msk $0xffff, v20  }
0x155: {  	v20 =	vmul.f32 v50, v37;
	[tilespmem:v24+s19+$0x0] =	vst.idx.msk $0xffff, v18  }
0x156: {  	v18 =	vmul.f32 v50, v39;
	[tilespmem:v25+s19+$0x0] =	vst.idx.msk $0xffff, v19  }
0x157: {  	v19 =	vmul.f32 v50, v41;
	[tilespmem:v28+s19+$0x0] =	vst.idx.msk $0xffff, v20  }
0x158: {  	v20 =	vmul.f32 v50, v42;
	[tilespmem:v30+s19+$0x0] =	vst.idx.msk $0xffff, v18  }
0x159: {  	v18 =	vmul.f32 v50, v46;
	[tilespmem:v32+s19+$0x0] =	vst.idx.msk $0xffff, v19  }
0x15a: {  	v19 =	vmul.f32 v50, v47;
	[tilespmem:v34+s19+$0x0] =	vst.idx.msk $0xffff, v20  }
0x15b: {  	v20 =	vmul.f32 v50, v48;
	[tilespmem:v36+s19+$0x0] =	vst.idx.msk $0xffff, v18  }
0x15c: {  	v18 =	vmul.f32 v50, v49;
	[tilespmem:v38+s19+$0x0] =	vst.idx.msk $0xffff, v19  }
0x15d: {  	[tilespmem:v40+s19+$0x0] =	vst.idx.msk $0xffff, v20  }
0x15e: {  	[tilespmem:v43+s19+$0x0] =	vst.idx.msk $0xffff, v18  }
0x15f: {  	[spmem:s1] =	stream.indirect.scatter.add.f32 [tilespmem:s19], [sflag:$0x3], $0x10, s21, s24, $0xb8;
	[tilespmem:$0x1DC10] =	vst v63  }
0x160: {  	s12 =	simm.s32 $0x10800  }
0x161: {  	[spmem:s3] =	stream.indirect.scatter.add.f32 [tilespmem:s12], [sflag:$0x3], $0x1, s21, s24, $0xb8;
	[tilespmem:$0x1DC10] =	vst v63  }
0x162: {  	_ =	swait.ge [sflag:s23], $0x200  }
0x163: {  	[sflag:s23] =	ssyncset.done $0x0  }
0x164: {  	[sflag:s23] =	ssyncadd.s32 $0xFFFFFE00  }
0x165: {  	_ =	swait.ge [sflag:s23], $0x200  }
0x166: {  	[sflag:s23] =	ssyncset.done $0x0  }
0x167: {  	[sflag:s23] =	ssyncadd.s32 $0xFFFFFE00  }
0x168: {  	_ =	swait.ge [sflag:s23], $0x2000  }
0x169: {  	[sflag:s23] =	ssyncset.done $0x0  }
0x16a: {  	[sflag:s23] =	ssyncadd.s32 $0xFFFFE000  }
0x16b: {  	[tilespmem:s2], [sflag:$0x2] =	stream.indirect.gather [hbm4b:s5+s24], $0x10, s24, s24, $0xb8;
	[tilespmem:$0x1DC10] =	vst v63  }
0x16c: {  	s15 =	simm.s32 $0x0  }
0x16d: {  	v18 =	vmov s15;
	[tilespmem:s10], [sflag:$0x2] =	stream.indirect.gather [hbm4b:s6+s24], $0x10, s30, s24, $0xb8;
	[tilespmem:$0x1DC10] =	vst v63  }
0x16e: {  	v18 =	vshll.u32 v18, $0x4;
	_ =	swait.ge [sflag:s4], $0x2000  }
0x16f: {  	v18 =	vor.u32 v1, v18;
	[sflag:s4] =	ssyncset.done $0x0  }
0x170: {  	[sflag:s4] =	ssyncadd.s32 $0xFFFFE000  }
0x171: {  	_ =	swait.ge [sflag:s4], $0x2000  }
0x172: {  	v19 =	vor.u32 $0x1, v18;
	[sflag:s4] =	ssyncset.done $0x0  }
0x173: {  	[sflag:s4] =	ssyncadd.s32 $0xFFFFE000  }
0x174: {  	v30 =	vld.idx.msk [tilespmem:v18+s31+$0x0], $0xffff  }
0x175: {  	v20 =	vor.u32 $0x2, v18;
	v44 =	vld.idx.msk [tilespmem:v18+s2+$0x0], $0xffff  }
0x176: {  	v28 =	vld.idx.msk [tilespmem:v18+s10+$0x0], $0xffff  }
0x177: {  	v45 =	vld.idx.msk [tilespmem:v19+s2+$0x0], $0xffff  }
0x178: {  	v21 =	vor.u32 $0x3, v18;
	v61 =	vld.idx.msk [tilespmem:v19+s10+$0x0], $0xffff  }
0x179: {  	v62 =	vld.idx.msk [tilespmem:v19+s31+$0x0], $0xffff  }
0x17a: {  	v63 =	vld.idx.msk [tilespmem:v20+s31+$0x0], $0xffff  }
0x17b: {  	v22 =	vor.u32 $0x4, v18;
	v54 =	vld.idx.msk [tilespmem:v20+s10+$0x0], $0xffff  }
0x17c: {  	v26 =	vld.idx.msk [tilespmem:v20+s2+$0x0], $0xffff  }
0x17d: {  	v55 =	vld.idx.msk [tilespmem:v21+s10+$0x0], $0xffff  }
0x17e: {  	v23 =	vor.u32 $0x5, v18;
	v27 =	vld.idx.msk [tilespmem:v21+s2+$0x0], $0xffff  }
0x17f: {  	v56 =	vld.idx.msk [tilespmem:v21+s31+$0x0], $0xffff  }
0x180: {  	v40 =	vld.idx.msk [tilespmem:v22+s31+$0x0], $0xffff  }
0x181: {  	v24 =	vor.u32 $0x6, v18;
	v57 =	vld.idx.msk [tilespmem:v22+s10+$0x0], $0xffff  }
0x182: {  	v29 =	vld.idx.msk [tilespmem:v22+s2+$0x0], $0xffff  }
0x183: {  	v42 =	vld.idx.msk [tilespmem:v23+s10+$0x0], $0xffff  }
0x184: {  	v25 =	vor.u32 $0x7, v18;
	v31 =	vld.idx.msk [tilespmem:v23+s2+$0x0], $0xffff  }
0x185: {  	v43 =	vld.idx.msk [tilespmem:v23+s31+$0x0], $0xffff  }
0x186: {  	v46 =	vld.idx.msk [tilespmem:v24+s31+$0x0], $0xffff;
	v58 =	vadd.f32 v28, v44  }
0x187: {  	v47 =	vld.idx.msk [tilespmem:v24+s10+$0x0], $0xffff;
	v28 =	vor.u32 $0x8, v18  }
0x188: {  	v33 =	vld.idx.msk [tilespmem:v24+s2+$0x0], $0xffff;
	v59 =	vadd.f32 v30, v58;
	v30 =	vadd.f32 v61, v45  }
0x189: {  	v49 =	vld.idx.msk [tilespmem:v25+s10+$0x0], $0xffff;
	v37 =	vadd.f32 v54, v26;
	v38 =	vadd.f32 v55, v27  }
0x18a: {  	v35 =	vld.idx.msk [tilespmem:v25+s2+$0x0], $0xffff;
	v60 =	vmul.f32 $2.000000030e-01, v59;
	v34 =	vadd.f32 v62, v30;
	v30 =	vor.u32 $0x9, v18  }
0x18b: {  	v50 =	vld.idx.msk [tilespmem:v25+s31+$0x0], $0xffff  }
0x18c: {  	v36 =	vadd.f32 v63, v37;
	v38 =	vadd.f32 v56, v38;
	v51 =	vld.idx.msk [tilespmem:v28+s31+$0x0], $0xffff;
	v32 =	vmax.f32 v59, v60  }
0x18d: {  	v53 =	vld.idx.msk [tilespmem:v28+s10+$0x0], $0xffff;
	v61 =	vmul.f32 $2.000000030e-01, v34;
	v52 =	vmul.f32 v32, v2;
	v32 =	vor.u32 $0xA, v18  }
0x18e: {  	v41 =	vadd.f32 v57, v29;
	v47 =	vadd.f32 v47, v33;
	v37 =	vld.idx.msk [tilespmem:v28+s2+$0x0], $0xffff  }
0x18f: {  	v63 =	vmul.f32 $2.000000030e-01, v36;
	v56 =	vmul.f32 $2.000000030e-01, v38;
	v34 =	vmax.f32 v34, v61;
	v54 =	vld.idx.msk [tilespmem:v30+s10+$0x0], $0xffff  }
0x190: {  	v62 =	vadd.f32 $0.0e+00, v52;
	v55 =	vmul.f32 v34, v3;
	v34 =	vor.u32 $0xB, v18;
	v39 =	vld.idx.msk [tilespmem:v30+s2+$0x0], $0xffff  }
0x191: {  	v40 =	vadd.f32 v40, v41;
	v36 =	vmax.f32 v36, v63;
	v60 =	vadd.f32 v42, v31;
	v52 =	vld.idx.msk [tilespmem:v30+s31+$0x0], $0xffff  }
0x192: {  	v38 =	vmax.f32 v38, v56;
	v61 =	vadd.f32 v55, v62;
	v62 =	vmul.f32 v36, v4;
	v55 =	vld.idx.msk [tilespmem:v32+s31+$0x0], $0xffff  }
0x193: {  	v63 =	vmul.f32 $2.000000030e-01, v40;
	v43 =	vadd.f32 v43, v60;
	v36 =	vor.u32 $0xC, v18;
	v57 =	vld.idx.msk [tilespmem:v32+s10+$0x0], $0xffff  }
0x194: {  	v38 =	vmul.f32 v38, v5;
	v41 =	vld.idx.msk [tilespmem:v32+s2+$0x0], $0xffff;
	v42 =	vadd.f32 v62, v61  }
0x195: {  	v47 =	vadd.f32 v46, v47;
	v40 =	vmax.f32 v40, v63;
	v60 =	vmul.f32 $2.000000030e-01, v43;
	v56 =	vld.idx.msk [tilespmem:v34+s10+$0x0], $0xffff  }
0x196: {  	v61 =	vadd.f32 v49, v35;
	v49 =	vld.idx.msk [tilespmem:v34+s31+$0x0], $0xffff;
	v58 =	vadd.f32 v38, v42;
	v38 =	vor.u32 $0xD, v18  }
0x197: {  	v40 =	vmul.f32 v40, v6;
	v42 =	vld.idx.msk [tilespmem:v34+s2+$0x0], $0xffff  }
0x198: {  	v59 =	vmul.f32 $2.000000030e-01, v47;
	v53 =	vadd.f32 v53, v37;
	v43 =	vmax.f32 v43, v60;
	v60 =	vld.idx.msk [tilespmem:v36+s10+$0x0], $0xffff  }
0x199: {  	v50 =	vadd.f32 v50, v61;
	v46 =	vld.idx.msk [tilespmem:v36+s2+$0x0], $0xffff;
	v48 =	vadd.f32 v40, v58;
	v40 =	vor.u32 $0xE, v18  }
0x19a: {  	v51 =	vadd.f32 v51, v53;
	v43 =	vmul.f32 v43, v7;
	v62 =	vmax.f32 v47, v59;
	v58 =	vld.idx.msk [tilespmem:v36+s31+$0x0], $0xffff  }
0x19b: {  	v54 =	vadd.f32 v54, v39;
	v61 =	vmul.f32 v62, v8;
	v53 =	vmul.f32 $2.000000030e-01, v50;
	v59 =	vld.idx.msk [tilespmem:v38+s10+$0x0], $0xffff  }
0x19c: {  	v62 =	vmul.f32 $2.000000030e-01, v51;
	v48 =	vadd.f32 v43, v48;
	v43 =	vor.u32 $0xF, v18;
	v47 =	vld.idx.msk [tilespmem:v38+s2+$0x0], $0xffff  }
0x19d: {  	v52 =	vadd.f32 v52, v54;
	v50 =	vmax.f32 v50, v53;
	v53 =	vadd.f32 v57, v41;
	v54 =	vld.idx.msk [tilespmem:v38+s31+$0x0], $0xffff  }
0x19e: {  	v51 =	vmax.f32 v51, v62;
	v50 =	vmul.f32 v50, v9;
	v48 =	vadd.f32 v61, v48;
	v57 =	vld.idx.msk [tilespmem:v40+s31+$0x0], $0xffff  }
0x19f: {  	v61 =	vmul.f32 $2.000000030e-01, v52;
	v53 =	vadd.f32 v55, v53;
	v55 =	vadd.f32 v56, v42;
	v56 =	vld.idx.msk [tilespmem:v40+s10+$0x0], $0xffff  }
0x1a0: {  	v51 =	vmul.f32 v51, v10;
	v60 =	vadd.f32 v60, v46;
	v50 =	vadd.f32 v50, v48;
	v48 =	vld.idx.msk [tilespmem:v40+s2+$0x0], $0xffff  }
0x1a1: {  	v52 =	vmax.f32 v52, v61;
	v61 =	vmul.f32 $2.000000030e-01, v53;
	v55 =	vadd.f32 v49, v55;
	v62 =	vld.idx.msk [tilespmem:v43+s10+$0x0], $0xffff  }
0x1a2: {  	v63 =	vmul.f32 v52, v11;
	v52 =	vadd.f32 v58, v60;
	v49 =	vld.idx.msk [tilespmem:v43+s2+$0x0], $0xffff;
	v50 =	vadd.f32 v51, v50  }
0x1a3: {  	v53 =	vmax.f32 v53, v61;
	v58 =	vmul.f32 $2.000000030e-01, v55;
	v59 =	vadd.f32 v59, v47  }
0x1a4: {  	v60 =	vld.idx.msk [tilespmem:v43+s31+$0x0], $0xffff;
	v51 =	vmul.f32 v53, v12;
	v53 =	vmul.f32 $2.000000030e-01, v52;
	v50 =	vadd.f32 v63, v50  }
0x1a5: {  	v55 =	vmax.f32 v55, v58;
	v54 =	vadd.f32 v54, v59;
	v56 =	vadd.f32 v56, v48  }
0x1a6: {  	v61 =	vmul.f32 v55, v13;
	v52 =	vmax.f32 v52, v53;
	v50 =	vadd.f32 v51, v50  }
0x1a7: {  	v63 =	vmul.f32 $2.000000030e-01, v54;
	v55 =	vadd.f32 v57, v56;
	v56 =	vadd.f32 v62, v49  }
0x1a8: {  	v50 =	vadd.f32 v61, v50;
	v61 =	vmul.f32 v52, v14  }
0x1a9: {  	v62 =	vmax.f32 v54, v63;
	v63 =	vmul.f32 $2.000000030e-01, v55;
	v57 =	vadd.f32 v60, v56  }
0x1aa: {  	v58 =	vmul.f32 v62, v15;
	v50 =	vadd.f32 v61, v50  }
0x1ab: {  	v59 =	vmax.f32 v55, v63;
	v60 =	vmul.f32 $2.000000030e-01, v57  }
0x1ac: {  	v50 =	vadd.f32 v58, v50;
	v61 =	vmul.f32 v59, v16  }
0x1ad: {  	v62 =	vmax.f32 v57, v60  }
0x1ae: {  	v50 =	vadd.f32 v61, v50;
	v63 =	vmul.f32 v62, v17;
	_ =	sdelay $0x1  }
0x1af: {  	v50 =	vadd.f32 v63, v50;
	_ =	sdelay $0x1  }
0x1b0: {  	v50 =	vmul.f32 $1.442695020e+00, v50;
	_ =	sdelay $0x1  }
0x1b1: {  	(erf) = vpow2.f32 v50;
	_ =	sdelay $0x7  }
0x1b2: {  	s20 =	sadd.s32 $0x0, s28  }
0x1b3: {  	p0 =	slt.u32 s20, $0xC3500;
	v50 =	vpop (erf)  }
0x1b4: {  	s15 =	simm.s32 $0x10A00;
	v50 =	vpsel !p0, $0x0, v50  }
0x1b5: {  	s12 =	simm.s32 $0x10;
	[tilespmem:s15+$0x0] =	vst v50;
	v51 =	vmul.f32 v50, v44;
	v44 =	vmul.f32 v50, v45  }
.LBB2_7:
0x1b6: {  	p0 =	sne.s32 s12, $0x1F0  }
0x1b7: {  	v26 =	vmul.f32 v50, v26;
	v27 =	vmul.f32 v50, v27;
	s15 =	sadd.s32 $0x10, s15;
	s20 =	smov.u32 s12;
	s12 =	sadd.s32 $0x10, s12  }
0x1b8: {  	[tilespmem:v18+s17+$0x0] =	vst.idx.msk $0xffff, v51;
	v18 =	vmul.f32 v50, v29;
	v29 =	vmul.f32 v50, v31  }
0x1b9: {  	v31 =	vmul.f32 v50, v35;
	[tilespmem:v19+s17+$0x0] =	vst.idx.msk $0xffff, v44;
	v19 =	vmul.f32 v50, v33  }
0x1ba: {  	[tilespmem:v20+s17+$0x0] =	vst.idx.msk $0xffff, v26;
	v20 =	vmul.f32 v50, v37;
	v26 =	vmul.f32 v50, v39  }
0x1bb: {  	[tilespmem:v21+s17+$0x0] =	vst.idx.msk $0xffff, v27;
	v21 =	vmul.f32 v50, v41;
	v27 =	vmul.f32 v50, v42  }
0x1bc: {  	v33 =	vmul.f32 v50, v47;
	[tilespmem:v22+s17+$0x0] =	vst.idx.msk $0xffff, v18;
	v22 =	vmul.f32 v50, v46  }
0x1bd: {  	[tilespmem:v23+s17+$0x0] =	vst.idx.msk $0xffff, v29;
	v23 =	vmul.f32 v50, v48;
	v29 =	vmul.f32 v50, v49  }
0x1be: {  	[tilespmem:v24+s17+$0x0] =	vst.idx.msk $0xffff, v19  }
0x1bf: {  	[tilespmem:v25+s17+$0x0] =	vst.idx.msk $0xffff, v31  }
0x1c0: {  	[tilespmem:v28+s17+$0x0] =	vst.idx.msk $0xffff, v20  }
0x1c1: {  	v18 =	vmov s20;
	[tilespmem:v30+s17+$0x0] =	vst.idx.msk $0xffff, v26  }
0x1c2: {  	v18 =	vshll.u32 v18, $0x4;
	[tilespmem:v32+s17+$0x0] =	vst.idx.msk $0xffff, v21  }
0x1c3: {  	v18 =	vor.u32 v1, v18;
	[tilespmem:v34+s17+$0x0] =	vst.idx.msk $0xffff, v27  }
0x1c4: {  	[tilespmem:v36+s17+$0x0] =	vst.idx.msk $0xffff, v22  }
0x1c5: {  	v19 =	vor.u32 $0x1, v18;
	[tilespmem:v38+s17+$0x0] =	vst.idx.msk $0xffff, v33  }
0x1c6: {  	[tilespmem:v40+s17+$0x0] =	vst.idx.msk $0xffff, v23  }
0x1c7: {  	[tilespmem:v43+s17+$0x0] =	vst.idx.msk $0xffff, v29  }
0x1c8: {  	v24 =	vld.idx.msk [tilespmem:v18+s31+$0x0], $0xffff  }
0x1c9: {  	v20 =	vor.u32 $0x2, v18;
	v44 =	vld.idx.msk [tilespmem:v18+s2+$0x0], $0xffff  }
0x1ca: {  	v23 =	vld.idx.msk [tilespmem:v18+s10+$0x0], $0xffff  }
0x1cb: {  	v21 =	vor.u32 $0x3, v18;
	v45 =	vld.idx.msk [tilespmem:v19+s2+$0x0], $0xffff  }
0x1cc: {  	v25 =	vld.idx.msk [tilespmem:v19+s10+$0x0], $0xffff  }
0x1cd: {  	v28 =	vld.idx.msk [tilespmem:v19+s31+$0x0], $0xffff  }
0x1ce: {  	v30 =	vld.idx.msk [tilespmem:v20+s31+$0x0], $0xffff  }
0x1cf: {  	v22 =	vor.u32 $0x4, v18;
	v29 =	vld.idx.msk [tilespmem:v20+s10+$0x0], $0xffff  }
0x1d0: {  	v27 =	vadd.f32 v23, v44;
	v26 =	vld.idx.msk [tilespmem:v20+s2+$0x0], $0xffff  }
0x1d1: {  	v23 =	vor.u32 $0x5, v18;
	v31 =	vld.idx.msk [tilespmem:v21+s10+$0x0], $0xffff  }
0x1d2: {  	v32 =	vadd.f32 v24, v27;
	v24 =	vadd.f32 v25, v45;
	v27 =	vld.idx.msk [tilespmem:v21+s2+$0x0], $0xffff  }
0x1d3: {  	v33 =	vld.idx.msk [tilespmem:v21+s31+$0x0], $0xffff  }
0x1d4: {  	v25 =	vmul.f32 $2.000000030e-01, v32;
	v28 =	vadd.f32 v28, v24;
	v34 =	vld.idx.msk [tilespmem:v22+s31+$0x0], $0xffff  }
0x1d5: {  	v24 =	vor.u32 $0x6, v18;
	v35 =	vld.idx.msk [tilespmem:v22+s10+$0x0], $0xffff  }
0x1d6: {  	v25 =	vmax.f32 v32, v25;
	v32 =	vmul.f32 $2.000000030e-01, v28;
	v36 =	vadd.f32 v29, v26;
	v29 =	vld.idx.msk [tilespmem:v22+s2+$0x0], $0xffff  }
0x1d7: {  	v37 =	vmul.f32 v25, v2;
	v25 =	vor.u32 $0x7, v18;
	v38 =	vld.idx.msk [tilespmem:v23+s10+$0x0], $0xffff  }
0x1d8: {  	v28 =	vmax.f32 v28, v32;
	v30 =	vadd.f32 v30, v36;
	v32 =	vadd.f32 v31, v27;
	v31 =	vld.idx.msk [tilespmem:v23+s2+$0x0], $0xffff  }
0x1d9: {  	v36 =	vadd.f32 $0.0e+00, v37;
	v28 =	vmul.f32 v28, v3;
	v37 =	vld.idx.msk [tilespmem:v23+s31+$0x0], $0xffff  }
0x1da: {  	v39 =	vmul.f32 $2.000000030e-01, v30;
	v32 =	vadd.f32 v33, v32;
	v40 =	vld.idx.msk [tilespmem:v24+s31+$0x0], $0xffff  }
0x1db: {  	v36 =	vadd.f32 v28, v36;
	v28 =	vor.u32 $0x8, v18;
	v41 =	vld.idx.msk [tilespmem:v24+s10+$0x0], $0xffff  }
0x1dc: {  	v30 =	vmax.f32 v30, v39;
	v39 =	vmul.f32 $2.000000030e-01, v32;
	v35 =	vadd.f32 v35, v29;
	v33 =	vld.idx.msk [tilespmem:v24+s2+$0x0], $0xffff  }
0x1dd: {  	v42 =	vmul.f32 v30, v4;
	v30 =	vor.u32 $0x9, v18;
	v43 =	vld.idx.msk [tilespmem:v25+s10+$0x0], $0xffff  }
0x1de: {  	v32 =	vmax.f32 v32, v39;
	v34 =	vadd.f32 v34, v35;
	v38 =	vadd.f32 v38, v31;
	v35 =	vld.idx.msk [tilespmem:v25+s2+$0x0], $0xffff  }
0x1df: {  	v36 =	vadd.f32 v42, v36;
	v32 =	vmul.f32 v32, v5;
	v42 =	vld.idx.msk [tilespmem:v25+s31+$0x0], $0xffff  }
0x1e0: {  	v39 =	vmul.f32 $2.000000030e-01, v34;
	v38 =	vadd.f32 v37, v38;
	v46 =	vld.idx.msk [tilespmem:v28+s31+$0x0], $0xffff  }
0x1e1: {  	v36 =	vadd.f32 v32, v36;
	v32 =	vor.u32 $0xA, v18;
	v47 =	vld.idx.msk [tilespmem:v28+s10+$0x0], $0xffff  }
0x1e2: {  	v34 =	vmax.f32 v34, v39;
	v39 =	vmul.f32 $2.000000030e-01, v38;
	v41 =	vadd.f32 v41, v33;
	v37 =	vld.idx.msk [tilespmem:v28+s2+$0x0], $0xffff  }
0x1e3: {  	v48 =	vmul.f32 v34, v6;
	v34 =	vor.u32 $0xB, v18;
	v49 =	vld.idx.msk [tilespmem:v30+s10+$0x0], $0xffff  }
0x1e4: {  	v38 =	vmax.f32 v38, v39;
	v40 =	vadd.f32 v40, v41;
	v41 =	vadd.f32 v43, v35;
	v39 =	vld.idx.msk [tilespmem:v30+s2+$0x0], $0xffff  }
0x1e5: {  	v36 =	vadd.f32 v48, v36;
	v38 =	vmul.f32 v38, v7;
	v43 =	vld.idx.msk [tilespmem:v30+s31+$0x0], $0xffff  }
0x1e6: {  	v48 =	vmul.f32 $2.000000030e-01, v40;
	v42 =	vadd.f32 v42, v41;
	v50 =	vld.idx.msk [tilespmem:v32+s31+$0x0], $0xffff  }
0x1e7: {  	v51 =	vadd.f32 v38, v36;
	v36 =	vor.u32 $0xC, v18;
	v52 =	vld.idx.msk [tilespmem:v32+s10+$0x0], $0xffff  }
0x1e8: {  	v38 =	vmax.f32 v40, v48;
	v40 =	vmul.f32 $2.000000030e-01, v42;
	v47 =	vadd.f32 v47, v37;
	v41 =	vld.idx.msk [tilespmem:v32+s2+$0x0], $0xffff  }
0x1e9: {  	v48 =	vmul.f32 v38, v8;
	v38 =	vor.u32 $0xD, v18;
	v53 =	vld.idx.msk [tilespmem:v34+s10+$0x0], $0xffff  }
0x1ea: {  	v40 =	vmax.f32 v42, v40;
	v46 =	vadd.f32 v46, v47;
	v47 =	vadd.f32 v49, v39;
	v42 =	vld.idx.msk [tilespmem:v34+s2+$0x0], $0xffff  }
0x1eb: {  	v48 =	vadd.f32 v48, v51;
	v40 =	vmul.f32 v40, v9;
	v49 =	vld.idx.msk [tilespmem:v34+s31+$0x0], $0xffff  }
0x1ec: {  	v51 =	vmul.f32 $2.000000030e-01, v46;
	v47 =	vadd.f32 v43, v47;
	v54 =	vld.idx.msk [tilespmem:v36+s31+$0x0], $0xffff  }
0x1ed: {  	v48 =	vadd.f32 v40, v48;
	v40 =	vor.u32 $0xE, v18;
	v55 =	vld.idx.msk [tilespmem:v36+s10+$0x0], $0xffff  }
0x1ee: {  	v43 =	vmax.f32 v46, v51;
	v51 =	vmul.f32 $2.000000030e-01, v47;
	v52 =	vadd.f32 v52, v41;
	v46 =	vld.idx.msk [tilespmem:v36+s2+$0x0], $0xffff  }
0x1ef: {  	v56 =	vmul.f32 v43, v10;
	v43 =	vor.u32 $0xF, v18;
	v57 =	vld.idx.msk [tilespmem:v38+s10+$0x0], $0xffff  }
0x1f0: {  	v51 =	vmax.f32 v47, v51;
	v50 =	vadd.f32 v50, v52;
	v52 =	vadd.f32 v53, v42;
	v47 =	vld.idx.msk [tilespmem:v38+s2+$0x0], $0xffff  }
0x1f1: {  	v48 =	vadd.f32 v56, v48;
	v51 =	vmul.f32 v51, v11;
	v53 =	vld.idx.msk [tilespmem:v38+s31+$0x0], $0xffff  }
0x1f2: {  	v56 =	vmul.f32 $2.000000030e-01, v50;
	v49 =	vadd.f32 v49, v52;
	v52 =	vld.idx.msk [tilespmem:v40+s31+$0x0], $0xffff  }
0x1f3: {  	v51 =	vadd.f32 v51, v48;
	v58 =	vld.idx.msk [tilespmem:v40+s10+$0x0], $0xffff  }
0x1f4: {  	v50 =	vmax.f32 v50, v56;
	v56 =	vmul.f32 $2.000000030e-01, v49;
	v55 =	vadd.f32 v55, v46;
	v48 =	vld.idx.msk [tilespmem:v40+s2+$0x0], $0xffff  }
0x1f5: {  	v50 =	vmul.f32 v50, v12;
	v59 =	vld.idx.msk [tilespmem:v43+s10+$0x0], $0xffff  }
0x1f6: {  	v56 =	vmax.f32 v49, v56;
	v54 =	vadd.f32 v54, v55;
	v55 =	vadd.f32 v57, v47;
	v49 =	vld.idx.msk [tilespmem:v43+s2+$0x0], $0xffff  }
0x1f7: {  	v50 =	vadd.f32 v50, v51;
	v51 =	vmul.f32 v56, v13  }
0x1f8: {  	v56 =	vmul.f32 $2.000000030e-01, v54;
	v53 =	vadd.f32 v53, v55;
	v55 =	vld.idx.msk [tilespmem:v43+s31+$0x0], $0xffff  }
0x1f9: {  	v50 =	vadd.f32 v51, v50  }
0x1fa: {  	v51 =	vmax.f32 v54, v56;
	v54 =	vmul.f32 $2.000000030e-01, v53;
	v56 =	vadd.f32 v58, v48  }
0x1fb: {  	v51 =	vmul.f32 v51, v14  }
0x1fc: {  	v53 =	vmax.f32 v53, v54;
	v52 =	vadd.f32 v52, v56;
	v54 =	vadd.f32 v59, v49  }
0x1fd: {  	v50 =	vadd.f32 v51, v50;
	v51 =	vmul.f32 v53, v15  }
0x1fe: {  	v53 =	vmul.f32 $2.000000030e-01, v52;
	v54 =	vadd.f32 v55, v54  }
0x1ff: {  	v50 =	vadd.f32 v51, v50  }
0x200: {  	v51 =	vmax.f32 v52, v53;
	v52 =	vmul.f32 $2.000000030e-01, v54  }
0x201: {  	v51 =	vmul.f32 v51, v16  }
0x202: {  	v52 =	vmax.f32 v54, v52  }
0x203: {  	v50 =	vadd.f32 v51, v50;
	v51 =	vmul.f32 v52, v17;
	_ =	sdelay $0x1  }
0x204: {  	v50 =	vadd.f32 v51, v50;
	_ =	sdelay $0x1  }
0x205: {  	v50 =	vmul.f32 $1.442695020e+00, v50;
	_ =	sdelay $0x1  }
0x206: {  	(erf) = vpow2.f32 v50;
	_ =	sdelay $0x6  }
.Ltmp2:
0x207: {  	(pc) =	sbr.rel @p0 .LBB2_7-.Ltmp2, $4  }
0x208: {  	s20 =	sadd.s32 s20, s28  }
0x209: {  	p1 =	slt.u32 s20, $0xC3500;
	v50 =	vpop (erf)  }
0x20a: {  	v50 =	vpsel !p1, $0x0, v50  }
0x20b: {  	[tilespmem:s15+$0x0] =	vst v50;
	v51 =	vmul.f32 v50, v44;
	v44 =	vmul.f32 v50, v45  }
0x20c: {  	_ =	sdelay $0x3  }
0x20d: {  	v26 =	vmul.f32 v50, v26;
	[tilespmem:v18+s17+$0x0] =	vst.idx.msk $0xffff, v51  }
0x20e: {  	v18 =	vmul.f32 v50, v27;
	[tilespmem:v19+s17+$0x0] =	vst.idx.msk $0xffff, v44  }
0x20f: {  	v19 =	vmul.f32 v50, v29;
	[tilespmem:v20+s17+$0x0] =	vst.idx.msk $0xffff, v26  }
0x210: {  	v60 =	vmul.f32 v50, v31;
	[tilespmem:v21+s17+$0x0] =	vst.idx.msk $0xffff, v18  }
0x211: {  	v18 =	vmul.f32 v50, v33;
	[tilespmem:v22+s17+$0x0] =	vst.idx.msk $0xffff, v19  }
0x212: {  	v19 =	vmul.f32 v50, v35;
	[tilespmem:v23+s17+$0x0] =	vst.idx.msk $0xffff, v60  }
0x213: {  	v61 =	vmul.f32 v50, v37;
	[tilespmem:v24+s17+$0x0] =	vst.idx.msk $0xffff, v18  }
0x214: {  	v18 =	vmul.f32 v50, v39;
	[tilespmem:v25+s17+$0x0] =	vst.idx.msk $0xffff, v19  }
0x215: {  	v19 =	vmul.f32 v50, v41;
	[tilespmem:v28+s17+$0x0] =	vst.idx.msk $0xffff, v61  }
0x216: {  	v62 =	vmul.f32 v50, v42;
	[tilespmem:v30+s17+$0x0] =	vst.idx.msk $0xffff, v18  }
0x217: {  	v18 =	vmul.f32 v50, v46;
	[tilespmem:v32+s17+$0x0] =	vst.idx.msk $0xffff, v19  }
0x218: {  	v19 =	vmul.f32 v50, v47;
	[tilespmem:v34+s17+$0x0] =	vst.idx.msk $0xffff, v62  }
0x219: {  	v63 =	vmul.f32 v50, v48;
	[tilespmem:v36+s17+$0x0] =	vst.idx.msk $0xffff, v18  }
0x21a: {  	v18 =	vmul.f32 v50, v49;
	[tilespmem:v38+s17+$0x0] =	vst.idx.msk $0xffff, v19  }
0x21b: {  	[tilespmem:v40+s17+$0x0] =	vst.idx.msk $0xffff, v63  }
0x21c: {  	[tilespmem:v43+s17+$0x0] =	vst.idx.msk $0xffff, v18  }
0x21d: {  	[spmem:s1] =	stream.indirect.scatter.add.f32 [tilespmem:s17], [sflag:$0x4], $0x10, s30, s24, $0xb8;
	[tilespmem:$0x1DC10] =	vst v63  }
0x21e: {  	s12 =	simm.s32 $0x10A00  }
0x21f: {  	[spmem:s3] =	stream.indirect.scatter.add.f32 [tilespmem:s12], [sflag:$0x4], $0x1, s30, s24, $0xb8;
	[tilespmem:$0x1DC10] =	vst v63  }
0x220: {  	_ =	swait.ge [sflag:s13], $0x2000  }
0x221: {  	[sflag:s13] =	ssyncset.done $0x0  }
0x222: {  	[sflag:s13] =	ssyncadd.s32 $0xFFFFE000  }
0x223: {  	_ =	swait.ge [sflag:s13], $0x200  }
0x224: {  	[sflag:s13] =	ssyncset.done $0x0  }
0x225: {  	s16 =	sadd.s32 $0x1, s16;
	[sflag:s13] =	ssyncadd.s32 $0xFFFFFE00  }
0x226: {  	p0 =	sne.s32 s16, $0x32;
	_ =	swait.ge [sflag:s14], $0x2000  }
.Ltmp3:
0x227: {  	[sflag:s14] =	ssyncset.done $0x0;
	(pc) =	sbr.rel @p0 .LBB2_4-.Ltmp3, $4  }
0x228: {  	[sflag:s14] =	ssyncadd.s32 $0xFFFFE000  }
0x229: {  	_ =	swait.ge [sflag:s14], $0x200  }
0x22a: {  	[sflag:s14] =	ssyncset.done $0x0  }
0x22b: {  	s0 =	sadd.s32 $0x400, s0;
	s28 =	sadd.s32 $0x400, s28;
	[sflag:s14] =	ssyncadd.s32 $0xFFFFFE00  }
0x22c: {  	s0 =	stileid.u32;
	[bflag:$0x0] =	sbarrier.arrive $0xFFFF  }
0x22d: {  	s0 =	sshll.u32 s0, $0x6;
	s16 =	rddreg [dreg:$0x6]  }
0x22e: {  	s15 =	rddreg [dreg:$0xc];
	s0 =	sor.u32 $0x1C05, s0;
	s12 =	sshrl.u32 s16, $0x3  }
0x22f: {  	[hbm:s15], [sflag:s0] =	dma.local [spmem:s12], $0x400  }
0x230: {  	_ =	swait.ge [sflag:s18], $0x400  }
0x231: {  	[sflag:s18] =	ssyncset.done $0x0;
	s20 =	rddreg [dreg:$0x7]  }
0x232: {  	s26 =	rddreg [dreg:$0xd];
	[sflag:s18] =	ssyncadd.s32 $0xFFFFFC00;
	s15 =	sshrl.u32 s20, $0x3  }
0x233: {  	[hbm:s26], [sflag:s0] =	dma.local [spmem:s15], $0x400  }
0x234: {  	_ =	swait.ge [sflag:s18], $0x400  }
0x235: {  	[sflag:s18] =	ssyncset.done $0x0;
	s26 =	rddreg [dreg:$0x8]  }
0x236: {  	s15 =	rddreg [dreg:$0xe];
	[sflag:s18] =	ssyncadd.s32 $0xFFFFFC00;
	s12 =	sshrl.u32 s26, $0x3  }
0x237: {  	[hbm:s15], [sflag:s0] =	dma.local [spmem:s12], $0x400  }
0x238: {  	_ =	swait.ge [sflag:s18], $0x400  }
0x239: {  	[sflag:s18] =	ssyncset.done $0x0;
	s28 =	rddreg [dreg:$0x9]  }
0x23a: {  	s15 =	rddreg [dreg:$0xf];
	[sflag:s18] =	ssyncadd.s32 $0xFFFFFC00;
	s12 =	sshrl.u32 s28, $0x3  }
0x23b: {  	[hbm:s15], [sflag:s0] =	dma.local [spmem:s12], $0x400  }
0x23c: {  	_ =	swait.ge [sflag:s18], $0x400  }
0x23d: {  	[sflag:s18] =	ssyncset.done $0x0;
	s15 =	rddreg [dreg:$0xa]  }
0x23e: {  	[sflag:s18] =	ssyncadd.s32 $0xFFFFFC00;
	s12 =	sshrl.u32 s15, $0x3;
	s15 =	rddreg [dreg:$0x10]  }
0x23f: {  	[hbm:s15], [sflag:s0] =	dma.local [spmem:s12], $0x400  }
0x240: {  	_ =	swait.ge [sflag:s18], $0x400  }
0x241: {  	[sflag:s18] =	ssyncset.done $0x0;
	s15 =	rddreg [dreg:$0x15]  }
0x242: {  	[sflag:s18] =	ssyncadd.s32 $0xFFFFFC00;
	s12 =	sshrl.u32 s15, $0x3;
	s15 =	rddreg [dreg:$0x11]  }
0x243: {  	[hbm:s15], [sflag:s0] =	dma.local [spmem:s12], $0x400  }
0x244: {  	_ =	swait.ge [sflag:s18], $0x400  }
0x245: {  	[sflag:s18] =	ssyncset.done $0x0;
	s15 =	rddreg [dreg:$0x16]  }
0x246: {  	[sflag:s18] =	ssyncadd.s32 $0xFFFFFC00;
	s12 =	sshrl.u32 s15, $0x3;
	s15 =	rddreg [dreg:$0x12]  }
0x247: {  	[hbm:s15], [sflag:s0] =	dma.local [spmem:s12], $0x70  }
0x248: {  	_ =	swait.ge [sflag:s18], $0x70  }
0x249: {  	[sflag:s18] =	ssyncset.done $0x0;
	s15 =	rddreg [dreg:$0xb]  }
0x24a: {  	[sflag:s18] =	ssyncadd.s32 $0xFFFFFF90;
	s12 =	sshrl.u32 s15, $0x3;
	s15 =	rddreg [dreg:$0x13]  }
0x24b: {  	[hbm:s15], [sflag:s0] =	dma.local [spmem:s12], $0x190  }
0x24c: {  	_ =	swait.ge [sflag:s18], $0x190  }
0x24d: {  	s0 =	rddreg [dreg:$0x1e]  }
0x24e: {  	s15 =	rddreg [dreg:$0x14];
	s12 =	sadd.s32 $0x1, s0  }
0x24f: {  	p0 =	sne.s32 s12, s15  }
.Ltmp4:
0x250: {  	_ = 	snop;
	(pc) =	sbr.rel @p0 .LBB2_1-.Ltmp4, $3  }
0x251: {  	_ =	sdelay $0x1  }
0x252: {  	[sflag:s18] =	ssyncset.done $0x0  }
0x253: {  	[sflag:s18] =	ssyncadd.s32 $0xFFFFFE70  }
0x254: {  	_ =	sfence.sel $0x180000  }
0x255: {  	[bflag:$0x0] =	sbarrier.arrive $0xFFFF  }
0x256: {  	_ =	strace $0x90000047  }
0x257: {  	s0 =	stileid.u32;
	[bflag:$0x2] =	sbarrier.arrive $0xFFFF  }
0x258: {  	p0 =	sne.s32 s0, $0x0;
	s0 =	rddreg [dreg:$0x4]  }
0x259: {  	s0 =	sadd.s32 @!p0 $0x100000, s0  }
0x25a: {  	[sflag:s0] =	ssyncadd.tile.s32 @!p0 $0x1;
	_ =	shalt  }
.Lfunc_end2:
_tile_overlayer_lowered:
.L_overlay_start_2:
0x25b: {  	(tag) =	ssettag $0x2  }
0x25c: {  	s0 =	rddreg [dreg:$0x0];
	s2 =	stileid.u32  }
0x25d: {  	s1 =	rddreg [dreg:$0x1];
	p0 =	sne.s32 s2, $0x0  }
0x25e: {  	s3 =	rddreg [dreg:$0x2];
	[bflag:$0x3] =	sbarrier.arrive $0xFFFF;
	s2 =	simm.s32 @!p0 $0x1C05  }
0x25f: {  	[timem:s3], [sflag:s2] =	dma.local @!p0 [hbm:s0], s1  }
0x260: {  	s0 =	simm.s32 @!p0 $0x5  }
0x261: {  	_ =	swait.ge @!p0 [sflag:s0], s1  }
0x262: {  	s1 =	ssub.s32 @!p0 $0x0, s1;
	[sflag:s0] =	ssyncset.done @!p0 $0x0  }
0x263: {  	[sflag:s0] =	ssyncadd.s32 @!p0 s1  }
0x264: {  	[bflag:$0x3] =	sbarrier.arrive $0xFFFF  }
0x265: {  	_ =	shalt  }

</sc_bundles>
